<compile_context>
chip_gen: v7x
topology: tpu7x:2x2x1
jax: 0.10.2.dev20260603
libtpu: 0.0.44.dev20260713+nightly
codegen_flags: <defaults>
</compile_context>

<pallas_src>
import dataclasses

import jax
import jax.numpy as jnp
from jax import lax
from jax.experimental import pallas as pl
from jax.experimental.pallas import tpu as pltpu
from jax.experimental.pallas import tpu_sc as plsc

B = 2
Q = 2048
N = 16384
K_NN = 32
L = 16
NCHUNK = N // L
NGROUP = NCHUNK // 16
NSUPER = NGROUP // 16
QPT = Q // 16
NQ = 2

_BIG = 1 << 20
_INF = float("inf")


def _bf16_round(x):
  u = lax.bitcast_convert_type(x, jnp.int32)
  rounded = u + 0x7FFF + (lax.shift_right_logical(u, 16) & 1)
  masked = rounded & jnp.int32(-65536)
  return lax.bitcast_convert_type(masked, jnp.float32)


def _sqrt16(x):
  i = lax.bitcast_convert_type(x, jnp.int32)
  i = 0x5F3759DF - lax.shift_right_logical(i, 1)
  y = lax.bitcast_convert_type(i, jnp.float32)
  for _ in range(4):
    y = y * (1.5 - 0.5 * x * y * y)
  return x * y


def _tree_min(vals):
  while len(vals) > 1:
    vals = [jnp.minimum(a, b) for a, b in zip(vals[::2], vals[1::2])] + (
        [vals[-1]] if len(vals) % 2 else [])
  return vals[0]


def _sc_body(src_hbm, tgt_hbm, outd_hbm, outi_hbm,
             t2_ref, r2_ref, q_ref,
             d0_ref, d1_ref, d2_ref, d3_ref,
             gmin0_ref, gmin1_ref, gmin2_ref, gmin3_ref,
             smin0_ref, smin1_ref, smin2_ref, smin3_ref,
             od_ref, oi_ref, sem):
  dl = (d0_ref, d1_ref, d2_ref, d3_ref)
  gl = (gmin0_ref, gmin1_ref, gmin2_ref, gmin3_ref)
  sml = (smin0_ref, smin1_ref, smin2_ref, smin3_ref)
  c = lax.axis_index("core")
  s = lax.axis_index("subcore")

  for comp in range(3):
    pltpu.async_copy(tgt_hbm.at[c, comp], dl[comp], sem).wait()
  pltpu.async_copy(src_hbm.at[c, :, pl.ds(s * QPT, QPT)], q_ref, sem).wait()

  @pl.loop(0, NCHUNK)
  def _(j):
    sl16 = pl.ds(j * L, L)
    tx = dl[0][sl16]
    ty = dl[1][sl16]
    tz = dl[2][sl16]
    r2_ref[sl16] = tx * tx + ty * ty + tz * tz
    txb = lax.bitcast_convert_type(_bf16_round(tx), jnp.int32)
    tyb = lax.bitcast_convert_type(_bf16_round(ty), jnp.int32)
    word = txb | lax.shift_right_logical(tyb, 16)
    t2_ref[0, sl16] = lax.bitcast_convert_type(word, jnp.float32)
    t2_ref[1, sl16] = _bf16_round(tz)

  lanes = lax.iota(jnp.int32, L)

  def _lane_scalar(vec, off):
    return jnp.min(jnp.where(lanes == off, vec, _INF))

  def _first_match(rows, m):
    return jnp.min(_tree_min(
        [jnp.where(row == m, t, _BIG) for t, row in enumerate(rows)]))

  @pl.loop(0, QPT, step=NQ)
  def _(qi):
    qs = []
    for p in range(NQ):
      qq = qi + p
      b16 = qq & (-16)
      off = qq - b16
      qx = _lane_scalar(q_ref[0, pl.ds(b16, L)], off)
      qy = _lane_scalar(q_ref[1, pl.ds(b16, L)], off)
      qz = _lane_scalar(q_ref[2, pl.ds(b16, L)], off)
      q2 = qx * qx + qy * qy + qz * qz
      qs.append((_bf16_round(qx), _bf16_round(qy), _bf16_round(qz), q2))

    @pl.loop(0, NGROUP)
    def _(g):
      gacc = [jnp.full((L,), _INF, jnp.float32) for _ in range(NQ)]
      for t in range(16):
        sl16 = pl.ds((g * 16 + t) * L, L)
        w = lax.bitcast_convert_type(t2_ref[0, sl16], jnp.int32)
        tx = lax.bitcast_convert_type(w & jnp.int32(-65536), jnp.float32)
        ty = lax.bitcast_convert_type(lax.shift_left(w, 16), jnp.float32)
        tz = t2_ref[1, sl16]
        r2 = r2_ref[sl16]
        for p in range(NQ):
          qx, qy, qz, q2 = qs[p]
          dot = tx * qx + ty * qy + tz * qz
          key = (q2 + r2) - 2.0 * dot
          dl[p][sl16] = key
          gacc[p] = jnp.minimum(gacc[p], key)
      for p in range(NQ):
        gl[p][g] = gacc[p]

    for p in range(NQ):
      for ss in range(NSUPER):
        sml[p][ss] = _tree_min([gl[p][ss * 16 + t] for t in range(16)])

    def round_body(k, carry):
      new_carry = []
      for p in range(NQ):
        d0, d1, i0, i1 = carry[p]
        srows = [sml[p][ss] for ss in range(NSUPER)]
        m = jnp.min(_tree_min(list(srows)))
        s_star = _first_match(srows, m)
        grows = [gl[p][s_star * 16 + t] for t in range(16)]
        g_rel = _first_match(grows, m)
        g_star = s_star * 16 + g_rel
        drows = [dl[p][pl.ds((g_star * 16 + t) * L, L)] for t in range(16)]
        j_rel = _first_match(drows, m)
        c_star = g_star * 16 + j_rel
        row = dl[p][pl.ds(c_star * L, L)]
        l_star = jnp.min(jnp.where(row == m, lanes, _BIG))
        idx = c_star * L + l_star
        newrow = jnp.where(lanes == l_star, _INF, row)
        dl[p][pl.ds(c_star * L, L)] = newrow
        newg = _tree_min(
            [jnp.where(j_rel == t, newrow, r) for t, r in enumerate(drows)])
        gl[p][g_star] = newg
        news = _tree_min(
            [jnp.where(g_rel == t, newg, r) for t, r in enumerate(grows)])
        sml[p][s_star] = news
        d0 = jnp.where(lanes == k, m, d0)
        d1 = jnp.where(lanes == k - 16, m, d1)
        i0 = jnp.where(lanes == k, idx, i0)
        i1 = jnp.where(lanes == k - 16, idx, i1)
        new_carry.append((d0, d1, i0, i1))
      return tuple(new_carry)

    init = tuple(
        (jnp.zeros((L,), jnp.float32), jnp.zeros((L,), jnp.float32),
         jnp.zeros((L,), jnp.int32), jnp.zeros((L,), jnp.int32))
        for _ in range(NQ))
    res = lax.fori_loop(0, K_NN, round_body, init)

    for p in range(NQ):
      d0, d1, i0, i1 = res[p]
      v0 = _sqrt16(jnp.maximum(d0, 1e-12))
      v1 = _sqrt16(jnp.maximum(d1, 1e-12))
      tot = jnp.sum(v0 + v1)
      od_ref[qi + p, pl.ds(0, L)] = v0 / tot
      od_ref[qi + p, pl.ds(L, L)] = v1 / tot
      oi_ref[qi + p, pl.ds(0, L)] = i0
      oi_ref[qi + p, pl.ds(L, L)] = i1

  pltpu.async_copy(od_ref, outd_hbm.at[c, s], sem).wait()
  pltpu.async_copy(oi_ref, outi_hbm.at[c, s], sem).wait()


@jax.jit
def kernel(src_pts, tgt_pts):
  src_xyz = src_pts[:, :3, :]
  tgt_xyz = tgt_pts[:, :3, :]

  mesh = plsc.VectorSubcoreMesh(core_axis_name="core", subcore_axis_name="subcore")
  cp = pltpu.CompilerParams(use_tc_tiling_on_sc=False)
  if "needs_layout_passes" in pltpu.CompilerParams.__dataclass_fields__:
    cp = dataclasses.replace(cp, needs_layout_passes=False)

  fn = pl.kernel(
      _sc_body,
      out_type=(
          jax.ShapeDtypeStruct((B, 16, QPT, K_NN), jnp.float32),
          jax.ShapeDtypeStruct((B, 16, QPT, K_NN), jnp.int32),
      ),
      mesh=mesh,
      scratch_types=[
          pltpu.VMEM((2, N), jnp.float32),
          pltpu.VMEM((N,), jnp.float32),
          pltpu.VMEM((3, QPT), jnp.float32),
          pltpu.VMEM((N,), jnp.float32),
          pltpu.VMEM((N,), jnp.float32),
          pltpu.VMEM((N,), jnp.float32),
          pltpu.VMEM((N,), jnp.float32),
          pltpu.VMEM((NGROUP, L), jnp.float32),
          pltpu.VMEM((NGROUP, L), jnp.float32),
          pltpu.VMEM((NGROUP, L), jnp.float32),
          pltpu.VMEM((NGROUP, L), jnp.float32),
          pltpu.VMEM((NSUPER, L), jnp.float32),
          pltpu.VMEM((NSUPER, L), jnp.float32),
          pltpu.VMEM((NSUPER, L), jnp.float32),
          pltpu.VMEM((NSUPER, L), jnp.float32),
          pltpu.VMEM((QPT, K_NN), jnp.float32),
          pltpu.VMEM((QPT, K_NN), jnp.int32),
          pltpu.SemaphoreType.DMA,
      ],
      compiler_params=cp,
  )
  outd, outi = fn(src_xyz, tgt_xyz)
  return outd.reshape(B, Q, K_NN), outi.reshape(B, Q, K_NN)

# --- scband reference (transcript-rebuilt; emitter-appended) ---
"""Pipeline reference for scband-deep-vcp-35536559407679 (READ-ONLY COPY).

The authoritative reference and input builder live on the scoring server;
editing this copy changes nothing except your own understanding.
"""

import jax, jax.numpy as jnp
import numpy as np

K_NN = 32

def setup_inputs(seed: int = 0) -> dict:
    key = jax.random.key(seed)
    k1, k2 = jax.random.split(key)
    src_pts = jax.random.normal(k1, (2, 6, 2048), dtype=jnp.float32)
    tgt_pts = jax.random.normal(k2, (2, 6, 16384), dtype=jnp.float32)
    return {"src_pts": src_pts, "tgt_pts": tgt_pts}

def reference(src_pts, tgt_pts):
    # Core retrieval-kNN computation of DeepVCP.forward:
    # query points are taken from the source cloud xyz channels,
    # reference points are the target cloud xyz channels (tgt_pts[:, :3, :].permute(0, 2, 1)).
    query = jnp.transpose(src_pts[:, :3, :], (0, 2, 1))  # [B, Q, 3]
    ref = jnp.transpose(tgt_pts[:, :3, :], (0, 2, 1))    # [B, K, 3]
    # brute-force squared euclidean distances [B, Q, K]
    q2 = jnp.sum(query * query, axis=-1, keepdims=True)          # [B, Q, 1]
    r2 = jnp.sum(ref * ref, axis=-1)[:, None, :]                 # [B, 1, K]
    sqd = q2 + r2 - 2.0 * jnp.einsum('bqd,bkd->bqk', query, ref)  # [B, Q, K]
    # k nearest neighbors: top_k of negated distances
    neg_d, idx = jax.lax.top_k(-sqd, K_NN)                        # [B, Q, k]
    dist = jnp.sqrt(jnp.clip(-neg_d, 1e-12, None))                # euclidean dists
    # dist_sum = torch.sum(dist, dim=2, keepdim=True); dist_normalize = dist / dist_sum
    dist_sum = jnp.sum(dist, axis=2, keepdims=True)
    dist_normalize = dist / dist_sum
    return dist_normalize, idx

if __name__ == "__main__":
    import jax
    _d = setup_inputs()
    print(jax.jit(kernel)(*tuple(_d.values())))

</pallas_src>

<mosaic_0001>
#map = affine_map<(d0, d1) -> (0, 0, 0)>
#map1 = affine_map<(d0, d1) -> (0, 0, 0, 0)>
module attributes {stable_mosaic.version = 14 : i64} {
  func.func @_sc_body(%arg0: i32, %arg1: i32, %arg2: memref<2x3x2048xf32, #tpu.memory_space<hbm>>, %arg3: memref<2x3x16384xf32, #tpu.memory_space<hbm>>, %arg4: memref<2x16x128x32xf32, #tpu.memory_space<hbm>>, %arg5: memref<2x16x128x32xi32, #tpu.memory_space<hbm>>, %arg6: memref<2x16384xf32, #tpu.memory_space<vmem>>, %arg7: memref<16384xf32, #tpu.memory_space<vmem>>, %arg8: memref<3x128xf32, #tpu.memory_space<vmem>>, %arg9: memref<16384xf32, #tpu.memory_space<vmem>>, %arg10: memref<16384xf32, #tpu.memory_space<vmem>>, %arg11: memref<16384xf32, #tpu.memory_space<vmem>>, %arg12: memref<16384xf32, #tpu.memory_space<vmem>>, %arg13: memref<64x16xf32, #tpu.memory_space<vmem>>, %arg14: memref<64x16xf32, #tpu.memory_space<vmem>>, %arg15: memref<64x16xf32, #tpu.memory_space<vmem>>, %arg16: memref<64x16xf32, #tpu.memory_space<vmem>>, %arg17: memref<4x16xf32, #tpu.memory_space<vmem>>, %arg18: memref<4x16xf32, #tpu.memory_space<vmem>>, %arg19: memref<4x16xf32, #tpu.memory_space<vmem>>, %arg20: memref<4x16xf32, #tpu.memory_space<vmem>>, %arg21: memref<128x32xf32, #tpu.memory_space<vmem>>, %arg22: memref<128x32xi32, #tpu.memory_space<vmem>>, %arg23: memref<!tpu.dma_semaphore, #tpu.memory_space<semaphore_mem>>) attributes {dimension_semantics = [#tpu.dimension_semantics<core_parallel>, #tpu.dimension_semantics<subcore_parallel>], iteration_bounds = array<i64: 2, 16>, scalar_prefetch = 0 : i64, scratch_operands = 18 : i64, tpu.core_type = #tpu.core_type<sc_vector_subcore>, window_params = [{transform_indices = #map}, {transform_indices = #map}, {transform_indices = #map1}, {transform_indices = #map1}]} {
    %dma_start3A = arith.constant 0 : i32
    %dma_start3A_0 = arith.constant 0 : i32
    %dma_start3A_1 = tpu.memref_slice %arg3[%arg0, %dma_start3A, %dma_start3A_0] : memref<2x3x16384xf32, #tpu.memory_space<hbm>> -> memref<1x1x16384xf32, #tpu.memory_space<hbm>>
    %dma_start3A_2 = tpu.memref_squeeze %dma_start3A_1 : memref<1x1x16384xf32, #tpu.memory_space<hbm>> -> memref<16384xf32, #tpu.memory_space<hbm>>
    %dma_start3A_3 = arith.constant 0 : i32
    %dma_start3A_4 = tpu.memref_slice %arg3[%arg0, %dma_start3A, %dma_start3A_3] : memref<2x3x16384xf32, #tpu.memory_space<hbm>> -> memref<1x1x16384xf32, #tpu.memory_space<hbm>>
    %dma_start3A_5 = tpu.memref_squeeze %dma_start3A_4 : memref<1x1x16384xf32, #tpu.memory_space<hbm>> -> memref<16384xf32, #tpu.memory_space<hbm>>
    tpu.enqueue_dma source(%dma_start3A_5 : memref<16384xf32, #tpu.memory_space<hbm>>) target(%arg9 : memref<16384xf32, #tpu.memory_space<vmem>>) target_semaphore(%arg23 : memref<!tpu.dma_semaphore, #tpu.memory_space<semaphore_mem>>)
    %dma_wait3A = arith.constant 0 : i32
    %dma_wait3A_6 = arith.constant 0 : i32
    %dma_wait3A_7 = tpu.memref_slice %arg3[%arg0, %dma_wait3A, %dma_wait3A_6] : memref<2x3x16384xf32, #tpu.memory_space<hbm>> -> memref<1x1x16384xf32, #tpu.memory_space<hbm>>
    %dma_wait3A_8 = tpu.memref_squeeze %dma_wait3A_7 : memref<1x1x16384xf32, #tpu.memory_space<hbm>> -> memref<16384xf32, #tpu.memory_space<hbm>>
    %dma_wait3A_9 = arith.constant 0 : i32
    %dma_wait3A_10 = tpu.memref_slice %arg3[%arg0, %dma_wait3A, %dma_wait3A_9] : memref<2x3x16384xf32, #tpu.memory_space<hbm>> -> memref<1x1x16384xf32, #tpu.memory_space<hbm>>
    %dma_wait3A_11 = tpu.memref_squeeze %dma_wait3A_10 : memref<1x1x16384xf32, #tpu.memory_space<hbm>> -> memref<16384xf32, #tpu.memory_space<hbm>>
    tpu.wait_dma2 semaphore(%arg23 : memref<!tpu.dma_semaphore, #tpu.memory_space<semaphore_mem>>) src(%dma_wait3A_11 : memref<16384xf32, #tpu.memory_space<hbm>>) dst(%arg9 : memref<16384xf32, #tpu.memory_space<vmem>>)
    %dma_start3A_12 = arith.constant 1 : i32
    %dma_start3A_13 = arith.constant 0 : i32
    %dma_start3A_14 = tpu.memref_slice %arg3[%arg0, %dma_start3A_12, %dma_start3A_13] : memref<2x3x16384xf32, #tpu.memory_space<hbm>> -> memref<1x1x16384xf32, #tpu.memory_space<hbm>>
    %dma_start3A_15 = tpu.memref_squeeze %dma_start3A_14 : memref<1x1x16384xf32, #tpu.memory_space<hbm>> -> memref<16384xf32, #tpu.memory_space<hbm>>
    %dma_start3A_16 = arith.constant 0 : i32
    %dma_start3A_17 = tpu.memref_slice %arg3[%arg0, %dma_start3A_12, %dma_start3A_16] : memref<2x3x16384xf32, #tpu.memory_space<hbm>> -> memref<1x1x16384xf32, #tpu.memory_space<hbm>>
    %dma_start3A_18 = tpu.memref_squeeze %dma_start3A_17 : memref<1x1x16384xf32, #tpu.memory_space<hbm>> -> memref<16384xf32, #tpu.memory_space<hbm>>
    tpu.enqueue_dma source(%dma_start3A_18 : memref<16384xf32, #tpu.memory_space<hbm>>) target(%arg10 : memref<16384xf32, #tpu.memory_space<vmem>>) target_semaphore(%arg23 : memref<!tpu.dma_semaphore, #tpu.memory_space<semaphore_mem>>)
    %dma_wait3A_19 = arith.constant 1 : i32
    %dma_wait3A_20 = arith.constant 0 : i32
    %dma_wait3A_21 = tpu.memref_slice %arg3[%arg0, %dma_wait3A_19, %dma_wait3A_20] : memref<2x3x16384xf32, #tpu.memory_space<hbm>> -> memref<1x1x16384xf32, #tpu.memory_space<hbm>>
    %dma_wait3A_22 = tpu.memref_squeeze %dma_wait3A_21 : memref<1x1x16384xf32, #tpu.memory_space<hbm>> -> memref<16384xf32, #tpu.memory_space<hbm>>
    %dma_wait3A_23 = arith.constant 0 : i32
    %dma_wait3A_24 = tpu.memref_slice %arg3[%arg0, %dma_wait3A_19, %dma_wait3A_23] : memref<2x3x16384xf32, #tpu.memory_space<hbm>> -> memref<1x1x16384xf32, #tpu.memory_space<hbm>>
    %dma_wait3A_25 = tpu.memref_squeeze %dma_wait3A_24 : memref<1x1x16384xf32, #tpu.memory_space<hbm>> -> memref<16384xf32, #tpu.memory_space<hbm>>
    tpu.wait_dma2 semaphore(%arg23 : memref<!tpu.dma_semaphore, #tpu.memory_space<semaphore_mem>>) src(%dma_wait3A_25 : memref<16384xf32, #tpu.memory_space<hbm>>) dst(%arg10 : memref<16384xf32, #tpu.memory_space<vmem>>)
    %dma_start3A_26 = arith.constant 2 : i32
    %dma_start3A_27 = arith.constant 0 : i32
    %dma_start3A_28 = tpu.memref_slice %arg3[%arg0, %dma_start3A_26, %dma_start3A_27] : memref<2x3x16384xf32, #tpu.memory_space<hbm>> -> memref<1x1x16384xf32, #tpu.memory_space<hbm>>
    %dma_start3A_29 = tpu.memref_squeeze %dma_start3A_28 : memref<1x1x16384xf32, #tpu.memory_space<hbm>> -> memref<16384xf32, #tpu.memory_space<hbm>>
    %dma_start3A_30 = arith.constant 0 : i32
    %dma_start3A_31 = tpu.memref_slice %arg3[%arg0, %dma_start3A_26, %dma_start3A_30] : memref<2x3x16384xf32, #tpu.memory_space<hbm>> -> memref<1x1x16384xf32, #tpu.memory_space<hbm>>
    %dma_start3A_32 = tpu.memref_squeeze %dma_start3A_31 : memref<1x1x16384xf32, #tpu.memory_space<hbm>> -> memref<16384xf32, #tpu.memory_space<hbm>>
    tpu.enqueue_dma source(%dma_start3A_32 : memref<16384xf32, #tpu.memory_space<hbm>>) target(%arg11 : memref<16384xf32, #tpu.memory_space<vmem>>) target_semaphore(%arg23 : memref<!tpu.dma_semaphore, #tpu.memory_space<semaphore_mem>>)
    %dma_wait3A_33 = arith.constant 2 : i32
    %dma_wait3A_34 = arith.constant 0 : i32
    %dma_wait3A_35 = tpu.memref_slice %arg3[%arg0, %dma_wait3A_33, %dma_wait3A_34] : memref<2x3x16384xf32, #tpu.memory_space<hbm>> -> memref<1x1x16384xf32, #tpu.memory_space<hbm>>
    %dma_wait3A_36 = tpu.memref_squeeze %dma_wait3A_35 : memref<1x1x16384xf32, #tpu.memory_space<hbm>> -> memref<16384xf32, #tpu.memory_space<hbm>>
    %dma_wait3A_37 = arith.constant 0 : i32
    %dma_wait3A_38 = tpu.memref_slice %arg3[%arg0, %dma_wait3A_33, %dma_wait3A_37] : memref<2x3x16384xf32, #tpu.memory_space<hbm>> -> memref<1x1x16384xf32, #tpu.memory_space<hbm>>
    %dma_wait3A_39 = tpu.memref_squeeze %dma_wait3A_38 : memref<1x1x16384xf32, #tpu.memory_space<hbm>> -> memref<16384xf32, #tpu.memory_space<hbm>>
    tpu.wait_dma2 semaphore(%arg23 : memref<!tpu.dma_semaphore, #tpu.memory_space<semaphore_mem>>) src(%dma_wait3A_39 : memref<16384xf32, #tpu.memory_space<hbm>>) dst(%arg11 : memref<16384xf32, #tpu.memory_space<vmem>>)
    %mul3A = arith.constant 128 : i32
    %mul3A_40 = arith.muli %arg1, %mul3A : i32
    %dma_start3A_41 = arith.constant 0 : i32
    %dma_start3A_42 = tpu.memref_slice %arg2[%arg0, %dma_start3A_41, %mul3A_40] : memref<2x3x2048xf32, #tpu.memory_space<hbm>> -> memref<1x3x128xf32, #tpu.memory_space<hbm>>
    %dma_start3A_43 = tpu.memref_squeeze %dma_start3A_42 : memref<1x3x128xf32, #tpu.memory_space<hbm>> -> memref<3x128xf32, #tpu.memory_space<hbm>>
    %dma_start3A_44 = arith.constant 0 : i32
    %dma_start3A_45 = tpu.memref_slice %arg2[%arg0, %dma_start3A_44, %mul3A_40] : memref<2x3x2048xf32, #tpu.memory_space<hbm>> -> memref<1x3x128xf32, #tpu.memory_space<hbm>>
    %dma_start3A_46 = tpu.memref_squeeze %dma_start3A_45 : memref<1x3x128xf32, #tpu.memory_space<hbm>> -> memref<3x128xf32, #tpu.memory_space<hbm>>
    tpu.enqueue_dma source(%dma_start3A_46 : memref<3x128xf32, #tpu.memory_space<hbm>>) target(%arg8 : memref<3x128xf32, #tpu.memory_space<vmem>>) target_semaphore(%arg23 : memref<!tpu.dma_semaphore, #tpu.memory_space<semaphore_mem>>)
    %dma_wait3A_47 = arith.constant 0 : i32
    %dma_wait3A_48 = tpu.memref_slice %arg2[%arg0, %dma_wait3A_47, %mul3A_40] : memref<2x3x2048xf32, #tpu.memory_space<hbm>> -> memref<1x3x128xf32, #tpu.memory_space<hbm>>
    %dma_wait3A_49 = tpu.memref_squeeze %dma_wait3A_48 : memref<1x3x128xf32, #tpu.memory_space<hbm>> -> memref<3x128xf32, #tpu.memory_space<hbm>>
    %dma_wait3A_50 = arith.constant 0 : i32
    %dma_wait3A_51 = tpu.memref_slice %arg2[%arg0, %dma_wait3A_50, %mul3A_40] : memref<2x3x2048xf32, #tpu.memory_space<hbm>> -> memref<1x3x128xf32, #tpu.memory_space<hbm>>
    %dma_wait3A_52 = tpu.memref_squeeze %dma_wait3A_51 : memref<1x3x128xf32, #tpu.memory_space<hbm>> -> memref<3x128xf32, #tpu.memory_space<hbm>>
    tpu.wait_dma2 semaphore(%arg23 : memref<!tpu.dma_semaphore, #tpu.memory_space<semaphore_mem>>) src(%dma_wait3A_52 : memref<3x128xf32, #tpu.memory_space<hbm>>) dst(%arg8 : memref<3x128xf32, #tpu.memory_space<vmem>>)
    %scan3A = arith.constant 0 : i32
    %scan3A_53 = arith.constant 1024 : i32
    %scan3A_54 = arith.addi %scan3A, %scan3A_53 : i32
    %scan3A_55 = arith.constant 1 : i32
    scf.for %scan3A_94 = %scan3A to %scan3A_54 step %scan3A_55  : i32 {
      %mul3A_95 = arith.constant 1 : i32
      %mul3A_96 = arith.muli %scan3A_94, %mul3A_95 : i32
      %add3A = arith.constant 0 : i32
      %add3A_97 = arith.addi %add3A, %mul3A_96 : i32
      %mul3A_98 = arith.constant 16 : i32
      %mul3A_99 = arith.muli %add3A_97, %mul3A_98 : i32
      %get3A = arith.index_cast %mul3A_99 : i32 to index
      %get3A_100 = tpu.vector_load %arg9[%get3A] {strides = array<i32>} : memref<16384xf32, #tpu.memory_space<vmem>>, vector<16xf32>,
      %get3A_101 = arith.index_cast %mul3A_99 : i32 to index
      %get3A_102 = tpu.vector_load %arg10[%get3A_101] {strides = array<i32>} : memref<16384xf32, #tpu.memory_space<vmem>>, vector<16xf32>,
      %get3A_103 = arith.index_cast %mul3A_99 : i32 to index
      %get3A_104 = tpu.vector_load %arg11[%get3A_103] {strides = array<i32>} : memref<16384xf32, #tpu.memory_space<vmem>>, vector<16xf32>,
      %mul3A_105 = arith.mulf %get3A_100, %get3A_100 : vector<16xf32>
      %mul3A_106 = arith.mulf %get3A_102, %get3A_102 : vector<16xf32>
      %add3A_107 = arith.addf %mul3A_105, %mul3A_106 : vector<16xf32>
      %mul3A_108 = arith.mulf %get3A_104, %get3A_104 : vector<16xf32>
      %add3A_109 = arith.addf %add3A_107, %mul3A_108 : vector<16xf32>
      %swap3A = arith.index_cast %mul3A_99 : i32 to index
      %swap3A_110 = tpu.vector_load %arg7[%swap3A] {strides = array<i32>} : memref<16384xf32, #tpu.memory_space<vmem>>, vector<16xf32>,
      tpu.vector_store %arg7[%swap3A], %add3A_109 {strides = array<i32>} : memref<16384xf32, #tpu.memory_space<vmem>>, vector<16xf32>,
      %bitcast_convert_type3A = tpu.bitcast %get3A_100 : vector<16xf32> -> vector<16xi32>
      %add3A_111 = arith.constant 32767 : i32
      %add3A_112 = vector.broadcast %add3A_111 : i32 to vector<16xi32>
      %add3A_113 = arith.addi %bitcast_convert_type3A, %add3A_112 : vector<16xi32>
      %shift_right_logical3A = arith.constant 16 : i32
      %shift_right_logical3A_114 = vector.broadcast %shift_right_logical3A : i32 to vector<16xi32>
      %shift_right_logical3A_115 = arith.shrui %bitcast_convert_type3A, %shift_right_logical3A_114 : vector<16xi32>
      %and3A = arith.constant 1 : i32
      %and3A_116 = vector.broadcast %and3A : i32 to vector<16xi32>
      %and3A_117 = arith.andi %shift_right_logical3A_115, %and3A_116 : vector<16xi32>
      %add3A_118 = arith.addi %add3A_113, %and3A_117 : vector<16xi32>
      %and3A_119 = arith.constant -65536 : i32
      %and3A_120 = vector.broadcast %and3A_119 : i32 to vector<16xi32>
      %and3A_121 = arith.andi %add3A_118, %and3A_120 : vector<16xi32>
      %bitcast_convert_type3A_122 = tpu.bitcast %and3A_121 : vector<16xi32> -> vector<16xf32>
      %bitcast_convert_type3A_123 = tpu.bitcast %bitcast_convert_type3A_122 : vector<16xf32> -> vector<16xi32>
      %bitcast_convert_type3A_124 = tpu.bitcast %get3A_102 : vector<16xf32> -> vector<16xi32>
      %add3A_125 = arith.constant 32767 : i32
      %add3A_126 = vector.broadcast %add3A_125 : i32 to vector<16xi32>
      %add3A_127 = arith.addi %bitcast_convert_type3A_124, %add3A_126 : vector<16xi32>
      %shift_right_logical3A_128 = arith.constant 16 : i32
      %shift_right_logical3A_129 = vector.broadcast %shift_right_logical3A_128 : i32 to vector<16xi32>
      %shift_right_logical3A_130 = arith.shrui %bitcast_convert_type3A_124, %shift_right_logical3A_129 : vector<16xi32>
      %and3A_131 = arith.constant 1 : i32
      %and3A_132 = vector.broadcast %and3A_131 : i32 to vector<16xi32>
      %and3A_133 = arith.andi %shift_right_logical3A_130, %and3A_132 : vector<16xi32>
      %add3A_134 = arith.addi %add3A_127, %and3A_133 : vector<16xi32>
      %and3A_135 = arith.constant -65536 : i32
      %and3A_136 = vector.broadcast %and3A_135 : i32 to vector<16xi32>
      %and3A_137 = arith.andi %add3A_134, %and3A_136 : vector<16xi32>
      %bitcast_convert_type3A_138 = tpu.bitcast %and3A_137 : vector<16xi32> -> vector<16xf32>
      %bitcast_convert_type3A_139 = tpu.bitcast %bitcast_convert_type3A_138 : vector<16xf32> -> vector<16xi32>
      %shift_right_logical3A_140 = arith.constant 16 : i32
      %shift_right_logical3A_141 = vector.broadcast %shift_right_logical3A_140 : i32 to vector<16xi32>
      %shift_right_logical3A_142 = arith.shrui %bitcast_convert_type3A_139, %shift_right_logical3A_141 : vector<16xi32>
      %or3A = arith.ori %bitcast_convert_type3A_123, %shift_right_logical3A_142 : vector<16xi32>
      %bitcast_convert_type3A_143 = tpu.bitcast %or3A : vector<16xi32> -> vector<16xf32>
      %swap3A_144 = arith.constant 0 : i32
      %swap3A_145 = arith.index_cast %swap3A_144 : i32 to index
      %swap3A_146 = arith.index_cast %mul3A_99 : i32 to index
      %swap3A_147 = tpu.vector_load %arg6[%swap3A_145, %swap3A_146] {strides = array<i32>} : memref<2x16384xf32, #tpu.memory_space<vmem>>, vector<16xf32>,
      tpu.vector_store %arg6[%swap3A_145, %swap3A_146], %bitcast_convert_type3A_143 {strides = array<i32>} : memref<2x16384xf32, #tpu.memory_space<vmem>>, vector<16xf32>,
      %bitcast_convert_type3A_148 = tpu.bitcast %get3A_104 : vector<16xf32> -> vector<16xi32>
      %add3A_149 = arith.constant 32767 : i32
      %add3A_150 = vector.broadcast %add3A_149 : i32 to vector<16xi32>
      %add3A_151 = arith.addi %bitcast_convert_type3A_148, %add3A_150 : vector<16xi32>
      %shift_right_logical3A_152 = arith.constant 16 : i32
      %shift_right_logical3A_153 = vector.broadcast %shift_right_logical3A_152 : i32 to vector<16xi32>
      %shift_right_logical3A_154 = arith.shrui %bitcast_convert_type3A_148, %shift_right_logical3A_153 : vector<16xi32>
      %and3A_155 = arith.constant 1 : i32
      %and3A_156 = vector.broadcast %and3A_155 : i32 to vector<16xi32>
      %and3A_157 = arith.andi %shift_right_logical3A_154, %and3A_156 : vector<16xi32>
      %add3A_158 = arith.addi %add3A_151, %and3A_157 : vector<16xi32>
      %and3A_159 = arith.constant -65536 : i32
      %and3A_160 = vector.broadcast %and3A_159 : i32 to vector<16xi32>
      %and3A_161 = arith.andi %add3A_158, %and3A_160 : vector<16xi32>
      %bitcast_convert_type3A_162 = tpu.bitcast %and3A_161 : vector<16xi32> -> vector<16xf32>
      %swap3A_163 = arith.constant 1 : i32
      %swap3A_164 = arith.index_cast %swap3A_163 : i32 to index
      %swap3A_165 = arith.index_cast %mul3A_99 : i32 to index
      %swap3A_166 = tpu.vector_load %arg6[%swap3A_164, %swap3A_165] {strides = array<i32>} : memref<2x16384xf32, #tpu.memory_space<vmem>>, vector<16xf32>,
      tpu.vector_store %arg6[%swap3A_164, %swap3A_165], %bitcast_convert_type3A_162 {strides = array<i32>} : memref<2x16384xf32, #tpu.memory_space<vmem>>, vector<16xf32>,
    }
    %scan3A_56 = arith.constant 1024 : i32
    %iota3A = tpu.iota {dimensions = array<i32: 0>} : vector<16xi32>
    %scan3A_57 = arith.constant 0 : i32
    %scan3A_58 = arith.constant 64 : i32
    %scan3A_59 = arith.addi %scan3A_57, %scan3A_58 : i32
    %scan3A_60 = arith.constant 1 : i32
    scf.for %scan3A_94 = %scan3A_57 to %scan3A_59 step %scan3A_60  : i32 {
      %mul3A_95 = arith.constant 2 : i32
      %mul3A_96 = arith.muli %scan3A_94, %mul3A_95 : i32
      %add3A = arith.constant 0 : i32
      %add3A_97 = arith.addi %add3A, %mul3A_96 : i32
      %add3A_98 = arith.constant 0 : i32
      %add3A_99 = arith.addi %add3A_97, %add3A_98 : i32
      %and3A = arith.constant -16 : i32
      %and3A_100 = arith.andi %add3A_99, %and3A : i32
      %sub3A = arith.subi %add3A_99, %and3A_100 : i32
      %get3A = arith.constant 0 : i32
      %get3A_101 = arith.index_cast %get3A : i32 to index
      %get3A_102 = arith.index_cast %and3A_100 : i32 to index
      %get3A_103 = tpu.vector_load %arg8[%get3A_101, %get3A_102] {strides = array<i32>} : memref<3x128xf32, #tpu.memory_space<vmem>>, vector<16xf32>,
      %eq3A = vector.broadcast %sub3A : i32 to vector<16xi32>
      %eq3A_104 = arith.cmpi eq, %iota3A, %eq3A : vector<16xi32>
      %jit3A = arith.constant 0x7F800000 : f32
      %broadcast_in_dim3A = vector.broadcast %jit3A : f32 to vector<16xf32>
      %select_n3A = arith.select %eq3A_104, %get3A_103, %broadcast_in_dim3A : vector<16xi1>, vector<16xf32>
      %reduce_min3A = arith.constant true
      %reduce_min3A_105 = vector.broadcast %reduce_min3A : i1 to vector<16xi1>
      %reduce_min3A_106 = tpu.scan <min>, %select_n3A masked %reduce_min3A_105 : vector<16xf32>, vector<16xi1> -> vector<16xf32>
      %reduce_min3A_107 = vector.extract %reduce_min3A_106[15] : f32 from vector<16xf32>
      %get3A_108 = arith.constant 1 : i32
      %get3A_109 = arith.index_cast %get3A_108 : i32 to index
      %get3A_110 = arith.index_cast %and3A_100 : i32 to index
      %get3A_111 = tpu.vector_load %arg8[%get3A_109, %get3A_110] {strides = array<i32>} : memref<3x128xf32, #tpu.memory_space<vmem>>, vector<16xf32>,
      %eq3A_112 = vector.broadcast %sub3A : i32 to vector<16xi32>
      %eq3A_113 = arith.cmpi eq, %iota3A, %eq3A_112 : vector<16xi32>
      %jit3A_114 = arith.constant 0x7F800000 : f32
      %broadcast_in_dim3A_115 = vector.broadcast %jit3A_114 : f32 to vector<16xf32>
      %select_n3A_116 = arith.select %eq3A_113, %get3A_111, %broadcast_in_dim3A_115 : vector<16xi1>, vector<16xf32>
      %reduce_min3A_117 = arith.constant true
      %reduce_min3A_118 = vector.broadcast %reduce_min3A_117 : i1 to vector<16xi1>
      %reduce_min3A_119 = tpu.scan <min>, %select_n3A_116 masked %reduce_min3A_118 : vector<16xf32>, vector<16xi1> -> vector<16xf32>
      %reduce_min3A_120 = vector.extract %reduce_min3A_119[15] : f32 from vector<16xf32>
      %get3A_121 = arith.constant 2 : i32
      %get3A_122 = arith.index_cast %get3A_121 : i32 to index
      %get3A_123 = arith.index_cast %and3A_100 : i32 to index
      %get3A_124 = tpu.vector_load %arg8[%get3A_122, %get3A_123] {strides = array<i32>} : memref<3x128xf32, #tpu.memory_space<vmem>>, vector<16xf32>,
      %eq3A_125 = vector.broadcast %sub3A : i32 to vector<16xi32>
      %eq3A_126 = arith.cmpi eq, %iota3A, %eq3A_125 : vector<16xi32>
      %jit3A_127 = arith.constant 0x7F800000 : f32
      %broadcast_in_dim3A_128 = vector.broadcast %jit3A_127 : f32 to vector<16xf32>
      %select_n3A_129 = arith.select %eq3A_126, %get3A_124, %broadcast_in_dim3A_128 : vector<16xi1>, vector<16xf32>
      %reduce_min3A_130 = arith.constant true
      %reduce_min3A_131 = vector.broadcast %reduce_min3A_130 : i1 to vector<16xi1>
      %reduce_min3A_132 = tpu.scan <min>, %select_n3A_129 masked %reduce_min3A_131 : vector<16xf32>, vector<16xi1> -> vector<16xf32>
      %reduce_min3A_133 = vector.extract %reduce_min3A_132[15] : f32 from vector<16xf32>
      %mul3A_134 = arith.mulf %reduce_min3A_107, %reduce_min3A_107 : f32
      %mul3A_135 = arith.mulf %reduce_min3A_120, %reduce_min3A_120 : f32
      %add3A_136 = arith.addf %mul3A_134, %mul3A_135 : f32
      %mul3A_137 = arith.mulf %reduce_min3A_133, %reduce_min3A_133 : f32
      %add3A_138 = arith.addf %add3A_136, %mul3A_137 : f32
      %bitcast_convert_type3A = arith.bitcast %reduce_min3A_107 : f32 to i32
      %add3A_139 = arith.constant 32767 : i32
      %add3A_140 = arith.addi %bitcast_convert_type3A, %add3A_139 : i32
      %shift_right_logical3A = arith.constant 16 : i32
      %shift_right_logical3A_141 = arith.shrui %bitcast_convert_type3A, %shift_right_logical3A : i32
      %and3A_142 = arith.constant 1 : i32
      %and3A_143 = arith.andi %shift_right_logical3A_141, %and3A_142 : i32
      %add3A_144 = arith.addi %add3A_140, %and3A_143 : i32
      %and3A_145 = arith.constant -65536 : i32
      %and3A_146 = arith.andi %add3A_144, %and3A_145 : i32
      %bitcast_convert_type3A_147 = arith.bitcast %and3A_146 : i32 to f32
      %bitcast_convert_type3A_148 = arith.bitcast %reduce_min3A_120 : f32 to i32
      %add3A_149 = arith.constant 32767 : i32
      %add3A_150 = arith.addi %bitcast_convert_type3A_148, %add3A_149 : i32
      %shift_right_logical3A_151 = arith.constant 16 : i32
      %shift_right_logical3A_152 = arith.shrui %bitcast_convert_type3A_148, %shift_right_logical3A_151 : i32
      %and3A_153 = arith.constant 1 : i32
      %and3A_154 = arith.andi %shift_right_logical3A_152, %and3A_153 : i32
      %add3A_155 = arith.addi %add3A_150, %and3A_154 : i32
      %and3A_156 = arith.constant -65536 : i32
      %and3A_157 = arith.andi %add3A_155, %and3A_156 : i32
      %bitcast_convert_type3A_158 = arith.bitcast %and3A_157 : i32 to f32
      %bitcast_convert_type3A_159 = arith.bitcast %reduce_min3A_133 : f32 to i32
      %add3A_160 = arith.constant 32767 : i32
      %add3A_161 = arith.addi %bitcast_convert_type3A_159, %add3A_160 : i32
      %shift_right_logical3A_162 = arith.constant 16 : i32
      %shift_right_logical3A_163 = arith.shrui %bitcast_convert_type3A_159, %shift_right_logical3A_162 : i32
      %and3A_164 = arith.constant 1 : i32
      %and3A_165 = arith.andi %shift_right_logical3A_163, %and3A_164 : i32
      %add3A_166 = arith.addi %add3A_161, %and3A_165 : i32
      %and3A_167 = arith.constant -65536 : i32
      %and3A_168 = arith.andi %add3A_166, %and3A_167 : i32
      %bitcast_convert_type3A_169 = arith.bitcast %and3A_168 : i32 to f32
      %add3A_170 = arith.constant 1 : i32
      %add3A_171 = arith.addi %add3A_97, %add3A_170 : i32
      %and3A_172 = arith.constant -16 : i32
      %and3A_173 = arith.andi %add3A_171, %and3A_172 : i32
      %sub3A_174 = arith.subi %add3A_171, %and3A_173 : i32
      %get3A_175 = arith.constant 0 : i32
      %get3A_176 = arith.index_cast %get3A_175 : i32 to index
      %get3A_177 = arith.index_cast %and3A_173 : i32 to index
      %get3A_178 = tpu.vector_load %arg8[%get3A_176, %get3A_177] {strides = array<i32>} : memref<3x128xf32, #tpu.memory_space<vmem>>, vector<16xf32>,
      %eq3A_179 = vector.broadcast %sub3A_174 : i32 to vector<16xi32>
      %eq3A_180 = arith.cmpi eq, %iota3A, %eq3A_179 : vector<16xi32>
      %jit3A_181 = arith.constant 0x7F800000 : f32
      %broadcast_in_dim3A_182 = vector.broadcast %jit3A_181 : f32 to vector<16xf32>
      %select_n3A_183 = arith.select %eq3A_180, %get3A_178, %broadcast_in_dim3A_182 : vector<16xi1>, vector<16xf32>
      %reduce_min3A_184 = arith.constant true
      %reduce_min3A_185 = vector.broadcast %reduce_min3A_184 : i1 to vector<16xi1>
      %reduce_min3A_186 = tpu.scan <min>, %select_n3A_183 masked %reduce_min3A_185 : vector<16xf32>, vector<16xi1> -> vector<16xf32>
      %reduce_min3A_187 = vector.extract %reduce_min3A_186[15] : f32 from vector<16xf32>
      %get3A_188 = arith.constant 1 : i32
      %get3A_189 = arith.index_cast %get3A_188 : i32 to index
      %get3A_190 = arith.index_cast %and3A_173 : i32 to index
      %get3A_191 = tpu.vector_load %arg8[%get3A_189, %get3A_190] {strides = array<i32>} : memref<3x128xf32, #tpu.memory_space<vmem>>, vector<16xf32>,
      %eq3A_192 = vector.broadcast %sub3A_174 : i32 to vector<16xi32>
      %eq3A_193 = arith.cmpi eq, %iota3A, %eq3A_192 : vector<16xi32>
      %jit3A_194 = arith.constant 0x7F800000 : f32
      %broadcast_in_dim3A_195 = vector.broadcast %jit3A_194 : f32 to vector<16xf32>
      %select_n3A_196 = arith.select %eq3A_193, %get3A_191, %broadcast_in_dim3A_195 : vector<16xi1>, vector<16xf32>
      %reduce_min3A_197 = arith.constant true
      %reduce_min3A_198 = vector.broadcast %reduce_min3A_197 : i1 to vector<16xi1>
      %reduce_min3A_199 = tpu.scan <min>, %select_n3A_196 masked %reduce_min3A_198 : vector<16xf32>, vector<16xi1> -> vector<16xf32>
      %reduce_min3A_200 = vector.extract %reduce_min3A_199[15] : f32 from vector<16xf32>
      %get3A_201 = arith.constant 2 : i32
      %get3A_202 = arith.index_cast %get3A_201 : i32 to index
      %get3A_203 = arith.index_cast %and3A_173 : i32 to index
      %get3A_204 = tpu.vector_load %arg8[%get3A_202, %get3A_203] {strides = array<i32>} : memref<3x128xf32, #tpu.memory_space<vmem>>, vector<16xf32>,
      %eq3A_205 = vector.broadcast %sub3A_174 : i32 to vector<16xi32>
      %eq3A_206 = arith.cmpi eq, %iota3A, %eq3A_205 : vector<16xi32>
      %jit3A_207 = arith.constant 0x7F800000 : f32
      %broadcast_in_dim3A_208 = vector.broadcast %jit3A_207 : f32 to vector<16xf32>
      %select_n3A_209 = arith.select %eq3A_206, %get3A_204, %broadcast_in_dim3A_208 : vector<16xi1>, vector<16xf32>
      %reduce_min3A_210 = arith.constant true
      %reduce_min3A_211 = vector.broadcast %reduce_min3A_210 : i1 to vector<16xi1>
      %reduce_min3A_212 = tpu.scan <min>, %select_n3A_209 masked %reduce_min3A_211 : vector<16xf32>, vector<16xi1> -> vector<16xf32>
      %reduce_min3A_213 = vector.extract %reduce_min3A_212[15] : f32 from vector<16xf32>
      %mul3A_214 = arith.mulf %reduce_min3A_187, %reduce_min3A_187 : f32
      %mul3A_215 = arith.mulf %reduce_min3A_200, %reduce_min3A_200 : f32
      %add3A_216 = arith.addf %mul3A_214, %mul3A_215 : f32
      %mul3A_217 = arith.mulf %reduce_min3A_213, %reduce_min3A_213 : f32
      %add3A_218 = arith.addf %add3A_216, %mul3A_217 : f32
      %bitcast_convert_type3A_219 = arith.bitcast %reduce_min3A_187 : f32 to i32
      %add3A_220 = arith.constant 32767 : i32
      %add3A_221 = arith.addi %bitcast_convert_type3A_219, %add3A_220 : i32
      %shift_right_logical3A_222 = arith.constant 16 : i32
      %shift_right_logical3A_223 = arith.shrui %bitcast_convert_type3A_219, %shift_right_logical3A_222 : i32
      %and3A_224 = arith.constant 1 : i32
      %and3A_225 = arith.andi %shift_right_logical3A_223, %and3A_224 : i32
      %add3A_226 = arith.addi %add3A_221, %and3A_225 : i32
      %and3A_227 = arith.constant -65536 : i32
      %and3A_228 = arith.andi %add3A_226, %and3A_227 : i32
      %bitcast_convert_type3A_229 = arith.bitcast %and3A_228 : i32 to f32
      %bitcast_convert_type3A_230 = arith.bitcast %reduce_min3A_200 : f32 to i32
      %add3A_231 = arith.constant 32767 : i32
      %add3A_232 = arith.addi %bitcast_convert_type3A_230, %add3A_231 : i32
      %shift_right_logical3A_233 = arith.constant 16 : i32
      %shift_right_logical3A_234 = arith.shrui %bitcast_convert_type3A_230, %shift_right_logical3A_233 : i32
      %and3A_235 = arith.constant 1 : i32
      %and3A_236 = arith.andi %shift_right_logical3A_234, %and3A_235 : i32
      %add3A_237 = arith.addi %add3A_232, %and3A_236 : i32
      %and3A_238 = arith.constant -65536 : i32
      %and3A_239 = arith.andi %add3A_237, %and3A_238 : i32
      %bitcast_convert_type3A_240 = arith.bitcast %and3A_239 : i32 to f32
      %bitcast_convert_type3A_241 = arith.bitcast %reduce_min3A_213 : f32 to i32
      %add3A_242 = arith.constant 32767 : i32
      %add3A_243 = arith.addi %bitcast_convert_type3A_241, %add3A_242 : i32
      %shift_right_logical3A_244 = arith.constant 16 : i32
      %shift_right_logical3A_245 = arith.shrui %bitcast_convert_type3A_241, %shift_right_logical3A_244 : i32
      %and3A_246 = arith.constant 1 : i32
      %and3A_247 = arith.andi %shift_right_logical3A_245, %and3A_246 : i32
      %add3A_248 = arith.addi %add3A_243, %and3A_247 : i32
      %and3A_249 = arith.constant -65536 : i32
      %and3A_250 = arith.andi %add3A_248, %and3A_249 : i32
      %bitcast_convert_type3A_251 = arith.bitcast %and3A_250 : i32 to f32
      %scan3A_252 = arith.constant 0 : i32
      %scan3A_253 = arith.constant 64 : i32
      %scan3A_254 = arith.addi %scan3A_252, %scan3A_253 : i32
      %scan3A_255 = arith.constant 1 : i32
      scf.for %scan3A_1188 = %scan3A_252 to %scan3A_254 step %scan3A_255  : i32 {
        %mul3A_1189 = arith.constant 1 : i32
        %mul3A_1190 = arith.muli %scan3A_1188, %mul3A_1189 : i32
        %add3A_1191 = arith.constant 0 : i32
        %add3A_1192 = arith.addi %add3A_1191, %mul3A_1190 : i32
        %broadcast_in_dim3A_1193 = arith.constant 0x7F800000 : f32
        %broadcast_in_dim3A_1194 = vector.broadcast %broadcast_in_dim3A_1193 : f32 to vector<16xf32>
        %broadcast_in_dim3A_1195 = arith.constant 0x7F800000 : f32
        %broadcast_in_dim3A_1196 = vector.broadcast %broadcast_in_dim3A_1195 : f32 to vector<16xf32>
        %mul3A_1197 = arith.constant 16 : i32
        %mul3A_1198 = arith.muli %add3A_1192, %mul3A_1197 : i32
        %add3A_1199 = arith.constant 0 : i32
        %add3A_1200 = arith.addi %mul3A_1198, %add3A_1199 : i32
        %mul3A_1201 = arith.constant 16 : i32
        %mul3A_1202 = arith.muli %add3A_1200, %mul3A_1201 : i32
        %get3A_1203 = arith.constant 0 : i32
        %get3A_1204 = arith.index_cast %get3A_1203 : i32 to index
        %get3A_1205 = arith.index_cast %mul3A_1202 : i32 to index
        %get3A_1206 = tpu.vector_load %arg6[%get3A_1204, %get3A_1205] {strides = array<i32>} : memref<2x16384xf32, #tpu.memory_space<vmem>>, vector<16xf32>,
        %bitcast_convert_type3A_1207 = tpu.bitcast %get3A_1206 : vector<16xf32> -> vector<16xi32>
        %and3A_1208 = arith.constant -65536 : i32
        %and3A_1209 = vector.broadcast %and3A_1208 : i32 to vector<16xi32>
        %and3A_1210 = arith.andi %bitcast_convert_type3A_1207, %and3A_1209 : vector<16xi32>
        %bitcast_convert_type3A_1211 = tpu.bitcast %and3A_1210 : vector<16xi32> -> vector<16xf32>
        %shift_left3A = arith.constant 16 : i32
        %shift_left3A_1212 = vector.broadcast %shift_left3A : i32 to vector<16xi32>
        %shift_left3A_1213 = arith.shli %bitcast_convert_type3A_1207, %shift_left3A_1212 : vector<16xi32>
        %bitcast_convert_type3A_1214 = tpu.bitcast %shift_left3A_1213 : vector<16xi32> -> vector<16xf32>
        %get3A_1215 = arith.constant 1 : i32
        %get3A_1216 = arith.index_cast %get3A_1215 : i32 to index
        %get3A_1217 = arith.index_cast %mul3A_1202 : i32 to index
        %get3A_1218 = tpu.vector_load %arg6[%get3A_1216, %get3A_1217] {strides = array<i32>} : memref<2x16384xf32, #tpu.memory_space<vmem>>, vector<16xf32>,
        %get3A_1219 = arith.index_cast %mul3A_1202 : i32 to index
        %get3A_1220 = tpu.vector_load %arg7[%get3A_1219] {strides = array<i32>} : memref<16384xf32, #tpu.memory_space<vmem>>, vector<16xf32>,
        %mul3A_1221 = vector.broadcast %bitcast_convert_type3A_147 : f32 to vector<16xf32>
        %mul3A_1222 = arith.mulf %bitcast_convert_type3A_1211, %mul3A_1221 : vector<16xf32>
        %mul3A_1223 = vector.broadcast %bitcast_convert_type3A_158 : f32 to vector<16xf32>
        %mul3A_1224 = arith.mulf %bitcast_convert_type3A_1214, %mul3A_1223 : vector<16xf32>
        %add3A_1225 = arith.addf %mul3A_1222, %mul3A_1224 : vector<16xf32>
        %mul3A_1226 = vector.broadcast %bitcast_convert_type3A_169 : f32 to vector<16xf32>
        %mul3A_1227 = arith.mulf %get3A_1218, %mul3A_1226 : vector<16xf32>
        %add3A_1228 = arith.addf %add3A_1225, %mul3A_1227 : vector<16xf32>
        %add3A_1229 = vector.broadcast %add3A_138 : f32 to vector<16xf32>
        %add3A_1230 = arith.addf %add3A_1229, %get3A_1220 : vector<16xf32>
        %mul3A_1231 = arith.constant 2.000000e+00 : f32
        %mul3A_1232 = vector.broadcast %mul3A_1231 : f32 to vector<16xf32>
        %mul3A_1233 = arith.mulf %mul3A_1232, %add3A_1228 : vector<16xf32>
        %sub3A_1234 = arith.subf %add3A_1230, %mul3A_1233 : vector<16xf32>
        %swap3A_1235 = arith.index_cast %mul3A_1202 : i32 to index
        %swap3A_1236 = tpu.vector_load %arg9[%swap3A_1235] {strides = array<i32>} : memref<16384xf32, #tpu.memory_space<vmem>>, vector<16xf32>,
        tpu.vector_store %arg9[%swap3A_1235], %sub3A_1234 {strides = array<i32>} : memref<16384xf32, #tpu.memory_space<vmem>>, vector<16xf32>,
        %min3A_1237 = arith.minimumf %broadcast_in_dim3A_1194, %sub3A_1234 : vector<16xf32>
        %mul3A_1238 = vector.broadcast %bitcast_convert_type3A_229 : f32 to vector<16xf32>
        %mul3A_1239 = arith.mulf %bitcast_convert_type3A_1211, %mul3A_1238 : vector<16xf32>
        %mul3A_1240 = vector.broadcast %bitcast_convert_type3A_240 : f32 to vector<16xf32>
        %mul3A_1241 = arith.mulf %bitcast_convert_type3A_1214, %mul3A_1240 : vector<16xf32>
        %add3A_1242 = arith.addf %mul3A_1239, %mul3A_1241 : vector<16xf32>
        %mul3A_1243 = vector.broadcast %bitcast_convert_type3A_251 : f32 to vector<16xf32>
        %mul3A_1244 = arith.mulf %get3A_1218, %mul3A_1243 : vector<16xf32>
        %add3A_1245 = arith.addf %add3A_1242, %mul3A_1244 : vector<16xf32>
        %add3A_1246 = vector.broadcast %add3A_218 : f32 to vector<16xf32>
        %add3A_1247 = arith.addf %add3A_1246, %get3A_1220 : vector<16xf32>
        %mul3A_1248 = arith.constant 2.000000e+00 : f32
        %mul3A_1249 = vector.broadcast %mul3A_1248 : f32 to vector<16xf32>
        %mul3A_1250 = arith.mulf %mul3A_1249, %add3A_1245 : vector<16xf32>
        %sub3A_1251 = arith.subf %add3A_1247, %mul3A_1250 : vector<16xf32>
        %swap3A_1252 = arith.index_cast %mul3A_1202 : i32 to index
        %swap3A_1253 = tpu.vector_load %arg10[%swap3A_1252] {strides = array<i32>} : memref<16384xf32, #tpu.memory_space<vmem>>, vector<16xf32>,
        tpu.vector_store %arg10[%swap3A_1252], %sub3A_1251 {strides = array<i32>} : memref<16384xf32, #tpu.memory_space<vmem>>, vector<16xf32>,
        %min3A_1254 = arith.minimumf %broadcast_in_dim3A_1196, %sub3A_1251 : vector<16xf32>
        %mul3A_1255 = arith.constant 16 : i32
        %mul3A_1256 = arith.muli %add3A_1192, %mul3A_1255 : i32
        %add3A_1257 = arith.constant 1 : i32
        %add3A_1258 = arith.addi %mul3A_1256, %add3A_1257 : i32
        %mul3A_1259 = arith.constant 16 : i32
        %mul3A_1260 = arith.muli %add3A_1258, %mul3A_1259 : i32
        %get3A_1261 = arith.constant 0 : i32
        %get3A_1262 = arith.index_cast %get3A_1261 : i32 to index
        %get3A_1263 = arith.index_cast %mul3A_1260 : i32 to index
        %get3A_1264 = tpu.vector_load %arg6[%get3A_1262, %get3A_1263] {strides = array<i32>} : memref<2x16384xf32, #tpu.memory_space<vmem>>, vector<16xf32>,
        %bitcast_convert_type3A_1265 = tpu.bitcast %get3A_1264 : vector<16xf32> -> vector<16xi32>
        %and3A_1266 = arith.constant -65536 : i32
        %and3A_1267 = vector.broadcast %and3A_1266 : i32 to vector<16xi32>
        %and3A_1268 = arith.andi %bitcast_convert_type3A_1265, %and3A_1267 : vector<16xi32>
        %bitcast_convert_type3A_1269 = tpu.bitcast %and3A_1268 : vector<16xi32> -> vector<16xf32>
        %shift_left3A_1270 = arith.constant 16 : i32
        %shift_left3A_1271 = vector.broadcast %shift_left3A_1270 : i32 to vector<16xi32>
        %shift_left3A_1272 = arith.shli %bitcast_convert_type3A_1265, %shift_left3A_1271 : vector<16xi32>
        %bitcast_convert_type3A_1273 = tpu.bitcast %shift_left3A_1272 : vector<16xi32> -> vector<16xf32>
        %get3A_1274 = arith.constant 1 : i32
        %get3A_1275 = arith.index_cast %get3A_1274 : i32 to index
        %get3A_1276 = arith.index_cast %mul3A_1260 : i32 to index
        %get3A_1277 = tpu.vector_load %arg6[%get3A_1275, %get3A_1276] {strides = array<i32>} : memref<2x16384xf32, #tpu.memory_space<vmem>>, vector<16xf32>,
        %get3A_1278 = arith.index_cast %mul3A_1260 : i32 to index
        %get3A_1279 = tpu.vector_load %arg7[%get3A_1278] {strides = array<i32>} : memref<16384xf32, #tpu.memory_space<vmem>>, vector<16xf32>,
        %mul3A_1280 = vector.broadcast %bitcast_convert_type3A_147 : f32 to vector<16xf32>
        %mul3A_1281 = arith.mulf %bitcast_convert_type3A_1269, %mul3A_1280 : vector<16xf32>
        %mul3A_1282 = vector.broadcast %bitcast_convert_type3A_158 : f32 to vector<16xf32>
        %mul3A_1283 = arith.mulf %bitcast_convert_type3A_1273, %mul3A_1282 : vector<16xf32>
        %add3A_1284 = arith.addf %mul3A_1281, %mul3A_1283 : vector<16xf32>
        %mul3A_1285 = vector.broadcast %bitcast_convert_type3A_169 : f32 to vector<16xf32>
        %mul3A_1286 = arith.mulf %get3A_1277, %mul3A_1285 : vector<16xf32>
        %add3A_1287 = arith.addf %add3A_1284, %mul3A_1286 : vector<16xf32>
        %add3A_1288 = vector.broadcast %add3A_138 : f32 to vector<16xf32>
        %add3A_1289 = arith.addf %add3A_1288, %get3A_1279 : vector<16xf32>
        %mul3A_1290 = arith.constant 2.000000e+00 : f32
        %mul3A_1291 = vector.broadcast %mul3A_1290 : f32 to vector<16xf32>
        %mul3A_1292 = arith.mulf %mul3A_1291, %add3A_1287 : vector<16xf32>
        %sub3A_1293 = arith.subf %add3A_1289, %mul3A_1292 : vector<16xf32>
        %swap3A_1294 = arith.index_cast %mul3A_1260 : i32 to index
        %swap3A_1295 = tpu.vector_load %arg9[%swap3A_1294] {strides = array<i32>} : memref<16384xf32, #tpu.memory_space<vmem>>, vector<16xf32>,
        tpu.vector_store %arg9[%swap3A_1294], %sub3A_1293 {strides = array<i32>} : memref<16384xf32, #tpu.memory_space<vmem>>, vector<16xf32>,
        %min3A_1296 = arith.minimumf %min3A_1237, %sub3A_1293 : vector<16xf32>
        %mul3A_1297 = vector.broadcast %bitcast_convert_type3A_229 : f32 to vector<16xf32>
        %mul3A_1298 = arith.mulf %bitcast_convert_type3A_1269, %mul3A_1297 : vector<16xf32>
        %mul3A_1299 = vector.broadcast %bitcast_convert_type3A_240 : f32 to vector<16xf32>
        %mul3A_1300 = arith.mulf %bitcast_convert_type3A_1273, %mul3A_1299 : vector<16xf32>
        %add3A_1301 = arith.addf %mul3A_1298, %mul3A_1300 : vector<16xf32>
        %mul3A_1302 = vector.broadcast %bitcast_convert_type3A_251 : f32 to vector<16xf32>
        %mul3A_1303 = arith.mulf %get3A_1277, %mul3A_1302 : vector<16xf32>
        %add3A_1304 = arith.addf %add3A_1301, %mul3A_1303 : vector<16xf32>
        %add3A_1305 = vector.broadcast %add3A_218 : f32 to vector<16xf32>
        %add3A_1306 = arith.addf %add3A_1305, %get3A_1279 : vector<16xf32>
        %mul3A_1307 = arith.constant 2.000000e+00 : f32
        %mul3A_1308 = vector.broadcast %mul3A_1307 : f32 to vector<16xf32>
        %mul3A_1309 = arith.mulf %mul3A_1308, %add3A_1304 : vector<16xf32>
        %sub3A_1310 = arith.subf %add3A_1306, %mul3A_1309 : vector<16xf32>
        %swap3A_1311 = arith.index_cast %mul3A_1260 : i32 to index
        %swap3A_1312 = tpu.vector_load %arg10[%swap3A_1311] {strides = array<i32>} : memref<16384xf32, #tpu.memory_space<vmem>>, vector<16xf32>,
        tpu.vector_store %arg10[%swap3A_1311], %sub3A_1310 {strides = array<i32>} : memref<16384xf32, #tpu.memory_space<vmem>>, vector<16xf32>,
        %min3A_1313 = arith.minimumf %min3A_1254, %sub3A_1310 : vector<16xf32>
        %mul3A_1314 = arith.constant 16 : i32
        %mul3A_1315 = arith.muli %add3A_1192, %mul3A_1314 : i32
        %add3A_1316 = arith.constant 2 : i32
        %add3A_1317 = arith.addi %mul3A_1315, %add3A_1316 : i32
        %mul3A_1318 = arith.constant 16 : i32
        %mul3A_1319 = arith.muli %add3A_1317, %mul3A_1318 : i32
        %get3A_1320 = arith.constant 0 : i32
        %get3A_1321 = arith.index_cast %get3A_1320 : i32 to index
        %get3A_1322 = arith.index_cast %mul3A_1319 : i32 to index
        %get3A_1323 = tpu.vector_load %arg6[%get3A_1321, %get3A_1322] {strides = array<i32>} : memref<2x16384xf32, #tpu.memory_space<vmem>>, vector<16xf32>,
        %bitcast_convert_type3A_1324 = tpu.bitcast %get3A_1323 : vector<16xf32> -> vector<16xi32>
        %and3A_1325 = arith.constant -65536 : i32
        %and3A_1326 = vector.broadcast %and3A_1325 : i32 to vector<16xi32>
        %and3A_1327 = arith.andi %bitcast_convert_type3A_1324, %and3A_1326 : vector<16xi32>
        %bitcast_convert_type3A_1328 = tpu.bitcast %and3A_1327 : vector<16xi32> -> vector<16xf32>
        %shift_left3A_1329 = arith.constant 16 : i32
        %shift_left3A_1330 = vector.broadcast %shift_left3A_1329 : i32 to vector<16xi32>
        %shift_left3A_1331 = arith.shli %bitcast_convert_type3A_1324, %shift_left3A_1330 : vector<16xi32>
        %bitcast_convert_type3A_1332 = tpu.bitcast %shift_left3A_1331 : vector<16xi32> -> vector<16xf32>
        %get3A_1333 = arith.constant 1 : i32
        %get3A_1334 = arith.index_cast %get3A_1333 : i32 to index
        %get3A_1335 = arith.index_cast %mul3A_1319 : i32 to index
        %get3A_1336 = tpu.vector_load %arg6[%get3A_1334, %get3A_1335] {strides = array<i32>} : memref<2x16384xf32, #tpu.memory_space<vmem>>, vector<16xf32>,
        %get3A_1337 = arith.index_cast %mul3A_1319 : i32 to index
        %get3A_1338 = tpu.vector_load %arg7[%get3A_1337] {strides = array<i32>} : memref<16384xf32, #tpu.memory_space<vmem>>, vector<16xf32>,
        %mul3A_1339 = vector.broadcast %bitcast_convert_type3A_147 : f32 to vector<16xf32>
        %mul3A_1340 = arith.mulf %bitcast_convert_type3A_1328, %mul3A_1339 : vector<16xf32>
        %mul3A_1341 = vector.broadcast %bitcast_convert_type3A_158 : f32 to vector<16xf32>
        %mul3A_1342 = arith.mulf %bitcast_convert_type3A_1332, %mul3A_1341 : vector<16xf32>
        %add3A_1343 = arith.addf %mul3A_1340, %mul3A_1342 : vector<16xf32>
        %mul3A_1344 = vector.broadcast %bitcast_convert_type3A_169 : f32 to vector<16xf32>
        %mul3A_1345 = arith.mulf %get3A_1336, %mul3A_1344 : vector<16xf32>
        %add3A_1346 = arith.addf %add3A_1343, %mul3A_1345 : vector<16xf32>
        %add3A_1347 = vector.broadcast %add3A_138 : f32 to vector<16xf32>
        %add3A_1348 = arith.addf %add3A_1347, %get3A_1338 : vector<16xf32>
        %mul3A_1349 = arith.constant 2.000000e+00 : f32
        %mul3A_1350 = vector.broadcast %mul3A_1349 : f32 to vector<16xf32>
        %mul3A_1351 = arith.mulf %mul3A_1350, %add3A_1346 : vector<16xf32>
        %sub3A_1352 = arith.subf %add3A_1348, %mul3A_1351 : vector<16xf32>
        %swap3A_1353 = arith.index_cast %mul3A_1319 : i32 to index
        %swap3A_1354 = tpu.vector_load %arg9[%swap3A_1353] {strides = array<i32>} : memref<16384xf32, #tpu.memory_space<vmem>>, vector<16xf32>,
        tpu.vector_store %arg9[%swap3A_1353], %sub3A_1352 {strides = array<i32>} : memref<16384xf32, #tpu.memory_space<vmem>>, vector<16xf32>,
        %min3A_1355 = arith.minimumf %min3A_1296, %sub3A_1352 : vector<16xf32>
        %mul3A_1356 = vector.broadcast %bitcast_convert_type3A_229 : f32 to vector<16xf32>
        %mul3A_1357 = arith.mulf %bitcast_convert_type3A_1328, %mul3A_1356 : vector<16xf32>
        %mul3A_1358 = vector.broadcast %bitcast_convert_type3A_240 : f32 to vector<16xf32>
        %mul3A_1359 = arith.mulf %bitcast_convert_type3A_1332, %mul3A_1358 : vector<16xf32>
        %add3A_1360 = arith.addf %mul3A_1357, %mul3A_1359 : vector<16xf32>
        %mul3A_1361 = vector.broadcast %bitcast_convert_type3A_251 : f32 to vector<16xf32>
        %mul3A_1362 = arith.mulf %get3A_1336, %mul3A_1361 : vector<16xf32>
        %add3A_1363 = arith.addf %add3A_1360, %mul3A_1362 : vector<16xf32>
        %add3A_1364 = vector.broadcast %add3A_218 : f32 to vector<16xf32>
        %add3A_1365 = arith.addf %add3A_1364, %get3A_1338 : vector<16xf32>
        %mul3A_1366 = arith.constant 2.000000e+00 : f32
        %mul3A_1367 = vector.broadcast %mul3A_1366 : f32 to vector<16xf32>
        %mul3A_1368 = arith.mulf %mul3A_1367, %add3A_1363 : vector<16xf32>
        %sub3A_1369 = arith.subf %add3A_1365, %mul3A_1368 : vector<16xf32>
        %swap3A_1370 = arith.index_cast %mul3A_1319 : i32 to index
        %swap3A_1371 = tpu.vector_load %arg10[%swap3A_1370] {strides = array<i32>} : memref<16384xf32, #tpu.memory_space<vmem>>, vector<16xf32>,
        tpu.vector_store %arg10[%swap3A_1370], %sub3A_1369 {strides = array<i32>} : memref<16384xf32, #tpu.memory_space<vmem>>, vector<16xf32>,
        %min3A_1372 = arith.minimumf %min3A_1313, %sub3A_1369 : vector<16xf32>
        %mul3A_1373 = arith.constant 16 : i32
        %mul3A_1374 = arith.muli %add3A_1192, %mul3A_1373 : i32
        %add3A_1375 = arith.constant 3 : i32
        %add3A_1376 = arith.addi %mul3A_1374, %add3A_1375 : i32
        %mul3A_1377 = arith.constant 16 : i32
        %mul3A_1378 = arith.muli %add3A_1376, %mul3A_1377 : i32
        %get3A_1379 = arith.constant 0 : i32
        %get3A_1380 = arith.index_cast %get3A_1379 : i32 to index
        %get3A_1381 = arith.index_cast %mul3A_1378 : i32 to index
        %get3A_1382 = tpu.vector_load %arg6[%get3A_1380, %get3A_1381] {strides = array<i32>} : memref<2x16384xf32, #tpu.memory_space<vmem>>, vector<16xf32>,
        %bitcast_convert_type3A_1383 = tpu.bitcast %get3A_1382 : vector<16xf32> -> vector<16xi32>
        %and3A_1384 = arith.constant -65536 : i32
        %and3A_1385 = vector.broadcast %and3A_1384 : i32 to vector<16xi32>
        %and3A_1386 = arith.andi %bitcast_convert_type3A_1383, %and3A_1385 : vector<16xi32>
        %bitcast_convert_type3A_1387 = tpu.bitcast %and3A_1386 : vector<16xi32> -> vector<16xf32>
        %shift_left3A_1388 = arith.constant 16 : i32
        %shift_left3A_1389 = vector.broadcast %shift_left3A_1388 : i32 to vector<16xi32>
        %shift_left3A_1390 = arith.shli %bitcast_convert_type3A_1383, %shift_left3A_1389 : vector<16xi32>
        %bitcast_convert_type3A_1391 = tpu.bitcast %shift_left3A_1390 : vector<16xi32> -> vector<16xf32>
        %get3A_1392 = arith.constant 1 : i32
        %get3A_1393 = arith.index_cast %get3A_1392 : i32 to index
        %get3A_1394 = arith.index_cast %mul3A_1378 : i32 to index
        %get3A_1395 = tpu.vector_load %arg6[%get3A_1393, %get3A_1394] {strides = array<i32>} : memref<2x16384xf32, #tpu.memory_space<vmem>>, vector<16xf32>,
        %get3A_1396 = arith.index_cast %mul3A_1378 : i32 to index
        %get3A_1397 = tpu.vector_load %arg7[%get3A_1396] {strides = array<i32>} : memref<16384xf32, #tpu.memory_space<vmem>>, vector<16xf32>,
        %mul3A_1398 = vector.broadcast %bitcast_convert_type3A_147 : f32 to vector<16xf32>
        %mul3A_1399 = arith.mulf %bitcast_convert_type3A_1387, %mul3A_1398 : vector<16xf32>
        %mul3A_1400 = vector.broadcast %bitcast_convert_type3A_158 : f32 to vector<16xf32>
        %mul3A_1401 = arith.mulf %bitcast_convert_type3A_1391, %mul3A_1400 : vector<16xf32>
        %add3A_1402 = arith.addf %mul3A_1399, %mul3A_1401 : vector<16xf32>
        %mul3A_1403 = vector.broadcast %bitcast_convert_type3A_169 : f32 to vector<16xf32>
        %mul3A_1404 = arith.mulf %get3A_1395, %mul3A_1403 : vector<16xf32>
        %add3A_1405 = arith.addf %add3A_1402, %mul3A_1404 : vector<16xf32>
        %add3A_1406 = vector.broadcast %add3A_138 : f32 to vector<16xf32>
        %add3A_1407 = arith.addf %add3A_1406, %get3A_1397 : vector<16xf32>
        %mul3A_1408 = arith.constant 2.000000e+00 : f32
        %mul3A_1409 = vector.broadcast %mul3A_1408 : f32 to vector<16xf32>
        %mul3A_1410 = arith.mulf %mul3A_1409, %add3A_1405 : vector<16xf32>
        %sub3A_1411 = arith.subf %add3A_1407, %mul3A_1410 : vector<16xf32>
        %swap3A_1412 = arith.index_cast %mul3A_1378 : i32 to index
        %swap3A_1413 = tpu.vector_load %arg9[%swap3A_1412] {strides = array<i32>} : memref<16384xf32, #tpu.memory_space<vmem>>, vector<16xf32>,
        tpu.vector_store %arg9[%swap3A_1412], %sub3A_1411 {strides = array<i32>} : memref<16384xf32, #tpu.memory_space<vmem>>, vector<16xf32>,
        %min3A_1414 = arith.minimumf %min3A_1355, %sub3A_1411 : vector<16xf32>
        %mul3A_1415 = vector.broadcast %bitcast_convert_type3A_229 : f32 to vector<16xf32>
        %mul3A_1416 = arith.mulf %bitcast_convert_type3A_1387, %mul3A_1415 : vector<16xf32>
        %mul3A_1417 = vector.broadcast %bitcast_convert_type3A_240 : f32 to vector<16xf32>
        %mul3A_1418 = arith.mulf %bitcast_convert_type3A_1391, %mul3A_1417 : vector<16xf32>
        %add3A_1419 = arith.addf %mul3A_1416, %mul3A_1418 : vector<16xf32>
        %mul3A_1420 = vector.broadcast %bitcast_convert_type3A_251 : f32 to vector<16xf32>
        %mul3A_1421 = arith.mulf %get3A_1395, %mul3A_1420 : vector<16xf32>
        %add3A_1422 = arith.addf %add3A_1419, %mul3A_1421 : vector<16xf32>
        %add3A_1423 = vector.broadcast %add3A_218 : f32 to vector<16xf32>
        %add3A_1424 = arith.addf %add3A_1423, %get3A_1397 : vector<16xf32>
        %mul3A_1425 = arith.constant 2.000000e+00 : f32
        %mul3A_1426 = vector.broadcast %mul3A_1425 : f32 to vector<16xf32>
        %mul3A_1427 = arith.mulf %mul3A_1426, %add3A_1422 : vector<16xf32>
        %sub3A_1428 = arith.subf %add3A_1424, %mul3A_1427 : vector<16xf32>
        %swap3A_1429 = arith.index_cast %mul3A_1378 : i32 to index
        %swap3A_1430 = tpu.vector_load %arg10[%swap3A_1429] {strides = array<i32>} : memref<16384xf32, #tpu.memory_space<vmem>>, vector<16xf32>,
        tpu.vector_store %arg10[%swap3A_1429], %sub3A_1428 {strides = array<i32>} : memref<16384xf32, #tpu.memory_space<vmem>>, vector<16xf32>,
        %min3A_1431 = arith.minimumf %min3A_1372, %sub3A_1428 : vector<16xf32>
        %mul3A_1432 = arith.constant 16 : i32
        %mul3A_1433 = arith.muli %add3A_1192, %mul3A_1432 : i32
        %add3A_1434 = arith.constant 4 : i32
        %add3A_1435 = arith.addi %mul3A_1433, %add3A_1434 : i32
        %mul3A_1436 = arith.constant 16 : i32
        %mul3A_1437 = arith.muli %add3A_1435, %mul3A_1436 : i32
        %get3A_1438 = arith.constant 0 : i32
        %get3A_1439 = arith.index_cast %get3A_1438 : i32 to index
        %get3A_1440 = arith.index_cast %mul3A_1437 : i32 to index
        %get3A_1441 = tpu.vector_load %arg6[%get3A_1439, %get3A_1440] {strides = array<i32>} : memref<2x16384xf32, #tpu.memory_space<vmem>>, vector<16xf32>,
        %bitcast_convert_type3A_1442 = tpu.bitcast %get3A_1441 : vector<16xf32> -> vector<16xi32>
        %and3A_1443 = arith.constant -65536 : i32
        %and3A_1444 = vector.broadcast %and3A_1443 : i32 to vector<16xi32>
        %and3A_1445 = arith.andi %bitcast_convert_type3A_1442, %and3A_1444 : vector<16xi32>
        %bitcast_convert_type3A_1446 = tpu.bitcast %and3A_1445 : vector<16xi32> -> vector<16xf32>
        %shift_left3A_1447 = arith.constant 16 : i32
        %shift_left3A_1448 = vector.broadcast %shift_left3A_1447 : i32 to vector<16xi32>
        %shift_left3A_1449 = arith.shli %bitcast_convert_type3A_1442, %shift_left3A_1448 : vector<16xi32>
        %bitcast_convert_type3A_1450 = tpu.bitcast %shift_left3A_1449 : vector<16xi32> -> vector<16xf32>
        %get3A_1451 = arith.constant 1 : i32
        %get3A_1452 = arith.index_cast %get3A_1451 : i32 to index
        %get3A_1453 = arith.index_cast %mul3A_1437 : i32 to index
        %get3A_1454 = tpu.vector_load %arg6[%get3A_1452, %get3A_1453] {strides = array<i32>} : memref<2x16384xf32, #tpu.memory_space<vmem>>, vector<16xf32>,
        %get3A_1455 = arith.index_cast %mul3A_1437 : i32 to index
        %get3A_1456 = tpu.vector_load %arg7[%get3A_1455] {strides = array<i32>} : memref<16384xf32, #tpu.memory_space<vmem>>, vector<16xf32>,
        %mul3A_1457 = vector.broadcast %bitcast_convert_type3A_147 : f32 to vector<16xf32>
        %mul3A_1458 = arith.mulf %bitcast_convert_type3A_1446, %mul3A_1457 : vector<16xf32>
        %mul3A_1459 = vector.broadcast %bitcast_convert_type3A_158 : f32 to vector<16xf32>
        %mul3A_1460 = arith.mulf %bitcast_convert_type3A_1450, %mul3A_1459 : vector<16xf32>
        %add3A_1461 = arith.addf %mul3A_1458, %mul3A_1460 : vector<16xf32>
        %mul3A_1462 = vector.broadcast %bitcast_convert_type3A_169 : f32 to vector<16xf32>
        %mul3A_1463 = arith.mulf %get3A_1454, %mul3A_1462 : vector<16xf32>
        %add3A_1464 = arith.addf %add3A_1461, %mul3A_1463 : vector<16xf32>
        %add3A_1465 = vector.broadcast %add3A_138 : f32 to vector<16xf32>
        %add3A_1466 = arith.addf %add3A_1465, %get3A_1456 : vector<16xf32>
        %mul3A_1467 = arith.constant 2.000000e+00 : f32
        %mul3A_1468 = vector.broadcast %mul3A_1467 : f32 to vector<16xf32>
        %mul3A_1469 = arith.mulf %mul3A_1468, %add3A_1464 : vector<16xf32>
        %sub3A_1470 = arith.subf %add3A_1466, %mul3A_1469 : vector<16xf32>
        %swap3A_1471 = arith.index_cast %mul3A_1437 : i32 to index
        %swap3A_1472 = tpu.vector_load %arg9[%swap3A_1471] {strides = array<i32>} : memref<16384xf32, #tpu.memory_space<vmem>>, vector<16xf32>,
        tpu.vector_store %arg9[%swap3A_1471], %sub3A_1470 {strides = array<i32>} : memref<16384xf32, #tpu.memory_space<vmem>>, vector<16xf32>,
        %min3A_1473 = arith.minimumf %min3A_1414, %sub3A_1470 : vector<16xf32>
        %mul3A_1474 = vector.broadcast %bitcast_convert_type3A_229 : f32 to vector<16xf32>
        %mul3A_1475 = arith.mulf %bitcast_convert_type3A_1446, %mul3A_1474 : vector<16xf32>
        %mul3A_1476 = vector.broadcast %bitcast_convert_type3A_240 : f32 to vector<16xf32>
        %mul3A_1477 = arith.mulf %bitcast_convert_type3A_1450, %mul3A_1476 : vector<16xf32>
        %add3A_1478 = arith.addf %mul3A_1475, %mul3A_1477 : vector<16xf32>
        %mul3A_1479 = vector.broadcast %bitcast_convert_type3A_251 : f32 to vector<16xf32>
        %mul3A_1480 = arith.mulf %get3A_1454, %mul3A_1479 : vector<16xf32>
        %add3A_1481 = arith.addf %add3A_1478, %mul3A_1480 : vector<16xf32>
        %add3A_1482 = vector.broadcast %add3A_218 : f32 to vector<16xf32>
        %add3A_1483 = arith.addf %add3A_1482, %get3A_1456 : vector<16xf32>
        %mul3A_1484 = arith.constant 2.000000e+00 : f32
        %mul3A_1485 = vector.broadcast %mul3A_1484 : f32 to vector<16xf32>
        %mul3A_1486 = arith.mulf %mul3A_1485, %add3A_1481 : vector<16xf32>
        %sub3A_1487 = arith.subf %add3A_1483, %mul3A_1486 : vector<16xf32>
        %swap3A_1488 = arith.index_cast %mul3A_1437 : i32 to index
        %swap3A_1489 = tpu.vector_load %arg10[%swap3A_1488] {strides = array<i32>} : memref<16384xf32, #tpu.memory_space<vmem>>, vector<16xf32>,
        tpu.vector_store %arg10[%swap3A_1488], %sub3A_1487 {strides = array<i32>} : memref<16384xf32, #tpu.memory_space<vmem>>, vector<16xf32>,
        %min3A_1490 = arith.minimumf %min3A_1431, %sub3A_1487 : vector<16xf32>
        %mul3A_1491 = arith.constant 16 : i32
        %mul3A_1492 = arith.muli %add3A_1192, %mul3A_1491 : i32
        %add3A_1493 = arith.constant 5 : i32
        %add3A_1494 = arith.addi %mul3A_1492, %add3A_1493 : i32
        %mul3A_1495 = arith.constant 16 : i32
        %mul3A_1496 = arith.muli %add3A_1494, %mul3A_1495 : i32
        %get3A_1497 = arith.constant 0 : i32
        %get3A_1498 = arith.index_cast %get3A_1497 : i32 to index
        %get3A_1499 = arith.index_cast %mul3A_1496 : i32 to index
        %get3A_1500 = tpu.vector_load %arg6[%get3A_1498, %get3A_1499] {strides = array<i32>} : memref<2x16384xf32, #tpu.memory_space<vmem>>, vector<16xf32>,
        %bitcast_convert_type3A_1501 = tpu.bitcast %get3A_1500 : vector<16xf32> -> vector<16xi32>
        %and3A_1502 = arith.constant -65536 : i32
        %and3A_1503 = vector.broadcast %and3A_1502 : i32 to vector<16xi32>
        %and3A_1504 = arith.andi %bitcast_convert_type3A_1501, %and3A_1503 : vector<16xi32>
        %bitcast_convert_type3A_1505 = tpu.bitcast %and3A_1504 : vector<16xi32> -> vector<16xf32>
        %shift_left3A_1506 = arith.constant 16 : i32
        %shift_left3A_1507 = vector.broadcast %shift_left3A_1506 : i32 to vector<16xi32>
        %shift_left3A_1508 = arith.shli %bitcast_convert_type3A_1501, %shift_left3A_1507 : vector<16xi32>
        %bitcast_convert_type3A_1509 = tpu.bitcast %shift_left3A_1508 : vector<16xi32> -> vector<16xf32>
        %get3A_1510 = arith.constant 1 : i32
        %get3A_1511 = arith.index_cast %get3A_1510 : i32 to index
        %get3A_1512 = arith.index_cast %mul3A_1496 : i32 to index
        %get3A_1513 = tpu.vector_load %arg6[%get3A_1511, %get3A_1512] {strides = array<i32>} : memref<2x16384xf32, #tpu.memory_space<vmem>>, vector<16xf32>,
        %get3A_1514 = arith.index_cast %mul3A_1496 : i32 to index
        %get3A_1515 = tpu.vector_load %arg7[%get3A_1514] {strides = array<i32>} : memref<16384xf32, #tpu.memory_space<vmem>>, vector<16xf32>,
        %mul3A_1516 = vector.broadcast %bitcast_convert_type3A_147 : f32 to vector<16xf32>
        %mul3A_1517 = arith.mulf %bitcast_convert_type3A_1505, %mul3A_1516 : vector<16xf32>
        %mul3A_1518 = vector.broadcast %bitcast_convert_type3A_158 : f32 to vector<16xf32>
        %mul3A_1519 = arith.mulf %bitcast_convert_type3A_1509, %mul3A_1518 : vector<16xf32>
        %add3A_1520 = arith.addf %mul3A_1517, %mul3A_1519 : vector<16xf32>
        %mul3A_1521 = vector.broadcast %bitcast_convert_type3A_169 : f32 to vector<16xf32>
        %mul3A_1522 = arith.mulf %get3A_1513, %mul3A_1521 : vector<16xf32>
        %add3A_1523 = arith.addf %add3A_1520, %mul3A_1522 : vector<16xf32>
        %add3A_1524 = vector.broadcast %add3A_138 : f32 to vector<16xf32>
        %add3A_1525 = arith.addf %add3A_1524, %get3A_1515 : vector<16xf32>
        %mul3A_1526 = arith.constant 2.000000e+00 : f32
        %mul3A_1527 = vector.broadcast %mul3A_1526 : f32 to vector<16xf32>
        %mul3A_1528 = arith.mulf %mul3A_1527, %add3A_1523 : vector<16xf32>
        %sub3A_1529 = arith.subf %add3A_1525, %mul3A_1528 : vector<16xf32>
        %swap3A_1530 = arith.index_cast %mul3A_1496 : i32 to index
        %swap3A_1531 = tpu.vector_load %arg9[%swap3A_1530] {strides = array<i32>} : memref<16384xf32, #tpu.memory_space<vmem>>, vector<16xf32>,
        tpu.vector_store %arg9[%swap3A_1530], %sub3A_1529 {strides = array<i32>} : memref<16384xf32, #tpu.memory_space<vmem>>, vector<16xf32>,
        %min3A_1532 = arith.minimumf %min3A_1473, %sub3A_1529 : vector<16xf32>
        %mul3A_1533 = vector.broadcast %bitcast_convert_type3A_229 : f32 to vector<16xf32>
        %mul3A_1534 = arith.mulf %bitcast_convert_type3A_1505, %mul3A_1533 : vector<16xf32>
        %mul3A_1535 = vector.broadcast %bitcast_convert_type3A_240 : f32 to vector<16xf32>
        %mul3A_1536 = arith.mulf %bitcast_convert_type3A_1509, %mul3A_1535 : vector<16xf32>
        %add3A_1537 = arith.addf %mul3A_1534, %mul3A_1536 : vector<16xf32>
        %mul3A_1538 = vector.broadcast %bitcast_convert_type3A_251 : f32 to vector<16xf32>
        %mul3A_1539 = arith.mulf %get3A_1513, %mul3A_1538 : vector<16xf32>
        %add3A_1540 = arith.addf %add3A_1537, %mul3A_1539 : vector<16xf32>
        %add3A_1541 = vector.broadcast %add3A_218 : f32 to vector<16xf32>
        %add3A_1542 = arith.addf %add3A_1541, %get3A_1515 : vector<16xf32>
        %mul3A_1543 = arith.constant 2.000000e+00 : f32
        %mul3A_1544 = vector.broadcast %mul3A_1543 : f32 to vector<16xf32>
        %mul3A_1545 = arith.mulf %mul3A_1544, %add3A_1540 : vector<16xf32>
        %sub3A_1546 = arith.subf %add3A_1542, %mul3A_1545 : vector<16xf32>
        %swap3A_1547 = arith.index_cast %mul3A_1496 : i32 to index
        %swap3A_1548 = tpu.vector_load %arg10[%swap3A_1547] {strides = array<i32>} : memref<16384xf32, #tpu.memory_space<vmem>>, vector<16xf32>,
        tpu.vector_store %arg10[%swap3A_1547], %sub3A_1546 {strides = array<i32>} : memref<16384xf32, #tpu.memory_space<vmem>>, vector<16xf32>,
        %min3A_1549 = arith.minimumf %min3A_1490, %sub3A_1546 : vector<16xf32>
        %mul3A_1550 = arith.constant 16 : i32
        %mul3A_1551 = arith.muli %add3A_1192, %mul3A_1550 : i32
        %add3A_1552 = arith.constant 6 : i32
        %add3A_1553 = arith.addi %mul3A_1551, %add3A_1552 : i32
        %mul3A_1554 = arith.constant 16 : i32
        %mul3A_1555 = arith.muli %add3A_1553, %mul3A_1554 : i32
        %get3A_1556 = arith.constant 0 : i32
        %get3A_1557 = arith.index_cast %get3A_1556 : i32 to index
        %get3A_1558 = arith.index_cast %mul3A_1555 : i32 to index
        %get3A_1559 = tpu.vector_load %arg6[%get3A_1557, %get3A_1558] {strides = array<i32>} : memref<2x16384xf32, #tpu.memory_space<vmem>>, vector<16xf32>,
        %bitcast_convert_type3A_1560 = tpu.bitcast %get3A_1559 : vector<16xf32> -> vector<16xi32>
        %and3A_1561 = arith.constant -65536 : i32
        %and3A_1562 = vector.broadcast %and3A_1561 : i32 to vector<16xi32>
        %and3A_1563 = arith.andi %bitcast_convert_type3A_1560, %and3A_1562 : vector<16xi32>
        %bitcast_convert_type3A_1564 = tpu.bitcast %and3A_1563 : vector<16xi32> -> vector<16xf32>
        %shift_left3A_1565 = arith.constant 16 : i32
        %shift_left3A_1566 = vector.broadcast %shift_left3A_1565 : i32 to vector<16xi32>
        %shift_left3A_1567 = arith.shli %bitcast_convert_type3A_1560, %shift_left3A_1566 : vector<16xi32>
        %bitcast_convert_type3A_1568 = tpu.bitcast %shift_left3A_1567 : vector<16xi32> -> vector<16xf32>
        %get3A_1569 = arith.constant 1 : i32
        %get3A_1570 = arith.index_cast %get3A_1569 : i32 to index
        %get3A_1571 = arith.index_cast %mul3A_1555 : i32 to index
        %get3A_1572 = tpu.vector_load %arg6[%get3A_1570, %get3A_1571] {strides = array<i32>} : memref<2x16384xf32, #tpu.memory_space<vmem>>, vector<16xf32>,
        %get3A_1573 = arith.index_cast %mul3A_1555 : i32 to index
        %get3A_1574 = tpu.vector_load %arg7[%get3A_1573] {strides = array<i32>} : memref<16384xf32, #tpu.memory_space<vmem>>, vector<16xf32>,
        %mul3A_1575 = vector.broadcast %bitcast_convert_type3A_147 : f32 to vector<16xf32>
        %mul3A_1576 = arith.mulf %bitcast_convert_type3A_1564, %mul3A_1575 : vector<16xf32>
        %mul3A_1577 = vector.broadcast %bitcast_convert_type3A_158 : f32 to vector<16xf32>
        %mul3A_1578 = arith.mulf %bitcast_convert_type3A_1568, %mul3A_1577 : vector<16xf32>
        %add3A_1579 = arith.addf %mul3A_1576, %mul3A_1578 : vector<16xf32>
        %mul3A_1580 = vector.broadcast %bitcast_convert_type3A_169 : f32 to vector<16xf32>
        %mul3A_1581 = arith.mulf %get3A_1572, %mul3A_1580 : vector<16xf32>
        %add3A_1582 = arith.addf %add3A_1579, %mul3A_1581 : vector<16xf32>
        %add3A_1583 = vector.broadcast %add3A_138 : f32 to vector<16xf32>
        %add3A_1584 = arith.addf %add3A_1583, %get3A_1574 : vector<16xf32>
        %mul3A_1585 = arith.constant 2.000000e+00 : f32
        %mul3A_1586 = vector.broadcast %mul3A_1585 : f32 to vector<16xf32>
        %mul3A_1587 = arith.mulf %mul3A_1586, %add3A_1582 : vector<16xf32>
        %sub3A_1588 = arith.subf %add3A_1584, %mul3A_1587 : vector<16xf32>
        %swap3A_1589 = arith.index_cast %mul3A_1555 : i32 to index
        %swap3A_1590 = tpu.vector_load %arg9[%swap3A_1589] {strides = array<i32>} : memref<16384xf32, #tpu.memory_space<vmem>>, vector<16xf32>,
        tpu.vector_store %arg9[%swap3A_1589], %sub3A_1588 {strides = array<i32>} : memref<16384xf32, #tpu.memory_space<vmem>>, vector<16xf32>,
        %min3A_1591 = arith.minimumf %min3A_1532, %sub3A_1588 : vector<16xf32>
        %mul3A_1592 = vector.broadcast %bitcast_convert_type3A_229 : f32 to vector<16xf32>
        %mul3A_1593 = arith.mulf %bitcast_convert_type3A_1564, %mul3A_1592 : vector<16xf32>
        %mul3A_1594 = vector.broadcast %bitcast_convert_type3A_240 : f32 to vector<16xf32>
        %mul3A_1595 = arith.mulf %bitcast_convert_type3A_1568, %mul3A_1594 : vector<16xf32>
        %add3A_1596 = arith.addf %mul3A_1593, %mul3A_1595 : vector<16xf32>
        %mul3A_1597 = vector.broadcast %bitcast_convert_type3A_251 : f32 to vector<16xf32>
        %mul3A_1598 = arith.mulf %get3A_1572, %mul3A_1597 : vector<16xf32>
        %add3A_1599 = arith.addf %add3A_1596, %mul3A_1598 : vector<16xf32>
        %add3A_1600 = vector.broadcast %add3A_218 : f32 to vector<16xf32>
        %add3A_1601 = arith.addf %add3A_1600, %get3A_1574 : vector<16xf32>
        %mul3A_1602 = arith.constant 2.000000e+00 : f32
        %mul3A_1603 = vector.broadcast %mul3A_1602 : f32 to vector<16xf32>
        %mul3A_1604 = arith.mulf %mul3A_1603, %add3A_1599 : vector<16xf32>
        %sub3A_1605 = arith.subf %add3A_1601, %mul3A_1604 : vector<16xf32>
        %swap3A_1606 = arith.index_cast %mul3A_1555 : i32 to index
        %swap3A_1607 = tpu.vector_load %arg10[%swap3A_1606] {strides = array<i32>} : memref<16384xf32, #tpu.memory_space<vmem>>, vector<16xf32>,
        tpu.vector_store %arg10[%swap3A_1606], %sub3A_1605 {strides = array<i32>} : memref<16384xf32, #tpu.memory_space<vmem>>, vector<16xf32>,
        %min3A_1608 = arith.minimumf %min3A_1549, %sub3A_1605 : vector<16xf32>
        %mul3A_1609 = arith.constant 16 : i32
        %mul3A_1610 = arith.muli %add3A_1192, %mul3A_1609 : i32
        %add3A_1611 = arith.constant 7 : i32
        %add3A_1612 = arith.addi %mul3A_1610, %add3A_1611 : i32
        %mul3A_1613 = arith.constant 16 : i32
        %mul3A_1614 = arith.muli %add3A_1612, %mul3A_1613 : i32
        %get3A_1615 = arith.constant 0 : i32
        %get3A_1616 = arith.index_cast %get3A_1615 : i32 to index
        %get3A_1617 = arith.index_cast %mul3A_1614 : i32 to index
        %get3A_1618 = tpu.vector_load %arg6[%get3A_1616, %get3A_1617] {strides = array<i32>} : memref<2x16384xf32, #tpu.memory_space<vmem>>, vector<16xf32>,
        %bitcast_convert_type3A_1619 = tpu.bitcast %get3A_1618 : vector<16xf32> -> vector<16xi32>
        %and3A_1620 = arith.constant -65536 : i32
        %and3A_1621 = vector.broadcast %and3A_1620 : i32 to vector<16xi32>
        %and3A_1622 = arith.andi %bitcast_convert_type3A_1619, %and3A_1621 : vector<16xi32>
        %bitcast_convert_type3A_1623 = tpu.bitcast %and3A_1622 : vector<16xi32> -> vector<16xf32>
        %shift_left3A_1624 = arith.constant 16 : i32
        %shift_left3A_1625 = vector.broadcast %shift_left3A_1624 : i32 to vector<16xi32>
        %shift_left3A_1626 = arith.shli %bitcast_convert_type3A_1619, %shift_left3A_1625 : vector<16xi32>
        %bitcast_convert_type3A_1627 = tpu.bitcast %shift_left3A_1626 : vector<16xi32> -> vector<16xf32>
        %get3A_1628 = arith.constant 1 : i32
        %get3A_1629 = arith.index_cast %get3A_1628 : i32 to index
        %get3A_1630 = arith.index_cast %mul3A_1614 : i32 to index
        %get3A_1631 = tpu.vector_load %arg6[%get3A_1629, %get3A_1630] {strides = array<i32>} : memref<2x16384xf32, #tpu.memory_space<vmem>>, vector<16xf32>,
        %get3A_1632 = arith.index_cast %mul3A_1614 : i32 to index
        %get3A_1633 = tpu.vector_load %arg7[%get3A_1632] {strides = array<i32>} : memref<16384xf32, #tpu.memory_space<vmem>>, vector<16xf32>,
        %mul3A_1634 = vector.broadcast %bitcast_convert_type3A_147 : f32 to vector<16xf32>
        %mul3A_1635 = arith.mulf %bitcast_convert_type3A_1623, %mul3A_1634 : vector<16xf32>
        %mul3A_1636 = vector.broadcast %bitcast_convert_type3A_158 : f32 to vector<16xf32>
        %mul3A_1637 = arith.mulf %bitcast_convert_type3A_1627, %mul3A_1636 : vector<16xf32>
        %add3A_1638 = arith.addf %mul3A_1635, %mul3A_1637 : vector<16xf32>
        %mul3A_1639 = vector.broadcast %bitcast_convert_type3A_169 : f32 to vector<16xf32>
        %mul3A_1640 = arith.mulf %get3A_1631, %mul3A_1639 : vector<16xf32>
        %add3A_1641 = arith.addf %add3A_1638, %mul3A_1640 : vector<16xf32>
        %add3A_1642 = vector.broadcast %add3A_138 : f32 to vector<16xf32>
        %add3A_1643 = arith.addf %add3A_1642, %get3A_1633 : vector<16xf32>
        %mul3A_1644 = arith.constant 2.000000e+00 : f32
        %mul3A_1645 = vector.broadcast %mul3A_1644 : f32 to vector<16xf32>
        %mul3A_1646 = arith.mulf %mul3A_1645, %add3A_1641 : vector<16xf32>
        %sub3A_1647 = arith.subf %add3A_1643, %mul3A_1646 : vector<16xf32>
        %swap3A_1648 = arith.index_cast %mul3A_1614 : i32 to index
        %swap3A_1649 = tpu.vector_load %arg9[%swap3A_1648] {strides = array<i32>} : memref<16384xf32, #tpu.memory_space<vmem>>, vector<16xf32>,
        tpu.vector_store %arg9[%swap3A_1648], %sub3A_1647 {strides = array<i32>} : memref<16384xf32, #tpu.memory_space<vmem>>, vector<16xf32>,
        %min3A_1650 = arith.minimumf %min3A_1591, %sub3A_1647 : vector<16xf32>
        %mul3A_1651 = vector.broadcast %bitcast_convert_type3A_229 : f32 to vector<16xf32>
        %mul3A_1652 = arith.mulf %bitcast_convert_type3A_1623, %mul3A_1651 : vector<16xf32>
        %mul3A_1653 = vector.broadcast %bitcast_convert_type3A_240 : f32 to vector<16xf32>
        %mul3A_1654 = arith.mulf %bitcast_convert_type3A_1627, %mul3A_1653 : vector<16xf32>
        %add3A_1655 = arith.addf %mul3A_1652, %mul3A_1654 : vector<16xf32>
        %mul3A_1656 = vector.broadcast %bitcast_convert_type3A_251 : f32 to vector<16xf32>
        %mul3A_1657 = arith.mulf %get3A_1631, %mul3A_1656 : vector<16xf32>
        %add3A_1658 = arith.addf %add3A_1655, %mul3A_1657 : vector<16xf32>
        %add3A_1659 = vector.broadcast %add3A_218 : f32 to vector<16xf32>
        %add3A_1660 = arith.addf %add3A_1659, %get3A_1633 : vector<16xf32>
        %mul3A_1661 = arith.constant 2.000000e+00 : f32
        %mul3A_1662 = vector.broadcast %mul3A_1661 : f32 to vector<16xf32>
        %mul3A_1663 = arith.mulf %mul3A_1662, %add3A_1658 : vector<16xf32>
        %sub3A_1664 = arith.subf %add3A_1660, %mul3A_1663 : vector<16xf32>
        %swap3A_1665 = arith.index_cast %mul3A_1614 : i32 to index
        %swap3A_1666 = tpu.vector_load %arg10[%swap3A_1665] {strides = array<i32>} : memref<16384xf32, #tpu.memory_space<vmem>>, vector<16xf32>,
        tpu.vector_store %arg10[%swap3A_1665], %sub3A_1664 {strides = array<i32>} : memref<16384xf32, #tpu.memory_space<vmem>>, vector<16xf32>,
        %min3A_1667 = arith.minimumf %min3A_1608, %sub3A_1664 : vector<16xf32>
        %mul3A_1668 = arith.constant 16 : i32
        %mul3A_1669 = arith.muli %add3A_1192, %mul3A_1668 : i32
        %add3A_1670 = arith.constant 8 : i32
        %add3A_1671 = arith.addi %mul3A_1669, %add3A_1670 : i32
        %mul3A_1672 = arith.constant 16 : i32
        %mul3A_1673 = arith.muli %add3A_1671, %mul3A_1672 : i32
        %get3A_1674 = arith.constant 0 : i32
        %get3A_1675 = arith.index_cast %get3A_1674 : i32 to index
        %get3A_1676 = arith.index_cast %mul3A_1673 : i32 to index
        %get3A_1677 = tpu.vector_load %arg6[%get3A_1675, %get3A_1676] {strides = array<i32>} : memref<2x16384xf32, #tpu.memory_space<vmem>>, vector<16xf32>,
        %bitcast_convert_type3A_1678 = tpu.bitcast %get3A_1677 : vector<16xf32> -> vector<16xi32>
        %and3A_1679 = arith.constant -65536 : i32
        %and3A_1680 = vector.broadcast %and3A_1679 : i32 to vector<16xi32>
        %and3A_1681 = arith.andi %bitcast_convert_type3A_1678, %and3A_1680 : vector<16xi32>
        %bitcast_convert_type3A_1682 = tpu.bitcast %and3A_1681 : vector<16xi32> -> vector<16xf32>
        %shift_left3A_1683 = arith.constant 16 : i32
        %shift_left3A_1684 = vector.broadcast %shift_left3A_1683 : i32 to vector<16xi32>
        %shift_left3A_1685 = arith.shli %bitcast_convert_type3A_1678, %shift_left3A_1684 : vector<16xi32>
        %bitcast_convert_type3A_1686 = tpu.bitcast %shift_left3A_1685 : vector<16xi32> -> vector<16xf32>
        %get3A_1687 = arith.constant 1 : i32
        %get3A_1688 = arith.index_cast %get3A_1687 : i32 to index
        %get3A_1689 = arith.index_cast %mul3A_1673 : i32 to index
        %get3A_1690 = tpu.vector_load %arg6[%get3A_1688, %get3A_1689] {strides = array<i32>} : memref<2x16384xf32, #tpu.memory_space<vmem>>, vector<16xf32>,
        %get3A_1691 = arith.index_cast %mul3A_1673 : i32 to index
        %get3A_1692 = tpu.vector_load %arg7[%get3A_1691] {strides = array<i32>} : memref<16384xf32, #tpu.memory_space<vmem>>, vector<16xf32>,
        %mul3A_1693 = vector.broadcast %bitcast_convert_type3A_147 : f32 to vector<16xf32>
        %mul3A_1694 = arith.mulf %bitcast_convert_type3A_1682, %mul3A_1693 : vector<16xf32>
        %mul3A_1695 = vector.broadcast %bitcast_convert_type3A_158 : f32 to vector<16xf32>
        %mul3A_1696 = arith.mulf %bitcast_convert_type3A_1686, %mul3A_1695 : vector<16xf32>
        %add3A_1697 = arith.addf %mul3A_1694, %mul3A_1696 : vector<16xf32>
        %mul3A_1698 = vector.broadcast %bitcast_convert_type3A_169 : f32 to vector<16xf32>
        %mul3A_1699 = arith.mulf %get3A_1690, %mul3A_1698 : vector<16xf32>
        %add3A_1700 = arith.addf %add3A_1697, %mul3A_1699 : vector<16xf32>
        %add3A_1701 = vector.broadcast %add3A_138 : f32 to vector<16xf32>
        %add3A_1702 = arith.addf %add3A_1701, %get3A_1692 : vector<16xf32>
        %mul3A_1703 = arith.constant 2.000000e+00 : f32
        %mul3A_1704 = vector.broadcast %mul3A_1703 : f32 to vector<16xf32>
        %mul3A_1705 = arith.mulf %mul3A_1704, %add3A_1700 : vector<16xf32>
        %sub3A_1706 = arith.subf %add3A_1702, %mul3A_1705 : vector<16xf32>
        %swap3A_1707 = arith.index_cast %mul3A_1673 : i32 to index
        %swap3A_1708 = tpu.vector_load %arg9[%swap3A_1707] {strides = array<i32>} : memref<16384xf32, #tpu.memory_space<vmem>>, vector<16xf32>,
        tpu.vector_store %arg9[%swap3A_1707], %sub3A_1706 {strides = array<i32>} : memref<16384xf32, #tpu.memory_space<vmem>>, vector<16xf32>,
        %min3A_1709 = arith.minimumf %min3A_1650, %sub3A_1706 : vector<16xf32>
        %mul3A_1710 = vector.broadcast %bitcast_convert_type3A_229 : f32 to vector<16xf32>
        %mul3A_1711 = arith.mulf %bitcast_convert_type3A_1682, %mul3A_1710 : vector<16xf32>
        %mul3A_1712 = vector.broadcast %bitcast_convert_type3A_240 : f32 to vector<16xf32>
        %mul3A_1713 = arith.mulf %bitcast_convert_type3A_1686, %mul3A_1712 : vector<16xf32>
        %add3A_1714 = arith.addf %mul3A_1711, %mul3A_1713 : vector<16xf32>
        %mul3A_1715 = vector.broadcast %bitcast_convert_type3A_251 : f32 to vector<16xf32>
        %mul3A_1716 = arith.mulf %get3A_1690, %mul3A_1715 : vector<16xf32>
        %add3A_1717 = arith.addf %add3A_1714, %mul3A_1716 : vector<16xf32>
        %add3A_1718 = vector.broadcast %add3A_218 : f32 to vector<16xf32>
        %add3A_1719 = arith.addf %add3A_1718, %get3A_1692 : vector<16xf32>
        %mul3A_1720 = arith.constant 2.000000e+00 : f32
        %mul3A_1721 = vector.broadcast %mul3A_1720 : f32 to vector<16xf32>
        %mul3A_1722 = arith.mulf %mul3A_1721, %add3A_1717 : vector<16xf32>
        %sub3A_1723 = arith.subf %add3A_1719, %mul3A_1722 : vector<16xf32>
        %swap3A_1724 = arith.index_cast %mul3A_1673 : i32 to index
        %swap3A_1725 = tpu.vector_load %arg10[%swap3A_1724] {strides = array<i32>} : memref<16384xf32, #tpu.memory_space<vmem>>, vector<16xf32>,
        tpu.vector_store %arg10[%swap3A_1724], %sub3A_1723 {strides = array<i32>} : memref<16384xf32, #tpu.memory_space<vmem>>, vector<16xf32>,
        %min3A_1726 = arith.minimumf %min3A_1667, %sub3A_1723 : vector<16xf32>
        %mul3A_1727 = arith.constant 16 : i32
        %mul3A_1728 = arith.muli %add3A_1192, %mul3A_1727 : i32
        %add3A_1729 = arith.constant 9 : i32
        %add3A_1730 = arith.addi %mul3A_1728, %add3A_1729 : i32
        %mul3A_1731 = arith.constant 16 : i32
        %mul3A_1732 = arith.muli %add3A_1730, %mul3A_1731 : i32
        %get3A_1733 = arith.constant 0 : i32
        %get3A_1734 = arith.index_cast %get3A_1733 : i32 to index
        %get3A_1735 = arith.index_cast %mul3A_1732 : i32 to index
        %get3A_1736 = tpu.vector_load %arg6[%get3A_1734, %get3A_1735] {strides = array<i32>} : memref<2x16384xf32, #tpu.memory_space<vmem>>, vector<16xf32>,
        %bitcast_convert_type3A_1737 = tpu.bitcast %get3A_1736 : vector<16xf32> -> vector<16xi32>
        %and3A_1738 = arith.constant -65536 : i32
        %and3A_1739 = vector.broadcast %and3A_1738 : i32 to vector<16xi32>
        %and3A_1740 = arith.andi %bitcast_convert_type3A_1737, %and3A_1739 : vector<16xi32>
        %bitcast_convert_type3A_1741 = tpu.bitcast %and3A_1740 : vector<16xi32> -> vector<16xf32>
        %shift_left3A_1742 = arith.constant 16 : i32
        %shift_left3A_1743 = vector.broadcast %shift_left3A_1742 : i32 to vector<16xi32>
        %shift_left3A_1744 = arith.shli %bitcast_convert_type3A_1737, %shift_left3A_1743 : vector<16xi32>
        %bitcast_convert_type3A_1745 = tpu.bitcast %shift_left3A_1744 : vector<16xi32> -> vector<16xf32>
        %get3A_1746 = arith.constant 1 : i32
        %get3A_1747 = arith.index_cast %get3A_1746 : i32 to index
        %get3A_1748 = arith.index_cast %mul3A_1732 : i32 to index
        %get3A_1749 = tpu.vector_load %arg6[%get3A_1747, %get3A_1748] {strides = array<i32>} : memref<2x16384xf32, #tpu.memory_space<vmem>>, vector<16xf32>,
        %get3A_1750 = arith.index_cast %mul3A_1732 : i32 to index
        %get3A_1751 = tpu.vector_load %arg7[%get3A_1750] {strides = array<i32>} : memref<16384xf32, #tpu.memory_space<vmem>>, vector<16xf32>,
        %mul3A_1752 = vector.broadcast %bitcast_convert_type3A_147 : f32 to vector<16xf32>
        %mul3A_1753 = arith.mulf %bitcast_convert_type3A_1741, %mul3A_1752 : vector<16xf32>
        %mul3A_1754 = vector.broadcast %bitcast_convert_type3A_158 : f32 to vector<16xf32>
        %mul3A_1755 = arith.mulf %bitcast_convert_type3A_1745, %mul3A_1754 : vector<16xf32>
        %add3A_1756 = arith.addf %mul3A_1753, %mul3A_1755 : vector<16xf32>
        %mul3A_1757 = vector.broadcast %bitcast_convert_type3A_169 : f32 to vector<16xf32>
        %mul3A_1758 = arith.mulf %get3A_1749, %mul3A_1757 : vector<16xf32>
        %add3A_1759 = arith.addf %add3A_1756, %mul3A_1758 : vector<16xf32>
        %add3A_1760 = vector.broadcast %add3A_138 : f32 to vector<16xf32>
        %add3A_1761 = arith.addf %add3A_1760, %get3A_1751 : vector<16xf32>
        %mul3A_1762 = arith.constant 2.000000e+00 : f32
        %mul3A_1763 = vector.broadcast %mul3A_1762 : f32 to vector<16xf32>
        %mul3A_1764 = arith.mulf %mul3A_1763, %add3A_1759 : vector<16xf32>
        %sub3A_1765 = arith.subf %add3A_1761, %mul3A_1764 : vector<16xf32>
        %swap3A_1766 = arith.index_cast %mul3A_1732 : i32 to index
        %swap3A_1767 = tpu.vector_load %arg9[%swap3A_1766] {strides = array<i32>} : memref<16384xf32, #tpu.memory_space<vmem>>, vector<16xf32>,
        tpu.vector_store %arg9[%swap3A_1766], %sub3A_1765 {strides = array<i32>} : memref<16384xf32, #tpu.memory_space<vmem>>, vector<16xf32>,
        %min3A_1768 = arith.minimumf %min3A_1709, %sub3A_1765 : vector<16xf32>
        %mul3A_1769 = vector.broadcast %bitcast_convert_type3A_229 : f32 to vector<16xf32>
        %mul3A_1770 = arith.mulf %bitcast_convert_type3A_1741, %mul3A_1769 : vector<16xf32>
        %mul3A_1771 = vector.broadcast %bitcast_convert_type3A_240 : f32 to vector<16xf32>
        %mul3A_1772 = arith.mulf %bitcast_convert_type3A_1745, %mul3A_1771 : vector<16xf32>
        %add3A_1773 = arith.addf %mul3A_1770, %mul3A_1772 : vector<16xf32>
        %mul3A_1774 = vector.broadcast %bitcast_convert_type3A_251 : f32 to vector<16xf32>
        %mul3A_1775 = arith.mulf %get3A_1749, %mul3A_1774 : vector<16xf32>
        %add3A_1776 = arith.addf %add3A_1773, %mul3A_1775 : vector<16xf32>
        %add3A_1777 = vector.broadcast %add3A_218 : f32 to vector<16xf32>
        %add3A_1778 = arith.addf %add3A_1777, %get3A_1751 : vector<16xf32>
        %mul3A_1779 = arith.constant 2.000000e+00 : f32
        %mul3A_1780 = vector.broadcast %mul3A_1779 : f32 to vector<16xf32>
        %mul3A_1781 = arith.mulf %mul3A_1780, %add3A_1776 : vector<16xf32>
        %sub3A_1782 = arith.subf %add3A_1778, %mul3A_1781 : vector<16xf32>
        %swap3A_1783 = arith.index_cast %mul3A_1732 : i32 to index
        %swap3A_1784 = tpu.vector_load %arg10[%swap3A_1783] {strides = array<i32>} : memref<16384xf32, #tpu.memory_space<vmem>>, vector<16xf32>,
        tpu.vector_store %arg10[%swap3A_1783], %sub3A_1782 {strides = array<i32>} : memref<16384xf32, #tpu.memory_space<vmem>>, vector<16xf32>,
        %min3A_1785 = arith.minimumf %min3A_1726, %sub3A_1782 : vector<16xf32>
        %mul3A_1786 = arith.constant 16 : i32
        %mul3A_1787 = arith.muli %add3A_1192, %mul3A_1786 : i32
        %add3A_1788 = arith.constant 10 : i32
        %add3A_1789 = arith.addi %mul3A_1787, %add3A_1788 : i32
        %mul3A_1790 = arith.constant 16 : i32
        %mul3A_1791 = arith.muli %add3A_1789, %mul3A_1790 : i32
        %get3A_1792 = arith.constant 0 : i32
        %get3A_1793 = arith.index_cast %get3A_1792 : i32 to index
        %get3A_1794 = arith.index_cast %mul3A_1791 : i32 to index
        %get3A_1795 = tpu.vector_load %arg6[%get3A_1793, %get3A_1794] {strides = array<i32>} : memref<2x16384xf32, #tpu.memory_space<vmem>>, vector<16xf32>,
        %bitcast_convert_type3A_1796 = tpu.bitcast %get3A_1795 : vector<16xf32> -> vector<16xi32>
        %and3A_1797 = arith.constant -65536 : i32
        %and3A_1798 = vector.broadcast %and3A_1797 : i32 to vector<16xi32>
        %and3A_1799 = arith.andi %bitcast_convert_type3A_1796, %and3A_1798 : vector<16xi32>
        %bitcast_convert_type3A_1800 = tpu.bitcast %and3A_1799 : vector<16xi32> -> vector<16xf32>
        %shift_left3A_1801 = arith.constant 16 : i32
        %shift_left3A_1802 = vector.broadcast %shift_left3A_1801 : i32 to vector<16xi32>
        %shift_left3A_1803 = arith.shli %bitcast_convert_type3A_1796, %shift_left3A_1802 : vector<16xi32>
        %bitcast_convert_type3A_1804 = tpu.bitcast %shift_left3A_1803 : vector<16xi32> -> vector<16xf32>
        %get3A_1805 = arith.constant 1 : i32
        %get3A_1806 = arith.index_cast %get3A_1805 : i32 to index
        %get3A_1807 = arith.index_cast %mul3A_1791 : i32 to index
        %get3A_1808 = tpu.vector_load %arg6[%get3A_1806, %get3A_1807] {strides = array<i32>} : memref<2x16384xf32, #tpu.memory_space<vmem>>, vector<16xf32>,
        %get3A_1809 = arith.index_cast %mul3A_1791 : i32 to index
        %get3A_1810 = tpu.vector_load %arg7[%get3A_1809] {strides = array<i32>} : memref<16384xf32, #tpu.memory_space<vmem>>, vector<16xf32>,
        %mul3A_1811 = vector.broadcast %bitcast_convert_type3A_147 : f32 to vector<16xf32>
        %mul3A_1812 = arith.mulf %bitcast_convert_type3A_1800, %mul3A_1811 : vector<16xf32>
        %mul3A_1813 = vector.broadcast %bitcast_convert_type3A_158 : f32 to vector<16xf32>
        %mul3A_1814 = arith.mulf %bitcast_convert_type3A_1804, %mul3A_1813 : vector<16xf32>
        %add3A_1815 = arith.addf %mul3A_1812, %mul3A_1814 : vector<16xf32>
        %mul3A_1816 = vector.broadcast %bitcast_convert_type3A_169 : f32 to vector<16xf32>
        %mul3A_1817 = arith.mulf %get3A_1808, %mul3A_1816 : vector<16xf32>
        %add3A_1818 = arith.addf %add3A_1815, %mul3A_1817 : vector<16xf32>
        %add3A_1819 = vector.broadcast %add3A_138 : f32 to vector<16xf32>
        %add3A_1820 = arith.addf %add3A_1819, %get3A_1810 : vector<16xf32>
        %mul3A_1821 = arith.constant 2.000000e+00 : f32
        %mul3A_1822 = vector.broadcast %mul3A_1821 : f32 to vector<16xf32>
        %mul3A_1823 = arith.mulf %mul3A_1822, %add3A_1818 : vector<16xf32>
        %sub3A_1824 = arith.subf %add3A_1820, %mul3A_1823 : vector<16xf32>
        %swap3A_1825 = arith.index_cast %mul3A_1791 : i32 to index
        %swap3A_1826 = tpu.vector_load %arg9[%swap3A_1825] {strides = array<i32>} : memref<16384xf32, #tpu.memory_space<vmem>>, vector<16xf32>,
        tpu.vector_store %arg9[%swap3A_1825], %sub3A_1824 {strides = array<i32>} : memref<16384xf32, #tpu.memory_space<vmem>>, vector<16xf32>,
        %min3A_1827 = arith.minimumf %min3A_1768, %sub3A_1824 : vector<16xf32>
        %mul3A_1828 = vector.broadcast %bitcast_convert_type3A_229 : f32 to vector<16xf32>
        %mul3A_1829 = arith.mulf %bitcast_convert_type3A_1800, %mul3A_1828 : vector<16xf32>
        %mul3A_1830 = vector.broadcast %bitcast_convert_type3A_240 : f32 to vector<16xf32>
        %mul3A_1831 = arith.mulf %bitcast_convert_type3A_1804, %mul3A_1830 : vector<16xf32>
        %add3A_1832 = arith.addf %mul3A_1829, %mul3A_1831 : vector<16xf32>
        %mul3A_1833 = vector.broadcast %bitcast_convert_type3A_251 : f32 to vector<16xf32>
        %mul3A_1834 = arith.mulf %get3A_1808, %mul3A_1833 : vector<16xf32>
        %add3A_1835 = arith.addf %add3A_1832, %mul3A_1834 : vector<16xf32>
        %add3A_1836 = vector.broadcast %add3A_218 : f32 to vector<16xf32>
        %add3A_1837 = arith.addf %add3A_1836, %get3A_1810 : vector<16xf32>
        %mul3A_1838 = arith.constant 2.000000e+00 : f32
        %mul3A_1839 = vector.broadcast %mul3A_1838 : f32 to vector<16xf32>
        %mul3A_1840 = arith.mulf %mul3A_1839, %add3A_1835 : vector<16xf32>
        %sub3A_1841 = arith.subf %add3A_1837, %mul3A_1840 : vector<16xf32>
        %swap3A_1842 = arith.index_cast %mul3A_1791 : i32 to index
        %swap3A_1843 = tpu.vector_load %arg10[%swap3A_1842] {strides = array<i32>} : memref<16384xf32, #tpu.memory_space<vmem>>, vector<16xf32>,
        tpu.vector_store %arg10[%swap3A_1842], %sub3A_1841 {strides = array<i32>} : memref<16384xf32, #tpu.memory_space<vmem>>, vector<16xf32>,
        %min3A_1844 = arith.minimumf %min3A_1785, %sub3A_1841 : vector<16xf32>
        %mul3A_1845 = arith.constant 16 : i32
        %mul3A_1846 = arith.muli %add3A_1192, %mul3A_1845 : i32
        %add3A_1847 = arith.constant 11 : i32
        %add3A_1848 = arith.addi %mul3A_1846, %add3A_1847 : i32
        %mul3A_1849 = arith.constant 16 : i32
        %mul3A_1850 = arith.muli %add3A_1848, %mul3A_1849 : i32
        %get3A_1851 = arith.constant 0 : i32
        %get3A_1852 = arith.index_cast %get3A_1851 : i32 to index
        %get3A_1853 = arith.index_cast %mul3A_1850 : i32 to index
        %get3A_1854 = tpu.vector_load %arg6[%get3A_1852, %get3A_1853] {strides = array<i32>} : memref<2x16384xf32, #tpu.memory_space<vmem>>, vector<16xf32>,
        %bitcast_convert_type3A_1855 = tpu.bitcast %get3A_1854 : vector<16xf32> -> vector<16xi32>
        %and3A_1856 = arith.constant -65536 : i32
        %and3A_1857 = vector.broadcast %and3A_1856 : i32 to vector<16xi32>
        %and3A_1858 = arith.andi %bitcast_convert_type3A_1855, %and3A_1857 : vector<16xi32>
        %bitcast_convert_type3A_1859 = tpu.bitcast %and3A_1858 : vector<16xi32> -> vector<16xf32>
        %shift_left3A_1860 = arith.constant 16 : i32
        %shift_left3A_1861 = vector.broadcast %shift_left3A_1860 : i32 to vector<16xi32>
        %shift_left3A_1862 = arith.shli %bitcast_convert_type3A_1855, %shift_left3A_1861 : vector<16xi32>
        %bitcast_convert_type3A_1863 = tpu.bitcast %shift_left3A_1862 : vector<16xi32> -> vector<16xf32>
        %get3A_1864 = arith.constant 1 : i32
        %get3A_1865 = arith.index_cast %get3A_1864 : i32 to index
        %get3A_1866 = arith.index_cast %mul3A_1850 : i32 to index
        %get3A_1867 = tpu.vector_load %arg6[%get3A_1865, %get3A_1866] {strides = array<i32>} : memref<2x16384xf32, #tpu.memory_space<vmem>>, vector<16xf32>,
        %get3A_1868 = arith.index_cast %mul3A_1850 : i32 to index
        %get3A_1869 = tpu.vector_load %arg7[%get3A_1868] {strides = array<i32>} : memref<16384xf32, #tpu.memory_space<vmem>>, vector<16xf32>,
        %mul3A_1870 = vector.broadcast %bitcast_convert_type3A_147 : f32 to vector<16xf32>
        %mul3A_1871 = arith.mulf %bitcast_convert_type3A_1859, %mul3A_1870 : vector<16xf32>
        %mul3A_1872 = vector.broadcast %bitcast_convert_type3A_158 : f32 to vector<16xf32>
        %mul3A_1873 = arith.mulf %bitcast_convert_type3A_1863, %mul3A_1872 : vector<16xf32>
        %add3A_1874 = arith.addf %mul3A_1871, %mul3A_1873 : vector<16xf32>
        %mul3A_1875 = vector.broadcast %bitcast_convert_type3A_169 : f32 to vector<16xf32>
        %mul3A_1876 = arith.mulf %get3A_1867, %mul3A_1875 : vector<16xf32>
        %add3A_1877 = arith.addf %add3A_1874, %mul3A_1876 : vector<16xf32>
        %add3A_1878 = vector.broadcast %add3A_138 : f32 to vector<16xf32>
        %add3A_1879 = arith.addf %add3A_1878, %get3A_1869 : vector<16xf32>
        %mul3A_1880 = arith.constant 2.000000e+00 : f32
        %mul3A_1881 = vector.broadcast %mul3A_1880 : f32 to vector<16xf32>
        %mul3A_1882 = arith.mulf %mul3A_1881, %add3A_1877 : vector<16xf32>
        %sub3A_1883 = arith.subf %add3A_1879, %mul3A_1882 : vector<16xf32>
        %swap3A_1884 = arith.index_cast %mul3A_1850 : i32 to index
        %swap3A_1885 = tpu.vector_load %arg9[%swap3A_1884] {strides = array<i32>} : memref<16384xf32, #tpu.memory_space<vmem>>, vector<16xf32>,
        tpu.vector_store %arg9[%swap3A_1884], %sub3A_1883 {strides = array<i32>} : memref<16384xf32, #tpu.memory_space<vmem>>, vector<16xf32>,
        %min3A_1886 = arith.minimumf %min3A_1827, %sub3A_1883 : vector<16xf32>
        %mul3A_1887 = vector.broadcast %bitcast_convert_type3A_229 : f32 to vector<16xf32>
        %mul3A_1888 = arith.mulf %bitcast_convert_type3A_1859, %mul3A_1887 : vector<16xf32>
        %mul3A_1889 = vector.broadcast %bitcast_convert_type3A_240 : f32 to vector<16xf32>
        %mul3A_1890 = arith.mulf %bitcast_convert_type3A_1863, %mul3A_1889 : vector<16xf32>
        %add3A_1891 = arith.addf %mul3A_1888, %mul3A_1890 : vector<16xf32>
        %mul3A_1892 = vector.broadcast %bitcast_convert_type3A_251 : f32 to vector<16xf32>
        %mul3A_1893 = arith.mulf %get3A_1867, %mul3A_1892 : vector<16xf32>
        %add3A_1894 = arith.addf %add3A_1891, %mul3A_1893 : vector<16xf32>
        %add3A_1895 = vector.broadcast %add3A_218 : f32 to vector<16xf32>
        %add3A_1896 = arith.addf %add3A_1895, %get3A_1869 : vector<16xf32>
        %mul3A_1897 = arith.constant 2.000000e+00 : f32
        %mul3A_1898 = vector.broadcast %mul3A_1897 : f32 to vector<16xf32>
        %mul3A_1899 = arith.mulf %mul3A_1898, %add3A_1894 : vector<16xf32>
        %sub3A_1900 = arith.subf %add3A_1896, %mul3A_1899 : vector<16xf32>
        %swap3A_1901 = arith.index_cast %mul3A_1850 : i32 to index
        %swap3A_1902 = tpu.vector_load %arg10[%swap3A_1901] {strides = array<i32>} : memref<16384xf32, #tpu.memory_space<vmem>>, vector<16xf32>,
        tpu.vector_store %arg10[%swap3A_1901], %sub3A_1900 {strides = array<i32>} : memref<16384xf32, #tpu.memory_space<vmem>>, vector<16xf32>,
        %min3A_1903 = arith.minimumf %min3A_1844, %sub3A_1900 : vector<16xf32>
        %mul3A_1904 = arith.constant 16 : i32
        %mul3A_1905 = arith.muli %add3A_1192, %mul3A_1904 : i32
        %add3A_1906 = arith.constant 12 : i32
        %add3A_1907 = arith.addi %mul3A_1905, %add3A_1906 : i32
        %mul3A_1908 = arith.constant 16 : i32
        %mul3A_1909 = arith.muli %add3A_1907, %mul3A_1908 : i32
        %get3A_1910 = arith.constant 0 : i32
        %get3A_1911 = arith.index_cast %get3A_1910 : i32 to index
        %get3A_1912 = arith.index_cast %mul3A_1909 : i32 to index
        %get3A_1913 = tpu.vector_load %arg6[%get3A_1911, %get3A_1912] {strides = array<i32>} : memref<2x16384xf32, #tpu.memory_space<vmem>>, vector<16xf32>,
        %bitcast_convert_type3A_1914 = tpu.bitcast %get3A_1913 : vector<16xf32> -> vector<16xi32>
        %and3A_1915 = arith.constant -65536 : i32
        %and3A_1916 = vector.broadcast %and3A_1915 : i32 to vector<16xi32>
        %and3A_1917 = arith.andi %bitcast_convert_type3A_1914, %and3A_1916 : vector<16xi32>
        %bitcast_convert_type3A_1918 = tpu.bitcast %and3A_1917 : vector<16xi32> -> vector<16xf32>
        %shift_left3A_1919 = arith.constant 16 : i32
        %shift_left3A_1920 = vector.broadcast %shift_left3A_1919 : i32 to vector<16xi32>
        %shift_left3A_1921 = arith.shli %bitcast_convert_type3A_1914, %shift_left3A_1920 : vector<16xi32>
        %bitcast_convert_type3A_1922 = tpu.bitcast %shift_left3A_1921 : vector<16xi32> -> vector<16xf32>
        %get3A_1923 = arith.constant 1 : i32
        %get3A_1924 = arith.index_cast %get3A_1923 : i32 to index
        %get3A_1925 = arith.index_cast %mul3A_1909 : i32 to index
        %get3A_1926 = tpu.vector_load %arg6[%get3A_1924, %get3A_1925] {strides = array<i32>} : memref<2x16384xf32, #tpu.memory_space<vmem>>, vector<16xf32>,
        %get3A_1927 = arith.index_cast %mul3A_1909 : i32 to index
        %get3A_1928 = tpu.vector_load %arg7[%get3A_1927] {strides = array<i32>} : memref<16384xf32, #tpu.memory_space<vmem>>, vector<16xf32>,
        %mul3A_1929 = vector.broadcast %bitcast_convert_type3A_147 : f32 to vector<16xf32>
        %mul3A_1930 = arith.mulf %bitcast_convert_type3A_1918, %mul3A_1929 : vector<16xf32>
        %mul3A_1931 = vector.broadcast %bitcast_convert_type3A_158 : f32 to vector<16xf32>
        %mul3A_1932 = arith.mulf %bitcast_convert_type3A_1922, %mul3A_1931 : vector<16xf32>
        %add3A_1933 = arith.addf %mul3A_1930, %mul3A_1932 : vector<16xf32>
        %mul3A_1934 = vector.broadcast %bitcast_convert_type3A_169 : f32 to vector<16xf32>
        %mul3A_1935 = arith.mulf %get3A_1926, %mul3A_1934 : vector<16xf32>
        %add3A_1936 = arith.addf %add3A_1933, %mul3A_1935 : vector<16xf32>
        %add3A_1937 = vector.broadcast %add3A_138 : f32 to vector<16xf32>
        %add3A_1938 = arith.addf %add3A_1937, %get3A_1928 : vector<16xf32>
        %mul3A_1939 = arith.constant 2.000000e+00 : f32
        %mul3A_1940 = vector.broadcast %mul3A_1939 : f32 to vector<16xf32>
        %mul3A_1941 = arith.mulf %mul3A_1940, %add3A_1936 : vector<16xf32>
        %sub3A_1942 = arith.subf %add3A_1938, %mul3A_1941 : vector<16xf32>
        %swap3A_1943 = arith.index_cast %mul3A_1909 : i32 to index
        %swap3A_1944 = tpu.vector_load %arg9[%swap3A_1943] {strides = array<i32>} : memref<16384xf32, #tpu.memory_space<vmem>>, vector<16xf32>,
        tpu.vector_store %arg9[%swap3A_1943], %sub3A_1942 {strides = array<i32>} : memref<16384xf32, #tpu.memory_space<vmem>>, vector<16xf32>,
        %min3A_1945 = arith.minimumf %min3A_1886, %sub3A_1942 : vector<16xf32>
        %mul3A_1946 = vector.broadcast %bitcast_convert_type3A_229 : f32 to vector<16xf32>
        %mul3A_1947 = arith.mulf %bitcast_convert_type3A_1918, %mul3A_1946 : vector<16xf32>
        %mul3A_1948 = vector.broadcast %bitcast_convert_type3A_240 : f32 to vector<16xf32>
        %mul3A_1949 = arith.mulf %bitcast_convert_type3A_1922, %mul3A_1948 : vector<16xf32>
        %add3A_1950 = arith.addf %mul3A_1947, %mul3A_1949 : vector<16xf32>
        %mul3A_1951 = vector.broadcast %bitcast_convert_type3A_251 : f32 to vector<16xf32>
        %mul3A_1952 = arith.mulf %get3A_1926, %mul3A_1951 : vector<16xf32>
        %add3A_1953 = arith.addf %add3A_1950, %mul3A_1952 : vector<16xf32>
        %add3A_1954 = vector.broadcast %add3A_218 : f32 to vector<16xf32>
        %add3A_1955 = arith.addf %add3A_1954, %get3A_1928 : vector<16xf32>
        %mul3A_1956 = arith.constant 2.000000e+00 : f32
        %mul3A_1957 = vector.broadcast %mul3A_1956 : f32 to vector<16xf32>
        %mul3A_1958 = arith.mulf %mul3A_1957, %add3A_1953 : vector<16xf32>
        %sub3A_1959 = arith.subf %add3A_1955, %mul3A_1958 : vector<16xf32>
        %swap3A_1960 = arith.index_cast %mul3A_1909 : i32 to index
        %swap3A_1961 = tpu.vector_load %arg10[%swap3A_1960] {strides = array<i32>} : memref<16384xf32, #tpu.memory_space<vmem>>, vector<16xf32>,
        tpu.vector_store %arg10[%swap3A_1960], %sub3A_1959 {strides = array<i32>} : memref<16384xf32, #tpu.memory_space<vmem>>, vector<16xf32>,
        %min3A_1962 = arith.minimumf %min3A_1903, %sub3A_1959 : vector<16xf32>
        %mul3A_1963 = arith.constant 16 : i32
        %mul3A_1964 = arith.muli %add3A_1192, %mul3A_1963 : i32
        %add3A_1965 = arith.constant 13 : i32
        %add3A_1966 = arith.addi %mul3A_1964, %add3A_1965 : i32
        %mul3A_1967 = arith.constant 16 : i32
        %mul3A_1968 = arith.muli %add3A_1966, %mul3A_1967 : i32
        %get3A_1969 = arith.constant 0 : i32
        %get3A_1970 = arith.index_cast %get3A_1969 : i32 to index
        %get3A_1971 = arith.index_cast %mul3A_1968 : i32 to index
        %get3A_1972 = tpu.vector_load %arg6[%get3A_1970, %get3A_1971] {strides = array<i32>} : memref<2x16384xf32, #tpu.memory_space<vmem>>, vector<16xf32>,
        %bitcast_convert_type3A_1973 = tpu.bitcast %get3A_1972 : vector<16xf32> -> vector<16xi32>
        %and3A_1974 = arith.constant -65536 : i32
        %and3A_1975 = vector.broadcast %and3A_1974 : i32 to vector<16xi32>
        %and3A_1976 = arith.andi %bitcast_convert_type3A_1973, %and3A_1975 : vector<16xi32>
        %bitcast_convert_type3A_1977 = tpu.bitcast %and3A_1976 : vector<16xi32> -> vector<16xf32>
        %shift_left3A_1978 = arith.constant 16 : i32
        %shift_left3A_1979 = vector.broadcast %shift_left3A_1978 : i32 to vector<16xi32>
        %shift_left3A_1980 = arith.shli %bitcast_convert_type3A_1973, %shift_left3A_1979 : vector<16xi32>
        %bitcast_convert_type3A_1981 = tpu.bitcast %shift_left3A_1980 : vector<16xi32> -> vector<16xf32>
        %get3A_1982 = arith.constant 1 : i32
        %get3A_1983 = arith.index_cast %get3A_1982 : i32 to index
        %get3A_1984 = arith.index_cast %mul3A_1968 : i32 to index
        %get3A_1985 = tpu.vector_load %arg6[%get3A_1983, %get3A_1984] {strides = array<i32>} : memref<2x16384xf32, #tpu.memory_space<vmem>>, vector<16xf32>,
        %get3A_1986 = arith.index_cast %mul3A_1968 : i32 to index
        %get3A_1987 = tpu.vector_load %arg7[%get3A_1986] {strides = array<i32>} : memref<16384xf32, #tpu.memory_space<vmem>>, vector<16xf32>,
        %mul3A_1988 = vector.broadcast %bitcast_convert_type3A_147 : f32 to vector<16xf32>
        %mul3A_1989 = arith.mulf %bitcast_convert_type3A_1977, %mul3A_1988 : vector<16xf32>
        %mul3A_1990 = vector.broadcast %bitcast_convert_type3A_158 : f32 to vector<16xf32>
        %mul3A_1991 = arith.mulf %bitcast_convert_type3A_1981, %mul3A_1990 : vector<16xf32>
        %add3A_1992 = arith.addf %mul3A_1989, %mul3A_1991 : vector<16xf32>
        %mul3A_1993 = vector.broadcast %bitcast_convert_type3A_169 : f32 to vector<16xf32>
        %mul3A_1994 = arith.mulf %get3A_1985, %mul3A_1993 : vector<16xf32>
        %add3A_1995 = arith.addf %add3A_1992, %mul3A_1994 : vector<16xf32>
        %add3A_1996 = vector.broadcast %add3A_138 : f32 to vector<16xf32>
        %add3A_1997 = arith.addf %add3A_1996, %get3A_1987 : vector<16xf32>
        %mul3A_1998 = arith.constant 2.000000e+00 : f32
        %mul3A_1999 = vector.broadcast %mul3A_1998 : f32 to vector<16xf32>
        %mul3A_2000 = arith.mulf %mul3A_1999, %add3A_1995 : vector<16xf32>
        %sub3A_2001 = arith.subf %add3A_1997, %mul3A_2000 : vector<16xf32>
        %swap3A_2002 = arith.index_cast %mul3A_1968 : i32 to index
        %swap3A_2003 = tpu.vector_load %arg9[%swap3A_2002] {strides = array<i32>} : memref<16384xf32, #tpu.memory_space<vmem>>, vector<16xf32>,
        tpu.vector_store %arg9[%swap3A_2002], %sub3A_2001 {strides = array<i32>} : memref<16384xf32, #tpu.memory_space<vmem>>, vector<16xf32>,
        %min3A_2004 = arith.minimumf %min3A_1945, %sub3A_2001 : vector<16xf32>
        %mul3A_2005 = vector.broadcast %bitcast_convert_type3A_229 : f32 to vector<16xf32>
        %mul3A_2006 = arith.mulf %bitcast_convert_type3A_1977, %mul3A_2005 : vector<16xf32>
        %mul3A_2007 = vector.broadcast %bitcast_convert_type3A_240 : f32 to vector<16xf32>
        %mul3A_2008 = arith.mulf %bitcast_convert_type3A_1981, %mul3A_2007 : vector<16xf32>
        %add3A_2009 = arith.addf %mul3A_2006, %mul3A_2008 : vector<16xf32>
        %mul3A_2010 = vector.broadcast %bitcast_convert_type3A_251 : f32 to vector<16xf32>
        %mul3A_2011 = arith.mulf %get3A_1985, %mul3A_2010 : vector<16xf32>
        %add3A_2012 = arith.addf %add3A_2009, %mul3A_2011 : vector<16xf32>
        %add3A_2013 = vector.broadcast %add3A_218 : f32 to vector<16xf32>
        %add3A_2014 = arith.addf %add3A_2013, %get3A_1987 : vector<16xf32>
        %mul3A_2015 = arith.constant 2.000000e+00 : f32
        %mul3A_2016 = vector.broadcast %mul3A_2015 : f32 to vector<16xf32>
        %mul3A_2017 = arith.mulf %mul3A_2016, %add3A_2012 : vector<16xf32>
        %sub3A_2018 = arith.subf %add3A_2014, %mul3A_2017 : vector<16xf32>
        %swap3A_2019 = arith.index_cast %mul3A_1968 : i32 to index
        %swap3A_2020 = tpu.vector_load %arg10[%swap3A_2019] {strides = array<i32>} : memref<16384xf32, #tpu.memory_space<vmem>>, vector<16xf32>,
        tpu.vector_store %arg10[%swap3A_2019], %sub3A_2018 {strides = array<i32>} : memref<16384xf32, #tpu.memory_space<vmem>>, vector<16xf32>,
        %min3A_2021 = arith.minimumf %min3A_1962, %sub3A_2018 : vector<16xf32>
        %mul3A_2022 = arith.constant 16 : i32
        %mul3A_2023 = arith.muli %add3A_1192, %mul3A_2022 : i32
        %add3A_2024 = arith.constant 14 : i32
        %add3A_2025 = arith.addi %mul3A_2023, %add3A_2024 : i32
        %mul3A_2026 = arith.constant 16 : i32
        %mul3A_2027 = arith.muli %add3A_2025, %mul3A_2026 : i32
        %get3A_2028 = arith.constant 0 : i32
        %get3A_2029 = arith.index_cast %get3A_2028 : i32 to index
        %get3A_2030 = arith.index_cast %mul3A_2027 : i32 to index
        %get3A_2031 = tpu.vector_load %arg6[%get3A_2029, %get3A_2030] {strides = array<i32>} : memref<2x16384xf32, #tpu.memory_space<vmem>>, vector<16xf32>,
        %bitcast_convert_type3A_2032 = tpu.bitcast %get3A_2031 : vector<16xf32> -> vector<16xi32>
        %and3A_2033 = arith.constant -65536 : i32
        %and3A_2034 = vector.broadcast %and3A_2033 : i32 to vector<16xi32>
        %and3A_2035 = arith.andi %bitcast_convert_type3A_2032, %and3A_2034 : vector<16xi32>
        %bitcast_convert_type3A_2036 = tpu.bitcast %and3A_2035 : vector<16xi32> -> vector<16xf32>
        %shift_left3A_2037 = arith.constant 16 : i32
        %shift_left3A_2038 = vector.broadcast %shift_left3A_2037 : i32 to vector<16xi32>
        %shift_left3A_2039 = arith.shli %bitcast_convert_type3A_2032, %shift_left3A_2038 : vector<16xi32>
        %bitcast_convert_type3A_2040 = tpu.bitcast %shift_left3A_2039 : vector<16xi32> -> vector<16xf32>
        %get3A_2041 = arith.constant 1 : i32
        %get3A_2042 = arith.index_cast %get3A_2041 : i32 to index
        %get3A_2043 = arith.index_cast %mul3A_2027 : i32 to index
        %get3A_2044 = tpu.vector_load %arg6[%get3A_2042, %get3A_2043] {strides = array<i32>} : memref<2x16384xf32, #tpu.memory_space<vmem>>, vector<16xf32>,
        %get3A_2045 = arith.index_cast %mul3A_2027 : i32 to index
        %get3A_2046 = tpu.vector_load %arg7[%get3A_2045] {strides = array<i32>} : memref<16384xf32, #tpu.memory_space<vmem>>, vector<16xf32>,
        %mul3A_2047 = vector.broadcast %bitcast_convert_type3A_147 : f32 to vector<16xf32>
        %mul3A_2048 = arith.mulf %bitcast_convert_type3A_2036, %mul3A_2047 : vector<16xf32>
        %mul3A_2049 = vector.broadcast %bitcast_convert_type3A_158 : f32 to vector<16xf32>
        %mul3A_2050 = arith.mulf %bitcast_convert_type3A_2040, %mul3A_2049 : vector<16xf32>
        %add3A_2051 = arith.addf %mul3A_2048, %mul3A_2050 : vector<16xf32>
        %mul3A_2052 = vector.broadcast %bitcast_convert_type3A_169 : f32 to vector<16xf32>
        %mul3A_2053 = arith.mulf %get3A_2044, %mul3A_2052 : vector<16xf32>
        %add3A_2054 = arith.addf %add3A_2051, %mul3A_2053 : vector<16xf32>
        %add3A_2055 = vector.broadcast %add3A_138 : f32 to vector<16xf32>
        %add3A_2056 = arith.addf %add3A_2055, %get3A_2046 : vector<16xf32>
        %mul3A_2057 = arith.constant 2.000000e+00 : f32
        %mul3A_2058 = vector.broadcast %mul3A_2057 : f32 to vector<16xf32>
        %mul3A_2059 = arith.mulf %mul3A_2058, %add3A_2054 : vector<16xf32>
        %sub3A_2060 = arith.subf %add3A_2056, %mul3A_2059 : vector<16xf32>
        %swap3A_2061 = arith.index_cast %mul3A_2027 : i32 to index
        %swap3A_2062 = tpu.vector_load %arg9[%swap3A_2061] {strides = array<i32>} : memref<16384xf32, #tpu.memory_space<vmem>>, vector<16xf32>,
        tpu.vector_store %arg9[%swap3A_2061], %sub3A_2060 {strides = array<i32>} : memref<16384xf32, #tpu.memory_space<vmem>>, vector<16xf32>,
        %min3A_2063 = arith.minimumf %min3A_2004, %sub3A_2060 : vector<16xf32>
        %mul3A_2064 = vector.broadcast %bitcast_convert_type3A_229 : f32 to vector<16xf32>
        %mul3A_2065 = arith.mulf %bitcast_convert_type3A_2036, %mul3A_2064 : vector<16xf32>
        %mul3A_2066 = vector.broadcast %bitcast_convert_type3A_240 : f32 to vector<16xf32>
        %mul3A_2067 = arith.mulf %bitcast_convert_type3A_2040, %mul3A_2066 : vector<16xf32>
        %add3A_2068 = arith.addf %mul3A_2065, %mul3A_2067 : vector<16xf32>
        %mul3A_2069 = vector.broadcast %bitcast_convert_type3A_251 : f32 to vector<16xf32>
        %mul3A_2070 = arith.mulf %get3A_2044, %mul3A_2069 : vector<16xf32>
        %add3A_2071 = arith.addf %add3A_2068, %mul3A_2070 : vector<16xf32>
        %add3A_2072 = vector.broadcast %add3A_218 : f32 to vector<16xf32>
        %add3A_2073 = arith.addf %add3A_2072, %get3A_2046 : vector<16xf32>
        %mul3A_2074 = arith.constant 2.000000e+00 : f32
        %mul3A_2075 = vector.broadcast %mul3A_2074 : f32 to vector<16xf32>
        %mul3A_2076 = arith.mulf %mul3A_2075, %add3A_2071 : vector<16xf32>
        %sub3A_2077 = arith.subf %add3A_2073, %mul3A_2076 : vector<16xf32>
        %swap3A_2078 = arith.index_cast %mul3A_2027 : i32 to index
        %swap3A_2079 = tpu.vector_load %arg10[%swap3A_2078] {strides = array<i32>} : memref<16384xf32, #tpu.memory_space<vmem>>, vector<16xf32>,
        tpu.vector_store %arg10[%swap3A_2078], %sub3A_2077 {strides = array<i32>} : memref<16384xf32, #tpu.memory_space<vmem>>, vector<16xf32>,
        %min3A_2080 = arith.minimumf %min3A_2021, %sub3A_2077 : vector<16xf32>
        %mul3A_2081 = arith.constant 16 : i32
        %mul3A_2082 = arith.muli %add3A_1192, %mul3A_2081 : i32
        %add3A_2083 = arith.constant 15 : i32
        %add3A_2084 = arith.addi %mul3A_2082, %add3A_2083 : i32
        %mul3A_2085 = arith.constant 16 : i32
        %mul3A_2086 = arith.muli %add3A_2084, %mul3A_2085 : i32
        %get3A_2087 = arith.constant 0 : i32
        %get3A_2088 = arith.index_cast %get3A_2087 : i32 to index
        %get3A_2089 = arith.index_cast %mul3A_2086 : i32 to index
        %get3A_2090 = tpu.vector_load %arg6[%get3A_2088, %get3A_2089] {strides = array<i32>} : memref<2x16384xf32, #tpu.memory_space<vmem>>, vector<16xf32>,
        %bitcast_convert_type3A_2091 = tpu.bitcast %get3A_2090 : vector<16xf32> -> vector<16xi32>
        %and3A_2092 = arith.constant -65536 : i32
        %and3A_2093 = vector.broadcast %and3A_2092 : i32 to vector<16xi32>
        %and3A_2094 = arith.andi %bitcast_convert_type3A_2091, %and3A_2093 : vector<16xi32>
        %bitcast_convert_type3A_2095 = tpu.bitcast %and3A_2094 : vector<16xi32> -> vector<16xf32>
        %shift_left3A_2096 = arith.constant 16 : i32
        %shift_left3A_2097 = vector.broadcast %shift_left3A_2096 : i32 to vector<16xi32>
        %shift_left3A_2098 = arith.shli %bitcast_convert_type3A_2091, %shift_left3A_2097 : vector<16xi32>
        %bitcast_convert_type3A_2099 = tpu.bitcast %shift_left3A_2098 : vector<16xi32> -> vector<16xf32>
        %get3A_2100 = arith.constant 1 : i32
        %get3A_2101 = arith.index_cast %get3A_2100 : i32 to index
        %get3A_2102 = arith.index_cast %mul3A_2086 : i32 to index
        %get3A_2103 = tpu.vector_load %arg6[%get3A_2101, %get3A_2102] {strides = array<i32>} : memref<2x16384xf32, #tpu.memory_space<vmem>>, vector<16xf32>,
        %get3A_2104 = arith.index_cast %mul3A_2086 : i32 to index
        %get3A_2105 = tpu.vector_load %arg7[%get3A_2104] {strides = array<i32>} : memref<16384xf32, #tpu.memory_space<vmem>>, vector<16xf32>,
        %mul3A_2106 = vector.broadcast %bitcast_convert_type3A_147 : f32 to vector<16xf32>
        %mul3A_2107 = arith.mulf %bitcast_convert_type3A_2095, %mul3A_2106 : vector<16xf32>
        %mul3A_2108 = vector.broadcast %bitcast_convert_type3A_158 : f32 to vector<16xf32>
        %mul3A_2109 = arith.mulf %bitcast_convert_type3A_2099, %mul3A_2108 : vector<16xf32>
        %add3A_2110 = arith.addf %mul3A_2107, %mul3A_2109 : vector<16xf32>
        %mul3A_2111 = vector.broadcast %bitcast_convert_type3A_169 : f32 to vector<16xf32>
        %mul3A_2112 = arith.mulf %get3A_2103, %mul3A_2111 : vector<16xf32>
        %add3A_2113 = arith.addf %add3A_2110, %mul3A_2112 : vector<16xf32>
        %add3A_2114 = vector.broadcast %add3A_138 : f32 to vector<16xf32>
        %add3A_2115 = arith.addf %add3A_2114, %get3A_2105 : vector<16xf32>
        %mul3A_2116 = arith.constant 2.000000e+00 : f32
        %mul3A_2117 = vector.broadcast %mul3A_2116 : f32 to vector<16xf32>
        %mul3A_2118 = arith.mulf %mul3A_2117, %add3A_2113 : vector<16xf32>
        %sub3A_2119 = arith.subf %add3A_2115, %mul3A_2118 : vector<16xf32>
        %swap3A_2120 = arith.index_cast %mul3A_2086 : i32 to index
        %swap3A_2121 = tpu.vector_load %arg9[%swap3A_2120] {strides = array<i32>} : memref<16384xf32, #tpu.memory_space<vmem>>, vector<16xf32>,
        tpu.vector_store %arg9[%swap3A_2120], %sub3A_2119 {strides = array<i32>} : memref<16384xf32, #tpu.memory_space<vmem>>, vector<16xf32>,
        %min3A_2122 = arith.minimumf %min3A_2063, %sub3A_2119 : vector<16xf32>
        %mul3A_2123 = vector.broadcast %bitcast_convert_type3A_229 : f32 to vector<16xf32>
        %mul3A_2124 = arith.mulf %bitcast_convert_type3A_2095, %mul3A_2123 : vector<16xf32>
        %mul3A_2125 = vector.broadcast %bitcast_convert_type3A_240 : f32 to vector<16xf32>
        %mul3A_2126 = arith.mulf %bitcast_convert_type3A_2099, %mul3A_2125 : vector<16xf32>
        %add3A_2127 = arith.addf %mul3A_2124, %mul3A_2126 : vector<16xf32>
        %mul3A_2128 = vector.broadcast %bitcast_convert_type3A_251 : f32 to vector<16xf32>
        %mul3A_2129 = arith.mulf %get3A_2103, %mul3A_2128 : vector<16xf32>
        %add3A_2130 = arith.addf %add3A_2127, %mul3A_2129 : vector<16xf32>
        %add3A_2131 = vector.broadcast %add3A_218 : f32 to vector<16xf32>
        %add3A_2132 = arith.addf %add3A_2131, %get3A_2105 : vector<16xf32>
        %mul3A_2133 = arith.constant 2.000000e+00 : f32
        %mul3A_2134 = vector.broadcast %mul3A_2133 : f32 to vector<16xf32>
        %mul3A_2135 = arith.mulf %mul3A_2134, %add3A_2130 : vector<16xf32>
        %sub3A_2136 = arith.subf %add3A_2132, %mul3A_2135 : vector<16xf32>
        %swap3A_2137 = arith.index_cast %mul3A_2086 : i32 to index
        %swap3A_2138 = tpu.vector_load %arg10[%swap3A_2137] {strides = array<i32>} : memref<16384xf32, #tpu.memory_space<vmem>>, vector<16xf32>,
        tpu.vector_store %arg10[%swap3A_2137], %sub3A_2136 {strides = array<i32>} : memref<16384xf32, #tpu.memory_space<vmem>>, vector<16xf32>,
        %min3A_2139 = arith.minimumf %min3A_2080, %sub3A_2136 : vector<16xf32>
        %swap3A_2140 = arith.index_cast %add3A_1192 : i32 to index
        %swap3A_2141 = arith.constant 0 : index
        %swap3A_2142 = tpu.vector_load %arg13[%swap3A_2140, %swap3A_2141] {strides = array<i32>} : memref<64x16xf32, #tpu.memory_space<vmem>>, vector<16xf32>,
        tpu.vector_store %arg13[%swap3A_2140, %swap3A_2141], %min3A_2122 {strides = array<i32>} : memref<64x16xf32, #tpu.memory_space<vmem>>, vector<16xf32>,
        %swap3A_2143 = arith.index_cast %add3A_1192 : i32 to index
        %swap3A_2144 = arith.constant 0 : index
        %swap3A_2145 = tpu.vector_load %arg14[%swap3A_2143, %swap3A_2144] {strides = array<i32>} : memref<64x16xf32, #tpu.memory_space<vmem>>, vector<16xf32>,
        tpu.vector_store %arg14[%swap3A_2143, %swap3A_2144], %min3A_2139 {strides = array<i32>} : memref<64x16xf32, #tpu.memory_space<vmem>>, vector<16xf32>,
      }
      %scan3A_256 = arith.constant 64 : i32
      %get3A_257 = arith.constant 0 : i32
      %get3A_258 = arith.index_cast %get3A_257 : i32 to index
      %get3A_259 = arith.constant 0 : index
      %get3A_260 = tpu.vector_load %arg13[%get3A_258, %get3A_259] {strides = array<i32>} : memref<64x16xf32, #tpu.memory_space<vmem>>, vector<16xf32>,
      %get3A_261 = arith.constant 1 : i32
      %get3A_262 = arith.index_cast %get3A_261 : i32 to index
      %get3A_263 = arith.constant 0 : index
      %get3A_264 = tpu.vector_load %arg13[%get3A_262, %get3A_263] {strides = array<i32>} : memref<64x16xf32, #tpu.memory_space<vmem>>, vector<16xf32>,
      %get3A_265 = arith.constant 2 : i32
      %get3A_266 = arith.index_cast %get3A_265 : i32 to index
      %get3A_267 = arith.constant 0 : index
      %get3A_268 = tpu.vector_load %arg13[%get3A_266, %get3A_267] {strides = array<i32>} : memref<64x16xf32, #tpu.memory_space<vmem>>, vector<16xf32>,
      %get3A_269 = arith.constant 3 : i32
      %get3A_270 = arith.index_cast %get3A_269 : i32 to index
      %get3A_271 = arith.constant 0 : index
      %get3A_272 = tpu.vector_load %arg13[%get3A_270, %get3A_271] {strides = array<i32>} : memref<64x16xf32, #tpu.memory_space<vmem>>, vector<16xf32>,
      %get3A_273 = arith.constant 4 : i32
      %get3A_274 = arith.index_cast %get3A_273 : i32 to index
      %get3A_275 = arith.constant 0 : index
      %get3A_276 = tpu.vector_load %arg13[%get3A_274, %get3A_275] {strides = array<i32>} : memref<64x16xf32, #tpu.memory_space<vmem>>, vector<16xf32>,
      %get3A_277 = arith.constant 5 : i32
      %get3A_278 = arith.index_cast %get3A_277 : i32 to index
      %get3A_279 = arith.constant 0 : index
      %get3A_280 = tpu.vector_load %arg13[%get3A_278, %get3A_279] {strides = array<i32>} : memref<64x16xf32, #tpu.memory_space<vmem>>, vector<16xf32>,
      %get3A_281 = arith.constant 6 : i32
      %get3A_282 = arith.index_cast %get3A_281 : i32 to index
      %get3A_283 = arith.constant 0 : index
      %get3A_284 = tpu.vector_load %arg13[%get3A_282, %get3A_283] {strides = array<i32>} : memref<64x16xf32, #tpu.memory_space<vmem>>, vector<16xf32>,
      %get3A_285 = arith.constant 7 : i32
      %get3A_286 = arith.index_cast %get3A_285 : i32 to index
      %get3A_287 = arith.constant 0 : index
      %get3A_288 = tpu.vector_load %arg13[%get3A_286, %get3A_287] {strides = array<i32>} : memref<64x16xf32, #tpu.memory_space<vmem>>, vector<16xf32>,
      %get3A_289 = arith.constant 8 : i32
      %get3A_290 = arith.index_cast %get3A_289 : i32 to index
      %get3A_291 = arith.constant 0 : index
      %get3A_292 = tpu.vector_load %arg13[%get3A_290, %get3A_291] {strides = array<i32>} : memref<64x16xf32, #tpu.memory_space<vmem>>, vector<16xf32>,
      %get3A_293 = arith.constant 9 : i32
      %get3A_294 = arith.index_cast %get3A_293 : i32 to index
      %get3A_295 = arith.constant 0 : index
      %get3A_296 = tpu.vector_load %arg13[%get3A_294, %get3A_295] {strides = array<i32>} : memref<64x16xf32, #tpu.memory_space<vmem>>, vector<16xf32>,
      %get3A_297 = arith.constant 10 : i32
      %get3A_298 = arith.index_cast %get3A_297 : i32 to index
      %get3A_299 = arith.constant 0 : index
      %get3A_300 = tpu.vector_load %arg13[%get3A_298, %get3A_299] {strides = array<i32>} : memref<64x16xf32, #tpu.memory_space<vmem>>, vector<16xf32>,
      %get3A_301 = arith.constant 11 : i32
      %get3A_302 = arith.index_cast %get3A_301 : i32 to index
      %get3A_303 = arith.constant 0 : index
      %get3A_304 = tpu.vector_load %arg13[%get3A_302, %get3A_303] {strides = array<i32>} : memref<64x16xf32, #tpu.memory_space<vmem>>, vector<16xf32>,
      %get3A_305 = arith.constant 12 : i32
      %get3A_306 = arith.index_cast %get3A_305 : i32 to index
      %get3A_307 = arith.constant 0 : index
      %get3A_308 = tpu.vector_load %arg13[%get3A_306, %get3A_307] {strides = array<i32>} : memref<64x16xf32, #tpu.memory_space<vmem>>, vector<16xf32>,
      %get3A_309 = arith.constant 13 : i32
      %get3A_310 = arith.index_cast %get3A_309 : i32 to index
      %get3A_311 = arith.constant 0 : index
      %get3A_312 = tpu.vector_load %arg13[%get3A_310, %get3A_311] {strides = array<i32>} : memref<64x16xf32, #tpu.memory_space<vmem>>, vector<16xf32>,
      %get3A_313 = arith.constant 14 : i32
      %get3A_314 = arith.index_cast %get3A_313 : i32 to index
      %get3A_315 = arith.constant 0 : index
      %get3A_316 = tpu.vector_load %arg13[%get3A_314, %get3A_315] {strides = array<i32>} : memref<64x16xf32, #tpu.memory_space<vmem>>, vector<16xf32>,
      %get3A_317 = arith.constant 15 : i32
      %get3A_318 = arith.index_cast %get3A_317 : i32 to index
      %get3A_319 = arith.constant 0 : index
      %get3A_320 = tpu.vector_load %arg13[%get3A_318, %get3A_319] {strides = array<i32>} : memref<64x16xf32, #tpu.memory_space<vmem>>, vector<16xf32>,
      %min3A = arith.minimumf %get3A_260, %get3A_264 : vector<16xf32>
      %min3A_321 = arith.minimumf %get3A_268, %get3A_272 : vector<16xf32>
      %min3A_322 = arith.minimumf %get3A_276, %get3A_280 : vector<16xf32>
      %min3A_323 = arith.minimumf %get3A_284, %get3A_288 : vector<16xf32>
      %min3A_324 = arith.minimumf %get3A_292, %get3A_296 : vector<16xf32>
      %min3A_325 = arith.minimumf %get3A_300, %get3A_304 : vector<16xf32>
      %min3A_326 = arith.minimumf %get3A_308, %get3A_312 : vector<16xf32>
      %min3A_327 = arith.minimumf %get3A_316, %get3A_320 : vector<16xf32>
      %min3A_328 = arith.minimumf %min3A, %min3A_321 : vector<16xf32>
      %min3A_329 = arith.minimumf %min3A_322, %min3A_323 : vector<16xf32>
      %min3A_330 = arith.minimumf %min3A_324, %min3A_325 : vector<16xf32>
      %min3A_331 = arith.minimumf %min3A_326, %min3A_327 : vector<16xf32>
      %min3A_332 = arith.minimumf %min3A_328, %min3A_329 : vector<16xf32>
      %min3A_333 = arith.minimumf %min3A_330, %min3A_331 : vector<16xf32>
      %min3A_334 = arith.minimumf %min3A_332, %min3A_333 : vector<16xf32>
      %swap3A = arith.constant 0 : i32
      %swap3A_335 = arith.index_cast %swap3A : i32 to index
      %swap3A_336 = arith.constant 0 : index
      %swap3A_337 = tpu.vector_load %arg17[%swap3A_335, %swap3A_336] {strides = array<i32>} : memref<4x16xf32, #tpu.memory_space<vmem>>, vector<16xf32>,
      tpu.vector_store %arg17[%swap3A_335, %swap3A_336], %min3A_334 {strides = array<i32>} : memref<4x16xf32, #tpu.memory_space<vmem>>, vector<16xf32>,
      %get3A_338 = arith.constant 16 : i32
      %get3A_339 = arith.index_cast %get3A_338 : i32 to index
      %get3A_340 = arith.constant 0 : index
      %get3A_341 = tpu.vector_load %arg13[%get3A_339, %get3A_340] {strides = array<i32>} : memref<64x16xf32, #tpu.memory_space<vmem>>, vector<16xf32>,
      %get3A_342 = arith.constant 17 : i32
      %get3A_343 = arith.index_cast %get3A_342 : i32 to index
      %get3A_344 = arith.constant 0 : index
      %get3A_345 = tpu.vector_load %arg13[%get3A_343, %get3A_344] {strides = array<i32>} : memref<64x16xf32, #tpu.memory_space<vmem>>, vector<16xf32>,
      %get3A_346 = arith.constant 18 : i32
      %get3A_347 = arith.index_cast %get3A_346 : i32 to index
      %get3A_348 = arith.constant 0 : index
      %get3A_349 = tpu.vector_load %arg13[%get3A_347, %get3A_348] {strides = array<i32>} : memref<64x16xf32, #tpu.memory_space<vmem>>, vector<16xf32>,
      %get3A_350 = arith.constant 19 : i32
      %get3A_351 = arith.index_cast %get3A_350 : i32 to index
      %get3A_352 = arith.constant 0 : index
      %get3A_353 = tpu.vector_load %arg13[%get3A_351, %get3A_352] {strides = array<i32>} : memref<64x16xf32, #tpu.memory_space<vmem>>, vector<16xf32>,
      %get3A_354 = arith.constant 20 : i32
      %get3A_355 = arith.index_cast %get3A_354 : i32 to index
      %get3A_356 = arith.constant 0 : index
      %get3A_357 = tpu.vector_load %arg13[%get3A_355, %get3A_356] {strides = array<i32>} : memref<64x16xf32, #tpu.memory_space<vmem>>, vector<16xf32>,
      %get3A_358 = arith.constant 21 : i32
      %get3A_359 = arith.index_cast %get3A_358 : i32 to index
      %get3A_360 = arith.constant 0 : index
      %get3A_361 = tpu.vector_load %arg13[%get3A_359, %get3A_360] {strides = array<i32>} : memref<64x16xf32, #tpu.memory_space<vmem>>, vector<16xf32>,
      %get3A_362 = arith.constant 22 : i32
      %get3A_363 = arith.index_cast %get3A_362 : i32 to index
      %get3A_364 = arith.constant 0 : index
      %get3A_365 = tpu.vector_load %arg13[%get3A_363, %get3A_364] {strides = array<i32>} : memref<64x16xf32, #tpu.memory_space<vmem>>, vector<16xf32>,
      %get3A_366 = arith.constant 23 : i32
      %get3A_367 = arith.index_cast %get3A_366 : i32 to index
      %get3A_368 = arith.constant 0 : index
      %get3A_369 = tpu.vector_load %arg13[%get3A_367, %get3A_368] {strides = array<i32>} : memref<64x16xf32, #tpu.memory_space<vmem>>, vector<16xf32>,
      %get3A_370 = arith.constant 24 : i32
      %get3A_371 = arith.index_cast %get3A_370 : i32 to index
      %get3A_372 = arith.constant 0 : index
      %get3A_373 = tpu.vector_load %arg13[%get3A_371, %get3A_372] {strides = array<i32>} : memref<64x16xf32, #tpu.memory_space<vmem>>, vector<16xf32>,
      %get3A_374 = arith.constant 25 : i32
      %get3A_375 = arith.index_cast %get3A_374 : i32 to index
      %get3A_376 = arith.constant 0 : index
      %get3A_377 = tpu.vector_load %arg13[%get3A_375, %get3A_376] {strides = array<i32>} : memref<64x16xf32, #tpu.memory_space<vmem>>, vector<16xf32>,
      %get3A_378 = arith.constant 26 : i32
      %get3A_379 = arith.index_cast %get3A_378 : i32 to index
      %get3A_380 = arith.constant 0 : index
      %get3A_381 = tpu.vector_load %arg13[%get3A_379, %get3A_380] {strides = array<i32>} : memref<64x16xf32, #tpu.memory_space<vmem>>, vector<16xf32>,
      %get3A_382 = arith.constant 27 : i32
      %get3A_383 = arith.index_cast %get3A_382 : i32 to index
      %get3A_384 = arith.constant 0 : index
      %get3A_385 = tpu.vector_load %arg13[%get3A_383, %get3A_384] {strides = array<i32>} : memref<64x16xf32, #tpu.memory_space<vmem>>, vector<16xf32>,
      %get3A_386 = arith.constant 28 : i32
      %get3A_387 = arith.index_cast %get3A_386 : i32 to index
      %get3A_388 = arith.constant 0 : index
      %get3A_389 = tpu.vector_load %arg13[%get3A_387, %get3A_388] {strides = array<i32>} : memref<64x16xf32, #tpu.memory_space<vmem>>, vector<16xf32>,
      %get3A_390 = arith.constant 29 : i32
      %get3A_391 = arith.index_cast %get3A_390 : i32 to index
      %get3A_392 = arith.constant 0 : index
      %get3A_393 = tpu.vector_load %arg13[%get3A_391, %get3A_392] {strides = array<i32>} : memref<64x16xf32, #tpu.memory_space<vmem>>, vector<16xf32>,
      %get3A_394 = arith.constant 30 : i32
      %get3A_395 = arith.index_cast %get3A_394 : i32 to index
      %get3A_396 = arith.constant 0 : index
      %get3A_397 = tpu.vector_load %arg13[%get3A_395, %get3A_396] {strides = array<i32>} : memref<64x16xf32, #tpu.memory_space<vmem>>, vector<16xf32>,
      %get3A_398 = arith.constant 31 : i32
      %get3A_399 = arith.index_cast %get3A_398 : i32 to index
      %get3A_400 = arith.constant 0 : index
      %get3A_401 = tpu.vector_load %arg13[%get3A_399, %get3A_400] {strides = array<i32>} : memref<64x16xf32, #tpu.memory_space<vmem>>, vector<16xf32>,
      %min3A_402 = arith.minimumf %get3A_341, %get3A_345 : vector<16xf32>
      %min3A_403 = arith.minimumf %get3A_349, %get3A_353 : vector<16xf32>
      %min3A_404 = arith.minimumf %get3A_357, %get3A_361 : vector<16xf32>
      %min3A_405 = arith.minimumf %get3A_365, %get3A_369 : vector<16xf32>
      %min3A_406 = arith.minimumf %get3A_373, %get3A_377 : vector<16xf32>
      %min3A_407 = arith.minimumf %get3A_381, %get3A_385 : vector<16xf32>
      %min3A_408 = arith.minimumf %get3A_389, %get3A_393 : vector<16xf32>
      %min3A_409 = arith.minimumf %get3A_397, %get3A_401 : vector<16xf32>
      %min3A_410 = arith.minimumf %min3A_402, %min3A_403 : vector<16xf32>
      %min3A_411 = arith.minimumf %min3A_404, %min3A_405 : vector<16xf32>
      %min3A_412 = arith.minimumf %min3A_406, %min3A_407 : vector<16xf32>
      %min3A_413 = arith.minimumf %min3A_408, %min3A_409 : vector<16xf32>
      %min3A_414 = arith.minimumf %min3A_410, %min3A_411 : vector<16xf32>
      %min3A_415 = arith.minimumf %min3A_412, %min3A_413 : vector<16xf32>
      %min3A_416 = arith.minimumf %min3A_414, %min3A_415 : vector<16xf32>
      %swap3A_417 = arith.constant 1 : i32
      %swap3A_418 = arith.index_cast %swap3A_417 : i32 to index
      %swap3A_419 = arith.constant 0 : index
      %swap3A_420 = tpu.vector_load %arg17[%swap3A_418, %swap3A_419] {strides = array<i32>} : memref<4x16xf32, #tpu.memory_space<vmem>>, vector<16xf32>,
      tpu.vector_store %arg17[%swap3A_418, %swap3A_419], %min3A_416 {strides = array<i32>} : memref<4x16xf32, #tpu.memory_space<vmem>>, vector<16xf32>,
      %get3A_421 = arith.constant 32 : i32
      %get3A_422 = arith.index_cast %get3A_421 : i32 to index
      %get3A_423 = arith.constant 0 : index
      %get3A_424 = tpu.vector_load %arg13[%get3A_422, %get3A_423] {strides = array<i32>} : memref<64x16xf32, #tpu.memory_space<vmem>>, vector<16xf32>,
      %get3A_425 = arith.constant 33 : i32
      %get3A_426 = arith.index_cast %get3A_425 : i32 to index
      %get3A_427 = arith.constant 0 : index
      %get3A_428 = tpu.vector_load %arg13[%get3A_426, %get3A_427] {strides = array<i32>} : memref<64x16xf32, #tpu.memory_space<vmem>>, vector<16xf32>,
      %get3A_429 = arith.constant 34 : i32
      %get3A_430 = arith.index_cast %get3A_429 : i32 to index
      %get3A_431 = arith.constant 0 : index
      %get3A_432 = tpu.vector_load %arg13[%get3A_430, %get3A_431] {strides = array<i32>} : memref<64x16xf32, #tpu.memory_space<vmem>>, vector<16xf32>,
      %get3A_433 = arith.constant 35 : i32
      %get3A_434 = arith.index_cast %get3A_433 : i32 to index
      %get3A_435 = arith.constant 0 : index
      %get3A_436 = tpu.vector_load %arg13[%get3A_434, %get3A_435] {strides = array<i32>} : memref<64x16xf32, #tpu.memory_space<vmem>>, vector<16xf32>,
      %get3A_437 = arith.constant 36 : i32
      %get3A_438 = arith.index_cast %get3A_437 : i32 to index
      %get3A_439 = arith.constant 0 : index
      %get3A_440 = tpu.vector_load %arg13[%get3A_438, %get3A_439] {strides = array<i32>} : memref<64x16xf32, #tpu.memory_space<vmem>>, vector<16xf32>,
      %get3A_441 = arith.constant 37 : i32
      %get3A_442 = arith.index_cast %get3A_441 : i32 to index
      %get3A_443 = arith.constant 0 : index
      %get3A_444 = tpu.vector_load %arg13[%get3A_442, %get3A_443] {strides = array<i32>} : memref<64x16xf32, #tpu.memory_space<vmem>>, vector<16xf32>,
      %get3A_445 = arith.constant 38 : i32
      %get3A_446 = arith.index_cast %get3A_445 : i32 to index
      %get3A_447 = arith.constant 0 : index
      %get3A_448 = tpu.vector_load %arg13[%get3A_446, %get3A_447] {strides = array<i32>} : memref<64x16xf32, #tpu.memory_space<vmem>>, vector<16xf32>,
      %get3A_449 = arith.constant 39 : i32
      %get3A_450 = arith.index_cast %get3A_449 : i32 to index
      %get3A_451 = arith.constant 0 : index
      %get3A_452 = tpu.vector_load %arg13[%get3A_450, %get3A_451] {strides = array<i32>} : memref<64x16xf32, #tpu.memory_space<vmem>>, vector<16xf32>,
      %get3A_453 = arith.constant 40 : i32
      %get3A_454 = arith.index_cast %get3A_453 : i32 to index
      %get3A_455 = arith.constant 0 : index
      %get3A_456 = tpu.vector_load %arg13[%get3A_454, %get3A_455] {strides = array<i32>} : memref<64x16xf32, #tpu.memory_space<vmem>>, vector<16xf32>,
      %get3A_457 = arith.constant 41 : i32
      %get3A_458 = arith.index_cast %get3A_457 : i32 to index
      %get3A_459 = arith.constant 0 : index
      %get3A_460 = tpu.vector_load %arg13[%get3A_458, %get3A_459] {strides = array<i32>} : memref<64x16xf32, #tpu.memory_space<vmem>>, vector<16xf32>,
      %get3A_461 = arith.constant 42 : i32
      %get3A_462 = arith.index_cast %get3A_461 : i32 to index
      %get3A_463 = arith.constant 0 : index
      %get3A_464 = tpu.vector_load %arg13[%get3A_462, %get3A_463] {strides = array<i32>} : memref<64x16xf32, #tpu.memory_space<vmem>>, vector<16xf32>,
      %get3A_465 = arith.constant 43 : i32
      %get3A_466 = arith.index_cast %get3A_465 : i32 to index
      %get3A_467 = arith.constant 0 : index
      %get3A_468 = tpu.vector_load %arg13[%get3A_466, %get3A_467] {strides = array<i32>} : memref<64x16xf32, #tpu.memory_space<vmem>>, vector<16xf32>,
      %get3A_469 = arith.constant 44 : i32
      %get3A_470 = arith.index_cast %get3A_469 : i32 to index
      %get3A_471 = arith.constant 0 : index
      %get3A_472 = tpu.vector_load %arg13[%get3A_470, %get3A_471] {strides = array<i32>} : memref<64x16xf32, #tpu.memory_space<vmem>>, vector<16xf32>,
      %get3A_473 = arith.constant 45 : i32
      %get3A_474 = arith.index_cast %get3A_473 : i32 to index
      %get3A_475 = arith.constant 0 : index
      %get3A_476 = tpu.vector_load %arg13[%get3A_474, %get3A_475] {strides = array<i32>} : memref<64x16xf32, #tpu.memory_space<vmem>>, vector<16xf32>,
      %get3A_477 = arith.constant 46 : i32
      %get3A_478 = arith.index_cast %get3A_477 : i32 to index
      %get3A_479 = arith.constant 0 : index
      %get3A_480 = tpu.vector_load %arg13[%get3A_478, %get3A_479] {strides = array<i32>} : memref<64x16xf32, #tpu.memory_space<vmem>>, vector<16xf32>,
      %get3A_481 = arith.constant 47 : i32
      %get3A_482 = arith.index_cast %get3A_481 : i32 to index
      %get3A_483 = arith.constant 0 : index
      %get3A_484 = tpu.vector_load %arg13[%get3A_482, %get3A_483] {strides = array<i32>} : memref<64x16xf32, #tpu.memory_space<vmem>>, vector<16xf32>,
      %min3A_485 = arith.minimumf %get3A_424, %get3A_428 : vector<16xf32>
      %min3A_486 = arith.minimumf %get3A_432, %get3A_436 : vector<16xf32>
      %min3A_487 = arith.minimumf %get3A_440, %get3A_444 : vector<16xf32>
      %min3A_488 = arith.minimumf %get3A_448, %get3A_452 : vector<16xf32>
      %min3A_489 = arith.minimumf %get3A_456, %get3A_460 : vector<16xf32>
      %min3A_490 = arith.minimumf %get3A_464, %get3A_468 : vector<16xf32>
      %min3A_491 = arith.minimumf %get3A_472, %get3A_476 : vector<16xf32>
      %min3A_492 = arith.minimumf %get3A_480, %get3A_484 : vector<16xf32>
      %min3A_493 = arith.minimumf %min3A_485, %min3A_486 : vector<16xf32>
      %min3A_494 = arith.minimumf %min3A_487, %min3A_488 : vector<16xf32>
      %min3A_495 = arith.minimumf %min3A_489, %min3A_490 : vector<16xf32>
      %min3A_496 = arith.minimumf %min3A_491, %min3A_492 : vector<16xf32>
      %min3A_497 = arith.minimumf %min3A_493, %min3A_494 : vector<16xf32>
      %min3A_498 = arith.minimumf %min3A_495, %min3A_496 : vector<16xf32>
      %min3A_499 = arith.minimumf %min3A_497, %min3A_498 : vector<16xf32>
      %swap3A_500 = arith.constant 2 : i32
      %swap3A_501 = arith.index_cast %swap3A_500 : i32 to index
      %swap3A_502 = arith.constant 0 : index
      %swap3A_503 = tpu.vector_load %arg17[%swap3A_501, %swap3A_502] {strides = array<i32>} : memref<4x16xf32, #tpu.memory_space<vmem>>, vector<16xf32>,
      tpu.vector_store %arg17[%swap3A_501, %swap3A_502], %min3A_499 {strides = array<i32>} : memref<4x16xf32, #tpu.memory_space<vmem>>, vector<16xf32>,
      %get3A_504 = arith.constant 48 : i32
      %get3A_505 = arith.index_cast %get3A_504 : i32 to index
      %get3A_506 = arith.constant 0 : index
      %get3A_507 = tpu.vector_load %arg13[%get3A_505, %get3A_506] {strides = array<i32>} : memref<64x16xf32, #tpu.memory_space<vmem>>, vector<16xf32>,
      %get3A_508 = arith.constant 49 : i32
      %get3A_509 = arith.index_cast %get3A_508 : i32 to index
      %get3A_510 = arith.constant 0 : index
      %get3A_511 = tpu.vector_load %arg13[%get3A_509, %get3A_510] {strides = array<i32>} : memref<64x16xf32, #tpu.memory_space<vmem>>, vector<16xf32>,
      %get3A_512 = arith.constant 50 : i32
      %get3A_513 = arith.index_cast %get3A_512 : i32 to index
      %get3A_514 = arith.constant 0 : index
      %get3A_515 = tpu.vector_load %arg13[%get3A_513, %get3A_514] {strides = array<i32>} : memref<64x16xf32, #tpu.memory_space<vmem>>, vector<16xf32>,
      %get3A_516 = arith.constant 51 : i32
      %get3A_517 = arith.index_cast %get3A_516 : i32 to index
      %get3A_518 = arith.constant 0 : index
      %get3A_519 = tpu.vector_load %arg13[%get3A_517, %get3A_518] {strides = array<i32>} : memref<64x16xf32, #tpu.memory_space<vmem>>, vector<16xf32>,
      %get3A_520 = arith.constant 52 : i32
      %get3A_521 = arith.index_cast %get3A_520 : i32 to index
      %get3A_522 = arith.constant 0 : index
      %get3A_523 = tpu.vector_load %arg13[%get3A_521, %get3A_522] {strides = array<i32>} : memref<64x16xf32, #tpu.memory_space<vmem>>, vector<16xf32>,
      %get3A_524 = arith.constant 53 : i32
      %get3A_525 = arith.index_cast %get3A_524 : i32 to index
      %get3A_526 = arith.constant 0 : index
      %get3A_527 = tpu.vector_load %arg13[%get3A_525, %get3A_526] {strides = array<i32>} : memref<64x16xf32, #tpu.memory_space<vmem>>, vector<16xf32>,
      %get3A_528 = arith.constant 54 : i32
      %get3A_529 = arith.index_cast %get3A_528 : i32 to index
      %get3A_530 = arith.constant 0 : index
      %get3A_531 = tpu.vector_load %arg13[%get3A_529, %get3A_530] {strides = array<i32>} : memref<64x16xf32, #tpu.memory_space<vmem>>, vector<16xf32>,
      %get3A_532 = arith.constant 55 : i32
      %get3A_533 = arith.index_cast %get3A_532 : i32 to index
      %get3A_534 = arith.constant 0 : index
      %get3A_535 = tpu.vector_load %arg13[%get3A_533, %get3A_534] {strides = array<i32>} : memref<64x16xf32, #tpu.memory_space<vmem>>, vector<16xf32>,
      %get3A_536 = arith.constant 56 : i32
      %get3A_537 = arith.index_cast %get3A_536 : i32 to index
      %get3A_538 = arith.constant 0 : index
      %get3A_539 = tpu.vector_load %arg13[%get3A_537, %get3A_538] {strides = array<i32>} : memref<64x16xf32, #tpu.memory_space<vmem>>, vector<16xf32>,
      %get3A_540 = arith.constant 57 : i32
      %get3A_541 = arith.index_cast %get3A_540 : i32 to index
      %get3A_542 = arith.constant 0 : index
      %get3A_543 = tpu.vector_load %arg13[%get3A_541, %get3A_542] {strides = array<i32>} : memref<64x16xf32, #tpu.memory_space<vmem>>, vector<16xf32>,
      %get3A_544 = arith.constant 58 : i32
      %get3A_545 = arith.index_cast %get3A_544 : i32 to index
      %get3A_546 = arith.constant 0 : index
      %get3A_547 = tpu.vector_load %arg13[%get3A_545, %get3A_546] {strides = array<i32>} : memref<64x16xf32, #tpu.memory_space<vmem>>, vector<16xf32>,
      %get3A_548 = arith.constant 59 : i32
      %get3A_549 = arith.index_cast %get3A_548 : i32 to index
      %get3A_550 = arith.constant 0 : index
      %get3A_551 = tpu.vector_load %arg13[%get3A_549, %get3A_550] {strides = array<i32>} : memref<64x16xf32, #tpu.memory_space<vmem>>, vector<16xf32>,
      %get3A_552 = arith.constant 60 : i32
      %get3A_553 = arith.index_cast %get3A_552 : i32 to index
      %get3A_554 = arith.constant 0 : index
      %get3A_555 = tpu.vector_load %arg13[%get3A_553, %get3A_554] {strides = array<i32>} : memref<64x16xf32, #tpu.memory_space<vmem>>, vector<16xf32>,
      %get3A_556 = arith.constant 61 : i32
      %get3A_557 = arith.index_cast %get3A_556 : i32 to index
      %get3A_558 = arith.constant 0 : index
      %get3A_559 = tpu.vector_load %arg13[%get3A_557, %get3A_558] {strides = array<i32>} : memref<64x16xf32, #tpu.memory_space<vmem>>, vector<16xf32>,
      %get3A_560 = arith.constant 62 : i32
      %get3A_561 = arith.index_cast %get3A_560 : i32 to index
      %get3A_562 = arith.constant 0 : index
      %get3A_563 = tpu.vector_load %arg13[%get3A_561, %get3A_562] {strides = array<i32>} : memref<64x16xf32, #tpu.memory_space<vmem>>, vector<16xf32>,
      %get3A_564 = arith.constant 63 : i32
      %get3A_565 = arith.index_cast %get3A_564 : i32 to index
      %get3A_566 = arith.constant 0 : index
      %get3A_567 = tpu.vector_load %arg13[%get3A_565, %get3A_566] {strides = array<i32>} : memref<64x16xf32, #tpu.memory_space<vmem>>, vector<16xf32>,
      %min3A_568 = arith.minimumf %get3A_507, %get3A_511 : vector<16xf32>
      %min3A_569 = arith.minimumf %get3A_515, %get3A_519 : vector<16xf32>
      %min3A_570 = arith.minimumf %get3A_523, %get3A_527 : vector<16xf32>
      %min3A_571 = arith.minimumf %get3A_531, %get3A_535 : vector<16xf32>
      %min3A_572 = arith.minimumf %get3A_539, %get3A_543 : vector<16xf32>
      %min3A_573 = arith.minimumf %get3A_547, %get3A_551 : vector<16xf32>
      %min3A_574 = arith.minimumf %get3A_555, %get3A_559 : vector<16xf32>
      %min3A_575 = arith.minimumf %get3A_563, %get3A_567 : vector<16xf32>
      %min3A_576 = arith.minimumf %min3A_568, %min3A_569 : vector<16xf32>
      %min3A_577 = arith.minimumf %min3A_570, %min3A_571 : vector<16xf32>
      %min3A_578 = arith.minimumf %min3A_572, %min3A_573 : vector<16xf32>
      %min3A_579 = arith.minimumf %min3A_574, %min3A_575 : vector<16xf32>
      %min3A_580 = arith.minimumf %min3A_576, %min3A_577 : vector<16xf32>
      %min3A_581 = arith.minimumf %min3A_578, %min3A_579 : vector<16xf32>
      %min3A_582 = arith.minimumf %min3A_580, %min3A_581 : vector<16xf32>
      %swap3A_583 = arith.constant 3 : i32
      %swap3A_584 = arith.index_cast %swap3A_583 : i32 to index
      %swap3A_585 = arith.constant 0 : index
      %swap3A_586 = tpu.vector_load %arg17[%swap3A_584, %swap3A_585] {strides = array<i32>} : memref<4x16xf32, #tpu.memory_space<vmem>>, vector<16xf32>,
      tpu.vector_store %arg17[%swap3A_584, %swap3A_585], %min3A_582 {strides = array<i32>} : memref<4x16xf32, #tpu.memory_space<vmem>>, vector<16xf32>,
      %get3A_587 = arith.constant 0 : i32
      %get3A_588 = arith.index_cast %get3A_587 : i32 to index
      %get3A_589 = arith.constant 0 : index
      %get3A_590 = tpu.vector_load %arg14[%get3A_588, %get3A_589] {strides = array<i32>} : memref<64x16xf32, #tpu.memory_space<vmem>>, vector<16xf32>,
      %get3A_591 = arith.constant 1 : i32
      %get3A_592 = arith.index_cast %get3A_591 : i32 to index
      %get3A_593 = arith.constant 0 : index
      %get3A_594 = tpu.vector_load %arg14[%get3A_592, %get3A_593] {strides = array<i32>} : memref<64x16xf32, #tpu.memory_space<vmem>>, vector<16xf32>,
      %get3A_595 = arith.constant 2 : i32
      %get3A_596 = arith.index_cast %get3A_595 : i32 to index
      %get3A_597 = arith.constant 0 : index
      %get3A_598 = tpu.vector_load %arg14[%get3A_596, %get3A_597] {strides = array<i32>} : memref<64x16xf32, #tpu.memory_space<vmem>>, vector<16xf32>,
      %get3A_599 = arith.constant 3 : i32
      %get3A_600 = arith.index_cast %get3A_599 : i32 to index
      %get3A_601 = arith.constant 0 : index
      %get3A_602 = tpu.vector_load %arg14[%get3A_600, %get3A_601] {strides = array<i32>} : memref<64x16xf32, #tpu.memory_space<vmem>>, vector<16xf32>,
      %get3A_603 = arith.constant 4 : i32
      %get3A_604 = arith.index_cast %get3A_603 : i32 to index
      %get3A_605 = arith.constant 0 : index
      %get3A_606 = tpu.vector_load %arg14[%get3A_604, %get3A_605] {strides = array<i32>} : memref<64x16xf32, #tpu.memory_space<vmem>>, vector<16xf32>,
      %get3A_607 = arith.constant 5 : i32
      %get3A_608 = arith.index_cast %get3A_607 : i32 to index
      %get3A_609 = arith.constant 0 : index
      %get3A_610 = tpu.vector_load %arg14[%get3A_608, %get3A_609] {strides = array<i32>} : memref<64x16xf32, #tpu.memory_space<vmem>>, vector<16xf32>,
      %get3A_611 = arith.constant 6 : i32
      %get3A_612 = arith.index_cast %get3A_611 : i32 to index
      %get3A_613 = arith.constant 0 : index
      %get3A_614 = tpu.vector_load %arg14[%get3A_612, %get3A_613] {strides = array<i32>} : memref<64x16xf32, #tpu.memory_space<vmem>>, vector<16xf32>,
      %get3A_615 = arith.constant 7 : i32
      %get3A_616 = arith.index_cast %get3A_615 : i32 to index
      %get3A_617 = arith.constant 0 : index
      %get3A_618 = tpu.vector_load %arg14[%get3A_616, %get3A_617] {strides = array<i32>} : memref<64x16xf32, #tpu.memory_space<vmem>>, vector<16xf32>,
      %get3A_619 = arith.constant 8 : i32
      %get3A_620 = arith.index_cast %get3A_619 : i32 to index
      %get3A_621 = arith.constant 0 : index
      %get3A_622 = tpu.vector_load %arg14[%get3A_620, %get3A_621] {strides = array<i32>} : memref<64x16xf32, #tpu.memory_space<vmem>>, vector<16xf32>,
      %get3A_623 = arith.constant 9 : i32
      %get3A_624 = arith.index_cast %get3A_623 : i32 to index
      %get3A_625 = arith.constant 0 : index
      %get3A_626 = tpu.vector_load %arg14[%get3A_624, %get3A_625] {strides = array<i32>} : memref<64x16xf32, #tpu.memory_space<vmem>>, vector<16xf32>,
      %get3A_627 = arith.constant 10 : i32
      %get3A_628 = arith.index_cast %get3A_627 : i32 to index
      %get3A_629 = arith.constant 0 : index
      %get3A_630 = tpu.vector_load %arg14[%get3A_628, %get3A_629] {strides = array<i32>} : memref<64x16xf32, #tpu.memory_space<vmem>>, vector<16xf32>,
      %get3A_631 = arith.constant 11 : i32
      %get3A_632 = arith.index_cast %get3A_631 : i32 to index
      %get3A_633 = arith.constant 0 : index
      %get3A_634 = tpu.vector_load %arg14[%get3A_632, %get3A_633] {strides = array<i32>} : memref<64x16xf32, #tpu.memory_space<vmem>>, vector<16xf32>,
      %get3A_635 = arith.constant 12 : i32
      %get3A_636 = arith.index_cast %get3A_635 : i32 to index
      %get3A_637 = arith.constant 0 : index
      %get3A_638 = tpu.vector_load %arg14[%get3A_636, %get3A_637] {strides = array<i32>} : memref<64x16xf32, #tpu.memory_space<vmem>>, vector<16xf32>,
      %get3A_639 = arith.constant 13 : i32
      %get3A_640 = arith.index_cast %get3A_639 : i32 to index
      %get3A_641 = arith.constant 0 : index
      %get3A_642 = tpu.vector_load %arg14[%get3A_640, %get3A_641] {strides = array<i32>} : memref<64x16xf32, #tpu.memory_space<vmem>>, vector<16xf32>,
      %get3A_643 = arith.constant 14 : i32
      %get3A_644 = arith.index_cast %get3A_643 : i32 to index
      %get3A_645 = arith.constant 0 : index
      %get3A_646 = tpu.vector_load %arg14[%get3A_644, %get3A_645] {strides = array<i32>} : memref<64x16xf32, #tpu.memory_space<vmem>>, vector<16xf32>,
      %get3A_647 = arith.constant 15 : i32
      %get3A_648 = arith.index_cast %get3A_647 : i32 to index
      %get3A_649 = arith.constant 0 : index
      %get3A_650 = tpu.vector_load %arg14[%get3A_648, %get3A_649] {strides = array<i32>} : memref<64x16xf32, #tpu.memory_space<vmem>>, vector<16xf32>,
      %min3A_651 = arith.minimumf %get3A_590, %get3A_594 : vector<16xf32>
      %min3A_652 = arith.minimumf %get3A_598, %get3A_602 : vector<16xf32>
      %min3A_653 = arith.minimumf %get3A_606, %get3A_610 : vector<16xf32>
      %min3A_654 = arith.minimumf %get3A_614, %get3A_618 : vector<16xf32>
      %min3A_655 = arith.minimumf %get3A_622, %get3A_626 : vector<16xf32>
      %min3A_656 = arith.minimumf %get3A_630, %get3A_634 : vector<16xf32>
      %min3A_657 = arith.minimumf %get3A_638, %get3A_642 : vector<16xf32>
      %min3A_658 = arith.minimumf %get3A_646, %get3A_650 : vector<16xf32>
      %min3A_659 = arith.minimumf %min3A_651, %min3A_652 : vector<16xf32>
      %min3A_660 = arith.minimumf %min3A_653, %min3A_654 : vector<16xf32>
      %min3A_661 = arith.minimumf %min3A_655, %min3A_656 : vector<16xf32>
      %min3A_662 = arith.minimumf %min3A_657, %min3A_658 : vector<16xf32>
      %min3A_663 = arith.minimumf %min3A_659, %min3A_660 : vector<16xf32>
      %min3A_664 = arith.minimumf %min3A_661, %min3A_662 : vector<16xf32>
      %min3A_665 = arith.minimumf %min3A_663, %min3A_664 : vector<16xf32>
      %swap3A_666 = arith.constant 0 : i32
      %swap3A_667 = arith.index_cast %swap3A_666 : i32 to index
      %swap3A_668 = arith.constant 0 : index
      %swap3A_669 = tpu.vector_load %arg18[%swap3A_667, %swap3A_668] {strides = array<i32>} : memref<4x16xf32, #tpu.memory_space<vmem>>, vector<16xf32>,
      tpu.vector_store %arg18[%swap3A_667, %swap3A_668], %min3A_665 {strides = array<i32>} : memref<4x16xf32, #tpu.memory_space<vmem>>, vector<16xf32>,
      %get3A_670 = arith.constant 16 : i32
      %get3A_671 = arith.index_cast %get3A_670 : i32 to index
      %get3A_672 = arith.constant 0 : index
      %get3A_673 = tpu.vector_load %arg14[%get3A_671, %get3A_672] {strides = array<i32>} : memref<64x16xf32, #tpu.memory_space<vmem>>, vector<16xf32>,
      %get3A_674 = arith.constant 17 : i32
      %get3A_675 = arith.index_cast %get3A_674 : i32 to index
      %get3A_676 = arith.constant 0 : index
      %get3A_677 = tpu.vector_load %arg14[%get3A_675, %get3A_676] {strides = array<i32>} : memref<64x16xf32, #tpu.memory_space<vmem>>, vector<16xf32>,
      %get3A_678 = arith.constant 18 : i32
      %get3A_679 = arith.index_cast %get3A_678 : i32 to index
      %get3A_680 = arith.constant 0 : index
      %get3A_681 = tpu.vector_load %arg14[%get3A_679, %get3A_680] {strides = array<i32>} : memref<64x16xf32, #tpu.memory_space<vmem>>, vector<16xf32>,
      %get3A_682 = arith.constant 19 : i32
      %get3A_683 = arith.index_cast %get3A_682 : i32 to index
      %get3A_684 = arith.constant 0 : index
      %get3A_685 = tpu.vector_load %arg14[%get3A_683, %get3A_684] {strides = array<i32>} : memref<64x16xf32, #tpu.memory_space<vmem>>, vector<16xf32>,
      %get3A_686 = arith.constant 20 : i32
      %get3A_687 = arith.index_cast %get3A_686 : i32 to index
      %get3A_688 = arith.constant 0 : index
      %get3A_689 = tpu.vector_load %arg14[%get3A_687, %get3A_688] {strides = array<i32>} : memref<64x16xf32, #tpu.memory_space<vmem>>, vector<16xf32>,
      %get3A_690 = arith.constant 21 : i32
      %get3A_691 = arith.index_cast %get3A_690 : i32 to index
      %get3A_692 = arith.constant 0 : index
      %get3A_693 = tpu.vector_load %arg14[%get3A_691, %get3A_692] {strides = array<i32>} : memref<64x16xf32, #tpu.memory_space<vmem>>, vector<16xf32>,
      %get3A_694 = arith.constant 22 : i32
      %get3A_695 = arith.index_cast %get3A_694 : i32 to index
      %get3A_696 = arith.constant 0 : index
      %get3A_697 = tpu.vector_load %arg14[%get3A_695, %get3A_696] {strides = array<i32>} : memref<64x16xf32, #tpu.memory_space<vmem>>, vector<16xf32>,
      %get3A_698 = arith.constant 23 : i32
      %get3A_699 = arith.index_cast %get3A_698 : i32 to index
      %get3A_700 = arith.constant 0 : index
      %get3A_701 = tpu.vector_load %arg14[%get3A_699, %get3A_700] {strides = array<i32>} : memref<64x16xf32, #tpu.memory_space<vmem>>, vector<16xf32>,
      %get3A_702 = arith.constant 24 : i32
      %get3A_703 = arith.index_cast %get3A_702 : i32 to index
      %get3A_704 = arith.constant 0 : index
      %get3A_705 = tpu.vector_load %arg14[%get3A_703, %get3A_704] {strides = array<i32>} : memref<64x16xf32, #tpu.memory_space<vmem>>, vector<16xf32>,
      %get3A_706 = arith.constant 25 : i32
      %get3A_707 = arith.index_cast %get3A_706 : i32 to index
      %get3A_708 = arith.constant 0 : index
      %get3A_709 = tpu.vector_load %arg14[%get3A_707, %get3A_708] {strides = array<i32>} : memref<64x16xf32, #tpu.memory_space<vmem>>, vector<16xf32>,
      %get3A_710 = arith.constant 26 : i32
      %get3A_711 = arith.index_cast %get3A_710 : i32 to index
      %get3A_712 = arith.constant 0 : index
      %get3A_713 = tpu.vector_load %arg14[%get3A_711, %get3A_712] {strides = array<i32>} : memref<64x16xf32, #tpu.memory_space<vmem>>, vector<16xf32>,
      %get3A_714 = arith.constant 27 : i32
      %get3A_715 = arith.index_cast %get3A_714 : i32 to index
      %get3A_716 = arith.constant 0 : index
      %get3A_717 = tpu.vector_load %arg14[%get3A_715, %get3A_716] {strides = array<i32>} : memref<64x16xf32, #tpu.memory_space<vmem>>, vector<16xf32>,
      %get3A_718 = arith.constant 28 : i32
      %get3A_719 = arith.index_cast %get3A_718 : i32 to index
      %get3A_720 = arith.constant 0 : index
      %get3A_721 = tpu.vector_load %arg14[%get3A_719, %get3A_720] {strides = array<i32>} : memref<64x16xf32, #tpu.memory_space<vmem>>, vector<16xf32>,
      %get3A_722 = arith.constant 29 : i32
      %get3A_723 = arith.index_cast %get3A_722 : i32 to index
      %get3A_724 = arith.constant 0 : index
      %get3A_725 = tpu.vector_load %arg14[%get3A_723, %get3A_724] {strides = array<i32>} : memref<64x16xf32, #tpu.memory_space<vmem>>, vector<16xf32>,
      %get3A_726 = arith.constant 30 : i32
      %get3A_727 = arith.index_cast %get3A_726 : i32 to index
      %get3A_728 = arith.constant 0 : index
      %get3A_729 = tpu.vector_load %arg14[%get3A_727, %get3A_728] {strides = array<i32>} : memref<64x16xf32, #tpu.memory_space<vmem>>, vector<16xf32>,
      %get3A_730 = arith.constant 31 : i32
      %get3A_731 = arith.index_cast %get3A_730 : i32 to index
      %get3A_732 = arith.constant 0 : index
      %get3A_733 = tpu.vector_load %arg14[%get3A_731, %get3A_732] {strides = array<i32>} : memref<64x16xf32, #tpu.memory_space<vmem>>, vector<16xf32>,
      %min3A_734 = arith.minimumf %get3A_673, %get3A_677 : vector<16xf32>
      %min3A_735 = arith.minimumf %get3A_681, %get3A_685 : vector<16xf32>
      %min3A_736 = arith.minimumf %get3A_689, %get3A_693 : vector<16xf32>
      %min3A_737 = arith.minimumf %get3A_697, %get3A_701 : vector<16xf32>
      %min3A_738 = arith.minimumf %get3A_705, %get3A_709 : vector<16xf32>
      %min3A_739 = arith.minimumf %get3A_713, %get3A_717 : vector<16xf32>
      %min3A_740 = arith.minimumf %get3A_721, %get3A_725 : vector<16xf32>
      %min3A_741 = arith.minimumf %get3A_729, %get3A_733 : vector<16xf32>
      %min3A_742 = arith.minimumf %min3A_734, %min3A_735 : vector<16xf32>
      %min3A_743 = arith.minimumf %min3A_736, %min3A_737 : vector<16xf32>
      %min3A_744 = arith.minimumf %min3A_738, %min3A_739 : vector<16xf32>
      %min3A_745 = arith.minimumf %min3A_740, %min3A_741 : vector<16xf32>
      %min3A_746 = arith.minimumf %min3A_742, %min3A_743 : vector<16xf32>
      %min3A_747 = arith.minimumf %min3A_744, %min3A_745 : vector<16xf32>
      %min3A_748 = arith.minimumf %min3A_746, %min3A_747 : vector<16xf32>
      %swap3A_749 = arith.constant 1 : i32
      %swap3A_750 = arith.index_cast %swap3A_749 : i32 to index
      %swap3A_751 = arith.constant 0 : index
      %swap3A_752 = tpu.vector_load %arg18[%swap3A_750, %swap3A_751] {strides = array<i32>} : memref<4x16xf32, #tpu.memory_space<vmem>>, vector<16xf32>,
      tpu.vector_store %arg18[%swap3A_750, %swap3A_751], %min3A_748 {strides = array<i32>} : memref<4x16xf32, #tpu.memory_space<vmem>>, vector<16xf32>,
      %get3A_753 = arith.constant 32 : i32
      %get3A_754 = arith.index_cast %get3A_753 : i32 to index
      %get3A_755 = arith.constant 0 : index
      %get3A_756 = tpu.vector_load %arg14[%get3A_754, %get3A_755] {strides = array<i32>} : memref<64x16xf32, #tpu.memory_space<vmem>>, vector<16xf32>,
      %get3A_757 = arith.constant 33 : i32
      %get3A_758 = arith.index_cast %get3A_757 : i32 to index
      %get3A_759 = arith.constant 0 : index
      %get3A_760 = tpu.vector_load %arg14[%get3A_758, %get3A_759] {strides = array<i32>} : memref<64x16xf32, #tpu.memory_space<vmem>>, vector<16xf32>,
      %get3A_761 = arith.constant 34 : i32
      %get3A_762 = arith.index_cast %get3A_761 : i32 to index
      %get3A_763 = arith.constant 0 : index
      %get3A_764 = tpu.vector_load %arg14[%get3A_762, %get3A_763] {strides = array<i32>} : memref<64x16xf32, #tpu.memory_space<vmem>>, vector<16xf32>,
      %get3A_765 = arith.constant 35 : i32
      %get3A_766 = arith.index_cast %get3A_765 : i32 to index
      %get3A_767 = arith.constant 0 : index
      %get3A_768 = tpu.vector_load %arg14[%get3A_766, %get3A_767] {strides = array<i32>} : memref<64x16xf32, #tpu.memory_space<vmem>>, vector<16xf32>,
      %get3A_769 = arith.constant 36 : i32
      %get3A_770 = arith.index_cast %get3A_769 : i32 to index
      %get3A_771 = arith.constant 0 : index
      %get3A_772 = tpu.vector_load %arg14[%get3A_770, %get3A_771] {strides = array<i32>} : memref<64x16xf32, #tpu.memory_space<vmem>>, vector<16xf32>,
      %get3A_773 = arith.constant 37 : i32
      %get3A_774 = arith.index_cast %get3A_773 : i32 to index
      %get3A_775 = arith.constant 0 : index
      %get3A_776 = tpu.vector_load %arg14[%get3A_774, %get3A_775] {strides = array<i32>} : memref<64x16xf32, #tpu.memory_space<vmem>>, vector<16xf32>,
      %get3A_777 = arith.constant 38 : i32
      %get3A_778 = arith.index_cast %get3A_777 : i32 to index
      %get3A_779 = arith.constant 0 : index
      %get3A_780 = tpu.vector_load %arg14[%get3A_778, %get3A_779] {strides = array<i32>} : memref<64x16xf32, #tpu.memory_space<vmem>>, vector<16xf32>,
      %get3A_781 = arith.constant 39 : i32
      %get3A_782 = arith.index_cast %get3A_781 : i32 to index
      %get3A_783 = arith.constant 0 : index
      %get3A_784 = tpu.vector_load %arg14[%get3A_782, %get3A_783] {strides = array<i32>} : memref<64x16xf32, #tpu.memory_space<vmem>>, vector<16xf32>,
      %get3A_785 = arith.constant 40 : i32
      %get3A_786 = arith.index_cast %get3A_785 : i32 to index
      %get3A_787 = arith.constant 0 : index
      %get3A_788 = tpu.vector_load %arg14[%get3A_786, %get3A_787] {strides = array<i32>} : memref<64x16xf32, #tpu.memory_space<vmem>>, vector<16xf32>,
      %get3A_789 = arith.constant 41 : i32
      %get3A_790 = arith.index_cast %get3A_789 : i32 to index
      %get3A_791 = arith.constant 0 : index
      %get3A_792 = tpu.vector_load %arg14[%get3A_790, %get3A_791] {strides = array<i32>} : memref<64x16xf32, #tpu.memory_space<vmem>>, vector<16xf32>,
      %get3A_793 = arith.constant 42 : i32
      %get3A_794 = arith.index_cast %get3A_793 : i32 to index
      %get3A_795 = arith.constant 0 : index
      %get3A_796 = tpu.vector_load %arg14[%get3A_794, %get3A_795] {strides = array<i32>} : memref<64x16xf32, #tpu.memory_space<vmem>>, vector<16xf32>,
      %get3A_797 = arith.constant 43 : i32
      %get3A_798 = arith.index_cast %get3A_797 : i32 to index
      %get3A_799 = arith.constant 0 : index
      %get3A_800 = tpu.vector_load %arg14[%get3A_798, %get3A_799] {strides = array<i32>} : memref<64x16xf32, #tpu.memory_space<vmem>>, vector<16xf32>,
      %get3A_801 = arith.constant 44 : i32
      %get3A_802 = arith.index_cast %get3A_801 : i32 to index
      %get3A_803 = arith.constant 0 : index
      %get3A_804 = tpu.vector_load %arg14[%get3A_802, %get3A_803] {strides = array<i32>} : memref<64x16xf32, #tpu.memory_space<vmem>>, vector<16xf32>,
      %get3A_805 = arith.constant 45 : i32
      %get3A_806 = arith.index_cast %get3A_805 : i32 to index
      %get3A_807 = arith.constant 0 : index
      %get3A_808 = tpu.vector_load %arg14[%get3A_806, %get3A_807] {strides = array<i32>} : memref<64x16xf32, #tpu.memory_space<vmem>>, vector<16xf32>,
      %get3A_809 = arith.constant 46 : i32
      %get3A_810 = arith.index_cast %get3A_809 : i32 to index
      %get3A_811 = arith.constant 0 : index
      %get3A_812 = tpu.vector_load %arg14[%get3A_810, %get3A_811] {strides = array<i32>} : memref<64x16xf32, #tpu.memory_space<vmem>>, vector<16xf32>,
      %get3A_813 = arith.constant 47 : i32
      %get3A_814 = arith.index_cast %get3A_813 : i32 to index
      %get3A_815 = arith.constant 0 : index
      %get3A_816 = tpu.vector_load %arg14[%get3A_814, %get3A_815] {strides = array<i32>} : memref<64x16xf32, #tpu.memory_space<vmem>>, vector<16xf32>,
      %min3A_817 = arith.minimumf %get3A_756, %get3A_760 : vector<16xf32>
      %min3A_818 = arith.minimumf %get3A_764, %get3A_768 : vector<16xf32>
      %min3A_819 = arith.minimumf %get3A_772, %get3A_776 : vector<16xf32>
      %min3A_820 = arith.minimumf %get3A_780, %get3A_784 : vector<16xf32>
      %min3A_821 = arith.minimumf %get3A_788, %get3A_792 : vector<16xf32>
      %min3A_822 = arith.minimumf %get3A_796, %get3A_800 : vector<16xf32>
      %min3A_823 = arith.minimumf %get3A_804, %get3A_808 : vector<16xf32>
      %min3A_824 = arith.minimumf %get3A_812, %get3A_816 : vector<16xf32>
      %min3A_825 = arith.minimumf %min3A_817, %min3A_818 : vector<16xf32>
      %min3A_826 = arith.minimumf %min3A_819, %min3A_820 : vector<16xf32>
      %min3A_827 = arith.minimumf %min3A_821, %min3A_822 : vector<16xf32>
      %min3A_828 = arith.minimumf %min3A_823, %min3A_824 : vector<16xf32>
      %min3A_829 = arith.minimumf %min3A_825, %min3A_826 : vector<16xf32>
      %min3A_830 = arith.minimumf %min3A_827, %min3A_828 : vector<16xf32>
      %min3A_831 = arith.minimumf %min3A_829, %min3A_830 : vector<16xf32>
      %swap3A_832 = arith.constant 2 : i32
      %swap3A_833 = arith.index_cast %swap3A_832 : i32 to index
      %swap3A_834 = arith.constant 0 : index
      %swap3A_835 = tpu.vector_load %arg18[%swap3A_833, %swap3A_834] {strides = array<i32>} : memref<4x16xf32, #tpu.memory_space<vmem>>, vector<16xf32>,
      tpu.vector_store %arg18[%swap3A_833, %swap3A_834], %min3A_831 {strides = array<i32>} : memref<4x16xf32, #tpu.memory_space<vmem>>, vector<16xf32>,
      %get3A_836 = arith.constant 48 : i32
      %get3A_837 = arith.index_cast %get3A_836 : i32 to index
      %get3A_838 = arith.constant 0 : index
      %get3A_839 = tpu.vector_load %arg14[%get3A_837, %get3A_838] {strides = array<i32>} : memref<64x16xf32, #tpu.memory_space<vmem>>, vector<16xf32>,
      %get3A_840 = arith.constant 49 : i32
      %get3A_841 = arith.index_cast %get3A_840 : i32 to index
      %get3A_842 = arith.constant 0 : index
      %get3A_843 = tpu.vector_load %arg14[%get3A_841, %get3A_842] {strides = array<i32>} : memref<64x16xf32, #tpu.memory_space<vmem>>, vector<16xf32>,
      %get3A_844 = arith.constant 50 : i32
      %get3A_845 = arith.index_cast %get3A_844 : i32 to index
      %get3A_846 = arith.constant 0 : index
      %get3A_847 = tpu.vector_load %arg14[%get3A_845, %get3A_846] {strides = array<i32>} : memref<64x16xf32, #tpu.memory_space<vmem>>, vector<16xf32>,
      %get3A_848 = arith.constant 51 : i32
      %get3A_849 = arith.index_cast %get3A_848 : i32 to index
      %get3A_850 = arith.constant 0 : index
      %get3A_851 = tpu.vector_load %arg14[%get3A_849, %get3A_850] {strides = array<i32>} : memref<64x16xf32, #tpu.memory_space<vmem>>, vector<16xf32>,
      %get3A_852 = arith.constant 52 : i32
      %get3A_853 = arith.index_cast %get3A_852 : i32 to index
      %get3A_854 = arith.constant 0 : index
      %get3A_855 = tpu.vector_load %arg14[%get3A_853, %get3A_854] {strides = array<i32>} : memref<64x16xf32, #tpu.memory_space<vmem>>, vector<16xf32>,
      %get3A_856 = arith.constant 53 : i32
      %get3A_857 = arith.index_cast %get3A_856 : i32 to index
      %get3A_858 = arith.constant 0 : index
      %get3A_859 = tpu.vector_load %arg14[%get3A_857, %get3A_858] {strides = array<i32>} : memref<64x16xf32, #tpu.memory_space<vmem>>, vector<16xf32>,
      %get3A_860 = arith.constant 54 : i32
      %get3A_861 = arith.index_cast %get3A_860 : i32 to index
      %get3A_862 = arith.constant 0 : index
      %get3A_863 = tpu.vector_load %arg14[%get3A_861, %get3A_862] {strides = array<i32>} : memref<64x16xf32, #tpu.memory_space<vmem>>, vector<16xf32>,
      %get3A_864 = arith.constant 55 : i32
      %get3A_865 = arith.index_cast %get3A_864 : i32 to index
      %get3A_866 = arith.constant 0 : index
      %get3A_867 = tpu.vector_load %arg14[%get3A_865, %get3A_866] {strides = array<i32>} : memref<64x16xf32, #tpu.memory_space<vmem>>, vector<16xf32>,
      %get3A_868 = arith.constant 56 : i32
      %get3A_869 = arith.index_cast %get3A_868 : i32 to index
      %get3A_870 = arith.constant 0 : index
      %get3A_871 = tpu.vector_load %arg14[%get3A_869, %get3A_870] {strides = array<i32>} : memref<64x16xf32, #tpu.memory_space<vmem>>, vector<16xf32>,
      %get3A_872 = arith.constant 57 : i32
      %get3A_873 = arith.index_cast %get3A_872 : i32 to index
      %get3A_874 = arith.constant 0 : index
      %get3A_875 = tpu.vector_load %arg14[%get3A_873, %get3A_874] {strides = array<i32>} : memref<64x16xf32, #tpu.memory_space<vmem>>, vector<16xf32>,
      %get3A_876 = arith.constant 58 : i32
      %get3A_877 = arith.index_cast %get3A_876 : i32 to index
      %get3A_878 = arith.constant 0 : index
      %get3A_879 = tpu.vector_load %arg14[%get3A_877, %get3A_878] {strides = array<i32>} : memref<64x16xf32, #tpu.memory_space<vmem>>, vector<16xf32>,
      %get3A_880 = arith.constant 59 : i32
      %get3A_881 = arith.index_cast %get3A_880 : i32 to index
      %get3A_882 = arith.constant 0 : index
      %get3A_883 = tpu.vector_load %arg14[%get3A_881, %get3A_882] {strides = array<i32>} : memref<64x16xf32, #tpu.memory_space<vmem>>, vector<16xf32>,
      %get3A_884 = arith.constant 60 : i32
      %get3A_885 = arith.index_cast %get3A_884 : i32 to index
      %get3A_886 = arith.constant 0 : index
      %get3A_887 = tpu.vector_load %arg14[%get3A_885, %get3A_886] {strides = array<i32>} : memref<64x16xf32, #tpu.memory_space<vmem>>, vector<16xf32>,
      %get3A_888 = arith.constant 61 : i32
      %get3A_889 = arith.index_cast %get3A_888 : i32 to index
      %get3A_890 = arith.constant 0 : index
      %get3A_891 = tpu.vector_load %arg14[%get3A_889, %get3A_890] {strides = array<i32>} : memref<64x16xf32, #tpu.memory_space<vmem>>, vector<16xf32>,
      %get3A_892 = arith.constant 62 : i32
      %get3A_893 = arith.index_cast %get3A_892 : i32 to index
      %get3A_894 = arith.constant 0 : index
      %get3A_895 = tpu.vector_load %arg14[%get3A_893, %get3A_894] {strides = array<i32>} : memref<64x16xf32, #tpu.memory_space<vmem>>, vector<16xf32>,
      %get3A_896 = arith.constant 63 : i32
      %get3A_897 = arith.index_cast %get3A_896 : i32 to index
      %get3A_898 = arith.constant 0 : index
      %get3A_899 = tpu.vector_load %arg14[%get3A_897, %get3A_898] {strides = array<i32>} : memref<64x16xf32, #tpu.memory_space<vmem>>, vector<16xf32>,
      %min3A_900 = arith.minimumf %get3A_839, %get3A_843 : vector<16xf32>
      %min3A_901 = arith.minimumf %get3A_847, %get3A_851 : vector<16xf32>
      %min3A_902 = arith.minimumf %get3A_855, %get3A_859 : vector<16xf32>
      %min3A_903 = arith.minimumf %get3A_863, %get3A_867 : vector<16xf32>
      %min3A_904 = arith.minimumf %get3A_871, %get3A_875 : vector<16xf32>
      %min3A_905 = arith.minimumf %get3A_879, %get3A_883 : vector<16xf32>
      %min3A_906 = arith.minimumf %get3A_887, %get3A_891 : vector<16xf32>
      %min3A_907 = arith.minimumf %get3A_895, %get3A_899 : vector<16xf32>
      %min3A_908 = arith.minimumf %min3A_900, %min3A_901 : vector<16xf32>
      %min3A_909 = arith.minimumf %min3A_902, %min3A_903 : vector<16xf32>
      %min3A_910 = arith.minimumf %min3A_904, %min3A_905 : vector<16xf32>
      %min3A_911 = arith.minimumf %min3A_906, %min3A_907 : vector<16xf32>
      %min3A_912 = arith.minimumf %min3A_908, %min3A_909 : vector<16xf32>
      %min3A_913 = arith.minimumf %min3A_910, %min3A_911 : vector<16xf32>
      %min3A_914 = arith.minimumf %min3A_912, %min3A_913 : vector<16xf32>
      %swap3A_915 = arith.constant 3 : i32
      %swap3A_916 = arith.index_cast %swap3A_915 : i32 to index
      %swap3A_917 = arith.constant 0 : index
      %swap3A_918 = tpu.vector_load %arg18[%swap3A_916, %swap3A_917] {strides = array<i32>} : memref<4x16xf32, #tpu.memory_space<vmem>>, vector<16xf32>,
      tpu.vector_store %arg18[%swap3A_916, %swap3A_917], %min3A_914 {strides = array<i32>} : memref<4x16xf32, #tpu.memory_space<vmem>>, vector<16xf32>,
      %broadcast_in_dim3A_919 = arith.constant 0.000000e+00 : f32
      %broadcast_in_dim3A_920 = vector.broadcast %broadcast_in_dim3A_919 : f32 to vector<16xf32>
      %broadcast_in_dim3A_921 = arith.constant 0.000000e+00 : f32
      %broadcast_in_dim3A_922 = vector.broadcast %broadcast_in_dim3A_921 : f32 to vector<16xf32>
      %broadcast_in_dim3A_923 = arith.constant 0 : i32
      %broadcast_in_dim3A_924 = vector.broadcast %broadcast_in_dim3A_923 : i32 to vector<16xi32>
      %broadcast_in_dim3A_925 = arith.constant 0 : i32
      %broadcast_in_dim3A_926 = vector.broadcast %broadcast_in_dim3A_925 : i32 to vector<16xi32>
      %broadcast_in_dim3A_927 = arith.constant 0.000000e+00 : f32
      %broadcast_in_dim3A_928 = vector.broadcast %broadcast_in_dim3A_927 : f32 to vector<16xf32>
      %broadcast_in_dim3A_929 = arith.constant 0.000000e+00 : f32
      %broadcast_in_dim3A_930 = vector.broadcast %broadcast_in_dim3A_929 : f32 to vector<16xf32>
      %broadcast_in_dim3A_931 = arith.constant 0 : i32
      %broadcast_in_dim3A_932 = vector.broadcast %broadcast_in_dim3A_931 : i32 to vector<16xi32>
      %broadcast_in_dim3A_933 = arith.constant 0 : i32
      %broadcast_in_dim3A_934 = vector.broadcast %broadcast_in_dim3A_933 : i32 to vector<16xi32>
      %scan3A_935 = arith.constant 0 : i32
      %scan3A_936 = arith.constant 32 : i32
      %scan3A_937 = arith.addi %scan3A_935, %scan3A_936 : i32
      %scan3A_938 = arith.constant 1 : i32
      %scan3A_939:8 = scf.for %scan3A_1188 = %scan3A_935 to %scan3A_937 step %scan3A_938 iter_args(%scan3A_1189 = %broadcast_in_dim3A_920, %scan3A_1190 = %broadcast_in_dim3A_922, %scan3A_1191 = %broadcast_in_dim3A_924, %scan3A_1192 = %broadcast_in_dim3A_926, %scan3A_1193 = %broadcast_in_dim3A_928, %scan3A_1194 = %broadcast_in_dim3A_930, %scan3A_1195 = %broadcast_in_dim3A_932, %scan3A_1196 = %broadcast_in_dim3A_934) -> (vector<16xf32>, vector<16xf32>, vector<16xi32>, vector<16xi32>, vector<16xf32>, vector<16xf32>, vector<16xi32>, vector<16xi32>)  : i32 {
        %get3A_1197 = arith.constant 0 : i32
        %get3A_1198 = arith.index_cast %get3A_1197 : i32 to index
        %get3A_1199 = arith.constant 0 : index
        %get3A_1200 = tpu.vector_load %arg17[%get3A_1198, %get3A_1199] {strides = array<i32>} : memref<4x16xf32, #tpu.memory_space<vmem>>, vector<16xf32>,
        %get3A_1201 = arith.constant 1 : i32
        %get3A_1202 = arith.index_cast %get3A_1201 : i32 to index
        %get3A_1203 = arith.constant 0 : index
        %get3A_1204 = tpu.vector_load %arg17[%get3A_1202, %get3A_1203] {strides = array<i32>} : memref<4x16xf32, #tpu.memory_space<vmem>>, vector<16xf32>,
        %get3A_1205 = arith.constant 2 : i32
        %get3A_1206 = arith.index_cast %get3A_1205 : i32 to index
        %get3A_1207 = arith.constant 0 : index
        %get3A_1208 = tpu.vector_load %arg17[%get3A_1206, %get3A_1207] {strides = array<i32>} : memref<4x16xf32, #tpu.memory_space<vmem>>, vector<16xf32>,
        %get3A_1209 = arith.constant 3 : i32
        %get3A_1210 = arith.index_cast %get3A_1209 : i32 to index
        %get3A_1211 = arith.constant 0 : index
        %get3A_1212 = tpu.vector_load %arg17[%get3A_1210, %get3A_1211] {strides = array<i32>} : memref<4x16xf32, #tpu.memory_space<vmem>>, vector<16xf32>,
        %min3A_1213 = arith.minimumf %get3A_1200, %get3A_1204 : vector<16xf32>
        %min3A_1214 = arith.minimumf %get3A_1208, %get3A_1212 : vector<16xf32>
        %min3A_1215 = arith.minimumf %min3A_1213, %min3A_1214 : vector<16xf32>
        %reduce_min3A_1216 = arith.constant true
        %reduce_min3A_1217 = vector.broadcast %reduce_min3A_1216 : i1 to vector<16xi1>
        %reduce_min3A_1218 = tpu.scan <min>, %min3A_1215 masked %reduce_min3A_1217 : vector<16xf32>, vector<16xi1> -> vector<16xf32>
        %reduce_min3A_1219 = vector.extract %reduce_min3A_1218[15] : f32 from vector<16xf32>
        %eq3A_1220 = vector.broadcast %reduce_min3A_1219 : f32 to vector<16xf32>
        %eq3A_1221 = arith.cmpf oeq, %get3A_1200, %eq3A_1220 : vector<16xf32>
        %jit3A_1222 = arith.constant 0 : i32
        %jit3A_1223 = arith.constant 1048576 : i32
        %broadcast_in_dim3A_1224 = vector.broadcast %jit3A_1222 : i32 to vector<16xi32>
        %broadcast_in_dim3A_1225 = vector.broadcast %jit3A_1223 : i32 to vector<16xi32>
        %select_n3A_1226 = arith.select %eq3A_1221, %broadcast_in_dim3A_1224, %broadcast_in_dim3A_1225 : vector<16xi1>, vector<16xi32>
        %eq3A_1227 = vector.broadcast %reduce_min3A_1219 : f32 to vector<16xf32>
        %eq3A_1228 = arith.cmpf oeq, %get3A_1204, %eq3A_1227 : vector<16xf32>
        %jit3A_1229 = arith.constant 1 : i32
        %jit3A_1230 = arith.constant 1048576 : i32
        %broadcast_in_dim3A_1231 = vector.broadcast %jit3A_1229 : i32 to vector<16xi32>
        %broadcast_in_dim3A_1232 = vector.broadcast %jit3A_1230 : i32 to vector<16xi32>
        %select_n3A_1233 = arith.select %eq3A_1228, %broadcast_in_dim3A_1231, %broadcast_in_dim3A_1232 : vector<16xi1>, vector<16xi32>
        %eq3A_1234 = vector.broadcast %reduce_min3A_1219 : f32 to vector<16xf32>
        %eq3A_1235 = arith.cmpf oeq, %get3A_1208, %eq3A_1234 : vector<16xf32>
        %jit3A_1236 = arith.constant 2 : i32
        %jit3A_1237 = arith.constant 1048576 : i32
        %broadcast_in_dim3A_1238 = vector.broadcast %jit3A_1236 : i32 to vector<16xi32>
        %broadcast_in_dim3A_1239 = vector.broadcast %jit3A_1237 : i32 to vector<16xi32>
        %select_n3A_1240 = arith.select %eq3A_1235, %broadcast_in_dim3A_1238, %broadcast_in_dim3A_1239 : vector<16xi1>, vector<16xi32>
        %eq3A_1241 = vector.broadcast %reduce_min3A_1219 : f32 to vector<16xf32>
        %eq3A_1242 = arith.cmpf oeq, %get3A_1212, %eq3A_1241 : vector<16xf32>
        %jit3A_1243 = arith.constant 3 : i32
        %jit3A_1244 = arith.constant 1048576 : i32
        %broadcast_in_dim3A_1245 = vector.broadcast %jit3A_1243 : i32 to vector<16xi32>
        %broadcast_in_dim3A_1246 = vector.broadcast %jit3A_1244 : i32 to vector<16xi32>
        %select_n3A_1247 = arith.select %eq3A_1242, %broadcast_in_dim3A_1245, %broadcast_in_dim3A_1246 : vector<16xi1>, vector<16xi32>
        %min3A_1248 = arith.minsi %select_n3A_1226, %select_n3A_1233 : vector<16xi32>
        %min3A_1249 = arith.minsi %select_n3A_1240, %select_n3A_1247 : vector<16xi32>
        %min3A_1250 = arith.minsi %min3A_1248, %min3A_1249 : vector<16xi32>
        %reduce_min3A_1251 = arith.constant true
        %reduce_min3A_1252 = vector.broadcast %reduce_min3A_1251 : i1 to vector<16xi1>
        %reduce_min3A_1253 = arith.constant -2147483648 : i32
        %reduce_min3A_1254 = vector.broadcast %reduce_min3A_1253 : i32 to vector<16xi32>
        %reduce_min3A_1255 = arith.xori %min3A_1250, %reduce_min3A_1254 : vector<16xi32>
        %reduce_min3A_1256 = tpu.scan <min>, %reduce_min3A_1255 masked %reduce_min3A_1252 : vector<16xi32>, vector<16xi1> -> vector<16xi32>
        %reduce_min3A_1257 = arith.xori %reduce_min3A_1256, %reduce_min3A_1254 : vector<16xi32>
        %reduce_min3A_1258 = vector.extract %reduce_min3A_1257[15] : i32 from vector<16xi32>
        %mul3A_1259 = arith.constant 16 : i32
        %mul3A_1260 = arith.muli %reduce_min3A_1258, %mul3A_1259 : i32
        %add3A_1261 = arith.constant 0 : i32
        %add3A_1262 = arith.addi %mul3A_1260, %add3A_1261 : i32
        %get3A_1263 = arith.index_cast %add3A_1262 : i32 to index
        %get3A_1264 = arith.constant 0 : index
        %get3A_1265 = tpu.vector_load %arg13[%get3A_1263, %get3A_1264] {strides = array<i32>} : memref<64x16xf32, #tpu.memory_space<vmem>>, vector<16xf32>,
        %mul3A_1266 = arith.constant 16 : i32
        %mul3A_1267 = arith.muli %reduce_min3A_1258, %mul3A_1266 : i32
        %add3A_1268 = arith.constant 1 : i32
        %add3A_1269 = arith.addi %mul3A_1267, %add3A_1268 : i32
        %get3A_1270 = arith.index_cast %add3A_1269 : i32 to index
        %get3A_1271 = arith.constant 0 : index
        %get3A_1272 = tpu.vector_load %arg13[%get3A_1270, %get3A_1271] {strides = array<i32>} : memref<64x16xf32, #tpu.memory_space<vmem>>, vector<16xf32>,
        %mul3A_1273 = arith.constant 16 : i32
        %mul3A_1274 = arith.muli %reduce_min3A_1258, %mul3A_1273 : i32
        %add3A_1275 = arith.constant 2 : i32
        %add3A_1276 = arith.addi %mul3A_1274, %add3A_1275 : i32
        %get3A_1277 = arith.index_cast %add3A_1276 : i32 to index
        %get3A_1278 = arith.constant 0 : index
        %get3A_1279 = tpu.vector_load %arg13[%get3A_1277, %get3A_1278] {strides = array<i32>} : memref<64x16xf32, #tpu.memory_space<vmem>>, vector<16xf32>,
        %mul3A_1280 = arith.constant 16 : i32
        %mul3A_1281 = arith.muli %reduce_min3A_1258, %mul3A_1280 : i32
        %add3A_1282 = arith.constant 3 : i32
        %add3A_1283 = arith.addi %mul3A_1281, %add3A_1282 : i32
        %get3A_1284 = arith.index_cast %add3A_1283 : i32 to index
        %get3A_1285 = arith.constant 0 : index
        %get3A_1286 = tpu.vector_load %arg13[%get3A_1284, %get3A_1285] {strides = array<i32>} : memref<64x16xf32, #tpu.memory_space<vmem>>, vector<16xf32>,
        %mul3A_1287 = arith.constant 16 : i32
        %mul3A_1288 = arith.muli %reduce_min3A_1258, %mul3A_1287 : i32
        %add3A_1289 = arith.constant 4 : i32
        %add3A_1290 = arith.addi %mul3A_1288, %add3A_1289 : i32
        %get3A_1291 = arith.index_cast %add3A_1290 : i32 to index
        %get3A_1292 = arith.constant 0 : index
        %get3A_1293 = tpu.vector_load %arg13[%get3A_1291, %get3A_1292] {strides = array<i32>} : memref<64x16xf32, #tpu.memory_space<vmem>>, vector<16xf32>,
        %mul3A_1294 = arith.constant 16 : i32
        %mul3A_1295 = arith.muli %reduce_min3A_1258, %mul3A_1294 : i32
        %add3A_1296 = arith.constant 5 : i32
        %add3A_1297 = arith.addi %mul3A_1295, %add3A_1296 : i32
        %get3A_1298 = arith.index_cast %add3A_1297 : i32 to index
        %get3A_1299 = arith.constant 0 : index
        %get3A_1300 = tpu.vector_load %arg13[%get3A_1298, %get3A_1299] {strides = array<i32>} : memref<64x16xf32, #tpu.memory_space<vmem>>, vector<16xf32>,
        %mul3A_1301 = arith.constant 16 : i32
        %mul3A_1302 = arith.muli %reduce_min3A_1258, %mul3A_1301 : i32
        %add3A_1303 = arith.constant 6 : i32
        %add3A_1304 = arith.addi %mul3A_1302, %add3A_1303 : i32
        %get3A_1305 = arith.index_cast %add3A_1304 : i32 to index
        %get3A_1306 = arith.constant 0 : index
        %get3A_1307 = tpu.vector_load %arg13[%get3A_1305, %get3A_1306] {strides = array<i32>} : memref<64x16xf32, #tpu.memory_space<vmem>>, vector<16xf32>,
        %mul3A_1308 = arith.constant 16 : i32
        %mul3A_1309 = arith.muli %reduce_min3A_1258, %mul3A_1308 : i32
        %add3A_1310 = arith.constant 7 : i32
        %add3A_1311 = arith.addi %mul3A_1309, %add3A_1310 : i32
        %get3A_1312 = arith.index_cast %add3A_1311 : i32 to index
        %get3A_1313 = arith.constant 0 : index
        %get3A_1314 = tpu.vector_load %arg13[%get3A_1312, %get3A_1313] {strides = array<i32>} : memref<64x16xf32, #tpu.memory_space<vmem>>, vector<16xf32>,
        %mul3A_1315 = arith.constant 16 : i32
        %mul3A_1316 = arith.muli %reduce_min3A_1258, %mul3A_1315 : i32
        %add3A_1317 = arith.constant 8 : i32
        %add3A_1318 = arith.addi %mul3A_1316, %add3A_1317 : i32
        %get3A_1319 = arith.index_cast %add3A_1318 : i32 to index
        %get3A_1320 = arith.constant 0 : index
        %get3A_1321 = tpu.vector_load %arg13[%get3A_1319, %get3A_1320] {strides = array<i32>} : memref<64x16xf32, #tpu.memory_space<vmem>>, vector<16xf32>,
        %mul3A_1322 = arith.constant 16 : i32
        %mul3A_1323 = arith.muli %reduce_min3A_1258, %mul3A_1322 : i32
        %add3A_1324 = arith.constant 9 : i32
        %add3A_1325 = arith.addi %mul3A_1323, %add3A_1324 : i32
        %get3A_1326 = arith.index_cast %add3A_1325 : i32 to index
        %get3A_1327 = arith.constant 0 : index
        %get3A_1328 = tpu.vector_load %arg13[%get3A_1326, %get3A_1327] {strides = array<i32>} : memref<64x16xf32, #tpu.memory_space<vmem>>, vector<16xf32>,
        %mul3A_1329 = arith.constant 16 : i32
        %mul3A_1330 = arith.muli %reduce_min3A_1258, %mul3A_1329 : i32
        %add3A_1331 = arith.constant 10 : i32
        %add3A_1332 = arith.addi %mul3A_1330, %add3A_1331 : i32
        %get3A_1333 = arith.index_cast %add3A_1332 : i32 to index
        %get3A_1334 = arith.constant 0 : index
        %get3A_1335 = tpu.vector_load %arg13[%get3A_1333, %get3A_1334] {strides = array<i32>} : memref<64x16xf32, #tpu.memory_space<vmem>>, vector<16xf32>,
        %mul3A_1336 = arith.constant 16 : i32
        %mul3A_1337 = arith.muli %reduce_min3A_1258, %mul3A_1336 : i32
        %add3A_1338 = arith.constant 11 : i32
        %add3A_1339 = arith.addi %mul3A_1337, %add3A_1338 : i32
        %get3A_1340 = arith.index_cast %add3A_1339 : i32 to index
        %get3A_1341 = arith.constant 0 : index
        %get3A_1342 = tpu.vector_load %arg13[%get3A_1340, %get3A_1341] {strides = array<i32>} : memref<64x16xf32, #tpu.memory_space<vmem>>, vector<16xf32>,
        %mul3A_1343 = arith.constant 16 : i32
        %mul3A_1344 = arith.muli %reduce_min3A_1258, %mul3A_1343 : i32
        %add3A_1345 = arith.constant 12 : i32
        %add3A_1346 = arith.addi %mul3A_1344, %add3A_1345 : i32
        %get3A_1347 = arith.index_cast %add3A_1346 : i32 to index
        %get3A_1348 = arith.constant 0 : index
        %get3A_1349 = tpu.vector_load %arg13[%get3A_1347, %get3A_1348] {strides = array<i32>} : memref<64x16xf32, #tpu.memory_space<vmem>>, vector<16xf32>,
        %mul3A_1350 = arith.constant 16 : i32
        %mul3A_1351 = arith.muli %reduce_min3A_1258, %mul3A_1350 : i32
        %add3A_1352 = arith.constant 13 : i32
        %add3A_1353 = arith.addi %mul3A_1351, %add3A_1352 : i32
        %get3A_1354 = arith.index_cast %add3A_1353 : i32 to index
        %get3A_1355 = arith.constant 0 : index
        %get3A_1356 = tpu.vector_load %arg13[%get3A_1354, %get3A_1355] {strides = array<i32>} : memref<64x16xf32, #tpu.memory_space<vmem>>, vector<16xf32>,
        %mul3A_1357 = arith.constant 16 : i32
        %mul3A_1358 = arith.muli %reduce_min3A_1258, %mul3A_1357 : i32
        %add3A_1359 = arith.constant 14 : i32
        %add3A_1360 = arith.addi %mul3A_1358, %add3A_1359 : i32
        %get3A_1361 = arith.index_cast %add3A_1360 : i32 to index
        %get3A_1362 = arith.constant 0 : index
        %get3A_1363 = tpu.vector_load %arg13[%get3A_1361, %get3A_1362] {strides = array<i32>} : memref<64x16xf32, #tpu.memory_space<vmem>>, vector<16xf32>,
        %mul3A_1364 = arith.constant 16 : i32
        %mul3A_1365 = arith.muli %reduce_min3A_1258, %mul3A_1364 : i32
        %add3A_1366 = arith.constant 15 : i32
        %add3A_1367 = arith.addi %mul3A_1365, %add3A_1366 : i32
        %get3A_1368 = arith.index_cast %add3A_1367 : i32 to index
        %get3A_1369 = arith.constant 0 : index
        %get3A_1370 = tpu.vector_load %arg13[%get3A_1368, %get3A_1369] {strides = array<i32>} : memref<64x16xf32, #tpu.memory_space<vmem>>, vector<16xf32>,
        %eq3A_1371 = vector.broadcast %reduce_min3A_1219 : f32 to vector<16xf32>
        %eq3A_1372 = arith.cmpf oeq, %get3A_1265, %eq3A_1371 : vector<16xf32>
        %jit3A_1373 = arith.constant 0 : i32
        %jit3A_1374 = arith.constant 1048576 : i32
        %broadcast_in_dim3A_1375 = vector.broadcast %jit3A_1373 : i32 to vector<16xi32>
        %broadcast_in_dim3A_1376 = vector.broadcast %jit3A_1374 : i32 to vector<16xi32>
        %select_n3A_1377 = arith.select %eq3A_1372, %broadcast_in_dim3A_1375, %broadcast_in_dim3A_1376 : vector<16xi1>, vector<16xi32>
        %eq3A_1378 = vector.broadcast %reduce_min3A_1219 : f32 to vector<16xf32>
        %eq3A_1379 = arith.cmpf oeq, %get3A_1272, %eq3A_1378 : vector<16xf32>
        %jit3A_1380 = arith.constant 1 : i32
        %jit3A_1381 = arith.constant 1048576 : i32
        %broadcast_in_dim3A_1382 = vector.broadcast %jit3A_1380 : i32 to vector<16xi32>
        %broadcast_in_dim3A_1383 = vector.broadcast %jit3A_1381 : i32 to vector<16xi32>
        %select_n3A_1384 = arith.select %eq3A_1379, %broadcast_in_dim3A_1382, %broadcast_in_dim3A_1383 : vector<16xi1>, vector<16xi32>
        %eq3A_1385 = vector.broadcast %reduce_min3A_1219 : f32 to vector<16xf32>
        %eq3A_1386 = arith.cmpf oeq, %get3A_1279, %eq3A_1385 : vector<16xf32>
        %jit3A_1387 = arith.constant 2 : i32
        %jit3A_1388 = arith.constant 1048576 : i32
        %broadcast_in_dim3A_1389 = vector.broadcast %jit3A_1387 : i32 to vector<16xi32>
        %broadcast_in_dim3A_1390 = vector.broadcast %jit3A_1388 : i32 to vector<16xi32>
        %select_n3A_1391 = arith.select %eq3A_1386, %broadcast_in_dim3A_1389, %broadcast_in_dim3A_1390 : vector<16xi1>, vector<16xi32>
        %eq3A_1392 = vector.broadcast %reduce_min3A_1219 : f32 to vector<16xf32>
        %eq3A_1393 = arith.cmpf oeq, %get3A_1286, %eq3A_1392 : vector<16xf32>
        %jit3A_1394 = arith.constant 3 : i32
        %jit3A_1395 = arith.constant 1048576 : i32
        %broadcast_in_dim3A_1396 = vector.broadcast %jit3A_1394 : i32 to vector<16xi32>
        %broadcast_in_dim3A_1397 = vector.broadcast %jit3A_1395 : i32 to vector<16xi32>
        %select_n3A_1398 = arith.select %eq3A_1393, %broadcast_in_dim3A_1396, %broadcast_in_dim3A_1397 : vector<16xi1>, vector<16xi32>
        %eq3A_1399 = vector.broadcast %reduce_min3A_1219 : f32 to vector<16xf32>
        %eq3A_1400 = arith.cmpf oeq, %get3A_1293, %eq3A_1399 : vector<16xf32>
        %jit3A_1401 = arith.constant 4 : i32
        %jit3A_1402 = arith.constant 1048576 : i32
        %broadcast_in_dim3A_1403 = vector.broadcast %jit3A_1401 : i32 to vector<16xi32>
        %broadcast_in_dim3A_1404 = vector.broadcast %jit3A_1402 : i32 to vector<16xi32>
        %select_n3A_1405 = arith.select %eq3A_1400, %broadcast_in_dim3A_1403, %broadcast_in_dim3A_1404 : vector<16xi1>, vector<16xi32>
        %eq3A_1406 = vector.broadcast %reduce_min3A_1219 : f32 to vector<16xf32>
        %eq3A_1407 = arith.cmpf oeq, %get3A_1300, %eq3A_1406 : vector<16xf32>
        %jit3A_1408 = arith.constant 5 : i32
        %jit3A_1409 = arith.constant 1048576 : i32
        %broadcast_in_dim3A_1410 = vector.broadcast %jit3A_1408 : i32 to vector<16xi32>
        %broadcast_in_dim3A_1411 = vector.broadcast %jit3A_1409 : i32 to vector<16xi32>
        %select_n3A_1412 = arith.select %eq3A_1407, %broadcast_in_dim3A_1410, %broadcast_in_dim3A_1411 : vector<16xi1>, vector<16xi32>
        %eq3A_1413 = vector.broadcast %reduce_min3A_1219 : f32 to vector<16xf32>
        %eq3A_1414 = arith.cmpf oeq, %get3A_1307, %eq3A_1413 : vector<16xf32>
        %jit3A_1415 = arith.constant 6 : i32
        %jit3A_1416 = arith.constant 1048576 : i32
        %broadcast_in_dim3A_1417 = vector.broadcast %jit3A_1415 : i32 to vector<16xi32>
        %broadcast_in_dim3A_1418 = vector.broadcast %jit3A_1416 : i32 to vector<16xi32>
        %select_n3A_1419 = arith.select %eq3A_1414, %broadcast_in_dim3A_1417, %broadcast_in_dim3A_1418 : vector<16xi1>, vector<16xi32>
        %eq3A_1420 = vector.broadcast %reduce_min3A_1219 : f32 to vector<16xf32>
        %eq3A_1421 = arith.cmpf oeq, %get3A_1314, %eq3A_1420 : vector<16xf32>
        %jit3A_1422 = arith.constant 7 : i32
        %jit3A_1423 = arith.constant 1048576 : i32
        %broadcast_in_dim3A_1424 = vector.broadcast %jit3A_1422 : i32 to vector<16xi32>
        %broadcast_in_dim3A_1425 = vector.broadcast %jit3A_1423 : i32 to vector<16xi32>
        %select_n3A_1426 = arith.select %eq3A_1421, %broadcast_in_dim3A_1424, %broadcast_in_dim3A_1425 : vector<16xi1>, vector<16xi32>
        %eq3A_1427 = vector.broadcast %reduce_min3A_1219 : f32 to vector<16xf32>
        %eq3A_1428 = arith.cmpf oeq, %get3A_1321, %eq3A_1427 : vector<16xf32>
        %jit3A_1429 = arith.constant 8 : i32
        %jit3A_1430 = arith.constant 1048576 : i32
        %broadcast_in_dim3A_1431 = vector.broadcast %jit3A_1429 : i32 to vector<16xi32>
        %broadcast_in_dim3A_1432 = vector.broadcast %jit3A_1430 : i32 to vector<16xi32>
        %select_n3A_1433 = arith.select %eq3A_1428, %broadcast_in_dim3A_1431, %broadcast_in_dim3A_1432 : vector<16xi1>, vector<16xi32>
        %eq3A_1434 = vector.broadcast %reduce_min3A_1219 : f32 to vector<16xf32>
        %eq3A_1435 = arith.cmpf oeq, %get3A_1328, %eq3A_1434 : vector<16xf32>
        %jit3A_1436 = arith.constant 9 : i32
        %jit3A_1437 = arith.constant 1048576 : i32
        %broadcast_in_dim3A_1438 = vector.broadcast %jit3A_1436 : i32 to vector<16xi32>
        %broadcast_in_dim3A_1439 = vector.broadcast %jit3A_1437 : i32 to vector<16xi32>
        %select_n3A_1440 = arith.select %eq3A_1435, %broadcast_in_dim3A_1438, %broadcast_in_dim3A_1439 : vector<16xi1>, vector<16xi32>
        %eq3A_1441 = vector.broadcast %reduce_min3A_1219 : f32 to vector<16xf32>
        %eq3A_1442 = arith.cmpf oeq, %get3A_1335, %eq3A_1441 : vector<16xf32>
        %jit3A_1443 = arith.constant 10 : i32
        %jit3A_1444 = arith.constant 1048576 : i32
        %broadcast_in_dim3A_1445 = vector.broadcast %jit3A_1443 : i32 to vector<16xi32>
        %broadcast_in_dim3A_1446 = vector.broadcast %jit3A_1444 : i32 to vector<16xi32>
        %select_n3A_1447 = arith.select %eq3A_1442, %broadcast_in_dim3A_1445, %broadcast_in_dim3A_1446 : vector<16xi1>, vector<16xi32>
        %eq3A_1448 = vector.broadcast %reduce_min3A_1219 : f32 to vector<16xf32>
        %eq3A_1449 = arith.cmpf oeq, %get3A_1342, %eq3A_1448 : vector<16xf32>
        %jit3A_1450 = arith.constant 11 : i32
        %jit3A_1451 = arith.constant 1048576 : i32
        %broadcast_in_dim3A_1452 = vector.broadcast %jit3A_1450 : i32 to vector<16xi32>
        %broadcast_in_dim3A_1453 = vector.broadcast %jit3A_1451 : i32 to vector<16xi32>
        %select_n3A_1454 = arith.select %eq3A_1449, %broadcast_in_dim3A_1452, %broadcast_in_dim3A_1453 : vector<16xi1>, vector<16xi32>
        %eq3A_1455 = vector.broadcast %reduce_min3A_1219 : f32 to vector<16xf32>
        %eq3A_1456 = arith.cmpf oeq, %get3A_1349, %eq3A_1455 : vector<16xf32>
        %jit3A_1457 = arith.constant 12 : i32
        %jit3A_1458 = arith.constant 1048576 : i32
        %broadcast_in_dim3A_1459 = vector.broadcast %jit3A_1457 : i32 to vector<16xi32>
        %broadcast_in_dim3A_1460 = vector.broadcast %jit3A_1458 : i32 to vector<16xi32>
        %select_n3A_1461 = arith.select %eq3A_1456, %broadcast_in_dim3A_1459, %broadcast_in_dim3A_1460 : vector<16xi1>, vector<16xi32>
        %eq3A_1462 = vector.broadcast %reduce_min3A_1219 : f32 to vector<16xf32>
        %eq3A_1463 = arith.cmpf oeq, %get3A_1356, %eq3A_1462 : vector<16xf32>
        %jit3A_1464 = arith.constant 13 : i32
        %jit3A_1465 = arith.constant 1048576 : i32
        %broadcast_in_dim3A_1466 = vector.broadcast %jit3A_1464 : i32 to vector<16xi32>
        %broadcast_in_dim3A_1467 = vector.broadcast %jit3A_1465 : i32 to vector<16xi32>
        %select_n3A_1468 = arith.select %eq3A_1463, %broadcast_in_dim3A_1466, %broadcast_in_dim3A_1467 : vector<16xi1>, vector<16xi32>
        %eq3A_1469 = vector.broadcast %reduce_min3A_1219 : f32 to vector<16xf32>
        %eq3A_1470 = arith.cmpf oeq, %get3A_1363, %eq3A_1469 : vector<16xf32>
        %jit3A_1471 = arith.constant 14 : i32
        %jit3A_1472 = arith.constant 1048576 : i32
        %broadcast_in_dim3A_1473 = vector.broadcast %jit3A_1471 : i32 to vector<16xi32>
        %broadcast_in_dim3A_1474 = vector.broadcast %jit3A_1472 : i32 to vector<16xi32>
        %select_n3A_1475 = arith.select %eq3A_1470, %broadcast_in_dim3A_1473, %broadcast_in_dim3A_1474 : vector<16xi1>, vector<16xi32>
        %eq3A_1476 = vector.broadcast %reduce_min3A_1219 : f32 to vector<16xf32>
        %eq3A_1477 = arith.cmpf oeq, %get3A_1370, %eq3A_1476 : vector<16xf32>
        %jit3A_1478 = arith.constant 15 : i32
        %jit3A_1479 = arith.constant 1048576 : i32
        %broadcast_in_dim3A_1480 = vector.broadcast %jit3A_1478 : i32 to vector<16xi32>
        %broadcast_in_dim3A_1481 = vector.broadcast %jit3A_1479 : i32 to vector<16xi32>
        %select_n3A_1482 = arith.select %eq3A_1477, %broadcast_in_dim3A_1480, %broadcast_in_dim3A_1481 : vector<16xi1>, vector<16xi32>
        %min3A_1483 = arith.minsi %select_n3A_1377, %select_n3A_1384 : vector<16xi32>
        %min3A_1484 = arith.minsi %select_n3A_1391, %select_n3A_1398 : vector<16xi32>
        %min3A_1485 = arith.minsi %select_n3A_1405, %select_n3A_1412 : vector<16xi32>
        %min3A_1486 = arith.minsi %select_n3A_1419, %select_n3A_1426 : vector<16xi32>
        %min3A_1487 = arith.minsi %select_n3A_1433, %select_n3A_1440 : vector<16xi32>
        %min3A_1488 = arith.minsi %select_n3A_1447, %select_n3A_1454 : vector<16xi32>
        %min3A_1489 = arith.minsi %select_n3A_1461, %select_n3A_1468 : vector<16xi32>
        %min3A_1490 = arith.minsi %select_n3A_1475, %select_n3A_1482 : vector<16xi32>
        %min3A_1491 = arith.minsi %min3A_1483, %min3A_1484 : vector<16xi32>
        %min3A_1492 = arith.minsi %min3A_1485, %min3A_1486 : vector<16xi32>
        %min3A_1493 = arith.minsi %min3A_1487, %min3A_1488 : vector<16xi32>
        %min3A_1494 = arith.minsi %min3A_1489, %min3A_1490 : vector<16xi32>
        %min3A_1495 = arith.minsi %min3A_1491, %min3A_1492 : vector<16xi32>
        %min3A_1496 = arith.minsi %min3A_1493, %min3A_1494 : vector<16xi32>
        %min3A_1497 = arith.minsi %min3A_1495, %min3A_1496 : vector<16xi32>
        %reduce_min3A_1498 = arith.constant true
        %reduce_min3A_1499 = vector.broadcast %reduce_min3A_1498 : i1 to vector<16xi1>
        %reduce_min3A_1500 = arith.constant -2147483648 : i32
        %reduce_min3A_1501 = vector.broadcast %reduce_min3A_1500 : i32 to vector<16xi32>
        %reduce_min3A_1502 = arith.xori %min3A_1497, %reduce_min3A_1501 : vector<16xi32>
        %reduce_min3A_1503 = tpu.scan <min>, %reduce_min3A_1502 masked %reduce_min3A_1499 : vector<16xi32>, vector<16xi1> -> vector<16xi32>
        %reduce_min3A_1504 = arith.xori %reduce_min3A_1503, %reduce_min3A_1501 : vector<16xi32>
        %reduce_min3A_1505 = vector.extract %reduce_min3A_1504[15] : i32 from vector<16xi32>
        %mul3A_1506 = arith.constant 16 : i32
        %mul3A_1507 = arith.muli %reduce_min3A_1258, %mul3A_1506 : i32
        %add3A_1508 = arith.addi %mul3A_1507, %reduce_min3A_1505 : i32
        %mul3A_1509 = arith.constant 16 : i32
        %mul3A_1510 = arith.muli %add3A_1508, %mul3A_1509 : i32
        %add3A_1511 = arith.constant 0 : i32
        %add3A_1512 = arith.addi %mul3A_1510, %add3A_1511 : i32
        %mul3A_1513 = arith.constant 16 : i32
        %mul3A_1514 = arith.muli %add3A_1512, %mul3A_1513 : i32
        %get3A_1515 = arith.index_cast %mul3A_1514 : i32 to index
        %get3A_1516 = tpu.vector_load %arg9[%get3A_1515] {strides = array<i32>} : memref<16384xf32, #tpu.memory_space<vmem>>, vector<16xf32>,
        %mul3A_1517 = arith.constant 16 : i32
        %mul3A_1518 = arith.muli %add3A_1508, %mul3A_1517 : i32
        %add3A_1519 = arith.constant 1 : i32
        %add3A_1520 = arith.addi %mul3A_1518, %add3A_1519 : i32
        %mul3A_1521 = arith.constant 16 : i32
        %mul3A_1522 = arith.muli %add3A_1520, %mul3A_1521 : i32
        %get3A_1523 = arith.index_cast %mul3A_1522 : i32 to index
        %get3A_1524 = tpu.vector_load %arg9[%get3A_1523] {strides = array<i32>} : memref<16384xf32, #tpu.memory_space<vmem>>, vector<16xf32>,
        %mul3A_1525 = arith.constant 16 : i32
        %mul3A_1526 = arith.muli %add3A_1508, %mul3A_1525 : i32
        %add3A_1527 = arith.constant 2 : i32
        %add3A_1528 = arith.addi %mul3A_1526, %add3A_1527 : i32
        %mul3A_1529 = arith.constant 16 : i32
        %mul3A_1530 = arith.muli %add3A_1528, %mul3A_1529 : i32
        %get3A_1531 = arith.index_cast %mul3A_1530 : i32 to index
        %get3A_1532 = tpu.vector_load %arg9[%get3A_1531] {strides = array<i32>} : memref<16384xf32, #tpu.memory_space<vmem>>, vector<16xf32>,
        %mul3A_1533 = arith.constant 16 : i32
        %mul3A_1534 = arith.muli %add3A_1508, %mul3A_1533 : i32
        %add3A_1535 = arith.constant 3 : i32
        %add3A_1536 = arith.addi %mul3A_1534, %add3A_1535 : i32
        %mul3A_1537 = arith.constant 16 : i32
        %mul3A_1538 = arith.muli %add3A_1536, %mul3A_1537 : i32
        %get3A_1539 = arith.index_cast %mul3A_1538 : i32 to index
        %get3A_1540 = tpu.vector_load %arg9[%get3A_1539] {strides = array<i32>} : memref<16384xf32, #tpu.memory_space<vmem>>, vector<16xf32>,
        %mul3A_1541 = arith.constant 16 : i32
        %mul3A_1542 = arith.muli %add3A_1508, %mul3A_1541 : i32
        %add3A_1543 = arith.constant 4 : i32
        %add3A_1544 = arith.addi %mul3A_1542, %add3A_1543 : i32
        %mul3A_1545 = arith.constant 16 : i32
        %mul3A_1546 = arith.muli %add3A_1544, %mul3A_1545 : i32
        %get3A_1547 = arith.index_cast %mul3A_1546 : i32 to index
        %get3A_1548 = tpu.vector_load %arg9[%get3A_1547] {strides = array<i32>} : memref<16384xf32, #tpu.memory_space<vmem>>, vector<16xf32>,
        %mul3A_1549 = arith.constant 16 : i32
        %mul3A_1550 = arith.muli %add3A_1508, %mul3A_1549 : i32
        %add3A_1551 = arith.constant 5 : i32
        %add3A_1552 = arith.addi %mul3A_1550, %add3A_1551 : i32
        %mul3A_1553 = arith.constant 16 : i32
        %mul3A_1554 = arith.muli %add3A_1552, %mul3A_1553 : i32
        %get3A_1555 = arith.index_cast %mul3A_1554 : i32 to index
        %get3A_1556 = tpu.vector_load %arg9[%get3A_1555] {strides = array<i32>} : memref<16384xf32, #tpu.memory_space<vmem>>, vector<16xf32>,
        %mul3A_1557 = arith.constant 16 : i32
        %mul3A_1558 = arith.muli %add3A_1508, %mul3A_1557 : i32
        %add3A_1559 = arith.constant 6 : i32
        %add3A_1560 = arith.addi %mul3A_1558, %add3A_1559 : i32
        %mul3A_1561 = arith.constant 16 : i32
        %mul3A_1562 = arith.muli %add3A_1560, %mul3A_1561 : i32
        %get3A_1563 = arith.index_cast %mul3A_1562 : i32 to index
        %get3A_1564 = tpu.vector_load %arg9[%get3A_1563] {strides = array<i32>} : memref<16384xf32, #tpu.memory_space<vmem>>, vector<16xf32>,
        %mul3A_1565 = arith.constant 16 : i32
        %mul3A_1566 = arith.muli %add3A_1508, %mul3A_1565 : i32
        %add3A_1567 = arith.constant 7 : i32
        %add3A_1568 = arith.addi %mul3A_1566, %add3A_1567 : i32
        %mul3A_1569 = arith.constant 16 : i32
        %mul3A_1570 = arith.muli %add3A_1568, %mul3A_1569 : i32
        %get3A_1571 = arith.index_cast %mul3A_1570 : i32 to index
        %get3A_1572 = tpu.vector_load %arg9[%get3A_1571] {strides = array<i32>} : memref<16384xf32, #tpu.memory_space<vmem>>, vector<16xf32>,
        %mul3A_1573 = arith.constant 16 : i32
        %mul3A_1574 = arith.muli %add3A_1508, %mul3A_1573 : i32
        %add3A_1575 = arith.constant 8 : i32
        %add3A_1576 = arith.addi %mul3A_1574, %add3A_1575 : i32
        %mul3A_1577 = arith.constant 16 : i32
        %mul3A_1578 = arith.muli %add3A_1576, %mul3A_1577 : i32
        %get3A_1579 = arith.index_cast %mul3A_1578 : i32 to index
        %get3A_1580 = tpu.vector_load %arg9[%get3A_1579] {strides = array<i32>} : memref<16384xf32, #tpu.memory_space<vmem>>, vector<16xf32>,
        %mul3A_1581 = arith.constant 16 : i32
        %mul3A_1582 = arith.muli %add3A_1508, %mul3A_1581 : i32
        %add3A_1583 = arith.constant 9 : i32
        %add3A_1584 = arith.addi %mul3A_1582, %add3A_1583 : i32
        %mul3A_1585 = arith.constant 16 : i32
        %mul3A_1586 = arith.muli %add3A_1584, %mul3A_1585 : i32
        %get3A_1587 = arith.index_cast %mul3A_1586 : i32 to index
        %get3A_1588 = tpu.vector_load %arg9[%get3A_1587] {strides = array<i32>} : memref<16384xf32, #tpu.memory_space<vmem>>, vector<16xf32>,
        %mul3A_1589 = arith.constant 16 : i32
        %mul3A_1590 = arith.muli %add3A_1508, %mul3A_1589 : i32
        %add3A_1591 = arith.constant 10 : i32
        %add3A_1592 = arith.addi %mul3A_1590, %add3A_1591 : i32
        %mul3A_1593 = arith.constant 16 : i32
        %mul3A_1594 = arith.muli %add3A_1592, %mul3A_1593 : i32
        %get3A_1595 = arith.index_cast %mul3A_1594 : i32 to index
        %get3A_1596 = tpu.vector_load %arg9[%get3A_1595] {strides = array<i32>} : memref<16384xf32, #tpu.memory_space<vmem>>, vector<16xf32>,
        %mul3A_1597 = arith.constant 16 : i32
        %mul3A_1598 = arith.muli %add3A_1508, %mul3A_1597 : i32
        %add3A_1599 = arith.constant 11 : i32
        %add3A_1600 = arith.addi %mul3A_1598, %add3A_1599 : i32
        %mul3A_1601 = arith.constant 16 : i32
        %mul3A_1602 = arith.muli %add3A_1600, %mul3A_1601 : i32
        %get3A_1603 = arith.index_cast %mul3A_1602 : i32 to index
        %get3A_1604 = tpu.vector_load %arg9[%get3A_1603] {strides = array<i32>} : memref<16384xf32, #tpu.memory_space<vmem>>, vector<16xf32>,
        %mul3A_1605 = arith.constant 16 : i32
        %mul3A_1606 = arith.muli %add3A_1508, %mul3A_1605 : i32
        %add3A_1607 = arith.constant 12 : i32
        %add3A_1608 = arith.addi %mul3A_1606, %add3A_1607 : i32
        %mul3A_1609 = arith.constant 16 : i32
        %mul3A_1610 = arith.muli %add3A_1608, %mul3A_1609 : i32
        %get3A_1611 = arith.index_cast %mul3A_1610 : i32 to index
        %get3A_1612 = tpu.vector_load %arg9[%get3A_1611] {strides = array<i32>} : memref<16384xf32, #tpu.memory_space<vmem>>, vector<16xf32>,
        %mul3A_1613 = arith.constant 16 : i32
        %mul3A_1614 = arith.muli %add3A_1508, %mul3A_1613 : i32
        %add3A_1615 = arith.constant 13 : i32
        %add3A_1616 = arith.addi %mul3A_1614, %add3A_1615 : i32
        %mul3A_1617 = arith.constant 16 : i32
        %mul3A_1618 = arith.muli %add3A_1616, %mul3A_1617 : i32
        %get3A_1619 = arith.index_cast %mul3A_1618 : i32 to index
        %get3A_1620 = tpu.vector_load %arg9[%get3A_1619] {strides = array<i32>} : memref<16384xf32, #tpu.memory_space<vmem>>, vector<16xf32>,
        %mul3A_1621 = arith.constant 16 : i32
        %mul3A_1622 = arith.muli %add3A_1508, %mul3A_1621 : i32
        %add3A_1623 = arith.constant 14 : i32
        %add3A_1624 = arith.addi %mul3A_1622, %add3A_1623 : i32
        %mul3A_1625 = arith.constant 16 : i32
        %mul3A_1626 = arith.muli %add3A_1624, %mul3A_1625 : i32
        %get3A_1627 = arith.index_cast %mul3A_1626 : i32 to index
        %get3A_1628 = tpu.vector_load %arg9[%get3A_1627] {strides = array<i32>} : memref<16384xf32, #tpu.memory_space<vmem>>, vector<16xf32>,
        %mul3A_1629 = arith.constant 16 : i32
        %mul3A_1630 = arith.muli %add3A_1508, %mul3A_1629 : i32
        %add3A_1631 = arith.constant 15 : i32
        %add3A_1632 = arith.addi %mul3A_1630, %add3A_1631 : i32
        %mul3A_1633 = arith.constant 16 : i32
        %mul3A_1634 = arith.muli %add3A_1632, %mul3A_1633 : i32
        %get3A_1635 = arith.index_cast %mul3A_1634 : i32 to index
        %get3A_1636 = tpu.vector_load %arg9[%get3A_1635] {strides = array<i32>} : memref<16384xf32, #tpu.memory_space<vmem>>, vector<16xf32>,
        %eq3A_1637 = vector.broadcast %reduce_min3A_1219 : f32 to vector<16xf32>
        %eq3A_1638 = arith.cmpf oeq, %get3A_1516, %eq3A_1637 : vector<16xf32>
        %jit3A_1639 = arith.constant 0 : i32
        %jit3A_1640 = arith.constant 1048576 : i32
        %broadcast_in_dim3A_1641 = vector.broadcast %jit3A_1639 : i32 to vector<16xi32>
        %broadcast_in_dim3A_1642 = vector.broadcast %jit3A_1640 : i32 to vector<16xi32>
        %select_n3A_1643 = arith.select %eq3A_1638, %broadcast_in_dim3A_1641, %broadcast_in_dim3A_1642 : vector<16xi1>, vector<16xi32>
        %eq3A_1644 = vector.broadcast %reduce_min3A_1219 : f32 to vector<16xf32>
        %eq3A_1645 = arith.cmpf oeq, %get3A_1524, %eq3A_1644 : vector<16xf32>
        %jit3A_1646 = arith.constant 1 : i32
        %jit3A_1647 = arith.constant 1048576 : i32
        %broadcast_in_dim3A_1648 = vector.broadcast %jit3A_1646 : i32 to vector<16xi32>
        %broadcast_in_dim3A_1649 = vector.broadcast %jit3A_1647 : i32 to vector<16xi32>
        %select_n3A_1650 = arith.select %eq3A_1645, %broadcast_in_dim3A_1648, %broadcast_in_dim3A_1649 : vector<16xi1>, vector<16xi32>
        %eq3A_1651 = vector.broadcast %reduce_min3A_1219 : f32 to vector<16xf32>
        %eq3A_1652 = arith.cmpf oeq, %get3A_1532, %eq3A_1651 : vector<16xf32>
        %jit3A_1653 = arith.constant 2 : i32
        %jit3A_1654 = arith.constant 1048576 : i32
        %broadcast_in_dim3A_1655 = vector.broadcast %jit3A_1653 : i32 to vector<16xi32>
        %broadcast_in_dim3A_1656 = vector.broadcast %jit3A_1654 : i32 to vector<16xi32>
        %select_n3A_1657 = arith.select %eq3A_1652, %broadcast_in_dim3A_1655, %broadcast_in_dim3A_1656 : vector<16xi1>, vector<16xi32>
        %eq3A_1658 = vector.broadcast %reduce_min3A_1219 : f32 to vector<16xf32>
        %eq3A_1659 = arith.cmpf oeq, %get3A_1540, %eq3A_1658 : vector<16xf32>
        %jit3A_1660 = arith.constant 3 : i32
        %jit3A_1661 = arith.constant 1048576 : i32
        %broadcast_in_dim3A_1662 = vector.broadcast %jit3A_1660 : i32 to vector<16xi32>
        %broadcast_in_dim3A_1663 = vector.broadcast %jit3A_1661 : i32 to vector<16xi32>
        %select_n3A_1664 = arith.select %eq3A_1659, %broadcast_in_dim3A_1662, %broadcast_in_dim3A_1663 : vector<16xi1>, vector<16xi32>
        %eq3A_1665 = vector.broadcast %reduce_min3A_1219 : f32 to vector<16xf32>
        %eq3A_1666 = arith.cmpf oeq, %get3A_1548, %eq3A_1665 : vector<16xf32>
        %jit3A_1667 = arith.constant 4 : i32
        %jit3A_1668 = arith.constant 1048576 : i32
        %broadcast_in_dim3A_1669 = vector.broadcast %jit3A_1667 : i32 to vector<16xi32>
        %broadcast_in_dim3A_1670 = vector.broadcast %jit3A_1668 : i32 to vector<16xi32>
        %select_n3A_1671 = arith.select %eq3A_1666, %broadcast_in_dim3A_1669, %broadcast_in_dim3A_1670 : vector<16xi1>, vector<16xi32>
        %eq3A_1672 = vector.broadcast %reduce_min3A_1219 : f32 to vector<16xf32>
        %eq3A_1673 = arith.cmpf oeq, %get3A_1556, %eq3A_1672 : vector<16xf32>
        %jit3A_1674 = arith.constant 5 : i32
        %jit3A_1675 = arith.constant 1048576 : i32
        %broadcast_in_dim3A_1676 = vector.broadcast %jit3A_1674 : i32 to vector<16xi32>
        %broadcast_in_dim3A_1677 = vector.broadcast %jit3A_1675 : i32 to vector<16xi32>
        %select_n3A_1678 = arith.select %eq3A_1673, %broadcast_in_dim3A_1676, %broadcast_in_dim3A_1677 : vector<16xi1>, vector<16xi32>
        %eq3A_1679 = vector.broadcast %reduce_min3A_1219 : f32 to vector<16xf32>
        %eq3A_1680 = arith.cmpf oeq, %get3A_1564, %eq3A_1679 : vector<16xf32>
        %jit3A_1681 = arith.constant 6 : i32
        %jit3A_1682 = arith.constant 1048576 : i32
        %broadcast_in_dim3A_1683 = vector.broadcast %jit3A_1681 : i32 to vector<16xi32>
        %broadcast_in_dim3A_1684 = vector.broadcast %jit3A_1682 : i32 to vector<16xi32>
        %select_n3A_1685 = arith.select %eq3A_1680, %broadcast_in_dim3A_1683, %broadcast_in_dim3A_1684 : vector<16xi1>, vector<16xi32>
        %eq3A_1686 = vector.broadcast %reduce_min3A_1219 : f32 to vector<16xf32>
        %eq3A_1687 = arith.cmpf oeq, %get3A_1572, %eq3A_1686 : vector<16xf32>
        %jit3A_1688 = arith.constant 7 : i32
        %jit3A_1689 = arith.constant 1048576 : i32
        %broadcast_in_dim3A_1690 = vector.broadcast %jit3A_1688 : i32 to vector<16xi32>
        %broadcast_in_dim3A_1691 = vector.broadcast %jit3A_1689 : i32 to vector<16xi32>
        %select_n3A_1692 = arith.select %eq3A_1687, %broadcast_in_dim3A_1690, %broadcast_in_dim3A_1691 : vector<16xi1>, vector<16xi32>
        %eq3A_1693 = vector.broadcast %reduce_min3A_1219 : f32 to vector<16xf32>
        %eq3A_1694 = arith.cmpf oeq, %get3A_1580, %eq3A_1693 : vector<16xf32>
        %jit3A_1695 = arith.constant 8 : i32
        %jit3A_1696 = arith.constant 1048576 : i32
        %broadcast_in_dim3A_1697 = vector.broadcast %jit3A_1695 : i32 to vector<16xi32>
        %broadcast_in_dim3A_1698 = vector.broadcast %jit3A_1696 : i32 to vector<16xi32>
        %select_n3A_1699 = arith.select %eq3A_1694, %broadcast_in_dim3A_1697, %broadcast_in_dim3A_1698 : vector<16xi1>, vector<16xi32>
        %eq3A_1700 = vector.broadcast %reduce_min3A_1219 : f32 to vector<16xf32>
        %eq3A_1701 = arith.cmpf oeq, %get3A_1588, %eq3A_1700 : vector<16xf32>
        %jit3A_1702 = arith.constant 9 : i32
        %jit3A_1703 = arith.constant 1048576 : i32
        %broadcast_in_dim3A_1704 = vector.broadcast %jit3A_1702 : i32 to vector<16xi32>
        %broadcast_in_dim3A_1705 = vector.broadcast %jit3A_1703 : i32 to vector<16xi32>
        %select_n3A_1706 = arith.select %eq3A_1701, %broadcast_in_dim3A_1704, %broadcast_in_dim3A_1705 : vector<16xi1>, vector<16xi32>
        %eq3A_1707 = vector.broadcast %reduce_min3A_1219 : f32 to vector<16xf32>
        %eq3A_1708 = arith.cmpf oeq, %get3A_1596, %eq3A_1707 : vector<16xf32>
        %jit3A_1709 = arith.constant 10 : i32
        %jit3A_1710 = arith.constant 1048576 : i32
        %broadcast_in_dim3A_1711 = vector.broadcast %jit3A_1709 : i32 to vector<16xi32>
        %broadcast_in_dim3A_1712 = vector.broadcast %jit3A_1710 : i32 to vector<16xi32>
        %select_n3A_1713 = arith.select %eq3A_1708, %broadcast_in_dim3A_1711, %broadcast_in_dim3A_1712 : vector<16xi1>, vector<16xi32>
        %eq3A_1714 = vector.broadcast %reduce_min3A_1219 : f32 to vector<16xf32>
        %eq3A_1715 = arith.cmpf oeq, %get3A_1604, %eq3A_1714 : vector<16xf32>
        %jit3A_1716 = arith.constant 11 : i32
        %jit3A_1717 = arith.constant 1048576 : i32
        %broadcast_in_dim3A_1718 = vector.broadcast %jit3A_1716 : i32 to vector<16xi32>
        %broadcast_in_dim3A_1719 = vector.broadcast %jit3A_1717 : i32 to vector<16xi32>
        %select_n3A_1720 = arith.select %eq3A_1715, %broadcast_in_dim3A_1718, %broadcast_in_dim3A_1719 : vector<16xi1>, vector<16xi32>
        %eq3A_1721 = vector.broadcast %reduce_min3A_1219 : f32 to vector<16xf32>
        %eq3A_1722 = arith.cmpf oeq, %get3A_1612, %eq3A_1721 : vector<16xf32>
        %jit3A_1723 = arith.constant 12 : i32
        %jit3A_1724 = arith.constant 1048576 : i32
        %broadcast_in_dim3A_1725 = vector.broadcast %jit3A_1723 : i32 to vector<16xi32>
        %broadcast_in_dim3A_1726 = vector.broadcast %jit3A_1724 : i32 to vector<16xi32>
        %select_n3A_1727 = arith.select %eq3A_1722, %broadcast_in_dim3A_1725, %broadcast_in_dim3A_1726 : vector<16xi1>, vector<16xi32>
        %eq3A_1728 = vector.broadcast %reduce_min3A_1219 : f32 to vector<16xf32>
        %eq3A_1729 = arith.cmpf oeq, %get3A_1620, %eq3A_1728 : vector<16xf32>
        %jit3A_1730 = arith.constant 13 : i32
        %jit3A_1731 = arith.constant 1048576 : i32
        %broadcast_in_dim3A_1732 = vector.broadcast %jit3A_1730 : i32 to vector<16xi32>
        %broadcast_in_dim3A_1733 = vector.broadcast %jit3A_1731 : i32 to vector<16xi32>
        %select_n3A_1734 = arith.select %eq3A_1729, %broadcast_in_dim3A_1732, %broadcast_in_dim3A_1733 : vector<16xi1>, vector<16xi32>
        %eq3A_1735 = vector.broadcast %reduce_min3A_1219 : f32 to vector<16xf32>
        %eq3A_1736 = arith.cmpf oeq, %get3A_1628, %eq3A_1735 : vector<16xf32>
        %jit3A_1737 = arith.constant 14 : i32
        %jit3A_1738 = arith.constant 1048576 : i32
        %broadcast_in_dim3A_1739 = vector.broadcast %jit3A_1737 : i32 to vector<16xi32>
        %broadcast_in_dim3A_1740 = vector.broadcast %jit3A_1738 : i32 to vector<16xi32>
        %select_n3A_1741 = arith.select %eq3A_1736, %broadcast_in_dim3A_1739, %broadcast_in_dim3A_1740 : vector<16xi1>, vector<16xi32>
        %eq3A_1742 = vector.broadcast %reduce_min3A_1219 : f32 to vector<16xf32>
        %eq3A_1743 = arith.cmpf oeq, %get3A_1636, %eq3A_1742 : vector<16xf32>
        %jit3A_1744 = arith.constant 15 : i32
        %jit3A_1745 = arith.constant 1048576 : i32
        %broadcast_in_dim3A_1746 = vector.broadcast %jit3A_1744 : i32 to vector<16xi32>
        %broadcast_in_dim3A_1747 = vector.broadcast %jit3A_1745 : i32 to vector<16xi32>
        %select_n3A_1748 = arith.select %eq3A_1743, %broadcast_in_dim3A_1746, %broadcast_in_dim3A_1747 : vector<16xi1>, vector<16xi32>
        %min3A_1749 = arith.minsi %select_n3A_1643, %select_n3A_1650 : vector<16xi32>
        %min3A_1750 = arith.minsi %select_n3A_1657, %select_n3A_1664 : vector<16xi32>
        %min3A_1751 = arith.minsi %select_n3A_1671, %select_n3A_1678 : vector<16xi32>
        %min3A_1752 = arith.minsi %select_n3A_1685, %select_n3A_1692 : vector<16xi32>
        %min3A_1753 = arith.minsi %select_n3A_1699, %select_n3A_1706 : vector<16xi32>
        %min3A_1754 = arith.minsi %select_n3A_1713, %select_n3A_1720 : vector<16xi32>
        %min3A_1755 = arith.minsi %select_n3A_1727, %select_n3A_1734 : vector<16xi32>
        %min3A_1756 = arith.minsi %select_n3A_1741, %select_n3A_1748 : vector<16xi32>
        %min3A_1757 = arith.minsi %min3A_1749, %min3A_1750 : vector<16xi32>
        %min3A_1758 = arith.minsi %min3A_1751, %min3A_1752 : vector<16xi32>
        %min3A_1759 = arith.minsi %min3A_1753, %min3A_1754 : vector<16xi32>
        %min3A_1760 = arith.minsi %min3A_1755, %min3A_1756 : vector<16xi32>
        %min3A_1761 = arith.minsi %min3A_1757, %min3A_1758 : vector<16xi32>
        %min3A_1762 = arith.minsi %min3A_1759, %min3A_1760 : vector<16xi32>
        %min3A_1763 = arith.minsi %min3A_1761, %min3A_1762 : vector<16xi32>
        %reduce_min3A_1764 = arith.constant true
        %reduce_min3A_1765 = vector.broadcast %reduce_min3A_1764 : i1 to vector<16xi1>
        %reduce_min3A_1766 = arith.constant -2147483648 : i32
        %reduce_min3A_1767 = vector.broadcast %reduce_min3A_1766 : i32 to vector<16xi32>
        %reduce_min3A_1768 = arith.xori %min3A_1763, %reduce_min3A_1767 : vector<16xi32>
        %reduce_min3A_1769 = tpu.scan <min>, %reduce_min3A_1768 masked %reduce_min3A_1765 : vector<16xi32>, vector<16xi1> -> vector<16xi32>
        %reduce_min3A_1770 = arith.xori %reduce_min3A_1769, %reduce_min3A_1767 : vector<16xi32>
        %reduce_min3A_1771 = vector.extract %reduce_min3A_1770[15] : i32 from vector<16xi32>
        %mul3A_1772 = arith.constant 16 : i32
        %mul3A_1773 = arith.muli %add3A_1508, %mul3A_1772 : i32
        %add3A_1774 = arith.addi %mul3A_1773, %reduce_min3A_1771 : i32
        %mul3A_1775 = arith.constant 16 : i32
        %mul3A_1776 = arith.muli %add3A_1774, %mul3A_1775 : i32
        %get3A_1777 = arith.index_cast %mul3A_1776 : i32 to index
        %get3A_1778 = tpu.vector_load %arg9[%get3A_1777] {strides = array<i32>} : memref<16384xf32, #tpu.memory_space<vmem>>, vector<16xf32>,
        %eq3A_1779 = vector.broadcast %reduce_min3A_1219 : f32 to vector<16xf32>
        %eq3A_1780 = arith.cmpf oeq, %get3A_1778, %eq3A_1779 : vector<16xf32>
        %jit3A_1781 = arith.constant 1048576 : i32
        %broadcast_in_dim3A_1782 = vector.broadcast %jit3A_1781 : i32 to vector<16xi32>
        %select_n3A_1783 = arith.select %eq3A_1780, %iota3A, %broadcast_in_dim3A_1782 : vector<16xi1>, vector<16xi32>
        %reduce_min3A_1784 = arith.constant true
        %reduce_min3A_1785 = vector.broadcast %reduce_min3A_1784 : i1 to vector<16xi1>
        %reduce_min3A_1786 = arith.constant -2147483648 : i32
        %reduce_min3A_1787 = vector.broadcast %reduce_min3A_1786 : i32 to vector<16xi32>
        %reduce_min3A_1788 = arith.xori %select_n3A_1783, %reduce_min3A_1787 : vector<16xi32>
        %reduce_min3A_1789 = tpu.scan <min>, %reduce_min3A_1788 masked %reduce_min3A_1785 : vector<16xi32>, vector<16xi1> -> vector<16xi32>
        %reduce_min3A_1790 = arith.xori %reduce_min3A_1789, %reduce_min3A_1787 : vector<16xi32>
        %reduce_min3A_1791 = vector.extract %reduce_min3A_1790[15] : i32 from vector<16xi32>
        %mul3A_1792 = arith.constant 16 : i32
        %mul3A_1793 = arith.muli %add3A_1774, %mul3A_1792 : i32
        %add3A_1794 = arith.addi %mul3A_1793, %reduce_min3A_1791 : i32
        %eq3A_1795 = vector.broadcast %reduce_min3A_1791 : i32 to vector<16xi32>
        %eq3A_1796 = arith.cmpi eq, %iota3A, %eq3A_1795 : vector<16xi32>
        %jit3A_1797 = arith.constant 0x7F800000 : f32
        %broadcast_in_dim3A_1798 = vector.broadcast %jit3A_1797 : f32 to vector<16xf32>
        %select_n3A_1799 = arith.select %eq3A_1796, %broadcast_in_dim3A_1798, %get3A_1778 : vector<16xi1>, vector<16xf32>
        %mul3A_1800 = arith.constant 16 : i32
        %mul3A_1801 = arith.muli %add3A_1774, %mul3A_1800 : i32
        %swap3A_1802 = arith.index_cast %mul3A_1801 : i32 to index
        %swap3A_1803 = tpu.vector_load %arg9[%swap3A_1802] {strides = array<i32>} : memref<16384xf32, #tpu.memory_space<vmem>>, vector<16xf32>,
        tpu.vector_store %arg9[%swap3A_1802], %select_n3A_1799 {strides = array<i32>} : memref<16384xf32, #tpu.memory_space<vmem>>, vector<16xf32>,
        %eq3A_1804 = arith.constant 0 : i32
        %eq3A_1805 = arith.cmpi eq, %reduce_min3A_1771, %eq3A_1804 : i32
        %select_n3A_1806 = arith.select %eq3A_1805, %select_n3A_1799, %get3A_1516 : vector<16xf32>
        %eq3A_1807 = arith.constant 1 : i32
        %eq3A_1808 = arith.cmpi eq, %reduce_min3A_1771, %eq3A_1807 : i32
        %select_n3A_1809 = arith.select %eq3A_1808, %select_n3A_1799, %get3A_1524 : vector<16xf32>
        %eq3A_1810 = arith.constant 2 : i32
        %eq3A_1811 = arith.cmpi eq, %reduce_min3A_1771, %eq3A_1810 : i32
        %select_n3A_1812 = arith.select %eq3A_1811, %select_n3A_1799, %get3A_1532 : vector<16xf32>
        %eq3A_1813 = arith.constant 3 : i32
        %eq3A_1814 = arith.cmpi eq, %reduce_min3A_1771, %eq3A_1813 : i32
        %select_n3A_1815 = arith.select %eq3A_1814, %select_n3A_1799, %get3A_1540 : vector<16xf32>
        %eq3A_1816 = arith.constant 4 : i32
        %eq3A_1817 = arith.cmpi eq, %reduce_min3A_1771, %eq3A_1816 : i32
        %select_n3A_1818 = arith.select %eq3A_1817, %select_n3A_1799, %get3A_1548 : vector<16xf32>
        %eq3A_1819 = arith.constant 5 : i32
        %eq3A_1820 = arith.cmpi eq, %reduce_min3A_1771, %eq3A_1819 : i32
        %select_n3A_1821 = arith.select %eq3A_1820, %select_n3A_1799, %get3A_1556 : vector<16xf32>
        %eq3A_1822 = arith.constant 6 : i32
        %eq3A_1823 = arith.cmpi eq, %reduce_min3A_1771, %eq3A_1822 : i32
        %select_n3A_1824 = arith.select %eq3A_1823, %select_n3A_1799, %get3A_1564 : vector<16xf32>
        %eq3A_1825 = arith.constant 7 : i32
        %eq3A_1826 = arith.cmpi eq, %reduce_min3A_1771, %eq3A_1825 : i32
        %select_n3A_1827 = arith.select %eq3A_1826, %select_n3A_1799, %get3A_1572 : vector<16xf32>
        %eq3A_1828 = arith.constant 8 : i32
        %eq3A_1829 = arith.cmpi eq, %reduce_min3A_1771, %eq3A_1828 : i32
        %select_n3A_1830 = arith.select %eq3A_1829, %select_n3A_1799, %get3A_1580 : vector<16xf32>
        %eq3A_1831 = arith.constant 9 : i32
        %eq3A_1832 = arith.cmpi eq, %reduce_min3A_1771, %eq3A_1831 : i32
        %select_n3A_1833 = arith.select %eq3A_1832, %select_n3A_1799, %get3A_1588 : vector<16xf32>
        %eq3A_1834 = arith.constant 10 : i32
        %eq3A_1835 = arith.cmpi eq, %reduce_min3A_1771, %eq3A_1834 : i32
        %select_n3A_1836 = arith.select %eq3A_1835, %select_n3A_1799, %get3A_1596 : vector<16xf32>
        %eq3A_1837 = arith.constant 11 : i32
        %eq3A_1838 = arith.cmpi eq, %reduce_min3A_1771, %eq3A_1837 : i32
        %select_n3A_1839 = arith.select %eq3A_1838, %select_n3A_1799, %get3A_1604 : vector<16xf32>
        %eq3A_1840 = arith.constant 12 : i32
        %eq3A_1841 = arith.cmpi eq, %reduce_min3A_1771, %eq3A_1840 : i32
        %select_n3A_1842 = arith.select %eq3A_1841, %select_n3A_1799, %get3A_1612 : vector<16xf32>
        %eq3A_1843 = arith.constant 13 : i32
        %eq3A_1844 = arith.cmpi eq, %reduce_min3A_1771, %eq3A_1843 : i32
        %select_n3A_1845 = arith.select %eq3A_1844, %select_n3A_1799, %get3A_1620 : vector<16xf32>
        %eq3A_1846 = arith.constant 14 : i32
        %eq3A_1847 = arith.cmpi eq, %reduce_min3A_1771, %eq3A_1846 : i32
        %select_n3A_1848 = arith.select %eq3A_1847, %select_n3A_1799, %get3A_1628 : vector<16xf32>
        %eq3A_1849 = arith.constant 15 : i32
        %eq3A_1850 = arith.cmpi eq, %reduce_min3A_1771, %eq3A_1849 : i32
        %select_n3A_1851 = arith.select %eq3A_1850, %select_n3A_1799, %get3A_1636 : vector<16xf32>
        %min3A_1852 = arith.minimumf %select_n3A_1806, %select_n3A_1809 : vector<16xf32>
        %min3A_1853 = arith.minimumf %select_n3A_1812, %select_n3A_1815 : vector<16xf32>
        %min3A_1854 = arith.minimumf %select_n3A_1818, %select_n3A_1821 : vector<16xf32>
        %min3A_1855 = arith.minimumf %select_n3A_1824, %select_n3A_1827 : vector<16xf32>
        %min3A_1856 = arith.minimumf %select_n3A_1830, %select_n3A_1833 : vector<16xf32>
        %min3A_1857 = arith.minimumf %select_n3A_1836, %select_n3A_1839 : vector<16xf32>
        %min3A_1858 = arith.minimumf %select_n3A_1842, %select_n3A_1845 : vector<16xf32>
        %min3A_1859 = arith.minimumf %select_n3A_1848, %select_n3A_1851 : vector<16xf32>
        %min3A_1860 = arith.minimumf %min3A_1852, %min3A_1853 : vector<16xf32>
        %min3A_1861 = arith.minimumf %min3A_1854, %min3A_1855 : vector<16xf32>
        %min3A_1862 = arith.minimumf %min3A_1856, %min3A_1857 : vector<16xf32>
        %min3A_1863 = arith.minimumf %min3A_1858, %min3A_1859 : vector<16xf32>
        %min3A_1864 = arith.minimumf %min3A_1860, %min3A_1861 : vector<16xf32>
        %min3A_1865 = arith.minimumf %min3A_1862, %min3A_1863 : vector<16xf32>
        %min3A_1866 = arith.minimumf %min3A_1864, %min3A_1865 : vector<16xf32>
        %swap3A_1867 = arith.index_cast %add3A_1508 : i32 to index
        %swap3A_1868 = arith.constant 0 : index
        %swap3A_1869 = tpu.vector_load %arg13[%swap3A_1867, %swap3A_1868] {strides = array<i32>} : memref<64x16xf32, #tpu.memory_space<vmem>>, vector<16xf32>,
        tpu.vector_store %arg13[%swap3A_1867, %swap3A_1868], %min3A_1866 {strides = array<i32>} : memref<64x16xf32, #tpu.memory_space<vmem>>, vector<16xf32>,
        %eq3A_1870 = arith.constant 0 : i32
        %eq3A_1871 = arith.cmpi eq, %reduce_min3A_1505, %eq3A_1870 : i32
        %select_n3A_1872 = arith.select %eq3A_1871, %min3A_1866, %get3A_1265 : vector<16xf32>
        %eq3A_1873 = arith.constant 1 : i32
        %eq3A_1874 = arith.cmpi eq, %reduce_min3A_1505, %eq3A_1873 : i32
        %select_n3A_1875 = arith.select %eq3A_1874, %min3A_1866, %get3A_1272 : vector<16xf32>
        %eq3A_1876 = arith.constant 2 : i32
        %eq3A_1877 = arith.cmpi eq, %reduce_min3A_1505, %eq3A_1876 : i32
        %select_n3A_1878 = arith.select %eq3A_1877, %min3A_1866, %get3A_1279 : vector<16xf32>
        %eq3A_1879 = arith.constant 3 : i32
        %eq3A_1880 = arith.cmpi eq, %reduce_min3A_1505, %eq3A_1879 : i32
        %select_n3A_1881 = arith.select %eq3A_1880, %min3A_1866, %get3A_1286 : vector<16xf32>
        %eq3A_1882 = arith.constant 4 : i32
        %eq3A_1883 = arith.cmpi eq, %reduce_min3A_1505, %eq3A_1882 : i32
        %select_n3A_1884 = arith.select %eq3A_1883, %min3A_1866, %get3A_1293 : vector<16xf32>
        %eq3A_1885 = arith.constant 5 : i32
        %eq3A_1886 = arith.cmpi eq, %reduce_min3A_1505, %eq3A_1885 : i32
        %select_n3A_1887 = arith.select %eq3A_1886, %min3A_1866, %get3A_1300 : vector<16xf32>
        %eq3A_1888 = arith.constant 6 : i32
        %eq3A_1889 = arith.cmpi eq, %reduce_min3A_1505, %eq3A_1888 : i32
        %select_n3A_1890 = arith.select %eq3A_1889, %min3A_1866, %get3A_1307 : vector<16xf32>
        %eq3A_1891 = arith.constant 7 : i32
        %eq3A_1892 = arith.cmpi eq, %reduce_min3A_1505, %eq3A_1891 : i32
        %select_n3A_1893 = arith.select %eq3A_1892, %min3A_1866, %get3A_1314 : vector<16xf32>
        %eq3A_1894 = arith.constant 8 : i32
        %eq3A_1895 = arith.cmpi eq, %reduce_min3A_1505, %eq3A_1894 : i32
        %select_n3A_1896 = arith.select %eq3A_1895, %min3A_1866, %get3A_1321 : vector<16xf32>
        %eq3A_1897 = arith.constant 9 : i32
        %eq3A_1898 = arith.cmpi eq, %reduce_min3A_1505, %eq3A_1897 : i32
        %select_n3A_1899 = arith.select %eq3A_1898, %min3A_1866, %get3A_1328 : vector<16xf32>
        %eq3A_1900 = arith.constant 10 : i32
        %eq3A_1901 = arith.cmpi eq, %reduce_min3A_1505, %eq3A_1900 : i32
        %select_n3A_1902 = arith.select %eq3A_1901, %min3A_1866, %get3A_1335 : vector<16xf32>
        %eq3A_1903 = arith.constant 11 : i32
        %eq3A_1904 = arith.cmpi eq, %reduce_min3A_1505, %eq3A_1903 : i32
        %select_n3A_1905 = arith.select %eq3A_1904, %min3A_1866, %get3A_1342 : vector<16xf32>
        %eq3A_1906 = arith.constant 12 : i32
        %eq3A_1907 = arith.cmpi eq, %reduce_min3A_1505, %eq3A_1906 : i32
        %select_n3A_1908 = arith.select %eq3A_1907, %min3A_1866, %get3A_1349 : vector<16xf32>
        %eq3A_1909 = arith.constant 13 : i32
        %eq3A_1910 = arith.cmpi eq, %reduce_min3A_1505, %eq3A_1909 : i32
        %select_n3A_1911 = arith.select %eq3A_1910, %min3A_1866, %get3A_1356 : vector<16xf32>
        %eq3A_1912 = arith.constant 14 : i32
        %eq3A_1913 = arith.cmpi eq, %reduce_min3A_1505, %eq3A_1912 : i32
        %select_n3A_1914 = arith.select %eq3A_1913, %min3A_1866, %get3A_1363 : vector<16xf32>
        %eq3A_1915 = arith.constant 15 : i32
        %eq3A_1916 = arith.cmpi eq, %reduce_min3A_1505, %eq3A_1915 : i32
        %select_n3A_1917 = arith.select %eq3A_1916, %min3A_1866, %get3A_1370 : vector<16xf32>
        %min3A_1918 = arith.minimumf %select_n3A_1872, %select_n3A_1875 : vector<16xf32>
        %min3A_1919 = arith.minimumf %select_n3A_1878, %select_n3A_1881 : vector<16xf32>
        %min3A_1920 = arith.minimumf %select_n3A_1884, %select_n3A_1887 : vector<16xf32>
        %min3A_1921 = arith.minimumf %select_n3A_1890, %select_n3A_1893 : vector<16xf32>
        %min3A_1922 = arith.minimumf %select_n3A_1896, %select_n3A_1899 : vector<16xf32>
        %min3A_1923 = arith.minimumf %select_n3A_1902, %select_n3A_1905 : vector<16xf32>
        %min3A_1924 = arith.minimumf %select_n3A_1908, %select_n3A_1911 : vector<16xf32>
        %min3A_1925 = arith.minimumf %select_n3A_1914, %select_n3A_1917 : vector<16xf32>
        %min3A_1926 = arith.minimumf %min3A_1918, %min3A_1919 : vector<16xf32>
        %min3A_1927 = arith.minimumf %min3A_1920, %min3A_1921 : vector<16xf32>
        %min3A_1928 = arith.minimumf %min3A_1922, %min3A_1923 : vector<16xf32>
        %min3A_1929 = arith.minimumf %min3A_1924, %min3A_1925 : vector<16xf32>
        %min3A_1930 = arith.minimumf %min3A_1926, %min3A_1927 : vector<16xf32>
        %min3A_1931 = arith.minimumf %min3A_1928, %min3A_1929 : vector<16xf32>
        %min3A_1932 = arith.minimumf %min3A_1930, %min3A_1931 : vector<16xf32>
        %swap3A_1933 = arith.index_cast %reduce_min3A_1258 : i32 to index
        %swap3A_1934 = arith.constant 0 : index
        %swap3A_1935 = tpu.vector_load %arg17[%swap3A_1933, %swap3A_1934] {strides = array<i32>} : memref<4x16xf32, #tpu.memory_space<vmem>>, vector<16xf32>,
        tpu.vector_store %arg17[%swap3A_1933, %swap3A_1934], %min3A_1932 {strides = array<i32>} : memref<4x16xf32, #tpu.memory_space<vmem>>, vector<16xf32>,
        %eq3A_1936 = vector.broadcast %scan3A_1188 : i32 to vector<16xi32>
        %eq3A_1937 = arith.cmpi eq, %iota3A, %eq3A_1936 : vector<16xi32>
        %broadcast_in_dim3A_1938 = vector.broadcast %reduce_min3A_1219 : f32 to vector<16xf32>
        %select_n3A_1939 = arith.select %eq3A_1937, %broadcast_in_dim3A_1938, %scan3A_1189 : vector<16xi1>, vector<16xf32>
        %sub3A_1940 = arith.constant 16 : i32
        %sub3A_1941 = arith.subi %scan3A_1188, %sub3A_1940 : i32
        %eq3A_1942 = vector.broadcast %sub3A_1941 : i32 to vector<16xi32>
        %eq3A_1943 = arith.cmpi eq, %iota3A, %eq3A_1942 : vector<16xi32>
        %broadcast_in_dim3A_1944 = vector.broadcast %reduce_min3A_1219 : f32 to vector<16xf32>
        %select_n3A_1945 = arith.select %eq3A_1943, %broadcast_in_dim3A_1944, %scan3A_1190 : vector<16xi1>, vector<16xf32>
        %eq3A_1946 = vector.broadcast %scan3A_1188 : i32 to vector<16xi32>
        %eq3A_1947 = arith.cmpi eq, %iota3A, %eq3A_1946 : vector<16xi32>
        %broadcast_in_dim3A_1948 = vector.broadcast %add3A_1794 : i32 to vector<16xi32>
        %select_n3A_1949 = arith.select %eq3A_1947, %broadcast_in_dim3A_1948, %scan3A_1191 : vector<16xi1>, vector<16xi32>
        %sub3A_1950 = arith.constant 16 : i32
        %sub3A_1951 = arith.subi %scan3A_1188, %sub3A_1950 : i32
        %eq3A_1952 = vector.broadcast %sub3A_1951 : i32 to vector<16xi32>
        %eq3A_1953 = arith.cmpi eq, %iota3A, %eq3A_1952 : vector<16xi32>
        %broadcast_in_dim3A_1954 = vector.broadcast %add3A_1794 : i32 to vector<16xi32>
        %select_n3A_1955 = arith.select %eq3A_1953, %broadcast_in_dim3A_1954, %scan3A_1192 : vector<16xi1>, vector<16xi32>
        %get3A_1956 = arith.constant 0 : i32
        %get3A_1957 = arith.index_cast %get3A_1956 : i32 to index
        %get3A_1958 = arith.constant 0 : index
        %get3A_1959 = tpu.vector_load %arg18[%get3A_1957, %get3A_1958] {strides = array<i32>} : memref<4x16xf32, #tpu.memory_space<vmem>>, vector<16xf32>,
        %get3A_1960 = arith.constant 1 : i32
        %get3A_1961 = arith.index_cast %get3A_1960 : i32 to index
        %get3A_1962 = arith.constant 0 : index
        %get3A_1963 = tpu.vector_load %arg18[%get3A_1961, %get3A_1962] {strides = array<i32>} : memref<4x16xf32, #tpu.memory_space<vmem>>, vector<16xf32>,
        %get3A_1964 = arith.constant 2 : i32
        %get3A_1965 = arith.index_cast %get3A_1964 : i32 to index
        %get3A_1966 = arith.constant 0 : index
        %get3A_1967 = tpu.vector_load %arg18[%get3A_1965, %get3A_1966] {strides = array<i32>} : memref<4x16xf32, #tpu.memory_space<vmem>>, vector<16xf32>,
        %get3A_1968 = arith.constant 3 : i32
        %get3A_1969 = arith.index_cast %get3A_1968 : i32 to index
        %get3A_1970 = arith.constant 0 : index
        %get3A_1971 = tpu.vector_load %arg18[%get3A_1969, %get3A_1970] {strides = array<i32>} : memref<4x16xf32, #tpu.memory_space<vmem>>, vector<16xf32>,
        %min3A_1972 = arith.minimumf %get3A_1959, %get3A_1963 : vector<16xf32>
        %min3A_1973 = arith.minimumf %get3A_1967, %get3A_1971 : vector<16xf32>
        %min3A_1974 = arith.minimumf %min3A_1972, %min3A_1973 : vector<16xf32>
        %reduce_min3A_1975 = arith.constant true
        %reduce_min3A_1976 = vector.broadcast %reduce_min3A_1975 : i1 to vector<16xi1>
        %reduce_min3A_1977 = tpu.scan <min>, %min3A_1974 masked %reduce_min3A_1976 : vector<16xf32>, vector<16xi1> -> vector<16xf32>
        %reduce_min3A_1978 = vector.extract %reduce_min3A_1977[15] : f32 from vector<16xf32>
        %eq3A_1979 = vector.broadcast %reduce_min3A_1978 : f32 to vector<16xf32>
        %eq3A_1980 = arith.cmpf oeq, %get3A_1959, %eq3A_1979 : vector<16xf32>
        %jit3A_1981 = arith.constant 0 : i32
        %jit3A_1982 = arith.constant 1048576 : i32
        %broadcast_in_dim3A_1983 = vector.broadcast %jit3A_1981 : i32 to vector<16xi32>
        %broadcast_in_dim3A_1984 = vector.broadcast %jit3A_1982 : i32 to vector<16xi32>
        %select_n3A_1985 = arith.select %eq3A_1980, %broadcast_in_dim3A_1983, %broadcast_in_dim3A_1984 : vector<16xi1>, vector<16xi32>
        %eq3A_1986 = vector.broadcast %reduce_min3A_1978 : f32 to vector<16xf32>
        %eq3A_1987 = arith.cmpf oeq, %get3A_1963, %eq3A_1986 : vector<16xf32>
        %jit3A_1988 = arith.constant 1 : i32
        %jit3A_1989 = arith.constant 1048576 : i32
        %broadcast_in_dim3A_1990 = vector.broadcast %jit3A_1988 : i32 to vector<16xi32>
        %broadcast_in_dim3A_1991 = vector.broadcast %jit3A_1989 : i32 to vector<16xi32>
        %select_n3A_1992 = arith.select %eq3A_1987, %broadcast_in_dim3A_1990, %broadcast_in_dim3A_1991 : vector<16xi1>, vector<16xi32>
        %eq3A_1993 = vector.broadcast %reduce_min3A_1978 : f32 to vector<16xf32>
        %eq3A_1994 = arith.cmpf oeq, %get3A_1967, %eq3A_1993 : vector<16xf32>
        %jit3A_1995 = arith.constant 2 : i32
        %jit3A_1996 = arith.constant 1048576 : i32
        %broadcast_in_dim3A_1997 = vector.broadcast %jit3A_1995 : i32 to vector<16xi32>
        %broadcast_in_dim3A_1998 = vector.broadcast %jit3A_1996 : i32 to vector<16xi32>
        %select_n3A_1999 = arith.select %eq3A_1994, %broadcast_in_dim3A_1997, %broadcast_in_dim3A_1998 : vector<16xi1>, vector<16xi32>
        %eq3A_2000 = vector.broadcast %reduce_min3A_1978 : f32 to vector<16xf32>
        %eq3A_2001 = arith.cmpf oeq, %get3A_1971, %eq3A_2000 : vector<16xf32>
        %jit3A_2002 = arith.constant 3 : i32
        %jit3A_2003 = arith.constant 1048576 : i32
        %broadcast_in_dim3A_2004 = vector.broadcast %jit3A_2002 : i32 to vector<16xi32>
        %broadcast_in_dim3A_2005 = vector.broadcast %jit3A_2003 : i32 to vector<16xi32>
        %select_n3A_2006 = arith.select %eq3A_2001, %broadcast_in_dim3A_2004, %broadcast_in_dim3A_2005 : vector<16xi1>, vector<16xi32>
        %min3A_2007 = arith.minsi %select_n3A_1985, %select_n3A_1992 : vector<16xi32>
        %min3A_2008 = arith.minsi %select_n3A_1999, %select_n3A_2006 : vector<16xi32>
        %min3A_2009 = arith.minsi %min3A_2007, %min3A_2008 : vector<16xi32>
        %reduce_min3A_2010 = arith.constant true
        %reduce_min3A_2011 = vector.broadcast %reduce_min3A_2010 : i1 to vector<16xi1>
        %reduce_min3A_2012 = arith.constant -2147483648 : i32
        %reduce_min3A_2013 = vector.broadcast %reduce_min3A_2012 : i32 to vector<16xi32>
        %reduce_min3A_2014 = arith.xori %min3A_2009, %reduce_min3A_2013 : vector<16xi32>
        %reduce_min3A_2015 = tpu.scan <min>, %reduce_min3A_2014 masked %reduce_min3A_2011 : vector<16xi32>, vector<16xi1> -> vector<16xi32>
        %reduce_min3A_2016 = arith.xori %reduce_min3A_2015, %reduce_min3A_2013 : vector<16xi32>
        %reduce_min3A_2017 = vector.extract %reduce_min3A_2016[15] : i32 from vector<16xi32>
        %mul3A_2018 = arith.constant 16 : i32
        %mul3A_2019 = arith.muli %reduce_min3A_2017, %mul3A_2018 : i32
        %add3A_2020 = arith.constant 0 : i32
        %add3A_2021 = arith.addi %mul3A_2019, %add3A_2020 : i32
        %get3A_2022 = arith.index_cast %add3A_2021 : i32 to index
        %get3A_2023 = arith.constant 0 : index
        %get3A_2024 = tpu.vector_load %arg14[%get3A_2022, %get3A_2023] {strides = array<i32>} : memref<64x16xf32, #tpu.memory_space<vmem>>, vector<16xf32>,
        %mul3A_2025 = arith.constant 16 : i32
        %mul3A_2026 = arith.muli %reduce_min3A_2017, %mul3A_2025 : i32
        %add3A_2027 = arith.constant 1 : i32
        %add3A_2028 = arith.addi %mul3A_2026, %add3A_2027 : i32
        %get3A_2029 = arith.index_cast %add3A_2028 : i32 to index
        %get3A_2030 = arith.constant 0 : index
        %get3A_2031 = tpu.vector_load %arg14[%get3A_2029, %get3A_2030] {strides = array<i32>} : memref<64x16xf32, #tpu.memory_space<vmem>>, vector<16xf32>,
        %mul3A_2032 = arith.constant 16 : i32
        %mul3A_2033 = arith.muli %reduce_min3A_2017, %mul3A_2032 : i32
        %add3A_2034 = arith.constant 2 : i32
        %add3A_2035 = arith.addi %mul3A_2033, %add3A_2034 : i32
        %get3A_2036 = arith.index_cast %add3A_2035 : i32 to index
        %get3A_2037 = arith.constant 0 : index
        %get3A_2038 = tpu.vector_load %arg14[%get3A_2036, %get3A_2037] {strides = array<i32>} : memref<64x16xf32, #tpu.memory_space<vmem>>, vector<16xf32>,
        %mul3A_2039 = arith.constant 16 : i32
        %mul3A_2040 = arith.muli %reduce_min3A_2017, %mul3A_2039 : i32
        %add3A_2041 = arith.constant 3 : i32
        %add3A_2042 = arith.addi %mul3A_2040, %add3A_2041 : i32
        %get3A_2043 = arith.index_cast %add3A_2042 : i32 to index
        %get3A_2044 = arith.constant 0 : index
        %get3A_2045 = tpu.vector_load %arg14[%get3A_2043, %get3A_2044] {strides = array<i32>} : memref<64x16xf32, #tpu.memory_space<vmem>>, vector<16xf32>,
        %mul3A_2046 = arith.constant 16 : i32
        %mul3A_2047 = arith.muli %reduce_min3A_2017, %mul3A_2046 : i32
        %add3A_2048 = arith.constant 4 : i32
        %add3A_2049 = arith.addi %mul3A_2047, %add3A_2048 : i32
        %get3A_2050 = arith.index_cast %add3A_2049 : i32 to index
        %get3A_2051 = arith.constant 0 : index
        %get3A_2052 = tpu.vector_load %arg14[%get3A_2050, %get3A_2051] {strides = array<i32>} : memref<64x16xf32, #tpu.memory_space<vmem>>, vector<16xf32>,
        %mul3A_2053 = arith.constant 16 : i32
        %mul3A_2054 = arith.muli %reduce_min3A_2017, %mul3A_2053 : i32
        %add3A_2055 = arith.constant 5 : i32
        %add3A_2056 = arith.addi %mul3A_2054, %add3A_2055 : i32
        %get3A_2057 = arith.index_cast %add3A_2056 : i32 to index
        %get3A_2058 = arith.constant 0 : index
        %get3A_2059 = tpu.vector_load %arg14[%get3A_2057, %get3A_2058] {strides = array<i32>} : memref<64x16xf32, #tpu.memory_space<vmem>>, vector<16xf32>,
        %mul3A_2060 = arith.constant 16 : i32
        %mul3A_2061 = arith.muli %reduce_min3A_2017, %mul3A_2060 : i32
        %add3A_2062 = arith.constant 6 : i32
        %add3A_2063 = arith.addi %mul3A_2061, %add3A_2062 : i32
        %get3A_2064 = arith.index_cast %add3A_2063 : i32 to index
        %get3A_2065 = arith.constant 0 : index
        %get3A_2066 = tpu.vector_load %arg14[%get3A_2064, %get3A_2065] {strides = array<i32>} : memref<64x16xf32, #tpu.memory_space<vmem>>, vector<16xf32>,
        %mul3A_2067 = arith.constant 16 : i32
        %mul3A_2068 = arith.muli %reduce_min3A_2017, %mul3A_2067 : i32
        %add3A_2069 = arith.constant 7 : i32
        %add3A_2070 = arith.addi %mul3A_2068, %add3A_2069 : i32
        %get3A_2071 = arith.index_cast %add3A_2070 : i32 to index
        %get3A_2072 = arith.constant 0 : index
        %get3A_2073 = tpu.vector_load %arg14[%get3A_2071, %get3A_2072] {strides = array<i32>} : memref<64x16xf32, #tpu.memory_space<vmem>>, vector<16xf32>,
        %mul3A_2074 = arith.constant 16 : i32
        %mul3A_2075 = arith.muli %reduce_min3A_2017, %mul3A_2074 : i32
        %add3A_2076 = arith.constant 8 : i32
        %add3A_2077 = arith.addi %mul3A_2075, %add3A_2076 : i32
        %get3A_2078 = arith.index_cast %add3A_2077 : i32 to index
        %get3A_2079 = arith.constant 0 : index
        %get3A_2080 = tpu.vector_load %arg14[%get3A_2078, %get3A_2079] {strides = array<i32>} : memref<64x16xf32, #tpu.memory_space<vmem>>, vector<16xf32>,
        %mul3A_2081 = arith.constant 16 : i32
        %mul3A_2082 = arith.muli %reduce_min3A_2017, %mul3A_2081 : i32
        %add3A_2083 = arith.constant 9 : i32
        %add3A_2084 = arith.addi %mul3A_2082, %add3A_2083 : i32
        %get3A_2085 = arith.index_cast %add3A_2084 : i32 to index
        %get3A_2086 = arith.constant 0 : index
        %get3A_2087 = tpu.vector_load %arg14[%get3A_2085, %get3A_2086] {strides = array<i32>} : memref<64x16xf32, #tpu.memory_space<vmem>>, vector<16xf32>,
        %mul3A_2088 = arith.constant 16 : i32
        %mul3A_2089 = arith.muli %reduce_min3A_2017, %mul3A_2088 : i32
        %add3A_2090 = arith.constant 10 : i32
        %add3A_2091 = arith.addi %mul3A_2089, %add3A_2090 : i32
        %get3A_2092 = arith.index_cast %add3A_2091 : i32 to index
        %get3A_2093 = arith.constant 0 : index
        %get3A_2094 = tpu.vector_load %arg14[%get3A_2092, %get3A_2093] {strides = array<i32>} : memref<64x16xf32, #tpu.memory_space<vmem>>, vector<16xf32>,
        %mul3A_2095 = arith.constant 16 : i32
        %mul3A_2096 = arith.muli %reduce_min3A_2017, %mul3A_2095 : i32
        %add3A_2097 = arith.constant 11 : i32
        %add3A_2098 = arith.addi %mul3A_2096, %add3A_2097 : i32
        %get3A_2099 = arith.index_cast %add3A_2098 : i32 to index
        %get3A_2100 = arith.constant 0 : index
        %get3A_2101 = tpu.vector_load %arg14[%get3A_2099, %get3A_2100] {strides = array<i32>} : memref<64x16xf32, #tpu.memory_space<vmem>>, vector<16xf32>,
        %mul3A_2102 = arith.constant 16 : i32
        %mul3A_2103 = arith.muli %reduce_min3A_2017, %mul3A_2102 : i32
        %add3A_2104 = arith.constant 12 : i32
        %add3A_2105 = arith.addi %mul3A_2103, %add3A_2104 : i32
        %get3A_2106 = arith.index_cast %add3A_2105 : i32 to index
        %get3A_2107 = arith.constant 0 : index
        %get3A_2108 = tpu.vector_load %arg14[%get3A_2106, %get3A_2107] {strides = array<i32>} : memref<64x16xf32, #tpu.memory_space<vmem>>, vector<16xf32>,
        %mul3A_2109 = arith.constant 16 : i32
        %mul3A_2110 = arith.muli %reduce_min3A_2017, %mul3A_2109 : i32
        %add3A_2111 = arith.constant 13 : i32
        %add3A_2112 = arith.addi %mul3A_2110, %add3A_2111 : i32
        %get3A_2113 = arith.index_cast %add3A_2112 : i32 to index
        %get3A_2114 = arith.constant 0 : index
        %get3A_2115 = tpu.vector_load %arg14[%get3A_2113, %get3A_2114] {strides = array<i32>} : memref<64x16xf32, #tpu.memory_space<vmem>>, vector<16xf32>,
        %mul3A_2116 = arith.constant 16 : i32
        %mul3A_2117 = arith.muli %reduce_min3A_2017, %mul3A_2116 : i32
        %add3A_2118 = arith.constant 14 : i32
        %add3A_2119 = arith.addi %mul3A_2117, %add3A_2118 : i32
        %get3A_2120 = arith.index_cast %add3A_2119 : i32 to index
        %get3A_2121 = arith.constant 0 : index
        %get3A_2122 = tpu.vector_load %arg14[%get3A_2120, %get3A_2121] {strides = array<i32>} : memref<64x16xf32, #tpu.memory_space<vmem>>, vector<16xf32>,
        %mul3A_2123 = arith.constant 16 : i32
        %mul3A_2124 = arith.muli %reduce_min3A_2017, %mul3A_2123 : i32
        %add3A_2125 = arith.constant 15 : i32
        %add3A_2126 = arith.addi %mul3A_2124, %add3A_2125 : i32
        %get3A_2127 = arith.index_cast %add3A_2126 : i32 to index
        %get3A_2128 = arith.constant 0 : index
        %get3A_2129 = tpu.vector_load %arg14[%get3A_2127, %get3A_2128] {strides = array<i32>} : memref<64x16xf32, #tpu.memory_space<vmem>>, vector<16xf32>,
        %eq3A_2130 = vector.broadcast %reduce_min3A_1978 : f32 to vector<16xf32>
        %eq3A_2131 = arith.cmpf oeq, %get3A_2024, %eq3A_2130 : vector<16xf32>
        %jit3A_2132 = arith.constant 0 : i32
        %jit3A_2133 = arith.constant 1048576 : i32
        %broadcast_in_dim3A_2134 = vector.broadcast %jit3A_2132 : i32 to vector<16xi32>
        %broadcast_in_dim3A_2135 = vector.broadcast %jit3A_2133 : i32 to vector<16xi32>
        %select_n3A_2136 = arith.select %eq3A_2131, %broadcast_in_dim3A_2134, %broadcast_in_dim3A_2135 : vector<16xi1>, vector<16xi32>
        %eq3A_2137 = vector.broadcast %reduce_min3A_1978 : f32 to vector<16xf32>
        %eq3A_2138 = arith.cmpf oeq, %get3A_2031, %eq3A_2137 : vector<16xf32>
        %jit3A_2139 = arith.constant 1 : i32
        %jit3A_2140 = arith.constant 1048576 : i32
        %broadcast_in_dim3A_2141 = vector.broadcast %jit3A_2139 : i32 to vector<16xi32>
        %broadcast_in_dim3A_2142 = vector.broadcast %jit3A_2140 : i32 to vector<16xi32>
        %select_n3A_2143 = arith.select %eq3A_2138, %broadcast_in_dim3A_2141, %broadcast_in_dim3A_2142 : vector<16xi1>, vector<16xi32>
        %eq3A_2144 = vector.broadcast %reduce_min3A_1978 : f32 to vector<16xf32>
        %eq3A_2145 = arith.cmpf oeq, %get3A_2038, %eq3A_2144 : vector<16xf32>
        %jit3A_2146 = arith.constant 2 : i32
        %jit3A_2147 = arith.constant 1048576 : i32
        %broadcast_in_dim3A_2148 = vector.broadcast %jit3A_2146 : i32 to vector<16xi32>
        %broadcast_in_dim3A_2149 = vector.broadcast %jit3A_2147 : i32 to vector<16xi32>
        %select_n3A_2150 = arith.select %eq3A_2145, %broadcast_in_dim3A_2148, %broadcast_in_dim3A_2149 : vector<16xi1>, vector<16xi32>
        %eq3A_2151 = vector.broadcast %reduce_min3A_1978 : f32 to vector<16xf32>
        %eq3A_2152 = arith.cmpf oeq, %get3A_2045, %eq3A_2151 : vector<16xf32>
        %jit3A_2153 = arith.constant 3 : i32
        %jit3A_2154 = arith.constant 1048576 : i32
        %broadcast_in_dim3A_2155 = vector.broadcast %jit3A_2153 : i32 to vector<16xi32>
        %broadcast_in_dim3A_2156 = vector.broadcast %jit3A_2154 : i32 to vector<16xi32>
        %select_n3A_2157 = arith.select %eq3A_2152, %broadcast_in_dim3A_2155, %broadcast_in_dim3A_2156 : vector<16xi1>, vector<16xi32>
        %eq3A_2158 = vector.broadcast %reduce_min3A_1978 : f32 to vector<16xf32>
        %eq3A_2159 = arith.cmpf oeq, %get3A_2052, %eq3A_2158 : vector<16xf32>
        %jit3A_2160 = arith.constant 4 : i32
        %jit3A_2161 = arith.constant 1048576 : i32
        %broadcast_in_dim3A_2162 = vector.broadcast %jit3A_2160 : i32 to vector<16xi32>
        %broadcast_in_dim3A_2163 = vector.broadcast %jit3A_2161 : i32 to vector<16xi32>
        %select_n3A_2164 = arith.select %eq3A_2159, %broadcast_in_dim3A_2162, %broadcast_in_dim3A_2163 : vector<16xi1>, vector<16xi32>
        %eq3A_2165 = vector.broadcast %reduce_min3A_1978 : f32 to vector<16xf32>
        %eq3A_2166 = arith.cmpf oeq, %get3A_2059, %eq3A_2165 : vector<16xf32>
        %jit3A_2167 = arith.constant 5 : i32
        %jit3A_2168 = arith.constant 1048576 : i32
        %broadcast_in_dim3A_2169 = vector.broadcast %jit3A_2167 : i32 to vector<16xi32>
        %broadcast_in_dim3A_2170 = vector.broadcast %jit3A_2168 : i32 to vector<16xi32>
        %select_n3A_2171 = arith.select %eq3A_2166, %broadcast_in_dim3A_2169, %broadcast_in_dim3A_2170 : vector<16xi1>, vector<16xi32>
        %eq3A_2172 = vector.broadcast %reduce_min3A_1978 : f32 to vector<16xf32>
        %eq3A_2173 = arith.cmpf oeq, %get3A_2066, %eq3A_2172 : vector<16xf32>
        %jit3A_2174 = arith.constant 6 : i32
        %jit3A_2175 = arith.constant 1048576 : i32
        %broadcast_in_dim3A_2176 = vector.broadcast %jit3A_2174 : i32 to vector<16xi32>
        %broadcast_in_dim3A_2177 = vector.broadcast %jit3A_2175 : i32 to vector<16xi32>
        %select_n3A_2178 = arith.select %eq3A_2173, %broadcast_in_dim3A_2176, %broadcast_in_dim3A_2177 : vector<16xi1>, vector<16xi32>
        %eq3A_2179 = vector.broadcast %reduce_min3A_1978 : f32 to vector<16xf32>
        %eq3A_2180 = arith.cmpf oeq, %get3A_2073, %eq3A_2179 : vector<16xf32>
        %jit3A_2181 = arith.constant 7 : i32
        %jit3A_2182 = arith.constant 1048576 : i32
        %broadcast_in_dim3A_2183 = vector.broadcast %jit3A_2181 : i32 to vector<16xi32>
        %broadcast_in_dim3A_2184 = vector.broadcast %jit3A_2182 : i32 to vector<16xi32>
        %select_n3A_2185 = arith.select %eq3A_2180, %broadcast_in_dim3A_2183, %broadcast_in_dim3A_2184 : vector<16xi1>, vector<16xi32>
        %eq3A_2186 = vector.broadcast %reduce_min3A_1978 : f32 to vector<16xf32>
        %eq3A_2187 = arith.cmpf oeq, %get3A_2080, %eq3A_2186 : vector<16xf32>
        %jit3A_2188 = arith.constant 8 : i32
        %jit3A_2189 = arith.constant 1048576 : i32
        %broadcast_in_dim3A_2190 = vector.broadcast %jit3A_2188 : i32 to vector<16xi32>
        %broadcast_in_dim3A_2191 = vector.broadcast %jit3A_2189 : i32 to vector<16xi32>
        %select_n3A_2192 = arith.select %eq3A_2187, %broadcast_in_dim3A_2190, %broadcast_in_dim3A_2191 : vector<16xi1>, vector<16xi32>
        %eq3A_2193 = vector.broadcast %reduce_min3A_1978 : f32 to vector<16xf32>
        %eq3A_2194 = arith.cmpf oeq, %get3A_2087, %eq3A_2193 : vector<16xf32>
        %jit3A_2195 = arith.constant 9 : i32
        %jit3A_2196 = arith.constant 1048576 : i32
        %broadcast_in_dim3A_2197 = vector.broadcast %jit3A_2195 : i32 to vector<16xi32>
        %broadcast_in_dim3A_2198 = vector.broadcast %jit3A_2196 : i32 to vector<16xi32>
        %select_n3A_2199 = arith.select %eq3A_2194, %broadcast_in_dim3A_2197, %broadcast_in_dim3A_2198 : vector<16xi1>, vector<16xi32>
        %eq3A_2200 = vector.broadcast %reduce_min3A_1978 : f32 to vector<16xf32>
        %eq3A_2201 = arith.cmpf oeq, %get3A_2094, %eq3A_2200 : vector<16xf32>
        %jit3A_2202 = arith.constant 10 : i32
        %jit3A_2203 = arith.constant 1048576 : i32
        %broadcast_in_dim3A_2204 = vector.broadcast %jit3A_2202 : i32 to vector<16xi32>
        %broadcast_in_dim3A_2205 = vector.broadcast %jit3A_2203 : i32 to vector<16xi32>
        %select_n3A_2206 = arith.select %eq3A_2201, %broadcast_in_dim3A_2204, %broadcast_in_dim3A_2205 : vector<16xi1>, vector<16xi32>
        %eq3A_2207 = vector.broadcast %reduce_min3A_1978 : f32 to vector<16xf32>
        %eq3A_2208 = arith.cmpf oeq, %get3A_2101, %eq3A_2207 : vector<16xf32>
        %jit3A_2209 = arith.constant 11 : i32
        %jit3A_2210 = arith.constant 1048576 : i32
        %broadcast_in_dim3A_2211 = vector.broadcast %jit3A_2209 : i32 to vector<16xi32>
        %broadcast_in_dim3A_2212 = vector.broadcast %jit3A_2210 : i32 to vector<16xi32>
        %select_n3A_2213 = arith.select %eq3A_2208, %broadcast_in_dim3A_2211, %broadcast_in_dim3A_2212 : vector<16xi1>, vector<16xi32>
        %eq3A_2214 = vector.broadcast %reduce_min3A_1978 : f32 to vector<16xf32>
        %eq3A_2215 = arith.cmpf oeq, %get3A_2108, %eq3A_2214 : vector<16xf32>
        %jit3A_2216 = arith.constant 12 : i32
        %jit3A_2217 = arith.constant 1048576 : i32
        %broadcast_in_dim3A_2218 = vector.broadcast %jit3A_2216 : i32 to vector<16xi32>
        %broadcast_in_dim3A_2219 = vector.broadcast %jit3A_2217 : i32 to vector<16xi32>
        %select_n3A_2220 = arith.select %eq3A_2215, %broadcast_in_dim3A_2218, %broadcast_in_dim3A_2219 : vector<16xi1>, vector<16xi32>
        %eq3A_2221 = vector.broadcast %reduce_min3A_1978 : f32 to vector<16xf32>
        %eq3A_2222 = arith.cmpf oeq, %get3A_2115, %eq3A_2221 : vector<16xf32>
        %jit3A_2223 = arith.constant 13 : i32
        %jit3A_2224 = arith.constant 1048576 : i32
        %broadcast_in_dim3A_2225 = vector.broadcast %jit3A_2223 : i32 to vector<16xi32>
        %broadcast_in_dim3A_2226 = vector.broadcast %jit3A_2224 : i32 to vector<16xi32>
        %select_n3A_2227 = arith.select %eq3A_2222, %broadcast_in_dim3A_2225, %broadcast_in_dim3A_2226 : vector<16xi1>, vector<16xi32>
        %eq3A_2228 = vector.broadcast %reduce_min3A_1978 : f32 to vector<16xf32>
        %eq3A_2229 = arith.cmpf oeq, %get3A_2122, %eq3A_2228 : vector<16xf32>
        %jit3A_2230 = arith.constant 14 : i32
        %jit3A_2231 = arith.constant 1048576 : i32
        %broadcast_in_dim3A_2232 = vector.broadcast %jit3A_2230 : i32 to vector<16xi32>
        %broadcast_in_dim3A_2233 = vector.broadcast %jit3A_2231 : i32 to vector<16xi32>
        %select_n3A_2234 = arith.select %eq3A_2229, %broadcast_in_dim3A_2232, %broadcast_in_dim3A_2233 : vector<16xi1>, vector<16xi32>
        %eq3A_2235 = vector.broadcast %reduce_min3A_1978 : f32 to vector<16xf32>
        %eq3A_2236 = arith.cmpf oeq, %get3A_2129, %eq3A_2235 : vector<16xf32>
        %jit3A_2237 = arith.constant 15 : i32
        %jit3A_2238 = arith.constant 1048576 : i32
        %broadcast_in_dim3A_2239 = vector.broadcast %jit3A_2237 : i32 to vector<16xi32>
        %broadcast_in_dim3A_2240 = vector.broadcast %jit3A_2238 : i32 to vector<16xi32>
        %select_n3A_2241 = arith.select %eq3A_2236, %broadcast_in_dim3A_2239, %broadcast_in_dim3A_2240 : vector<16xi1>, vector<16xi32>
        %min3A_2242 = arith.minsi %select_n3A_2136, %select_n3A_2143 : vector<16xi32>
        %min3A_2243 = arith.minsi %select_n3A_2150, %select_n3A_2157 : vector<16xi32>
        %min3A_2244 = arith.minsi %select_n3A_2164, %select_n3A_2171 : vector<16xi32>
        %min3A_2245 = arith.minsi %select_n3A_2178, %select_n3A_2185 : vector<16xi32>
        %min3A_2246 = arith.minsi %select_n3A_2192, %select_n3A_2199 : vector<16xi32>
        %min3A_2247 = arith.minsi %select_n3A_2206, %select_n3A_2213 : vector<16xi32>
        %min3A_2248 = arith.minsi %select_n3A_2220, %select_n3A_2227 : vector<16xi32>
        %min3A_2249 = arith.minsi %select_n3A_2234, %select_n3A_2241 : vector<16xi32>
        %min3A_2250 = arith.minsi %min3A_2242, %min3A_2243 : vector<16xi32>
        %min3A_2251 = arith.minsi %min3A_2244, %min3A_2245 : vector<16xi32>
        %min3A_2252 = arith.minsi %min3A_2246, %min3A_2247 : vector<16xi32>
        %min3A_2253 = arith.minsi %min3A_2248, %min3A_2249 : vector<16xi32>
        %min3A_2254 = arith.minsi %min3A_2250, %min3A_2251 : vector<16xi32>
        %min3A_2255 = arith.minsi %min3A_2252, %min3A_2253 : vector<16xi32>
        %min3A_2256 = arith.minsi %min3A_2254, %min3A_2255 : vector<16xi32>
        %reduce_min3A_2257 = arith.constant true
        %reduce_min3A_2258 = vector.broadcast %reduce_min3A_2257 : i1 to vector<16xi1>
        %reduce_min3A_2259 = arith.constant -2147483648 : i32
        %reduce_min3A_2260 = vector.broadcast %reduce_min3A_2259 : i32 to vector<16xi32>
        %reduce_min3A_2261 = arith.xori %min3A_2256, %reduce_min3A_2260 : vector<16xi32>
        %reduce_min3A_2262 = tpu.scan <min>, %reduce_min3A_2261 masked %reduce_min3A_2258 : vector<16xi32>, vector<16xi1> -> vector<16xi32>
        %reduce_min3A_2263 = arith.xori %reduce_min3A_2262, %reduce_min3A_2260 : vector<16xi32>
        %reduce_min3A_2264 = vector.extract %reduce_min3A_2263[15] : i32 from vector<16xi32>
        %mul3A_2265 = arith.constant 16 : i32
        %mul3A_2266 = arith.muli %reduce_min3A_2017, %mul3A_2265 : i32
        %add3A_2267 = arith.addi %mul3A_2266, %reduce_min3A_2264 : i32
        %mul3A_2268 = arith.constant 16 : i32
        %mul3A_2269 = arith.muli %add3A_2267, %mul3A_2268 : i32
        %add3A_2270 = arith.constant 0 : i32
        %add3A_2271 = arith.addi %mul3A_2269, %add3A_2270 : i32
        %mul3A_2272 = arith.constant 16 : i32
        %mul3A_2273 = arith.muli %add3A_2271, %mul3A_2272 : i32
        %get3A_2274 = arith.index_cast %mul3A_2273 : i32 to index
        %get3A_2275 = tpu.vector_load %arg10[%get3A_2274] {strides = array<i32>} : memref<16384xf32, #tpu.memory_space<vmem>>, vector<16xf32>,
        %mul3A_2276 = arith.constant 16 : i32
        %mul3A_2277 = arith.muli %add3A_2267, %mul3A_2276 : i32
        %add3A_2278 = arith.constant 1 : i32
        %add3A_2279 = arith.addi %mul3A_2277, %add3A_2278 : i32
        %mul3A_2280 = arith.constant 16 : i32
        %mul3A_2281 = arith.muli %add3A_2279, %mul3A_2280 : i32
        %get3A_2282 = arith.index_cast %mul3A_2281 : i32 to index
        %get3A_2283 = tpu.vector_load %arg10[%get3A_2282] {strides = array<i32>} : memref<16384xf32, #tpu.memory_space<vmem>>, vector<16xf32>,
        %mul3A_2284 = arith.constant 16 : i32
        %mul3A_2285 = arith.muli %add3A_2267, %mul3A_2284 : i32
        %add3A_2286 = arith.constant 2 : i32
        %add3A_2287 = arith.addi %mul3A_2285, %add3A_2286 : i32
        %mul3A_2288 = arith.constant 16 : i32
        %mul3A_2289 = arith.muli %add3A_2287, %mul3A_2288 : i32
        %get3A_2290 = arith.index_cast %mul3A_2289 : i32 to index
        %get3A_2291 = tpu.vector_load %arg10[%get3A_2290] {strides = array<i32>} : memref<16384xf32, #tpu.memory_space<vmem>>, vector<16xf32>,
        %mul3A_2292 = arith.constant 16 : i32
        %mul3A_2293 = arith.muli %add3A_2267, %mul3A_2292 : i32
        %add3A_2294 = arith.constant 3 : i32
        %add3A_2295 = arith.addi %mul3A_2293, %add3A_2294 : i32
        %mul3A_2296 = arith.constant 16 : i32
        %mul3A_2297 = arith.muli %add3A_2295, %mul3A_2296 : i32
        %get3A_2298 = arith.index_cast %mul3A_2297 : i32 to index
        %get3A_2299 = tpu.vector_load %arg10[%get3A_2298] {strides = array<i32>} : memref<16384xf32, #tpu.memory_space<vmem>>, vector<16xf32>,
        %mul3A_2300 = arith.constant 16 : i32
        %mul3A_2301 = arith.muli %add3A_2267, %mul3A_2300 : i32
        %add3A_2302 = arith.constant 4 : i32
        %add3A_2303 = arith.addi %mul3A_2301, %add3A_2302 : i32
        %mul3A_2304 = arith.constant 16 : i32
        %mul3A_2305 = arith.muli %add3A_2303, %mul3A_2304 : i32
        %get3A_2306 = arith.index_cast %mul3A_2305 : i32 to index
        %get3A_2307 = tpu.vector_load %arg10[%get3A_2306] {strides = array<i32>} : memref<16384xf32, #tpu.memory_space<vmem>>, vector<16xf32>,
        %mul3A_2308 = arith.constant 16 : i32
        %mul3A_2309 = arith.muli %add3A_2267, %mul3A_2308 : i32
        %add3A_2310 = arith.constant 5 : i32
        %add3A_2311 = arith.addi %mul3A_2309, %add3A_2310 : i32
        %mul3A_2312 = arith.constant 16 : i32
        %mul3A_2313 = arith.muli %add3A_2311, %mul3A_2312 : i32
        %get3A_2314 = arith.index_cast %mul3A_2313 : i32 to index
        %get3A_2315 = tpu.vector_load %arg10[%get3A_2314] {strides = array<i32>} : memref<16384xf32, #tpu.memory_space<vmem>>, vector<16xf32>,
        %mul3A_2316 = arith.constant 16 : i32
        %mul3A_2317 = arith.muli %add3A_2267, %mul3A_2316 : i32
        %add3A_2318 = arith.constant 6 : i32
        %add3A_2319 = arith.addi %mul3A_2317, %add3A_2318 : i32
        %mul3A_2320 = arith.constant 16 : i32
        %mul3A_2321 = arith.muli %add3A_2319, %mul3A_2320 : i32
        %get3A_2322 = arith.index_cast %mul3A_2321 : i32 to index
        %get3A_2323 = tpu.vector_load %arg10[%get3A_2322] {strides = array<i32>} : memref<16384xf32, #tpu.memory_space<vmem>>, vector<16xf32>,
        %mul3A_2324 = arith.constant 16 : i32
        %mul3A_2325 = arith.muli %add3A_2267, %mul3A_2324 : i32
        %add3A_2326 = arith.constant 7 : i32
        %add3A_2327 = arith.addi %mul3A_2325, %add3A_2326 : i32
        %mul3A_2328 = arith.constant 16 : i32
        %mul3A_2329 = arith.muli %add3A_2327, %mul3A_2328 : i32
        %get3A_2330 = arith.index_cast %mul3A_2329 : i32 to index
        %get3A_2331 = tpu.vector_load %arg10[%get3A_2330] {strides = array<i32>} : memref<16384xf32, #tpu.memory_space<vmem>>, vector<16xf32>,
        %mul3A_2332 = arith.constant 16 : i32
        %mul3A_2333 = arith.muli %add3A_2267, %mul3A_2332 : i32
        %add3A_2334 = arith.constant 8 : i32
        %add3A_2335 = arith.addi %mul3A_2333, %add3A_2334 : i32
        %mul3A_2336 = arith.constant 16 : i32
        %mul3A_2337 = arith.muli %add3A_2335, %mul3A_2336 : i32
        %get3A_2338 = arith.index_cast %mul3A_2337 : i32 to index
        %get3A_2339 = tpu.vector_load %arg10[%get3A_2338] {strides = array<i32>} : memref<16384xf32, #tpu.memory_space<vmem>>, vector<16xf32>,
        %mul3A_2340 = arith.constant 16 : i32
        %mul3A_2341 = arith.muli %add3A_2267, %mul3A_2340 : i32
        %add3A_2342 = arith.constant 9 : i32
        %add3A_2343 = arith.addi %mul3A_2341, %add3A_2342 : i32
        %mul3A_2344 = arith.constant 16 : i32
        %mul3A_2345 = arith.muli %add3A_2343, %mul3A_2344 : i32
        %get3A_2346 = arith.index_cast %mul3A_2345 : i32 to index
        %get3A_2347 = tpu.vector_load %arg10[%get3A_2346] {strides = array<i32>} : memref<16384xf32, #tpu.memory_space<vmem>>, vector<16xf32>,
        %mul3A_2348 = arith.constant 16 : i32
        %mul3A_2349 = arith.muli %add3A_2267, %mul3A_2348 : i32
        %add3A_2350 = arith.constant 10 : i32
        %add3A_2351 = arith.addi %mul3A_2349, %add3A_2350 : i32
        %mul3A_2352 = arith.constant 16 : i32
        %mul3A_2353 = arith.muli %add3A_2351, %mul3A_2352 : i32
        %get3A_2354 = arith.index_cast %mul3A_2353 : i32 to index
        %get3A_2355 = tpu.vector_load %arg10[%get3A_2354] {strides = array<i32>} : memref<16384xf32, #tpu.memory_space<vmem>>, vector<16xf32>,
        %mul3A_2356 = arith.constant 16 : i32
        %mul3A_2357 = arith.muli %add3A_2267, %mul3A_2356 : i32
        %add3A_2358 = arith.constant 11 : i32
        %add3A_2359 = arith.addi %mul3A_2357, %add3A_2358 : i32
        %mul3A_2360 = arith.constant 16 : i32
        %mul3A_2361 = arith.muli %add3A_2359, %mul3A_2360 : i32
        %get3A_2362 = arith.index_cast %mul3A_2361 : i32 to index
        %get3A_2363 = tpu.vector_load %arg10[%get3A_2362] {strides = array<i32>} : memref<16384xf32, #tpu.memory_space<vmem>>, vector<16xf32>,
        %mul3A_2364 = arith.constant 16 : i32
        %mul3A_2365 = arith.muli %add3A_2267, %mul3A_2364 : i32
        %add3A_2366 = arith.constant 12 : i32
        %add3A_2367 = arith.addi %mul3A_2365, %add3A_2366 : i32
        %mul3A_2368 = arith.constant 16 : i32
        %mul3A_2369 = arith.muli %add3A_2367, %mul3A_2368 : i32
        %get3A_2370 = arith.index_cast %mul3A_2369 : i32 to index
        %get3A_2371 = tpu.vector_load %arg10[%get3A_2370] {strides = array<i32>} : memref<16384xf32, #tpu.memory_space<vmem>>, vector<16xf32>,
        %mul3A_2372 = arith.constant 16 : i32
        %mul3A_2373 = arith.muli %add3A_2267, %mul3A_2372 : i32
        %add3A_2374 = arith.constant 13 : i32
        %add3A_2375 = arith.addi %mul3A_2373, %add3A_2374 : i32
        %mul3A_2376 = arith.constant 16 : i32
        %mul3A_2377 = arith.muli %add3A_2375, %mul3A_2376 : i32
        %get3A_2378 = arith.index_cast %mul3A_2377 : i32 to index
        %get3A_2379 = tpu.vector_load %arg10[%get3A_2378] {strides = array<i32>} : memref<16384xf32, #tpu.memory_space<vmem>>, vector<16xf32>,
        %mul3A_2380 = arith.constant 16 : i32
        %mul3A_2381 = arith.muli %add3A_2267, %mul3A_2380 : i32
        %add3A_2382 = arith.constant 14 : i32
        %add3A_2383 = arith.addi %mul3A_2381, %add3A_2382 : i32
        %mul3A_2384 = arith.constant 16 : i32
        %mul3A_2385 = arith.muli %add3A_2383, %mul3A_2384 : i32
        %get3A_2386 = arith.index_cast %mul3A_2385 : i32 to index
        %get3A_2387 = tpu.vector_load %arg10[%get3A_2386] {strides = array<i32>} : memref<16384xf32, #tpu.memory_space<vmem>>, vector<16xf32>,
        %mul3A_2388 = arith.constant 16 : i32
        %mul3A_2389 = arith.muli %add3A_2267, %mul3A_2388 : i32
        %add3A_2390 = arith.constant 15 : i32
        %add3A_2391 = arith.addi %mul3A_2389, %add3A_2390 : i32
        %mul3A_2392 = arith.constant 16 : i32
        %mul3A_2393 = arith.muli %add3A_2391, %mul3A_2392 : i32
        %get3A_2394 = arith.index_cast %mul3A_2393 : i32 to index
        %get3A_2395 = tpu.vector_load %arg10[%get3A_2394] {strides = array<i32>} : memref<16384xf32, #tpu.memory_space<vmem>>, vector<16xf32>,
        %eq3A_2396 = vector.broadcast %reduce_min3A_1978 : f32 to vector<16xf32>
        %eq3A_2397 = arith.cmpf oeq, %get3A_2275, %eq3A_2396 : vector<16xf32>
        %jit3A_2398 = arith.constant 0 : i32
        %jit3A_2399 = arith.constant 1048576 : i32
        %broadcast_in_dim3A_2400 = vector.broadcast %jit3A_2398 : i32 to vector<16xi32>
        %broadcast_in_dim3A_2401 = vector.broadcast %jit3A_2399 : i32 to vector<16xi32>
        %select_n3A_2402 = arith.select %eq3A_2397, %broadcast_in_dim3A_2400, %broadcast_in_dim3A_2401 : vector<16xi1>, vector<16xi32>
        %eq3A_2403 = vector.broadcast %reduce_min3A_1978 : f32 to vector<16xf32>
        %eq3A_2404 = arith.cmpf oeq, %get3A_2283, %eq3A_2403 : vector<16xf32>
        %jit3A_2405 = arith.constant 1 : i32
        %jit3A_2406 = arith.constant 1048576 : i32
        %broadcast_in_dim3A_2407 = vector.broadcast %jit3A_2405 : i32 to vector<16xi32>
        %broadcast_in_dim3A_2408 = vector.broadcast %jit3A_2406 : i32 to vector<16xi32>
        %select_n3A_2409 = arith.select %eq3A_2404, %broadcast_in_dim3A_2407, %broadcast_in_dim3A_2408 : vector<16xi1>, vector<16xi32>
        %eq3A_2410 = vector.broadcast %reduce_min3A_1978 : f32 to vector<16xf32>
        %eq3A_2411 = arith.cmpf oeq, %get3A_2291, %eq3A_2410 : vector<16xf32>
        %jit3A_2412 = arith.constant 2 : i32
        %jit3A_2413 = arith.constant 1048576 : i32
        %broadcast_in_dim3A_2414 = vector.broadcast %jit3A_2412 : i32 to vector<16xi32>
        %broadcast_in_dim3A_2415 = vector.broadcast %jit3A_2413 : i32 to vector<16xi32>
        %select_n3A_2416 = arith.select %eq3A_2411, %broadcast_in_dim3A_2414, %broadcast_in_dim3A_2415 : vector<16xi1>, vector<16xi32>
        %eq3A_2417 = vector.broadcast %reduce_min3A_1978 : f32 to vector<16xf32>
        %eq3A_2418 = arith.cmpf oeq, %get3A_2299, %eq3A_2417 : vector<16xf32>
        %jit3A_2419 = arith.constant 3 : i32
        %jit3A_2420 = arith.constant 1048576 : i32
        %broadcast_in_dim3A_2421 = vector.broadcast %jit3A_2419 : i32 to vector<16xi32>
        %broadcast_in_dim3A_2422 = vector.broadcast %jit3A_2420 : i32 to vector<16xi32>
        %select_n3A_2423 = arith.select %eq3A_2418, %broadcast_in_dim3A_2421, %broadcast_in_dim3A_2422 : vector<16xi1>, vector<16xi32>
        %eq3A_2424 = vector.broadcast %reduce_min3A_1978 : f32 to vector<16xf32>
        %eq3A_2425 = arith.cmpf oeq, %get3A_2307, %eq3A_2424 : vector<16xf32>
        %jit3A_2426 = arith.constant 4 : i32
        %jit3A_2427 = arith.constant 1048576 : i32
        %broadcast_in_dim3A_2428 = vector.broadcast %jit3A_2426 : i32 to vector<16xi32>
        %broadcast_in_dim3A_2429 = vector.broadcast %jit3A_2427 : i32 to vector<16xi32>
        %select_n3A_2430 = arith.select %eq3A_2425, %broadcast_in_dim3A_2428, %broadcast_in_dim3A_2429 : vector<16xi1>, vector<16xi32>
        %eq3A_2431 = vector.broadcast %reduce_min3A_1978 : f32 to vector<16xf32>
        %eq3A_2432 = arith.cmpf oeq, %get3A_2315, %eq3A_2431 : vector<16xf32>
        %jit3A_2433 = arith.constant 5 : i32
        %jit3A_2434 = arith.constant 1048576 : i32
        %broadcast_in_dim3A_2435 = vector.broadcast %jit3A_2433 : i32 to vector<16xi32>
        %broadcast_in_dim3A_2436 = vector.broadcast %jit3A_2434 : i32 to vector<16xi32>
        %select_n3A_2437 = arith.select %eq3A_2432, %broadcast_in_dim3A_2435, %broadcast_in_dim3A_2436 : vector<16xi1>, vector<16xi32>
        %eq3A_2438 = vector.broadcast %reduce_min3A_1978 : f32 to vector<16xf32>
        %eq3A_2439 = arith.cmpf oeq, %get3A_2323, %eq3A_2438 : vector<16xf32>
        %jit3A_2440 = arith.constant 6 : i32
        %jit3A_2441 = arith.constant 1048576 : i32
        %broadcast_in_dim3A_2442 = vector.broadcast %jit3A_2440 : i32 to vector<16xi32>
        %broadcast_in_dim3A_2443 = vector.broadcast %jit3A_2441 : i32 to vector<16xi32>
        %select_n3A_2444 = arith.select %eq3A_2439, %broadcast_in_dim3A_2442, %broadcast_in_dim3A_2443 : vector<16xi1>, vector<16xi32>
        %eq3A_2445 = vector.broadcast %reduce_min3A_1978 : f32 to vector<16xf32>
        %eq3A_2446 = arith.cmpf oeq, %get3A_2331, %eq3A_2445 : vector<16xf32>
        %jit3A_2447 = arith.constant 7 : i32
        %jit3A_2448 = arith.constant 1048576 : i32
        %broadcast_in_dim3A_2449 = vector.broadcast %jit3A_2447 : i32 to vector<16xi32>
        %broadcast_in_dim3A_2450 = vector.broadcast %jit3A_2448 : i32 to vector<16xi32>
        %select_n3A_2451 = arith.select %eq3A_2446, %broadcast_in_dim3A_2449, %broadcast_in_dim3A_2450 : vector<16xi1>, vector<16xi32>
        %eq3A_2452 = vector.broadcast %reduce_min3A_1978 : f32 to vector<16xf32>
        %eq3A_2453 = arith.cmpf oeq, %get3A_2339, %eq3A_2452 : vector<16xf32>
        %jit3A_2454 = arith.constant 8 : i32
        %jit3A_2455 = arith.constant 1048576 : i32
        %broadcast_in_dim3A_2456 = vector.broadcast %jit3A_2454 : i32 to vector<16xi32>
        %broadcast_in_dim3A_2457 = vector.broadcast %jit3A_2455 : i32 to vector<16xi32>
        %select_n3A_2458 = arith.select %eq3A_2453, %broadcast_in_dim3A_2456, %broadcast_in_dim3A_2457 : vector<16xi1>, vector<16xi32>
        %eq3A_2459 = vector.broadcast %reduce_min3A_1978 : f32 to vector<16xf32>
        %eq3A_2460 = arith.cmpf oeq, %get3A_2347, %eq3A_2459 : vector<16xf32>
        %jit3A_2461 = arith.constant 9 : i32
        %jit3A_2462 = arith.constant 1048576 : i32
        %broadcast_in_dim3A_2463 = vector.broadcast %jit3A_2461 : i32 to vector<16xi32>
        %broadcast_in_dim3A_2464 = vector.broadcast %jit3A_2462 : i32 to vector<16xi32>
        %select_n3A_2465 = arith.select %eq3A_2460, %broadcast_in_dim3A_2463, %broadcast_in_dim3A_2464 : vector<16xi1>, vector<16xi32>
        %eq3A_2466 = vector.broadcast %reduce_min3A_1978 : f32 to vector<16xf32>
        %eq3A_2467 = arith.cmpf oeq, %get3A_2355, %eq3A_2466 : vector<16xf32>
        %jit3A_2468 = arith.constant 10 : i32
        %jit3A_2469 = arith.constant 1048576 : i32
        %broadcast_in_dim3A_2470 = vector.broadcast %jit3A_2468 : i32 to vector<16xi32>
        %broadcast_in_dim3A_2471 = vector.broadcast %jit3A_2469 : i32 to vector<16xi32>
        %select_n3A_2472 = arith.select %eq3A_2467, %broadcast_in_dim3A_2470, %broadcast_in_dim3A_2471 : vector<16xi1>, vector<16xi32>
        %eq3A_2473 = vector.broadcast %reduce_min3A_1978 : f32 to vector<16xf32>
        %eq3A_2474 = arith.cmpf oeq, %get3A_2363, %eq3A_2473 : vector<16xf32>
        %jit3A_2475 = arith.constant 11 : i32
        %jit3A_2476 = arith.constant 1048576 : i32
        %broadcast_in_dim3A_2477 = vector.broadcast %jit3A_2475 : i32 to vector<16xi32>
        %broadcast_in_dim3A_2478 = vector.broadcast %jit3A_2476 : i32 to vector<16xi32>
        %select_n3A_2479 = arith.select %eq3A_2474, %broadcast_in_dim3A_2477, %broadcast_in_dim3A_2478 : vector<16xi1>, vector<16xi32>
        %eq3A_2480 = vector.broadcast %reduce_min3A_1978 : f32 to vector<16xf32>
        %eq3A_2481 = arith.cmpf oeq, %get3A_2371, %eq3A_2480 : vector<16xf32>
        %jit3A_2482 = arith.constant 12 : i32
        %jit3A_2483 = arith.constant 1048576 : i32
        %broadcast_in_dim3A_2484 = vector.broadcast %jit3A_2482 : i32 to vector<16xi32>
        %broadcast_in_dim3A_2485 = vector.broadcast %jit3A_2483 : i32 to vector<16xi32>
        %select_n3A_2486 = arith.select %eq3A_2481, %broadcast_in_dim3A_2484, %broadcast_in_dim3A_2485 : vector<16xi1>, vector<16xi32>
        %eq3A_2487 = vector.broadcast %reduce_min3A_1978 : f32 to vector<16xf32>
        %eq3A_2488 = arith.cmpf oeq, %get3A_2379, %eq3A_2487 : vector<16xf32>
        %jit3A_2489 = arith.constant 13 : i32
        %jit3A_2490 = arith.constant 1048576 : i32
        %broadcast_in_dim3A_2491 = vector.broadcast %jit3A_2489 : i32 to vector<16xi32>
        %broadcast_in_dim3A_2492 = vector.broadcast %jit3A_2490 : i32 to vector<16xi32>
        %select_n3A_2493 = arith.select %eq3A_2488, %broadcast_in_dim3A_2491, %broadcast_in_dim3A_2492 : vector<16xi1>, vector<16xi32>
        %eq3A_2494 = vector.broadcast %reduce_min3A_1978 : f32 to vector<16xf32>
        %eq3A_2495 = arith.cmpf oeq, %get3A_2387, %eq3A_2494 : vector<16xf32>
        %jit3A_2496 = arith.constant 14 : i32
        %jit3A_2497 = arith.constant 1048576 : i32
        %broadcast_in_dim3A_2498 = vector.broadcast %jit3A_2496 : i32 to vector<16xi32>
        %broadcast_in_dim3A_2499 = vector.broadcast %jit3A_2497 : i32 to vector<16xi32>
        %select_n3A_2500 = arith.select %eq3A_2495, %broadcast_in_dim3A_2498, %broadcast_in_dim3A_2499 : vector<16xi1>, vector<16xi32>
        %eq3A_2501 = vector.broadcast %reduce_min3A_1978 : f32 to vector<16xf32>
        %eq3A_2502 = arith.cmpf oeq, %get3A_2395, %eq3A_2501 : vector<16xf32>
        %jit3A_2503 = arith.constant 15 : i32
        %jit3A_2504 = arith.constant 1048576 : i32
        %broadcast_in_dim3A_2505 = vector.broadcast %jit3A_2503 : i32 to vector<16xi32>
        %broadcast_in_dim3A_2506 = vector.broadcast %jit3A_2504 : i32 to vector<16xi32>
        %select_n3A_2507 = arith.select %eq3A_2502, %broadcast_in_dim3A_2505, %broadcast_in_dim3A_2506 : vector<16xi1>, vector<16xi32>
        %min3A_2508 = arith.minsi %select_n3A_2402, %select_n3A_2409 : vector<16xi32>
        %min3A_2509 = arith.minsi %select_n3A_2416, %select_n3A_2423 : vector<16xi32>
        %min3A_2510 = arith.minsi %select_n3A_2430, %select_n3A_2437 : vector<16xi32>
        %min3A_2511 = arith.minsi %select_n3A_2444, %select_n3A_2451 : vector<16xi32>
        %min3A_2512 = arith.minsi %select_n3A_2458, %select_n3A_2465 : vector<16xi32>
        %min3A_2513 = arith.minsi %select_n3A_2472, %select_n3A_2479 : vector<16xi32>
        %min3A_2514 = arith.minsi %select_n3A_2486, %select_n3A_2493 : vector<16xi32>
        %min3A_2515 = arith.minsi %select_n3A_2500, %select_n3A_2507 : vector<16xi32>
        %min3A_2516 = arith.minsi %min3A_2508, %min3A_2509 : vector<16xi32>
        %min3A_2517 = arith.minsi %min3A_2510, %min3A_2511 : vector<16xi32>
        %min3A_2518 = arith.minsi %min3A_2512, %min3A_2513 : vector<16xi32>
        %min3A_2519 = arith.minsi %min3A_2514, %min3A_2515 : vector<16xi32>
        %min3A_2520 = arith.minsi %min3A_2516, %min3A_2517 : vector<16xi32>
        %min3A_2521 = arith.minsi %min3A_2518, %min3A_2519 : vector<16xi32>
        %min3A_2522 = arith.minsi %min3A_2520, %min3A_2521 : vector<16xi32>
        %reduce_min3A_2523 = arith.constant true
        %reduce_min3A_2524 = vector.broadcast %reduce_min3A_2523 : i1 to vector<16xi1>
        %reduce_min3A_2525 = arith.constant -2147483648 : i32
        %reduce_min3A_2526 = vector.broadcast %reduce_min3A_2525 : i32 to vector<16xi32>
        %reduce_min3A_2527 = arith.xori %min3A_2522, %reduce_min3A_2526 : vector<16xi32>
        %reduce_min3A_2528 = tpu.scan <min>, %reduce_min3A_2527 masked %reduce_min3A_2524 : vector<16xi32>, vector<16xi1> -> vector<16xi32>
        %reduce_min3A_2529 = arith.xori %reduce_min3A_2528, %reduce_min3A_2526 : vector<16xi32>
        %reduce_min3A_2530 = vector.extract %reduce_min3A_2529[15] : i32 from vector<16xi32>
        %mul3A_2531 = arith.constant 16 : i32
        %mul3A_2532 = arith.muli %add3A_2267, %mul3A_2531 : i32
        %add3A_2533 = arith.addi %mul3A_2532, %reduce_min3A_2530 : i32
        %mul3A_2534 = arith.constant 16 : i32
        %mul3A_2535 = arith.muli %add3A_2533, %mul3A_2534 : i32
        %get3A_2536 = arith.index_cast %mul3A_2535 : i32 to index
        %get3A_2537 = tpu.vector_load %arg10[%get3A_2536] {strides = array<i32>} : memref<16384xf32, #tpu.memory_space<vmem>>, vector<16xf32>,
        %eq3A_2538 = vector.broadcast %reduce_min3A_1978 : f32 to vector<16xf32>
        %eq3A_2539 = arith.cmpf oeq, %get3A_2537, %eq3A_2538 : vector<16xf32>
        %jit3A_2540 = arith.constant 1048576 : i32
        %broadcast_in_dim3A_2541 = vector.broadcast %jit3A_2540 : i32 to vector<16xi32>
        %select_n3A_2542 = arith.select %eq3A_2539, %iota3A, %broadcast_in_dim3A_2541 : vector<16xi1>, vector<16xi32>
        %reduce_min3A_2543 = arith.constant true
        %reduce_min3A_2544 = vector.broadcast %reduce_min3A_2543 : i1 to vector<16xi1>
        %reduce_min3A_2545 = arith.constant -2147483648 : i32
        %reduce_min3A_2546 = vector.broadcast %reduce_min3A_2545 : i32 to vector<16xi32>
        %reduce_min3A_2547 = arith.xori %select_n3A_2542, %reduce_min3A_2546 : vector<16xi32>
        %reduce_min3A_2548 = tpu.scan <min>, %reduce_min3A_2547 masked %reduce_min3A_2544 : vector<16xi32>, vector<16xi1> -> vector<16xi32>
        %reduce_min3A_2549 = arith.xori %reduce_min3A_2548, %reduce_min3A_2546 : vector<16xi32>
        %reduce_min3A_2550 = vector.extract %reduce_min3A_2549[15] : i32 from vector<16xi32>
        %mul3A_2551 = arith.constant 16 : i32
        %mul3A_2552 = arith.muli %add3A_2533, %mul3A_2551 : i32
        %add3A_2553 = arith.addi %mul3A_2552, %reduce_min3A_2550 : i32
        %eq3A_2554 = vector.broadcast %reduce_min3A_2550 : i32 to vector<16xi32>
        %eq3A_2555 = arith.cmpi eq, %iota3A, %eq3A_2554 : vector<16xi32>
        %jit3A_2556 = arith.constant 0x7F800000 : f32
        %broadcast_in_dim3A_2557 = vector.broadcast %jit3A_2556 : f32 to vector<16xf32>
        %select_n3A_2558 = arith.select %eq3A_2555, %broadcast_in_dim3A_2557, %get3A_2537 : vector<16xi1>, vector<16xf32>
        %mul3A_2559 = arith.constant 16 : i32
        %mul3A_2560 = arith.muli %add3A_2533, %mul3A_2559 : i32
        %swap3A_2561 = arith.index_cast %mul3A_2560 : i32 to index
        %swap3A_2562 = tpu.vector_load %arg10[%swap3A_2561] {strides = array<i32>} : memref<16384xf32, #tpu.memory_space<vmem>>, vector<16xf32>,
        tpu.vector_store %arg10[%swap3A_2561], %select_n3A_2558 {strides = array<i32>} : memref<16384xf32, #tpu.memory_space<vmem>>, vector<16xf32>,
        %eq3A_2563 = arith.constant 0 : i32
        %eq3A_2564 = arith.cmpi eq, %reduce_min3A_2530, %eq3A_2563 : i32
        %select_n3A_2565 = arith.select %eq3A_2564, %select_n3A_2558, %get3A_2275 : vector<16xf32>
        %eq3A_2566 = arith.constant 1 : i32
        %eq3A_2567 = arith.cmpi eq, %reduce_min3A_2530, %eq3A_2566 : i32
        %select_n3A_2568 = arith.select %eq3A_2567, %select_n3A_2558, %get3A_2283 : vector<16xf32>
        %eq3A_2569 = arith.constant 2 : i32
        %eq3A_2570 = arith.cmpi eq, %reduce_min3A_2530, %eq3A_2569 : i32
        %select_n3A_2571 = arith.select %eq3A_2570, %select_n3A_2558, %get3A_2291 : vector<16xf32>
        %eq3A_2572 = arith.constant 3 : i32
        %eq3A_2573 = arith.cmpi eq, %reduce_min3A_2530, %eq3A_2572 : i32
        %select_n3A_2574 = arith.select %eq3A_2573, %select_n3A_2558, %get3A_2299 : vector<16xf32>
        %eq3A_2575 = arith.constant 4 : i32
        %eq3A_2576 = arith.cmpi eq, %reduce_min3A_2530, %eq3A_2575 : i32
        %select_n3A_2577 = arith.select %eq3A_2576, %select_n3A_2558, %get3A_2307 : vector<16xf32>
        %eq3A_2578 = arith.constant 5 : i32
        %eq3A_2579 = arith.cmpi eq, %reduce_min3A_2530, %eq3A_2578 : i32
        %select_n3A_2580 = arith.select %eq3A_2579, %select_n3A_2558, %get3A_2315 : vector<16xf32>
        %eq3A_2581 = arith.constant 6 : i32
        %eq3A_2582 = arith.cmpi eq, %reduce_min3A_2530, %eq3A_2581 : i32
        %select_n3A_2583 = arith.select %eq3A_2582, %select_n3A_2558, %get3A_2323 : vector<16xf32>
        %eq3A_2584 = arith.constant 7 : i32
        %eq3A_2585 = arith.cmpi eq, %reduce_min3A_2530, %eq3A_2584 : i32
        %select_n3A_2586 = arith.select %eq3A_2585, %select_n3A_2558, %get3A_2331 : vector<16xf32>
        %eq3A_2587 = arith.constant 8 : i32
        %eq3A_2588 = arith.cmpi eq, %reduce_min3A_2530, %eq3A_2587 : i32
        %select_n3A_2589 = arith.select %eq3A_2588, %select_n3A_2558, %get3A_2339 : vector<16xf32>
        %eq3A_2590 = arith.constant 9 : i32
        %eq3A_2591 = arith.cmpi eq, %reduce_min3A_2530, %eq3A_2590 : i32
        %select_n3A_2592 = arith.select %eq3A_2591, %select_n3A_2558, %get3A_2347 : vector<16xf32>
        %eq3A_2593 = arith.constant 10 : i32
        %eq3A_2594 = arith.cmpi eq, %reduce_min3A_2530, %eq3A_2593 : i32
        %select_n3A_2595 = arith.select %eq3A_2594, %select_n3A_2558, %get3A_2355 : vector<16xf32>
        %eq3A_2596 = arith.constant 11 : i32
        %eq3A_2597 = arith.cmpi eq, %reduce_min3A_2530, %eq3A_2596 : i32
        %select_n3A_2598 = arith.select %eq3A_2597, %select_n3A_2558, %get3A_2363 : vector<16xf32>
        %eq3A_2599 = arith.constant 12 : i32
        %eq3A_2600 = arith.cmpi eq, %reduce_min3A_2530, %eq3A_2599 : i32
        %select_n3A_2601 = arith.select %eq3A_2600, %select_n3A_2558, %get3A_2371 : vector<16xf32>
        %eq3A_2602 = arith.constant 13 : i32
        %eq3A_2603 = arith.cmpi eq, %reduce_min3A_2530, %eq3A_2602 : i32
        %select_n3A_2604 = arith.select %eq3A_2603, %select_n3A_2558, %get3A_2379 : vector<16xf32>
        %eq3A_2605 = arith.constant 14 : i32
        %eq3A_2606 = arith.cmpi eq, %reduce_min3A_2530, %eq3A_2605 : i32
        %select_n3A_2607 = arith.select %eq3A_2606, %select_n3A_2558, %get3A_2387 : vector<16xf32>
        %eq3A_2608 = arith.constant 15 : i32
        %eq3A_2609 = arith.cmpi eq, %reduce_min3A_2530, %eq3A_2608 : i32
        %select_n3A_2610 = arith.select %eq3A_2609, %select_n3A_2558, %get3A_2395 : vector<16xf32>
        %min3A_2611 = arith.minimumf %select_n3A_2565, %select_n3A_2568 : vector<16xf32>
        %min3A_2612 = arith.minimumf %select_n3A_2571, %select_n3A_2574 : vector<16xf32>
        %min3A_2613 = arith.minimumf %select_n3A_2577, %select_n3A_2580 : vector<16xf32>
        %min3A_2614 = arith.minimumf %select_n3A_2583, %select_n3A_2586 : vector<16xf32>
        %min3A_2615 = arith.minimumf %select_n3A_2589, %select_n3A_2592 : vector<16xf32>
        %min3A_2616 = arith.minimumf %select_n3A_2595, %select_n3A_2598 : vector<16xf32>
        %min3A_2617 = arith.minimumf %select_n3A_2601, %select_n3A_2604 : vector<16xf32>
        %min3A_2618 = arith.minimumf %select_n3A_2607, %select_n3A_2610 : vector<16xf32>
        %min3A_2619 = arith.minimumf %min3A_2611, %min3A_2612 : vector<16xf32>
        %min3A_2620 = arith.minimumf %min3A_2613, %min3A_2614 : vector<16xf32>
        %min3A_2621 = arith.minimumf %min3A_2615, %min3A_2616 : vector<16xf32>
        %min3A_2622 = arith.minimumf %min3A_2617, %min3A_2618 : vector<16xf32>
        %min3A_2623 = arith.minimumf %min3A_2619, %min3A_2620 : vector<16xf32>
        %min3A_2624 = arith.minimumf %min3A_2621, %min3A_2622 : vector<16xf32>
        %min3A_2625 = arith.minimumf %min3A_2623, %min3A_2624 : vector<16xf32>
        %swap3A_2626 = arith.index_cast %add3A_2267 : i32 to index
        %swap3A_2627 = arith.constant 0 : index
        %swap3A_2628 = tpu.vector_load %arg14[%swap3A_2626, %swap3A_2627] {strides = array<i32>} : memref<64x16xf32, #tpu.memory_space<vmem>>, vector<16xf32>,
        tpu.vector_store %arg14[%swap3A_2626, %swap3A_2627], %min3A_2625 {strides = array<i32>} : memref<64x16xf32, #tpu.memory_space<vmem>>, vector<16xf32>,
        %eq3A_2629 = arith.constant 0 : i32
        %eq3A_2630 = arith.cmpi eq, %reduce_min3A_2264, %eq3A_2629 : i32
        %select_n3A_2631 = arith.select %eq3A_2630, %min3A_2625, %get3A_2024 : vector<16xf32>
        %eq3A_2632 = arith.constant 1 : i32
        %eq3A_2633 = arith.cmpi eq, %reduce_min3A_2264, %eq3A_2632 : i32
        %select_n3A_2634 = arith.select %eq3A_2633, %min3A_2625, %get3A_2031 : vector<16xf32>
        %eq3A_2635 = arith.constant 2 : i32
        %eq3A_2636 = arith.cmpi eq, %reduce_min3A_2264, %eq3A_2635 : i32
        %select_n3A_2637 = arith.select %eq3A_2636, %min3A_2625, %get3A_2038 : vector<16xf32>
        %eq3A_2638 = arith.constant 3 : i32
        %eq3A_2639 = arith.cmpi eq, %reduce_min3A_2264, %eq3A_2638 : i32
        %select_n3A_2640 = arith.select %eq3A_2639, %min3A_2625, %get3A_2045 : vector<16xf32>
        %eq3A_2641 = arith.constant 4 : i32
        %eq3A_2642 = arith.cmpi eq, %reduce_min3A_2264, %eq3A_2641 : i32
        %select_n3A_2643 = arith.select %eq3A_2642, %min3A_2625, %get3A_2052 : vector<16xf32>
        %eq3A_2644 = arith.constant 5 : i32
        %eq3A_2645 = arith.cmpi eq, %reduce_min3A_2264, %eq3A_2644 : i32
        %select_n3A_2646 = arith.select %eq3A_2645, %min3A_2625, %get3A_2059 : vector<16xf32>
        %eq3A_2647 = arith.constant 6 : i32
        %eq3A_2648 = arith.cmpi eq, %reduce_min3A_2264, %eq3A_2647 : i32
        %select_n3A_2649 = arith.select %eq3A_2648, %min3A_2625, %get3A_2066 : vector<16xf32>
        %eq3A_2650 = arith.constant 7 : i32
        %eq3A_2651 = arith.cmpi eq, %reduce_min3A_2264, %eq3A_2650 : i32
        %select_n3A_2652 = arith.select %eq3A_2651, %min3A_2625, %get3A_2073 : vector<16xf32>
        %eq3A_2653 = arith.constant 8 : i32
        %eq3A_2654 = arith.cmpi eq, %reduce_min3A_2264, %eq3A_2653 : i32
        %select_n3A_2655 = arith.select %eq3A_2654, %min3A_2625, %get3A_2080 : vector<16xf32>
        %eq3A_2656 = arith.constant 9 : i32
        %eq3A_2657 = arith.cmpi eq, %reduce_min3A_2264, %eq3A_2656 : i32
        %select_n3A_2658 = arith.select %eq3A_2657, %min3A_2625, %get3A_2087 : vector<16xf32>
        %eq3A_2659 = arith.constant 10 : i32
        %eq3A_2660 = arith.cmpi eq, %reduce_min3A_2264, %eq3A_2659 : i32
        %select_n3A_2661 = arith.select %eq3A_2660, %min3A_2625, %get3A_2094 : vector<16xf32>
        %eq3A_2662 = arith.constant 11 : i32
        %eq3A_2663 = arith.cmpi eq, %reduce_min3A_2264, %eq3A_2662 : i32
        %select_n3A_2664 = arith.select %eq3A_2663, %min3A_2625, %get3A_2101 : vector<16xf32>
        %eq3A_2665 = arith.constant 12 : i32
        %eq3A_2666 = arith.cmpi eq, %reduce_min3A_2264, %eq3A_2665 : i32
        %select_n3A_2667 = arith.select %eq3A_2666, %min3A_2625, %get3A_2108 : vector<16xf32>
        %eq3A_2668 = arith.constant 13 : i32
        %eq3A_2669 = arith.cmpi eq, %reduce_min3A_2264, %eq3A_2668 : i32
        %select_n3A_2670 = arith.select %eq3A_2669, %min3A_2625, %get3A_2115 : vector<16xf32>
        %eq3A_2671 = arith.constant 14 : i32
        %eq3A_2672 = arith.cmpi eq, %reduce_min3A_2264, %eq3A_2671 : i32
        %select_n3A_2673 = arith.select %eq3A_2672, %min3A_2625, %get3A_2122 : vector<16xf32>
        %eq3A_2674 = arith.constant 15 : i32
        %eq3A_2675 = arith.cmpi eq, %reduce_min3A_2264, %eq3A_2674 : i32
        %select_n3A_2676 = arith.select %eq3A_2675, %min3A_2625, %get3A_2129 : vector<16xf32>
        %min3A_2677 = arith.minimumf %select_n3A_2631, %select_n3A_2634 : vector<16xf32>
        %min3A_2678 = arith.minimumf %select_n3A_2637, %select_n3A_2640 : vector<16xf32>
        %min3A_2679 = arith.minimumf %select_n3A_2643, %select_n3A_2646 : vector<16xf32>
        %min3A_2680 = arith.minimumf %select_n3A_2649, %select_n3A_2652 : vector<16xf32>
        %min3A_2681 = arith.minimumf %select_n3A_2655, %select_n3A_2658 : vector<16xf32>
        %min3A_2682 = arith.minimumf %select_n3A_2661, %select_n3A_2664 : vector<16xf32>
        %min3A_2683 = arith.minimumf %select_n3A_2667, %select_n3A_2670 : vector<16xf32>
        %min3A_2684 = arith.minimumf %select_n3A_2673, %select_n3A_2676 : vector<16xf32>
        %min3A_2685 = arith.minimumf %min3A_2677, %min3A_2678 : vector<16xf32>
        %min3A_2686 = arith.minimumf %min3A_2679, %min3A_2680 : vector<16xf32>
        %min3A_2687 = arith.minimumf %min3A_2681, %min3A_2682 : vector<16xf32>
        %min3A_2688 = arith.minimumf %min3A_2683, %min3A_2684 : vector<16xf32>
        %min3A_2689 = arith.minimumf %min3A_2685, %min3A_2686 : vector<16xf32>
        %min3A_2690 = arith.minimumf %min3A_2687, %min3A_2688 : vector<16xf32>
        %min3A_2691 = arith.minimumf %min3A_2689, %min3A_2690 : vector<16xf32>
        %swap3A_2692 = arith.index_cast %reduce_min3A_2017 : i32 to index
        %swap3A_2693 = arith.constant 0 : index
        %swap3A_2694 = tpu.vector_load %arg18[%swap3A_2692, %swap3A_2693] {strides = array<i32>} : memref<4x16xf32, #tpu.memory_space<vmem>>, vector<16xf32>,
        tpu.vector_store %arg18[%swap3A_2692, %swap3A_2693], %min3A_2691 {strides = array<i32>} : memref<4x16xf32, #tpu.memory_space<vmem>>, vector<16xf32>,
        %eq3A_2695 = vector.broadcast %scan3A_1188 : i32 to vector<16xi32>
        %eq3A_2696 = arith.cmpi eq, %iota3A, %eq3A_2695 : vector<16xi32>
        %broadcast_in_dim3A_2697 = vector.broadcast %reduce_min3A_1978 : f32 to vector<16xf32>
        %select_n3A_2698 = arith.select %eq3A_2696, %broadcast_in_dim3A_2697, %scan3A_1193 : vector<16xi1>, vector<16xf32>
        %sub3A_2699 = arith.constant 16 : i32
        %sub3A_2700 = arith.subi %scan3A_1188, %sub3A_2699 : i32
        %eq3A_2701 = vector.broadcast %sub3A_2700 : i32 to vector<16xi32>
        %eq3A_2702 = arith.cmpi eq, %iota3A, %eq3A_2701 : vector<16xi32>
        %broadcast_in_dim3A_2703 = vector.broadcast %reduce_min3A_1978 : f32 to vector<16xf32>
        %select_n3A_2704 = arith.select %eq3A_2702, %broadcast_in_dim3A_2703, %scan3A_1194 : vector<16xi1>, vector<16xf32>
        %eq3A_2705 = vector.broadcast %scan3A_1188 : i32 to vector<16xi32>
        %eq3A_2706 = arith.cmpi eq, %iota3A, %eq3A_2705 : vector<16xi32>
        %broadcast_in_dim3A_2707 = vector.broadcast %add3A_2553 : i32 to vector<16xi32>
        %select_n3A_2708 = arith.select %eq3A_2706, %broadcast_in_dim3A_2707, %scan3A_1195 : vector<16xi1>, vector<16xi32>
        %sub3A_2709 = arith.constant 16 : i32
        %sub3A_2710 = arith.subi %scan3A_1188, %sub3A_2709 : i32
        %eq3A_2711 = vector.broadcast %sub3A_2710 : i32 to vector<16xi32>
        %eq3A_2712 = arith.cmpi eq, %iota3A, %eq3A_2711 : vector<16xi32>
        %broadcast_in_dim3A_2713 = vector.broadcast %add3A_2553 : i32 to vector<16xi32>
        %select_n3A_2714 = arith.select %eq3A_2712, %broadcast_in_dim3A_2713, %scan3A_1196 : vector<16xi1>, vector<16xi32>
        scf.yield %select_n3A_1939, %select_n3A_1945, %select_n3A_1949, %select_n3A_1955, %select_n3A_2698, %select_n3A_2704, %select_n3A_2708, %select_n3A_2714 : vector<16xf32>, vector<16xf32>, vector<16xi32>, vector<16xi32>, vector<16xf32>, vector<16xf32>, vector<16xi32>, vector<16xi32>
      }
      %scan3A_940 = arith.constant 32 : i32
      %max3A = arith.constant 9.99999996E-13 : f32
      %max3A_941 = vector.broadcast %max3A : f32 to vector<16xf32>
      %max3A_942 = arith.maximumf %scan3A_939#0, %max3A_941 : vector<16xf32>
      %bitcast_convert_type3A_943 = tpu.bitcast %max3A_942 : vector<16xf32> -> vector<16xi32>
      %shift_right_logical3A_944 = arith.constant 1 : i32
      %shift_right_logical3A_945 = vector.broadcast %shift_right_logical3A_944 : i32 to vector<16xi32>
      %shift_right_logical3A_946 = arith.shrui %bitcast_convert_type3A_943, %shift_right_logical3A_945 : vector<16xi32>
      %sub3A_947 = arith.constant 1597463007 : i32
      %sub3A_948 = vector.broadcast %sub3A_947 : i32 to vector<16xi32>
      %sub3A_949 = arith.subi %sub3A_948, %shift_right_logical3A_946 : vector<16xi32>
      %bitcast_convert_type3A_950 = tpu.bitcast %sub3A_949 : vector<16xi32> -> vector<16xf32>
      %mul3A_951 = arith.constant 5.000000e-01 : f32
      %mul3A_952 = vector.broadcast %mul3A_951 : f32 to vector<16xf32>
      %mul3A_953 = arith.mulf %mul3A_952, %max3A_942 : vector<16xf32>
      %mul3A_954 = arith.mulf %mul3A_953, %bitcast_convert_type3A_950 : vector<16xf32>
      %mul3A_955 = arith.mulf %mul3A_954, %bitcast_convert_type3A_950 : vector<16xf32>
      %sub3A_956 = arith.constant 1.500000e+00 : f32
      %sub3A_957 = vector.broadcast %sub3A_956 : f32 to vector<16xf32>
      %sub3A_958 = arith.subf %sub3A_957, %mul3A_955 : vector<16xf32>
      %mul3A_959 = arith.mulf %bitcast_convert_type3A_950, %sub3A_958 : vector<16xf32>
      %mul3A_960 = arith.constant 5.000000e-01 : f32
      %mul3A_961 = vector.broadcast %mul3A_960 : f32 to vector<16xf32>
      %mul3A_962 = arith.mulf %mul3A_961, %max3A_942 : vector<16xf32>
      %mul3A_963 = arith.mulf %mul3A_962, %mul3A_959 : vector<16xf32>
      %mul3A_964 = arith.mulf %mul3A_963, %mul3A_959 : vector<16xf32>
      %sub3A_965 = arith.constant 1.500000e+00 : f32
      %sub3A_966 = vector.broadcast %sub3A_965 : f32 to vector<16xf32>
      %sub3A_967 = arith.subf %sub3A_966, %mul3A_964 : vector<16xf32>
      %mul3A_968 = arith.mulf %mul3A_959, %sub3A_967 : vector<16xf32>
      %mul3A_969 = arith.constant 5.000000e-01 : f32
      %mul3A_970 = vector.broadcast %mul3A_969 : f32 to vector<16xf32>
      %mul3A_971 = arith.mulf %mul3A_970, %max3A_942 : vector<16xf32>
      %mul3A_972 = arith.mulf %mul3A_971, %mul3A_968 : vector<16xf32>
      %mul3A_973 = arith.mulf %mul3A_972, %mul3A_968 : vector<16xf32>
      %sub3A_974 = arith.constant 1.500000e+00 : f32
      %sub3A_975 = vector.broadcast %sub3A_974 : f32 to vector<16xf32>
      %sub3A_976 = arith.subf %sub3A_975, %mul3A_973 : vector<16xf32>
      %mul3A_977 = arith.mulf %mul3A_968, %sub3A_976 : vector<16xf32>
      %mul3A_978 = arith.constant 5.000000e-01 : f32
      %mul3A_979 = vector.broadcast %mul3A_978 : f32 to vector<16xf32>
      %mul3A_980 = arith.mulf %mul3A_979, %max3A_942 : vector<16xf32>
      %mul3A_981 = arith.mulf %mul3A_980, %mul3A_977 : vector<16xf32>
      %mul3A_982 = arith.mulf %mul3A_981, %mul3A_977 : vector<16xf32>
      %sub3A_983 = arith.constant 1.500000e+00 : f32
      %sub3A_984 = vector.broadcast %sub3A_983 : f32 to vector<16xf32>
      %sub3A_985 = arith.subf %sub3A_984, %mul3A_982 : vector<16xf32>
      %mul3A_986 = arith.mulf %mul3A_977, %sub3A_985 : vector<16xf32>
      %mul3A_987 = arith.mulf %max3A_942, %mul3A_986 : vector<16xf32>
      %max3A_988 = arith.constant 9.99999996E-13 : f32
      %max3A_989 = vector.broadcast %max3A_988 : f32 to vector<16xf32>
      %max3A_990 = arith.maximumf %scan3A_939#1, %max3A_989 : vector<16xf32>
      %bitcast_convert_type3A_991 = tpu.bitcast %max3A_990 : vector<16xf32> -> vector<16xi32>
      %shift_right_logical3A_992 = arith.constant 1 : i32
      %shift_right_logical3A_993 = vector.broadcast %shift_right_logical3A_992 : i32 to vector<16xi32>
      %shift_right_logical3A_994 = arith.shrui %bitcast_convert_type3A_991, %shift_right_logical3A_993 : vector<16xi32>
      %sub3A_995 = arith.constant 1597463007 : i32
      %sub3A_996 = vector.broadcast %sub3A_995 : i32 to vector<16xi32>
      %sub3A_997 = arith.subi %sub3A_996, %shift_right_logical3A_994 : vector<16xi32>
      %bitcast_convert_type3A_998 = tpu.bitcast %sub3A_997 : vector<16xi32> -> vector<16xf32>
      %mul3A_999 = arith.constant 5.000000e-01 : f32
      %mul3A_1000 = vector.broadcast %mul3A_999 : f32 to vector<16xf32>
      %mul3A_1001 = arith.mulf %mul3A_1000, %max3A_990 : vector<16xf32>
      %mul3A_1002 = arith.mulf %mul3A_1001, %bitcast_convert_type3A_998 : vector<16xf32>
      %mul3A_1003 = arith.mulf %mul3A_1002, %bitcast_convert_type3A_998 : vector<16xf32>
      %sub3A_1004 = arith.constant 1.500000e+00 : f32
      %sub3A_1005 = vector.broadcast %sub3A_1004 : f32 to vector<16xf32>
      %sub3A_1006 = arith.subf %sub3A_1005, %mul3A_1003 : vector<16xf32>
      %mul3A_1007 = arith.mulf %bitcast_convert_type3A_998, %sub3A_1006 : vector<16xf32>
      %mul3A_1008 = arith.constant 5.000000e-01 : f32
      %mul3A_1009 = vector.broadcast %mul3A_1008 : f32 to vector<16xf32>
      %mul3A_1010 = arith.mulf %mul3A_1009, %max3A_990 : vector<16xf32>
      %mul3A_1011 = arith.mulf %mul3A_1010, %mul3A_1007 : vector<16xf32>
      %mul3A_1012 = arith.mulf %mul3A_1011, %mul3A_1007 : vector<16xf32>
      %sub3A_1013 = arith.constant 1.500000e+00 : f32
      %sub3A_1014 = vector.broadcast %sub3A_1013 : f32 to vector<16xf32>
      %sub3A_1015 = arith.subf %sub3A_1014, %mul3A_1012 : vector<16xf32>
      %mul3A_1016 = arith.mulf %mul3A_1007, %sub3A_1015 : vector<16xf32>
      %mul3A_1017 = arith.constant 5.000000e-01 : f32
      %mul3A_1018 = vector.broadcast %mul3A_1017 : f32 to vector<16xf32>
      %mul3A_1019 = arith.mulf %mul3A_1018, %max3A_990 : vector<16xf32>
      %mul3A_1020 = arith.mulf %mul3A_1019, %mul3A_1016 : vector<16xf32>
      %mul3A_1021 = arith.mulf %mul3A_1020, %mul3A_1016 : vector<16xf32>
      %sub3A_1022 = arith.constant 1.500000e+00 : f32
      %sub3A_1023 = vector.broadcast %sub3A_1022 : f32 to vector<16xf32>
      %sub3A_1024 = arith.subf %sub3A_1023, %mul3A_1021 : vector<16xf32>
      %mul3A_1025 = arith.mulf %mul3A_1016, %sub3A_1024 : vector<16xf32>
      %mul3A_1026 = arith.constant 5.000000e-01 : f32
      %mul3A_1027 = vector.broadcast %mul3A_1026 : f32 to vector<16xf32>
      %mul3A_1028 = arith.mulf %mul3A_1027, %max3A_990 : vector<16xf32>
      %mul3A_1029 = arith.mulf %mul3A_1028, %mul3A_1025 : vector<16xf32>
      %mul3A_1030 = arith.mulf %mul3A_1029, %mul3A_1025 : vector<16xf32>
      %sub3A_1031 = arith.constant 1.500000e+00 : f32
      %sub3A_1032 = vector.broadcast %sub3A_1031 : f32 to vector<16xf32>
      %sub3A_1033 = arith.subf %sub3A_1032, %mul3A_1030 : vector<16xf32>
      %mul3A_1034 = arith.mulf %mul3A_1025, %sub3A_1033 : vector<16xf32>
      %mul3A_1035 = arith.mulf %max3A_990, %mul3A_1034 : vector<16xf32>
      %add3A_1036 = arith.addf %mul3A_987, %mul3A_1035 : vector<16xf32>
      %reduce_sum3A = arith.constant true
      %reduce_sum3A_1037 = vector.broadcast %reduce_sum3A : i1 to vector<16xi1>
      %reduce_sum3A_1038 = tpu.scan <sum>, %add3A_1036 masked %reduce_sum3A_1037 : vector<16xf32>, vector<16xi1> -> vector<16xf32>
      %reduce_sum3A_1039 = vector.extract %reduce_sum3A_1038[15] : f32 from vector<16xf32>
      %div3A = vector.broadcast %reduce_sum3A_1039 : f32 to vector<16xf32>
      %div3A_1040 = arith.divf %mul3A_987, %div3A : vector<16xf32>
      %add3A_1041 = arith.constant 0 : i32
      %add3A_1042 = arith.addi %add3A_97, %add3A_1041 : i32
      %swap3A_1043 = arith.index_cast %add3A_1042 : i32 to index
      %swap3A_1044 = arith.constant 0 : index
      %swap3A_1045 = tpu.vector_load %arg21[%swap3A_1043, %swap3A_1044] {strides = array<i32>} : memref<128x32xf32, #tpu.memory_space<vmem>>, vector<16xf32>,
      tpu.vector_store %arg21[%swap3A_1043, %swap3A_1044], %div3A_1040 {strides = array<i32>} : memref<128x32xf32, #tpu.memory_space<vmem>>, vector<16xf32>,
      %div3A_1046 = vector.broadcast %reduce_sum3A_1039 : f32 to vector<16xf32>
      %div3A_1047 = arith.divf %mul3A_1035, %div3A_1046 : vector<16xf32>
      %add3A_1048 = arith.constant 0 : i32
      %add3A_1049 = arith.addi %add3A_97, %add3A_1048 : i32
      %swap3A_1050 = arith.index_cast %add3A_1049 : i32 to index
      %swap3A_1051 = arith.constant 16 : index
      %swap3A_1052 = tpu.vector_load %arg21[%swap3A_1050, %swap3A_1051] {strides = array<i32>} : memref<128x32xf32, #tpu.memory_space<vmem>>, vector<16xf32>,
      tpu.vector_store %arg21[%swap3A_1050, %swap3A_1051], %div3A_1047 {strides = array<i32>} : memref<128x32xf32, #tpu.memory_space<vmem>>, vector<16xf32>,
      %add3A_1053 = arith.constant 0 : i32
      %add3A_1054 = arith.addi %add3A_97, %add3A_1053 : i32
      %swap3A_1055 = arith.index_cast %add3A_1054 : i32 to index
      %swap3A_1056 = arith.constant 0 : index
      %swap3A_1057 = tpu.vector_load %arg22[%swap3A_1055, %swap3A_1056] {strides = array<i32>} : memref<128x32xi32, #tpu.memory_space<vmem>>, vector<16xi32>,
      tpu.vector_store %arg22[%swap3A_1055, %swap3A_1056], %scan3A_939#2 {strides = array<i32>} : memref<128x32xi32, #tpu.memory_space<vmem>>, vector<16xi32>,
      %add3A_1058 = arith.constant 0 : i32
      %add3A_1059 = arith.addi %add3A_97, %add3A_1058 : i32
      %swap3A_1060 = arith.index_cast %add3A_1059 : i32 to index
      %swap3A_1061 = arith.constant 16 : index
      %swap3A_1062 = tpu.vector_load %arg22[%swap3A_1060, %swap3A_1061] {strides = array<i32>} : memref<128x32xi32, #tpu.memory_space<vmem>>, vector<16xi32>,
      tpu.vector_store %arg22[%swap3A_1060, %swap3A_1061], %scan3A_939#3 {strides = array<i32>} : memref<128x32xi32, #tpu.memory_space<vmem>>, vector<16xi32>,
      %max3A_1063 = arith.constant 9.99999996E-13 : f32
      %max3A_1064 = vector.broadcast %max3A_1063 : f32 to vector<16xf32>
      %max3A_1065 = arith.maximumf %scan3A_939#4, %max3A_1064 : vector<16xf32>
      %bitcast_convert_type3A_1066 = tpu.bitcast %max3A_1065 : vector<16xf32> -> vector<16xi32>
      %shift_right_logical3A_1067 = arith.constant 1 : i32
      %shift_right_logical3A_1068 = vector.broadcast %shift_right_logical3A_1067 : i32 to vector<16xi32>
      %shift_right_logical3A_1069 = arith.shrui %bitcast_convert_type3A_1066, %shift_right_logical3A_1068 : vector<16xi32>
      %sub3A_1070 = arith.constant 1597463007 : i32
      %sub3A_1071 = vector.broadcast %sub3A_1070 : i32 to vector<16xi32>
      %sub3A_1072 = arith.subi %sub3A_1071, %shift_right_logical3A_1069 : vector<16xi32>
      %bitcast_convert_type3A_1073 = tpu.bitcast %sub3A_1072 : vector<16xi32> -> vector<16xf32>
      %mul3A_1074 = arith.constant 5.000000e-01 : f32
      %mul3A_1075 = vector.broadcast %mul3A_1074 : f32 to vector<16xf32>
      %mul3A_1076 = arith.mulf %mul3A_1075, %max3A_1065 : vector<16xf32>
      %mul3A_1077 = arith.mulf %mul3A_1076, %bitcast_convert_type3A_1073 : vector<16xf32>
      %mul3A_1078 = arith.mulf %mul3A_1077, %bitcast_convert_type3A_1073 : vector<16xf32>
      %sub3A_1079 = arith.constant 1.500000e+00 : f32
      %sub3A_1080 = vector.broadcast %sub3A_1079 : f32 to vector<16xf32>
      %sub3A_1081 = arith.subf %sub3A_1080, %mul3A_1078 : vector<16xf32>
      %mul3A_1082 = arith.mulf %bitcast_convert_type3A_1073, %sub3A_1081 : vector<16xf32>
      %mul3A_1083 = arith.constant 5.000000e-01 : f32
      %mul3A_1084 = vector.broadcast %mul3A_1083 : f32 to vector<16xf32>
      %mul3A_1085 = arith.mulf %mul3A_1084, %max3A_1065 : vector<16xf32>
      %mul3A_1086 = arith.mulf %mul3A_1085, %mul3A_1082 : vector<16xf32>
      %mul3A_1087 = arith.mulf %mul3A_1086, %mul3A_1082 : vector<16xf32>
      %sub3A_1088 = arith.constant 1.500000e+00 : f32
      %sub3A_1089 = vector.broadcast %sub3A_1088 : f32 to vector<16xf32>
      %sub3A_1090 = arith.subf %sub3A_1089, %mul3A_1087 : vector<16xf32>
      %mul3A_1091 = arith.mulf %mul3A_1082, %sub3A_1090 : vector<16xf32>
      %mul3A_1092 = arith.constant 5.000000e-01 : f32
      %mul3A_1093 = vector.broadcast %mul3A_1092 : f32 to vector<16xf32>
      %mul3A_1094 = arith.mulf %mul3A_1093, %max3A_1065 : vector<16xf32>
      %mul3A_1095 = arith.mulf %mul3A_1094, %mul3A_1091 : vector<16xf32>
      %mul3A_1096 = arith.mulf %mul3A_1095, %mul3A_1091 : vector<16xf32>
      %sub3A_1097 = arith.constant 1.500000e+00 : f32
      %sub3A_1098 = vector.broadcast %sub3A_1097 : f32 to vector<16xf32>
      %sub3A_1099 = arith.subf %sub3A_1098, %mul3A_1096 : vector<16xf32>
      %mul3A_1100 = arith.mulf %mul3A_1091, %sub3A_1099 : vector<16xf32>
      %mul3A_1101 = arith.constant 5.000000e-01 : f32
      %mul3A_1102 = vector.broadcast %mul3A_1101 : f32 to vector<16xf32>
      %mul3A_1103 = arith.mulf %mul3A_1102, %max3A_1065 : vector<16xf32>
      %mul3A_1104 = arith.mulf %mul3A_1103, %mul3A_1100 : vector<16xf32>
      %mul3A_1105 = arith.mulf %mul3A_1104, %mul3A_1100 : vector<16xf32>
      %sub3A_1106 = arith.constant 1.500000e+00 : f32
      %sub3A_1107 = vector.broadcast %sub3A_1106 : f32 to vector<16xf32>
      %sub3A_1108 = arith.subf %sub3A_1107, %mul3A_1105 : vector<16xf32>
      %mul3A_1109 = arith.mulf %mul3A_1100, %sub3A_1108 : vector<16xf32>
      %mul3A_1110 = arith.mulf %max3A_1065, %mul3A_1109 : vector<16xf32>
      %max3A_1111 = arith.constant 9.99999996E-13 : f32
      %max3A_1112 = vector.broadcast %max3A_1111 : f32 to vector<16xf32>
      %max3A_1113 = arith.maximumf %scan3A_939#5, %max3A_1112 : vector<16xf32>
      %bitcast_convert_type3A_1114 = tpu.bitcast %max3A_1113 : vector<16xf32> -> vector<16xi32>
      %shift_right_logical3A_1115 = arith.constant 1 : i32
      %shift_right_logical3A_1116 = vector.broadcast %shift_right_logical3A_1115 : i32 to vector<16xi32>
      %shift_right_logical3A_1117 = arith.shrui %bitcast_convert_type3A_1114, %shift_right_logical3A_1116 : vector<16xi32>
      %sub3A_1118 = arith.constant 1597463007 : i32
      %sub3A_1119 = vector.broadcast %sub3A_1118 : i32 to vector<16xi32>
      %sub3A_1120 = arith.subi %sub3A_1119, %shift_right_logical3A_1117 : vector<16xi32>
      %bitcast_convert_type3A_1121 = tpu.bitcast %sub3A_1120 : vector<16xi32> -> vector<16xf32>
      %mul3A_1122 = arith.constant 5.000000e-01 : f32
      %mul3A_1123 = vector.broadcast %mul3A_1122 : f32 to vector<16xf32>
      %mul3A_1124 = arith.mulf %mul3A_1123, %max3A_1113 : vector<16xf32>
      %mul3A_1125 = arith.mulf %mul3A_1124, %bitcast_convert_type3A_1121 : vector<16xf32>
      %mul3A_1126 = arith.mulf %mul3A_1125, %bitcast_convert_type3A_1121 : vector<16xf32>
      %sub3A_1127 = arith.constant 1.500000e+00 : f32
      %sub3A_1128 = vector.broadcast %sub3A_1127 : f32 to vector<16xf32>
      %sub3A_1129 = arith.subf %sub3A_1128, %mul3A_1126 : vector<16xf32>
      %mul3A_1130 = arith.mulf %bitcast_convert_type3A_1121, %sub3A_1129 : vector<16xf32>
      %mul3A_1131 = arith.constant 5.000000e-01 : f32
      %mul3A_1132 = vector.broadcast %mul3A_1131 : f32 to vector<16xf32>
      %mul3A_1133 = arith.mulf %mul3A_1132, %max3A_1113 : vector<16xf32>
      %mul3A_1134 = arith.mulf %mul3A_1133, %mul3A_1130 : vector<16xf32>
      %mul3A_1135 = arith.mulf %mul3A_1134, %mul3A_1130 : vector<16xf32>
      %sub3A_1136 = arith.constant 1.500000e+00 : f32
      %sub3A_1137 = vector.broadcast %sub3A_1136 : f32 to vector<16xf32>
      %sub3A_1138 = arith.subf %sub3A_1137, %mul3A_1135 : vector<16xf32>
      %mul3A_1139 = arith.mulf %mul3A_1130, %sub3A_1138 : vector<16xf32>
      %mul3A_1140 = arith.constant 5.000000e-01 : f32
      %mul3A_1141 = vector.broadcast %mul3A_1140 : f32 to vector<16xf32>
      %mul3A_1142 = arith.mulf %mul3A_1141, %max3A_1113 : vector<16xf32>
      %mul3A_1143 = arith.mulf %mul3A_1142, %mul3A_1139 : vector<16xf32>
      %mul3A_1144 = arith.mulf %mul3A_1143, %mul3A_1139 : vector<16xf32>
      %sub3A_1145 = arith.constant 1.500000e+00 : f32
      %sub3A_1146 = vector.broadcast %sub3A_1145 : f32 to vector<16xf32>
      %sub3A_1147 = arith.subf %sub3A_1146, %mul3A_1144 : vector<16xf32>
      %mul3A_1148 = arith.mulf %mul3A_1139, %sub3A_1147 : vector<16xf32>
      %mul3A_1149 = arith.constant 5.000000e-01 : f32
      %mul3A_1150 = vector.broadcast %mul3A_1149 : f32 to vector<16xf32>
      %mul3A_1151 = arith.mulf %mul3A_1150, %max3A_1113 : vector<16xf32>
      %mul3A_1152 = arith.mulf %mul3A_1151, %mul3A_1148 : vector<16xf32>
      %mul3A_1153 = arith.mulf %mul3A_1152, %mul3A_1148 : vector<16xf32>
      %sub3A_1154 = arith.constant 1.500000e+00 : f32
      %sub3A_1155 = vector.broadcast %sub3A_1154 : f32 to vector<16xf32>
      %sub3A_1156 = arith.subf %sub3A_1155, %mul3A_1153 : vector<16xf32>
      %mul3A_1157 = arith.mulf %mul3A_1148, %sub3A_1156 : vector<16xf32>
      %mul3A_1158 = arith.mulf %max3A_1113, %mul3A_1157 : vector<16xf32>
      %add3A_1159 = arith.addf %mul3A_1110, %mul3A_1158 : vector<16xf32>
      %reduce_sum3A_1160 = arith.constant true
      %reduce_sum3A_1161 = vector.broadcast %reduce_sum3A_1160 : i1 to vector<16xi1>
      %reduce_sum3A_1162 = tpu.scan <sum>, %add3A_1159 masked %reduce_sum3A_1161 : vector<16xf32>, vector<16xi1> -> vector<16xf32>
      %reduce_sum3A_1163 = vector.extract %reduce_sum3A_1162[15] : f32 from vector<16xf32>
      %div3A_1164 = vector.broadcast %reduce_sum3A_1163 : f32 to vector<16xf32>
      %div3A_1165 = arith.divf %mul3A_1110, %div3A_1164 : vector<16xf32>
      %add3A_1166 = arith.constant 1 : i32
      %add3A_1167 = arith.addi %add3A_97, %add3A_1166 : i32
      %swap3A_1168 = arith.index_cast %add3A_1167 : i32 to index
      %swap3A_1169 = arith.constant 0 : index
      %swap3A_1170 = tpu.vector_load %arg21[%swap3A_1168, %swap3A_1169] {strides = array<i32>} : memref<128x32xf32, #tpu.memory_space<vmem>>, vector<16xf32>,
      tpu.vector_store %arg21[%swap3A_1168, %swap3A_1169], %div3A_1165 {strides = array<i32>} : memref<128x32xf32, #tpu.memory_space<vmem>>, vector<16xf32>,
      %div3A_1171 = vector.broadcast %reduce_sum3A_1163 : f32 to vector<16xf32>
      %div3A_1172 = arith.divf %mul3A_1158, %div3A_1171 : vector<16xf32>
      %add3A_1173 = arith.constant 1 : i32
      %add3A_1174 = arith.addi %add3A_97, %add3A_1173 : i32
      %swap3A_1175 = arith.index_cast %add3A_1174 : i32 to index
      %swap3A_1176 = arith.constant 16 : index
      %swap3A_1177 = tpu.vector_load %arg21[%swap3A_1175, %swap3A_1176] {strides = array<i32>} : memref<128x32xf32, #tpu.memory_space<vmem>>, vector<16xf32>,
      tpu.vector_store %arg21[%swap3A_1175, %swap3A_1176], %div3A_1172 {strides = array<i32>} : memref<128x32xf32, #tpu.memory_space<vmem>>, vector<16xf32>,
      %add3A_1178 = arith.constant 1 : i32
      %add3A_1179 = arith.addi %add3A_97, %add3A_1178 : i32
      %swap3A_1180 = arith.index_cast %add3A_1179 : i32 to index
      %swap3A_1181 = arith.constant 0 : index
      %swap3A_1182 = tpu.vector_load %arg22[%swap3A_1180, %swap3A_1181] {strides = array<i32>} : memref<128x32xi32, #tpu.memory_space<vmem>>, vector<16xi32>,
      tpu.vector_store %arg22[%swap3A_1180, %swap3A_1181], %scan3A_939#6 {strides = array<i32>} : memref<128x32xi32, #tpu.memory_space<vmem>>, vector<16xi32>,
      %add3A_1183 = arith.constant 1 : i32
      %add3A_1184 = arith.addi %add3A_97, %add3A_1183 : i32
      %swap3A_1185 = arith.index_cast %add3A_1184 : i32 to index
      %swap3A_1186 = arith.constant 16 : index
      %swap3A_1187 = tpu.vector_load %arg22[%swap3A_1185, %swap3A_1186] {strides = array<i32>} : memref<128x32xi32, #tpu.memory_space<vmem>>, vector<16xi32>,
      tpu.vector_store %arg22[%swap3A_1185, %swap3A_1186], %scan3A_939#7 {strides = array<i32>} : memref<128x32xi32, #tpu.memory_space<vmem>>, vector<16xi32>,
    }
    %scan3A_61 = arith.constant 64 : i32
    %dma_start3A_62 = arith.constant 0 : i32
    %dma_start3A_63 = arith.constant 0 : i32
    %dma_start3A_64 = tpu.memref_slice %arg4[%arg0, %arg1, %dma_start3A_62, %dma_start3A_63] : memref<2x16x128x32xf32, #tpu.memory_space<hbm>> -> memref<1x1x128x32xf32, #tpu.memory_space<hbm>>
    %dma_start3A_65 = tpu.memref_squeeze %dma_start3A_64 : memref<1x1x128x32xf32, #tpu.memory_space<hbm>> -> memref<128x32xf32, #tpu.memory_space<hbm>>
    %dma_start3A_66 = arith.constant 0 : i32
    %dma_start3A_67 = arith.constant 0 : i32
    %dma_start3A_68 = tpu.memref_slice %arg4[%arg0, %arg1, %dma_start3A_66, %dma_start3A_67] : memref<2x16x128x32xf32, #tpu.memory_space<hbm>> -> memref<1x1x128x32xf32, #tpu.memory_space<hbm>>
    %dma_start3A_69 = tpu.memref_squeeze %dma_start3A_68 : memref<1x1x128x32xf32, #tpu.memory_space<hbm>> -> memref<128x32xf32, #tpu.memory_space<hbm>>
    tpu.enqueue_dma source(%arg21 : memref<128x32xf32, #tpu.memory_space<vmem>>) target(%dma_start3A_69 : memref<128x32xf32, #tpu.memory_space<hbm>>) target_semaphore(%arg23 : memref<!tpu.dma_semaphore, #tpu.memory_space<semaphore_mem>>)
    %dma_wait3A_70 = arith.constant 0 : i32
    %dma_wait3A_71 = arith.constant 0 : i32
    %dma_wait3A_72 = tpu.memref_slice %arg4[%arg0, %arg1, %dma_wait3A_70, %dma_wait3A_71] : memref<2x16x128x32xf32, #tpu.memory_space<hbm>> -> memref<1x1x128x32xf32, #tpu.memory_space<hbm>>
    %dma_wait3A_73 = tpu.memref_squeeze %dma_wait3A_72 : memref<1x1x128x32xf32, #tpu.memory_space<hbm>> -> memref<128x32xf32, #tpu.memory_space<hbm>>
    %dma_wait3A_74 = arith.constant 0 : i32
    %dma_wait3A_75 = arith.constant 0 : i32
    %dma_wait3A_76 = tpu.memref_slice %arg4[%arg0, %arg1, %dma_wait3A_74, %dma_wait3A_75] : memref<2x16x128x32xf32, #tpu.memory_space<hbm>> -> memref<1x1x128x32xf32, #tpu.memory_space<hbm>>
    %dma_wait3A_77 = tpu.memref_squeeze %dma_wait3A_76 : memref<1x1x128x32xf32, #tpu.memory_space<hbm>> -> memref<128x32xf32, #tpu.memory_space<hbm>>
    tpu.wait_dma2 semaphore(%arg23 : memref<!tpu.dma_semaphore, #tpu.memory_space<semaphore_mem>>) src(%arg21 : memref<128x32xf32, #tpu.memory_space<vmem>>) dst(%dma_wait3A_77 : memref<128x32xf32, #tpu.memory_space<hbm>>)
    %dma_start3A_78 = arith.constant 0 : i32
    %dma_start3A_79 = arith.constant 0 : i32
    %dma_start3A_80 = tpu.memref_slice %arg5[%arg0, %arg1, %dma_start3A_78, %dma_start3A_79] : memref<2x16x128x32xi32, #tpu.memory_space<hbm>> -> memref<1x1x128x32xi32, #tpu.memory_space<hbm>>
    %dma_start3A_81 = tpu.memref_squeeze %dma_start3A_80 : memref<1x1x128x32xi32, #tpu.memory_space<hbm>> -> memref<128x32xi32, #tpu.memory_space<hbm>>
    %dma_start3A_82 = arith.constant 0 : i32
    %dma_start3A_83 = arith.constant 0 : i32
    %dma_start3A_84 = tpu.memref_slice %arg5[%arg0, %arg1, %dma_start3A_82, %dma_start3A_83] : memref<2x16x128x32xi32, #tpu.memory_space<hbm>> -> memref<1x1x128x32xi32, #tpu.memory_space<hbm>>
    %dma_start3A_85 = tpu.memref_squeeze %dma_start3A_84 : memref<1x1x128x32xi32, #tpu.memory_space<hbm>> -> memref<128x32xi32, #tpu.memory_space<hbm>>
    tpu.enqueue_dma source(%arg22 : memref<128x32xi32, #tpu.memory_space<vmem>>) target(%dma_start3A_85 : memref<128x32xi32, #tpu.memory_space<hbm>>) target_semaphore(%arg23 : memref<!tpu.dma_semaphore, #tpu.memory_space<semaphore_mem>>)
    %dma_wait3A_86 = arith.constant 0 : i32
    %dma_wait3A_87 = arith.constant 0 : i32
    %dma_wait3A_88 = tpu.memref_slice %arg5[%arg0, %arg1, %dma_wait3A_86, %dma_wait3A_87] : memref<2x16x128x32xi32, #tpu.memory_space<hbm>> -> memref<1x1x128x32xi32, #tpu.memory_space<hbm>>
    %dma_wait3A_89 = tpu.memref_squeeze %dma_wait3A_88 : memref<1x1x128x32xi32, #tpu.memory_space<hbm>> -> memref<128x32xi32, #tpu.memory_space<hbm>>
    %dma_wait3A_90 = arith.constant 0 : i32
    %dma_wait3A_91 = arith.constant 0 : i32
    %dma_wait3A_92 = tpu.memref_slice %arg5[%arg0, %arg1, %dma_wait3A_90, %dma_wait3A_91] : memref<2x16x128x32xi32, #tpu.memory_space<hbm>> -> memref<1x1x128x32xi32, #tpu.memory_space<hbm>>
    %dma_wait3A_93 = tpu.memref_squeeze %dma_wait3A_92 : memref<1x1x128x32xi32, #tpu.memory_space<hbm>> -> memref<128x32xi32, #tpu.memory_space<hbm>>
    tpu.wait_dma2 semaphore(%arg23 : memref<!tpu.dma_semaphore, #tpu.memory_space<semaphore_mem>>) src(%arg22 : memref<128x32xi32, #tpu.memory_space<vmem>>) dst(%dma_wait3A_93 : memref<128x32xi32, #tpu.memory_space<hbm>>)
    return
  }
}

</mosaic_0001>

<sc_bundles>
// kernel: kernel.3.cloned.1.call-start
scs
__scs_entry_jumppad:
0x0: {  	(pc) =	sbr.rel $0x88, $3  }
0x1: {  	(tag) =	ssettag $0x0;
	lr =	simm.s32 $0x1  }
0x2: {  	[smem:$0x3F9F] =	sst lr;
	_ =	strace $0xD0000000  }
0x3: {  	_ = 	snop  }
0x4: {  	_ = 	snop  }
0x5: {  	_ = 	snop  }
0x6: {  	_ = 	snop  }
0x7: {  	_ = 	snop  }
__scs_overlays_trampoline_lowered:
0x8: {  	[smem:$0x3FAE] =	sst s0  }
0x9: {  	[smem:$0x3FAF] =	sst s1  }
0xa: {  	[smem:$0x3FB0] =	sst s2  }
0xb: {  	[smem:$0x3FB1] =	sst s3  }
0xc: {  	[smem:$0x3FB2] =	sst s4  }
0xd: {  	[smem:$0x3FB3] =	sst s5  }
0xe: {  	[smem:$0x3FB4] =	sst s6  }
0xf: {  	[smem:$0x3FB5] =	sst s7  }
0x10: {  	[smem:$0x3FB6] =	sst s8  }
0x11: {  	[smem:$0x3FB7] =	sst s9;
	s0 =	simm.s32 @!p0 $0x0  }
0x12: {  	s1 =	sld [smem:$0x3F9D];
	s0 =	simm.s32 @p0 $0x1  }
0x13: {  	[smem:$0x3FB8] =	sst s0;
	s0 =	simm.s32 @!p1 $0x0  }
0x14: {  	s2 =	sld [smem:$0x3F9C];
	s0 =	simm.s32 @p1 $0x1  }
0x15: {  	[smem:$0x3FB9] =	sst s0;
	s0 =	simm.s32 @!p2 $0x0  }
0x16: {  	s3 =	sld [smem:$0x3FDB];
	s0 =	simm.s32 @p2 $0x1  }
0x17: {  	s4 =	simm.s32 $0x1BF5;
	[smem:$0x3FBB] =	sst s0  }
0x18: {  	s0 =	sld [smem:$0x3F9E];
	_ =	swait.ge [sflag:s4], $0x0  }
0x19: {  	s7 =	sld [smem:$0x3F9F]  }
0x1a: {  	s8 =	sadd.s32 $0xFFFFE003, lr  }
0x1b: {  	s9 =	sadd.s32 $0xFFFFFEF7, lr;
	s5 =	simm.s32 $0xFFFFFFFF;
	p2 =	slt.u32 s8, $0xFFFFF086  }
0x1c: {  	p1 =	slt.u32 s9, $0xF7A;
	s5 =	simm.s32 @!p2 $0x0  }
0x1d: {  	s5 =	simm.s32 @p1 $0x1;
	p0 =	seq.s32 s7, s2  }
0x1e: {  	s7 =	smul.u32 @!p0 $0xF7A, s2;
	p2 =	seq.s32 @!p0 s5, $0x0  }
0x1f: {  	s9 =	smul.u32 $0xF7A, s1;
	s8 =	simm.s32 @!p0 $0x1BF5;
	p2 =	por !p2, p0  }
0x20: {  	[sflag:s8] =	ssyncset.s32 @!p0 $0xFFFFF086;
	s6 =	sadd.s32 @!p0 s3, s7;
	s7 =	simm.s32 @!p0 $0x108  }
0x21: {  	s3 =	sadd.s32 s3, s9;
	s6 =	sadd.s32 @!p0 $0x88, s6;
	s7 =	simm.s32 @p2 $0x1082  }
0x22: {  	[simem:s7], [sflag:s8] =	dma.local @!p0 [hbm:s6], $0xF7A  }
0x23: {  	s9 =	sor.u32 $0xD0000000, s2;
	s6 =	simm.s32 $0x108;
	_ =	swait.ge @!p0 [sflag:s8], $0x0  }
0x24: {  	s3 =	sadd.s32 $0x88, s3;
	s6 =	simm.s32 @!p1 $0x1082;
	[sflag:s4] =	ssyncset.s32 $0xFFFFF086  }
0x25: {  	[simem:s6], [sflag:s4] =	dma.local [hbm:s3], $0xF7A  }
0x26: {  	[smem:$0x3F9F] =	sst s1;
	(tag) =	ssettag s2;
	_ =	strace s9  }
0x27: {  	s1 =	sld [smem:$0x3FAF]  }
0x28: {  	s2 =	sld [smem:$0x3FB0]  }
0x29: {  	s4 =	sld [smem:$0x3FB2]  }
0x2a: {  	p0 =	seq.s32 s5, $0x0;
	s5 =	sld [smem:$0x3FB3]  }
0x2b: {  	s6 =	sld [smem:$0x3FB4]  }
0x2c: {  	s7 =	sld [smem:$0x3FB5]  }
0x2d: {  	s3 =	simm.s32 $0x108;
	s8 =	sld [smem:$0x3FB6]  }
0x2e: {  	s3 =	simm.s32 @!p0 $0x1082;
	s9 =	sld [smem:$0x3FB7]  }
0x2f: {  	lr =	sadd.s32 s0, s3;
	s0 =	sld [smem:$0x3FAE]  }
0x30: {  	s3 =	sld [smem:$0x3FB1]  }
0x31: {  	[smem:$0x3FBA] =	sst s10  }
0x32: {  	s10 =	sld [smem:$0x3FB8];
	_ =	sdelay $0x3  }
0x33: {  	p0 =	seq.s32 s10, $0x1;
	s10 =	sld [smem:$0x3FBA];
	_ =	sdelay $0x3  }
0x34: {  	[smem:$0x3FBA] =	sst s10  }
0x35: {  	s10 =	sld [smem:$0x3FB9];
	_ =	sdelay $0x3  }
0x36: {  	p1 =	seq.s32 s10, $0x1;
	s10 =	sld [smem:$0x3FBA];
	_ =	sdelay $0x3  }
0x37: {  	[smem:$0x3FBA] =	sst s10  }
0x38: {  	s10 =	sld [smem:$0x3FBB]  }
0x39: {  	_ = 	snop;
	(pc) =	sbr.ind lr, $3  }
0x3a: {  	_ = 	snop  }
0x3b: {  	_ = 	snop  }
0x3c: {  	p2 =	seq.s32 s10, $0x1;
	s10 =	sld [smem:$0x3FBA]  }
0x3d: {  	_ =	shalt  }
0x3e: {  	_ =	shalt  }
0x3f: {  	_ =	shalt  }
0x40: {  	_ =	shalt  }
0x41: {  	_ =	shalt  }
0x42: {  	_ =	shalt  }
0x43: {  	_ =	shalt  }
0x44: {  	_ =	shalt  }
0x45: {  	_ =	shalt  }
0x46: {  	_ =	shalt  }
0x47: {  	_ =	shalt  }
0x48: {  	_ =	shalt  }
0x49: {  	_ =	shalt  }
0x4a: {  	_ =	shalt  }
0x4b: {  	_ =	shalt  }
0x4c: {  	_ =	shalt  }
0x4d: {  	_ =	shalt  }
0x4e: {  	_ =	shalt  }
0x4f: {  	_ =	shalt  }
0x50: {  	_ =	shalt  }
0x51: {  	_ =	shalt  }
0x52: {  	_ =	shalt  }
0x53: {  	_ =	shalt  }
0x54: {  	_ =	shalt  }
0x55: {  	_ =	shalt  }
0x56: {  	_ =	shalt  }
0x57: {  	_ =	shalt  }
0x58: {  	_ =	shalt  }
0x59: {  	_ =	shalt  }
0x5a: {  	_ =	shalt  }
0x5b: {  	_ =	shalt  }
0x5c: {  	_ =	shalt  }
0x5d: {  	_ =	shalt  }
0x5e: {  	_ =	shalt  }
0x5f: {  	_ =	shalt  }
0x60: {  	_ =	shalt  }
0x61: {  	_ =	shalt  }
0x62: {  	_ =	shalt  }
0x63: {  	_ =	shalt  }
0x64: {  	_ =	shalt  }
0x65: {  	_ =	shalt  }
0x66: {  	_ =	shalt  }
0x67: {  	_ =	shalt  }
0x68: {  	_ =	shalt  }
0x69: {  	_ =	shalt  }
0x6a: {  	_ =	shalt  }
0x6b: {  	_ =	shalt  }
0x6c: {  	_ =	shalt  }
0x6d: {  	_ =	shalt  }
0x6e: {  	_ =	shalt  }
0x6f: {  	_ =	shalt  }
0x70: {  	_ =	shalt  }
0x71: {  	_ =	shalt  }
0x72: {  	_ =	shalt  }
0x73: {  	_ =	shalt  }
0x74: {  	_ =	shalt  }
0x75: {  	_ =	shalt  }
0x76: {  	_ =	shalt  }
0x77: {  	_ =	shalt  }
0x78: {  	_ =	shalt  }
0x79: {  	_ =	shalt  }
0x7a: {  	_ =	shalt  }
0x7b: {  	_ =	shalt  }
0x7c: {  	_ =	shalt  }
0x7d: {  	_ =	shalt  }
0x7e: {  	_ =	shalt  }
0x7f: {  	_ =	shalt  }
0x80: {  	_ =	shalt  }
0x81: {  	_ =	shalt  }
0x82: {  	_ =	shalt  }
0x83: {  	_ =	shalt  }
0x84: {  	_ =	shalt  }
0x85: {  	_ =	shalt  }
0x86: {  	_ =	shalt  }
0x87: {  	_ =	shalt  }
.Lfunc_end0:
.L_simem_size_0:
called_computation_lowered:
.L_overlay_start_0:
0x88: {  	s2 =	sld [smem:$0x3FD9]  }
0x89: {  	s3 =	sld [smem:$0x3FFE];
	_ =	sdelay $0x1  }
0x8a: {  	s1 =	srdreg.scid  }
0x8b: {  	s0 =	sand.u32 $0x1, s1  }
0x8c: {  	s14 =	sshll.u32 s0, $0xA;
	s2 =	sadd.s32 s3, s2  }
0x8d: {  	s2 =	sadd.s32 s2, s14  }
0x8e: {  	[smem:$0x3FC6] =	sst s2  }
0x8f: {  	_ = 	snop  }
0x90: {  	s2 =	sld [smem:$0x3FD0];
	_ =	sdelay $0x2  }
0x91: {  	s15 =	simm.s32 $0xA;
	s4 =	simm.s32 $0x10  }
0x92: {  	[smem:s4], [sflag:s15] =	dma.local [hbm:s2], $0x1  }
0x93: {  	_ =	swait.eq [sflag:s15], $0x1  }
0x94: {  	[sflag:s15] =	ssyncset.done $0x0  }
0x95: {  	s16 =	sld [smem:$0x10];
	[sflag:s15] =	ssyncadd.s32 $0xFFFFFFFF  }
0x96: {  	s17 =	sld [smem:$0x11];
	(tm) =	ssettm $0x1  }
0x97: {  	s18 =	sld [smem:$0x3FFB];
	_ =	sdelay $0x3  }
0x98: {  	_ =	strace s18  }
0x99: {  	s4 =	sld [smem:$0x3FFC];
	_ =	sdelay $0x3  }
0x9a: {  	_ =	strace s4  }
0x9b: {  	s4 =	sld [smem:$0x3FFD];
	_ =	sdelay $0x3  }
0x9c: {  	_ =	strace s4  }
0x9d: {  	_ =	strace $0x8FFFFFFF  }
0x9e: {  	s19 =	sld [smem:$0x3FDB];
	_ =	sdelay $0x1  }
0x9f: {  	s5 =	simm.s32 $_scs_section_size  }
0xa0: {  	s6 =	simm.s32 $_size__tile_overlayer_lowered;
	s7 =	simm.s32 $_tile_overlayer_lowered  }
0xa1: {  	s22 =	simm.s32 $0x1BFF;
	s21 =	sshll.u32 s7, $0x1;
	s4 =	sadd.s32 s5, s19  }
0xa2: {  	s8 =	simm.s32 $0x0;
	s20 =	sshll.u32 s6, $0x1;
	s6 =	sadd.s32 s21, s4  }
0xa3: {  	[timem:s8], [sflag:s22] =	dma.local [hbm:s6], s20  }
0xa4: {  	_ =	swait.ge [sflag:s22], s20  }
0xa5: {  	s5 =	ssub.s32 $0x0, s20;
	[sflag:s22] =	ssyncset.done $0x0  }
0xa6: {  	[sflag:s22] =	ssyncadd.s32 s5;
	_ =	sdelay $0x1  }
0xa7: {  	s23 =	simm.s32 $0x1B8B  }
0xa8: {  	_ =	swait.ge [sflag:s23], $0x1  }
0xa9: {  	[sflag:s23] =	ssyncset.done $0x0  }
0xaa: {  	s25 =	simm.s32 $0x1B8E;
	s24 =	sld [smem:$0x3FFE];
	[sflag:s23] =	ssyncadd.s32 $0xFFFFFFFF  }
0xab: {  	s26 =	simm.s32 $execute0_lowered;
	[smem:$0x3FD2] =	sst s25  }
0xac: {  	s6 =	sshll.u32 s26, $0x1;
	_ =	strace $0x80000046;
	[dreg:$0x1] =	wrdreg $0xFFFFFFFF  }
0xad: {  	s28 =	simm.s32 $_size_execute0_lowered;
	s4 =	sadd.s32 s4, s6;
	[dreg:$0x0] =	wrdreg $0x0  }
0xae: {  	s6 =	sshll.u32 s28, $0x1;
	[dreg:$0x2] =	wrdreg s4  }
0xaf: {  	[dreg:$0x3] =	wrdreg s6  }
0xb0: {  	[dreg:$0x4] =	wrdreg $0xC0  }
0xb1: {  	_ =	task [dreg:s8], $0x5FFFF  }
0xb2: {  	[dreg:$0x1] =	wrdreg $0xFFFFFFFF  }
0xb3: {  	[dreg:$0x0] =	wrdreg $0x60  }
0xb4: {  	[dreg:$0x2] =	wrdreg s24  }
0xb5: {  	[dreg:$0x3] =	wrdreg s16  }
0xb6: {  	[dreg:$0x4] =	wrdreg s17  }
0xb7: {  	[dreg:$0x5] =	wrdreg $0x9  }
0xb8: {  	_ =	task.clear_ibuf [dreg:s8], $0x6FFFF;
	_ =	strace $0x90000046  }
0xb9: {  	s29 =	simm.s32 $0x9;
	_ =	strace $0x80000048  }
0xba: {  	_ =	swait.ge [sflag:s29], $0x1  }
0xbb: {  	[sflag:s29] =	ssyncadd.s32 $0xFFFFFFFF  }
0xbc: {  	_ =	strace $0x90000048  }
0xbd: {  	_ =	sfence  }
0xbe: {  	s30 =	sld [smem:$0x0];
	_ =	sdelay $0x2  }
0xbf: {  	s31 =	sshll.u32 s1, $0xD;
	s1 =	sshrl.u32 s1, $0x2  }
0xc0: {  	s3 =	sand.u32 $0x4000, s31;
	s1 =	sadd.s32 s1, s30  }
0xc1: {  	s0 =	sor.u32 s3, s0;
	s1 =	sshll.u32 s1, $0x11  }
0xc2: {  	s0 =	sor.u32 s1, s0  }
0xc3: {  	s0 =	sadd.s32 $0x8F2B, s0  }
0xc4: {  	[sflag:s0] =	ssyncadd.remote.s32 $0x1  }
0xc5: {  	_ =	sfence.sel $0xFFFF  }
0xc6: {  	[dreg:$0x0] =	wrdreg $0xFFFFFFFF;
	(pc) =	sbr.abs _section_cstart, $3  }
0xc7: {  	[dreg:$0x1] =	wrdreg $0xFFFFFFFF  }
0xc8: {  	_ =	task.clear_ibuf [dreg:s8], $0x2FFFF;
	_ =	strace $0x9FFFFFFF  }
0xc9: {  	(tm) =	ssettm $0x7FFFFFFF  }
tec
execute0_lowered:
.L_overlay_start_1:
0x0: {  	(tag) =	ssettag $0x1  }
0x1: {  	s3 =	rddreg [dreg:$0x0]  }
0x2: {  	s7 =	rddreg [dreg:$0x1]  }
0x3: {  	s8 =	rddreg [dreg:$0x2]  }
0x4: {  	s1 =	srdreg.scid;
	s0 =	rddreg [dreg:$0x3]  }
0x5: {  	s2 =	simm.s32 $0x0;
	s12 =	simm.s32 $0x10180;
	s13 =	simm.s32 $0x14180  }
0x6: {  	s14 =	simm.s32 $0x80;
	s15 =	simm.s32 $0x800;
	s16 =	simm.s32 $0xC000  }
0x7: {  	s17 =	simm.s32 $0x18A00;
	s18 =	simm.s32 $0x19A00;
	s4 =	sand.u32 $0x1, s1  }
0x8: {  	s19 =	simm.s32 $0x0;
	s1 =	stileid.u32;
	s5 =	smul.u32 $0x1800, s4  }
0x9: {  	[smem:$0x7FF] =	sst s2;
	s6 =	sshll.u32 s1, $0x7;
	s9 =	smul.u32 $0xC000, s4  }
0xa: {  	s28 =	ssub.s32 $0x2, s4;
	s31 =	sshll.u32 s4, $0xD;
	s11 =	sshll.u32 s1, $0x9  }
0xb: {  	_ =	strace $0x80000047;
	s30 =	sshrl.u32 s28, $0x1;
	s11 =	sor.u32 s11, s31  }
0xc: {  	s5 =	sor.u32 s6, s5;
	s26 =	sshrl.u32 s9, $0x3;
	s9 =	ssub.s32 s28, s30  }
0xd: {  	s7 =	sadd.s32 s7, s11;
	s8 =	sadd.s32 s8, s11;
	s11 =	simm.s32 $0x1  }
0xe: {  	s5 =	sshrl.u32 s5, $0x3;
	s29 =	sadd.s32 s26, s3;
	s9 =	smax.u32 s9, $0x1  }
0xf: {  	s10 =	sadd.s32 s5, s3;
	s3 =	sadd.s32 $0x1000, s29;
	s4 =	sadd.s32 $0x1800, s29  }
0x10: {  	v0 =	vlaneseq.u32;
	v1 =	vimm.s32 $0x80100000;
	s5 =	sadd.s32 $0x2000, s29;
	s6 =	sadd.s32 $0xA00, s10;
	s10 =	simm.s32 $0xC180  }
.LBB2_1:
0x11: {  	[tilespmem:s10], [sflag:$0x1] =	stream.linear.gather [hbm4b:s3+s2], $0x4000, $0x38;
	[tilespmem:$0x1AA00] =	vst v63  }
0x12: {  	_ =	swait.ge [sflag:s11], $0x4000  }
0x13: {  	[sflag:s11] =	ssyncset.done $0x0  }
0x14: {  	[sflag:s11] =	ssyncadd.s32 $0xFFFFC000  }
0x15: {  	[tilespmem:s12], [sflag:$0x1] =	stream.linear.gather [hbm4b:s4+s2], $0x4000, $0x38;
	[tilespmem:$0x1AA00] =	vst v63  }
0x16: {  	_ =	swait.ge [sflag:s11], $0x4000  }
0x17: {  	[sflag:s11] =	ssyncset.done $0x0  }
0x18: {  	[sflag:s11] =	ssyncadd.s32 $0xFFFFC000  }
0x19: {  	[tilespmem:s13], [sflag:$0x1] =	stream.linear.gather [hbm4b:s5+s2], $0x4000, $0x38;
	[tilespmem:$0x1AA00] =	vst v63  }
0x1a: {  	_ =	swait.ge [sflag:s11], $0x4000  }
0x1b: {  	[sflag:s11] =	ssyncset.done $0x0  }
0x1c: {  	[sflag:s11] =	ssyncadd.s32 $0xFFFFC000  }
0x1d: {  	[tilespmem:s16], [sflag:$0x1] =	stream.strided.gather [hbm4b:s6+s14], $0x180, s15, s14, $0x38;
	[tilespmem:$0x1AA00] =	vst v63  }
0x1e: {  	_ =	swait.ge [sflag:s11], $0x180  }
0x1f: {  	[sflag:s11] =	ssyncset.done $0x0  }
0x20: {  	s21 =	simm.s32 $0x0;
	[sflag:s11] =	ssyncadd.s32 $0xFFFFFE80  }
0x21: {  	v3 =	vld [tilespmem:s21+$0xC180]  }
0x22: {  	v4 =	vld [tilespmem:s21+$0x10180]  }
0x23: {  	v5 =	vld [tilespmem:s21+$0x14180];
	_ =	sdelay $0x2  }
0x24: {  	v7 =	vmul.f32 v3, v3  }
0x25: {  	s20 =	simm.s32 $0x10;
	v8 =	vmul.f32 v4, v4;
	v2 =	vshrl.u32 v3, $0x10;
	v9 =	vshrl.u32 v4, $0x10  }
0x26: {  	v6 =	vld [tilespmem:s20+$0xC180];
	v11 =	vshrl.u32 v5, $0x10;
	v10 =	vand.u32 $0x1, v2;
	v9 =	vand.u32 $0x1, v9  }
0x27: {  	v2 =	vld [tilespmem:s20+$0x10180];
	v8 =	vadd.f32 v8, v7;
	v7 =	vadd.s32 v10, v3;
	v10 =	vmul.f32 v5, v5  }
0x28: {  	v4 =	vadd.s32 v9, v4;
	v3 =	vld [tilespmem:s20+$0x14180];
	v9 =	vand.u32 $0x1, v11;
	v7 =	vadd.s32 $0x7FFF, v7  }
0x29: {  	v4 =	vadd.s32 $0x7FFF, v4;
	v5 =	vadd.s32 v9, v5;
	v9 =	vadd.f32 v10, v8  }
0x2a: {  	v7 =	vand.u32 $0xFFFF0000, v7;
	v4 =	vshrl.u32 v4, $0x10  }
0x2b: {  	v10 =	vshrl.u32 v6, $0x10;
	v4 =	vor.u32 v7, v4;
	v7 =	vmul.f32 v6, v6  }
0x2c: {  	s22 =	simm.s32 $0x20;
	v11 =	vand.u32 $0x1, v10;
	[tilespmem:s21+$0x0] =	vst v4;
	v4 =	vadd.s32 $0x7FFF, v5;
	v12 =	vshrl.u32 v2, $0x10  }
0x2d: {  	s23 =	simm.s32 $0xC0;
	v8 =	vmul.f32 v2, v2;
	v5 =	vld [tilespmem:s22+$0xC180];
	v12 =	vand.u32 $0x1, v12;
	v10 =	vshrl.u32 v3, $0x10;
	[tilespmem:s21+$0x8000] =	vst v9;
	v9 =	vmovc v3  }
.LBB2_2:
0x2e: {  	v13 =	vmov v3  }
0x2f: {  	p0 =	sne.s32 s23, $0xFFC0;
	v8 =	vadd.f32 v8, v7;
	v6 =	vadd.s32 v11, v6;
	v7 =	vadd.s32 v12, v2;
	v2 =	vld [tilespmem:s22+$0x10180]  }
0x30: {  	v10 =	vand.u32 $0x1, v10;
	v6 =	vadd.s32 $0x7FFF, v6;
	v7 =	vadd.s32 $0x7FFF, v7;
	v3 =	vld [tilespmem:s22+$0x14180]  }
.Ltmp0:
0x31: {  	v11 =	vmul.f32 v13, v9;
	v14 =	vand.u32 $0xFFFF0000, v6;
	v7 =	vshrl.u32 v7, $0x10;
	(pc) =	sbr.rel @p0 .LBB2_2-.Ltmp0, $4  }
0x32: {  	v9 =	vadd.s32 v10, v9;
	v10 =	vand.u32 $0xFFFF0000, v4;
	v12 =	vor.u32 v14, v7  }
0x33: {  	v4 =	vadd.s32 $0x7FFF, v9;
	v13 =	vadd.f32 v11, v8;
	v7 =	vmul.f32 v5, v5;
	v6 =	vmovc v5;
	[tilespmem:s20+$0x0] =	vst v12  }
0x34: {  	v14 =	vshrl.u32 v6, $0x10;
	v8 =	vmul.f32 v2, v2;
	v12 =	vshrl.u32 v2, $0x10;
	[tilespmem:s21+$0x4000] =	vst v10;
	s21 =	smov.u32 s20;
	s20 =	smov.u32 s22;
	s22 =	sshra.s32 s23, $0x2  }
0x35: {  	s23 =	sadd.s32 $0x40, s23;
	v11 =	vand.u32 $0x1, v14;
	v5 =	vld [tilespmem:s22+$0xC180];
	v12 =	vand.u32 $0x1, v12;
	v10 =	vshrl.u32 v3, $0x10;
	[tilespmem:s21+$0x8000] =	vst v13;
	v9 =	vmovc v3  }
0x36: {  	v13 =	vld [tilespmem:s22+$0x10180];
	v6 =	vadd.s32 v11, v6  }
0x37: {  	v2 =	vadd.s32 v12, v2;
	v7 =	vadd.f32 v8, v7;
	v10 =	vand.u32 $0x1, v10  }
0x38: {  	v54 =	vld [tilespmem:s22+$0x14180];
	v3 =	vmul.f32 v3, v9;
	v6 =	vadd.s32 $0x7FFF, v6;
	v2 =	vadd.s32 $0x7FFF, v2  }
0x39: {  	v4 =	vand.u32 $0xFFFF0000, v4;
	v6 =	vand.u32 $0xFFFF0000, v6;
	v2 =	vshrl.u32 v2, $0x10  }
0x3a: {  	v55 =	vadd.s32 v10, v9;
	v3 =	vadd.f32 v3, v7;
	v2 =	vor.u32 v6, v2  }
0x3b: {  	v56 =	vmul.f32 v5, v5;
	v57 =	vshrl.u32 v5, $0x10;
	v58 =	vshrl.u32 v13, $0x10  }
0x3c: {  	v59 =	vmul.f32 v13, v13;
	v7 =	vand.u32 $0x1, v57;
	v10 =	vand.u32 $0x1, v58  }
0x3d: {  	v60 =	vshrl.u32 v54, $0x10;
	v61 =	vadd.s32 v7, v5;
	v62 =	vadd.s32 v10, v13  }
0x3e: {  	[tilespmem:s20+$0x0] =	vst v2;
	v63 =	vmul.f32 v54, v54;
	v5 =	vadd.s32 $0x7FFF, v61;
	v7 =	vadd.s32 $0x7FFF, v62  }
0x3f: {  	[tilespmem:s21+$0x4000] =	vst v4;
	v2 =	vadd.f32 v59, v56;
	v5 =	vand.u32 $0xFFFF0000, v5;
	v7 =	vshrl.u32 v7, $0x10  }
0x40: {  	v6 =	vadd.s32 $0x7FFF, v55;
	[tilespmem:s20+$0x8000] =	vst v3;
	v3 =	vand.u32 $0x1, v60;
	v5 =	vor.u32 v5, v7  }
0x41: {  	v6 =	vand.u32 $0xFFFF0000, v6;
	v3 =	vadd.s32 v3, v54;
	v2 =	vadd.f32 v63, v2;
	[tilespmem:s22+$0x0] =	vst v5  }
0x42: {  	v3 =	vadd.s32 $0x7FFF, v3;
	[tilespmem:s20+$0x4000] =	vst v6  }
0x43: {  	[tilespmem:s22+$0x8000] =	vst v2;
	v2 =	vand.u32 $0xFFFF0000, v3  }
0x44: {  	s20 =	simm.s32 $0x0;
	[tilespmem:s22+$0x4000] =	vst v2  }
.LBB2_4:
0x45: {  	s21 =	sshll.u32 s20, $0x1  }
0x46: {  	s22 =	sand.u32 $0x70, s21  }
0x47: {  	v2 =	vld [tilespmem:s22+$0xC000]  }
0x48: {  	v3 =	vld [tilespmem:s22+$0xC080]  }
0x49: {  	s21 =	sand.u32 $0xE, s21;
	v4 =	vld [tilespmem:s22+$0xC100]  }
0x4a: {  	v5 =	vmov s21  }
0x4b: {  	s21 =	sshllo.u32 s20, $0x1;
	vm0 =	veq.s32 v5, v0  }
0x4c: {  	s22 =	ssub.s32 s21, s22;
	v5 =	vnsel vm0, $0x7F800000, v2  }
0x4d: {  	v6 =	vmov s22;
	(xrf0) =	vmin.scan.msk.f32 $0xffff, v5;
	v5 =	vnsel vm0, $0x7F800000, v3  }
0x4e: {  	vm15 =	veq.s32 v6, v0;
	(xrf0) =	vmin.scan.msk.f32 $0xffff, v5;
	v5 =	vnsel vm0, $0x7F800000, v4  }
0x4f: {  	v2 =	vnsel vm15, $0x7F800000, v2;
	(xrf0) =	vmin.scan.msk.f32 $0xffff, v5  }
0x50: {  	(xrf0) =	vmin.scan.msk.f32 $0xffff, v2;
	v2 =	vnsel vm15, $0x7F800000, v3  }
0x51: {  	(xrf0) =	vmin.scan.msk.f32 $0xffff, v2;
	_ =	sdelay $0x1  }
0x52: {  	v2, _, _ =	vpop (xrf0)  }
0x53: {  	v3, _, _ =	vpop (xrf0);
	(v2sf) =	vpush v2, $0xF  }
0x54: {  	v2, _, _ =	vpop (xrf0);
	(v2sf) =	vpush v3, $0xF  }
0x55: {  	v3, _, _ =	vpop (xrf0);
	(v2sf) =	vpush v2, $0xF;
	v2 =	vnsel vm15, $0x7F800000, v4  }
0x56: {  	(v2sf) =	vpush v3, $0xF;
	v3, _, _ =	vpop (xrf0);
	(xrf0) =	vmin.scan.msk.f32 $0xffff, v2  }
0x57: {  	(v2sf) =	vpush v3, $0xF;
	_ =	sdelay $0x4  }
0x58: {  	v2, _, _ =	vpop (xrf0)  }
0x59: {  	(v2sf) =	vpush v2, $0xF;
	_ =	sdelay $0x4  }
0x5a: {  	s31 =	spop (v2sf)  }
0x5b: {  	s23 =	spop (v2sf);
	s24 =	smul.f32 s31, s31;
	s28 =	sshrl.u32 s31, $0x10  }
0x5c: {  	s25 =	spop (v2sf);
	s26 =	smul.f32 s23, s23;
	s28 =	sand.u32 $0x1, s28  }
0x5d: {  	s29 =	spop (v2sf);
	s30 =	smul.f32 s25, s25;
	s22 =	sadd.s32 s28, s31  }
0x5e: {  	s31 =	sshrl.u32 s23, $0x10;
	s24 =	sadd.f32 s26, s24;
	s28 =	spop (v2sf)  }
0x5f: {  	s22 =	sadd.s32 $0x7FFF, s22;
	s26 =	sand.u32 $0x1, s31;
	s31 =	smul.f32 s29, s29  }
0x60: {  	s22 =	sand.u32 $0xFFFF0000, s22;
	s24 =	sadd.f32 s30, s24;
	s30 =	sshrl.u32 s25, $0x10  }
0x61: {  	s23 =	sadd.s32 s26, s23;
	s26 =	sand.u32 $0x1, s30;
	s30 =	smul.f32 s28, s28  }
0x62: {  	s23 =	sadd.s32 $0x7FFF, s23;
	s25 =	sadd.s32 s26, s25;
	s26 =	sshrl.u32 s29, $0x10  }
0x63: {  	s30 =	sadd.f32 s30, s31;
	s26 =	sand.u32 $0x1, s26;
	s31 =	sshrl.u32 s28, $0x10  }
0x64: {  	s26 =	sadd.s32 s26, s29;
	s29 =	spop (v2sf);
	s31 =	sand.u32 $0x1, s31  }
0x65: {  	s25 =	sadd.s32 $0x7FFF, s25;
	s28 =	sadd.s32 s31, s28;
	s31 =	sshrl.u32 s29, $0x10  }
0x66: {  	v2 =	vmov s22;
	s23 =	sand.u32 $0xFFFF0000, s23;
	s25 =	sand.u32 $0xFFFF0000, s25;
	s31 =	sand.u32 $0x1, s31  }
0x67: {  	v2 =	vbroadcast v2, $0x0;
	s26 =	sadd.s32 $0x7FFF, s26;
	s31 =	sadd.s32 s31, s29;
	s29 =	smul.f32 s29, s29  }
0x68: {  	v3 =	vmov s23;
	v5 =	vmov s24;
	v4 =	vmov s25;
	s22 =	sand.u32 $0xFFFF0000, s26;
	s26 =	sadd.s32 $0x7FFF, s28;
	s28 =	sadd.s32 $0x7FFF, s31  }
0x69: {  	v3 =	vbroadcast v3, $0x0;
	v4 =	vbroadcast v4, $0x0;
	s23 =	sand.u32 $0xFFFF0000, s26;
	v6 =	vmov s22;
	s31 =	sadd.f32 s29, s30;
	s26 =	sand.u32 $0xFFFF0000, s28  }
0x6a: {  	v6 =	vbroadcast v6, $0x0;
	v7 =	vmov s23;
	v8 =	vmov s26  }
0x6b: {  	s24 =	simm.s32 $0x0;
	s22 =	simm.s32 $0x18180;
	s23 =	simm.s32 $0x18580;
	v7 =	vbroadcast v7, $0x0;
	v8 =	vbroadcast v8, $0x0;
	v9 =	vmov s31  }
.LBB2_5:
0x6c: {  	s25 =	sshra.s32 s24, $0x2  }
0x6d: {  	v10 =	vld [tilespmem:s25+$0x0]  }
0x6e: {  	v11 =	vld [tilespmem:s25+$0x4000]  }
0x6f: {  	v15 =	vld [tilespmem:s25+$0x10]  }
0x70: {  	v16 =	vld [tilespmem:s25+$0x8000]  }
0x71: {  	v17 =	vld [tilespmem:s25+$0x4010]  }
0x72: {  	v19 =	vld [tilespmem:s25+$0x8010]  }
0x73: {  	v22 =	vld [tilespmem:s25+$0x20]  }
0x74: {  	v50 =	vld [tilespmem:s25+$0x4020]  }
0x75: {  	v53 =	vld [tilespmem:s25+$0x8020]  }
0x76: {  	v55 =	vld [tilespmem:s25+$0x30];
	v12 =	vand.u32 $0xFFFF0000, v10  }
0x77: {  	v30 =	vld [tilespmem:s25+$0x4040];
	v10 =	vshll.u32 v10, $0x10;
	v44 =	vmul.f32 v11, v4;
	v45 =	vand.u32 $0xFFFF0000, v15  }
0x78: {  	v24 =	vld [tilespmem:s25+$0x8030];
	v15 =	vshll.u32 v15, $0x10;
	v18 =	vadd.f32 v16, v5;
	v11 =	vmul.f32 v11, v8  }
0x79: {  	v26 =	vld [tilespmem:s25+$0x40];
	v46 =	vmul.f32 v17, v4;
	v47 =	vadd.f32 v16, v9;
	v49 =	vadd.f32 v19, v5  }
0x7a: {  	v17 =	vmul.f32 v17, v8;
	v51 =	vand.u32 $0xFFFF0000, v22;
	v52 =	vshll.u32 v22, $0x10  }
0x7b: {  	v32 =	vld [tilespmem:s25+$0x8040];
	v57 =	vmul.f32 v50, v4;
	v19 =	vadd.f32 v19, v9;
	v59 =	vadd.f32 v53, v5  }
0x7c: {  	v60 =	vand.u32 $0xFFFF0000, v55;
	v61 =	vshll.u32 v55, $0x10;
	v37 =	vmul.f32 v30, v4  }
0x7d: {  	v29 =	vadd.f32 v24, v5;
	v13 =	vmul.f32 v12, v2;
	v14 =	vmul.f32 v10, v3  }
0x7e: {  	v31 =	vand.u32 $0xFFFF0000, v26;
	v12 =	vmul.f32 v12, v6;
	v10 =	vmul.f32 v10, v7  }
0x7f: {  	v36 =	vadd.f32 v24, v9;
	v20 =	vmul.f32 v45, v2;
	v21 =	vmul.f32 v15, v3  }
0x80: {  	v40 =	vadd.f32 v32, v5;
	v15 =	vmul.f32 v15, v7;
	v54 =	vmul.f32 v51, v2  }
0x81: {  	v23 =	vmul.f32 v52, v3;
	v33 =	vmul.f32 v31, v2;
	v13 =	vadd.f32 v14, v13  }
0x82: {  	v35 =	vmul.f32 v31, v6;
	v31 =	vld [tilespmem:s25+$0x8060];
	v12 =	vadd.f32 v10, v12;
	v20 =	vadd.f32 v21, v20  }
0x83: {  	v14 =	vmul.f32 v45, v6;
	v56 =	vadd.f32 v23, v54;
	v23 =	vadd.f32 v32, v9  }
0x84: {  	v58 =	vld [tilespmem:s25+$0x4030];
	v25 =	vmul.f32 v61, v3;
	v13 =	vadd.f32 v13, v44;
	v11 =	vadd.f32 v12, v11  }
0x85: {  	v39 =	vld [tilespmem:s25+$0x4050];
	v28 =	vmul.f32 v61, v7;
	v48 =	vadd.f32 v20, v46;
	v14 =	vadd.f32 v15, v14  }
0x86: {  	v21 =	vmul.f32 v52, v7;
	v32 =	vld [tilespmem:s25+$0x8070];
	v16 =	vadd.f32 v56, v57;
	v15 =	vadd.f32 v53, v9  }
0x87: {  	v20 =	vmul.f32 v51, v6;
	v57 =	vadd.f32 v31, v5;
	v61 =	vadd.f32 v31, v9  }
0x88: {  	v63 =	vmul.f32 v60, v2;
	v13 =	vadd.f32 v13, v13;
	v11 =	vadd.f32 v11, v11  }
0x89: {  	v38 =	vmul.f32 v30, v8;
	v44 =	vld [tilespmem:s25+$0x8050];
	v14 =	vadd.f32 v14, v17;
	v20 =	vadd.f32 v21, v20  }
0x8a: {  	v22 =	vmul.f32 v39, v8;
	v62 =	vadd.f32 v16, v16;
	v16 =	vadd.f32 v25, v63  }
0x8b: {  	v25 =	vmul.f32 v58, v4;
	v63 =	vadd.f32 v32, v5;
	v10 =	vsub.f32 v18, v13  }
0x8c: {  	v27 =	vmul.f32 v60, v6;
	v52 =	vld [tilespmem:s25+$0x70];
	v13 =	vadd.f32 v48, v48;
	v12 =	vsub.f32 v47, v11  }
0x8d: {  	v45 =	vmul.f32 v39, v4;
	v14 =	vadd.f32 v14, v14;
	v16 =	vadd.f32 v16, v25  }
0x8e: {  	v46 =	vld [tilespmem:s25+$0x4060];
	v18 =	vmul.f32 v50, v8;
	v53 =	vadd.f32 v44, v5;
	v21 =	vadd.f32 v44, v9  }
0x8f: {  	v55 =	vld [tilespmem:s25+$0x4070];
	v17 =	vmul.f32 v58, v8;
	v11 =	vsub.f32 v49, v13;
	v14 =	vsub.f32 v19, v14  }
0x90: {  	v18 =	vadd.f32 v20, v18;
	v13 =	vsub.f32 v59, v62;
	v20 =	vshll.u32 v26, $0x10;
	v26 =	vld [tilespmem:s25+$0x50]  }
0x91: {  	v56 =	vand.u32 $0xFFFF0000, v52;
	v16 =	vadd.f32 v16, v16;
	v19 =	vadd.f32 v28, v27  }
0x92: {  	v34 =	vmul.f32 v20, v3;
	v20 =	vmul.f32 v20, v7;
	v18 =	vadd.f32 v18, v18  }
0x93: {  	v60 =	vld [tilespmem:s25+$0x80];
	v54 =	vmul.f32 v46, v4;
	v16 =	vsub.f32 v29, v16;
	v17 =	vadd.f32 v19, v17  }
0x94: {  	v59 =	vmul.f32 v55, v4;
	v29 =	vld [tilespmem:s25+$0x60];
	v19 =	vadd.f32 v20, v35;
	v15 =	vsub.f32 v15, v18  }
0x95: {  	v18 =	vadd.f32 v34, v33;
	v17 =	vadd.f32 v17, v17;
	v41 =	vand.u32 $0xFFFF0000, v26  }
0x96: {  	v33 =	vmul.f32 v56, v2;
	v42 =	vshll.u32 v26, $0x10;
	v27 =	vmul.f32 v41, v2  }
0x97: {  	v19 =	vadd.f32 v19, v38;
	v28 =	vmul.f32 v42, v3;
	v20 =	vmul.f32 v41, v6  }
0x98: {  	v35 =	vld [tilespmem:s25+$0x8080];
	v18 =	vadd.f32 v18, v37;
	v25 =	vmul.f32 v42, v7;
	v41 =	vmul.f32 v55, v8  }
0x99: {  	v42 =	vand.u32 $0xFFFF0000, v60;
	v30 =	vadd.f32 v19, v19;
	v48 =	vand.u32 $0xFFFF0000, v29  }
0x9a: {  	v49 =	vshll.u32 v29, $0x10;
	v29 =	vshll.u32 v52, $0x10;
	v43 =	vadd.f32 v18, v18  }
0x9b: {  	v18 =	vsub.f32 v36, v17;
	v27 =	vadd.f32 v28, v27;
	v50 =	vmul.f32 v48, v2  }
0x9c: {  	v20 =	vadd.f32 v25, v20;
	v51 =	vmul.f32 v49, v3;
	v26 =	vmul.f32 v48, v6  }
0x9d: {  	v34 =	vmul.f32 v29, v3;
	v48 =	vadd.f32 v32, v9;
	v52 =	vadd.f32 v35, v5  }
0x9e: {  	v28 =	vmul.f32 v56, v6;
	v17 =	vsub.f32 v23, v30;
	v19 =	vsub.f32 v40, v43  }
0x9f: {  	v29 =	vmul.f32 v29, v7;
	v47 =	vadd.f32 v27, v45;
	v22 =	vadd.f32 v20, v22  }
0xa0: {  	v25 =	vadd.f32 v51, v50;
	v27 =	vmul.f32 v49, v7;
	v58 =	vadd.f32 v34, v33  }
0xa1: {  	v34 =	vshll.u32 v60, $0x10;
	v28 =	vadd.f32 v29, v28;
	v43 =	vmul.f32 v42, v2  }
0xa2: {  	v44 =	vld [tilespmem:s25+$0x90];
	v49 =	vmul.f32 v42, v6;
	v24 =	vadd.f32 v47, v47;
	v22 =	vadd.f32 v22, v22  }
0xa3: {  	v40 =	vld [tilespmem:s25+$0x4080];
	v36 =	vmul.f32 v34, v3;
	v25 =	vadd.f32 v25, v54;
	v26 =	vadd.f32 v27, v26  }
0xa4: {  	v38 =	vld [tilespmem:s25+$0xA0];
	v50 =	vmul.f32 v34, v7;
	v62 =	vadd.f32 v58, v59;
	v45 =	vadd.f32 v28, v41  }
0xa5: {  	v23 =	vmul.f32 v46, v8;
	v58 =	vadd.f32 v35, v9;
	v46 =	vadd.f32 v36, v43  }
0xa6: {  	v51 =	vld [tilespmem:s25+$0x4090];
	v31 =	vadd.f32 v50, v49;
	v20 =	vsub.f32 v53, v24  }
0xa7: {  	v25 =	vadd.f32 v25, v25;
	v23 =	vadd.f32 v26, v23  }
0xa8: {  	v26 =	vadd.f32 v62, v62;
	v53 =	vand.u32 $0xFFFF0000, v44;
	v47 =	vmul.f32 v40, v4  }
0xa9: {  	v54 =	vld [tilespmem:s25+$0x8090];
	v62 =	vshll.u32 v38, $0x10;
	v30 =	vmul.f32 v40, v8;
	v55 =	vmul.f32 v53, v2  }
0xaa: {  	v59 =	vld [tilespmem:s25+$0x40A0];
	v21 =	vsub.f32 v21, v22;
	v32 =	vmul.f32 v53, v6;
	v40 =	vmul.f32 v62, v3  }
0xab: {  	v28 =	vmul.f32 v51, v8;
	v49 =	vmul.f32 v62, v7;
	v22 =	vsub.f32 v57, v25  }
0xac: {  	v23 =	vadd.f32 v23, v23;
	v25 =	vshll.u32 v44, $0x10;
	v57 =	vmul.f32 v51, v4  }
0xad: {  	v27 =	vadd.f32 v46, v47;
	v37 =	vmul.f32 v25, v3;
	v30 =	vadd.f32 v31, v30  }
0xae: {  	v50 =	vld [tilespmem:s25+$0x40B0];
	v60 =	vadd.f32 v54, v5;
	v25 =	vmul.f32 v25, v7;
	v47 =	vadd.f32 v54, v9  }
0xaf: {  	v53 =	vmul.f32 v59, v8;
	v24 =	vsub.f32 v61, v23;
	v23 =	vsub.f32 v63, v26  }
0xb0: {  	v62 =	vld [tilespmem:s25+$0x40C0];
	v26 =	vadd.f32 v45, v45;
	v61 =	vand.u32 $0xFFFF0000, v38;
	v27 =	vadd.f32 v27, v27  }
0xb1: {  	v46 =	vld [tilespmem:s25+$0xB0];
	v45 =	vmul.f32 v59, v4;
	v56 =	vadd.f32 v37, v55;
	v30 =	vadd.f32 v30, v30  }
0xb2: {  	v39 =	vmul.f32 v61, v2;
	v43 =	vadd.f32 v25, v32;
	v29 =	vsub.f32 v48, v26  }
0xb3: {  	v63 =	vld [tilespmem:s25+$0x80A0];
	v59 =	vmul.f32 v50, v8;
	v26 =	vsub.f32 v52, v27;
	v27 =	vadd.f32 v56, v57  }
0xb4: {  	v48 =	vmul.f32 v61, v6;
	v33 =	vsub.f32 v58, v30;
	v44 =	vadd.f32 v40, v39  }
0xb5: {  	v55 =	vld [tilespmem:s25+$0x80B0];
	v28 =	vadd.f32 v43, v28;
	v57 =	vmul.f32 v50, v4;
	v50 =	vmul.f32 v62, v4  }
0xb6: {  	v31 =	vadd.f32 v49, v48;
	v54 =	vand.u32 $0xFFFF0000, v46;
	v32 =	vshll.u32 v46, $0x10  }
0xb7: {  	v27 =	vadd.f32 v27, v27;
	v28 =	vadd.f32 v28, v28;
	v56 =	vmul.f32 v54, v2  }
0xb8: {  	v58 =	vld [tilespmem:s25+$0xC0];
	v51 =	vadd.f32 v63, v5;
	v41 =	vmul.f32 v32, v3;
	v35 =	vmul.f32 v54, v6  }
0xb9: {  	v32 =	vmul.f32 v32, v7;
	v38 =	vadd.f32 v63, v9;
	v31 =	vadd.f32 v31, v53  }
0xba: {  	v63 =	vmin.f32 v12, v14;
	v61 =	vadd.f32 v55, v5;
	v25 =	vsub.f32 v60, v27  }
0xbb: {  	v48 =	vld [tilespmem:s25+$0x80C0];
	v39 =	vmin.f32 v63, v15;
	v27 =	vadd.f32 v44, v45;
	v30 =	vadd.f32 v41, v56  }
0xbc: {  	v32 =	vadd.f32 v32, v35;
	v60 =	vmin.f32 v10, v11;
	v45 =	vadd.f32 v55, v9  }
0xbd: {  	v31 =	vadd.f32 v31, v31;
	v46 =	vand.u32 $0xFFFF0000, v58;
	v37 =	vshll.u32 v58, $0x10  }
0xbe: {  	v36 =	vmin.f32 v60, v13;
	v52 =	vadd.f32 v27, v27;
	v27 =	vsub.f32 v47, v28  }
0xbf: {  	v34 =	vadd.f32 v30, v57;
	v32 =	vadd.f32 v32, v59;
	v42 =	vmul.f32 v46, v2  }
0xc0: {  	v63 =	vld [tilespmem:s25+$0x80D0];
	v43 =	vmul.f32 v37, v3;
	v53 =	vmul.f32 v46, v6;
	v60 =	vadd.f32 v48, v5  }
0xc1: {  	v59 =	vmin.f32 v39, v18;
	v39 =	vadd.f32 v48, v9;
	v30 =	vsub.f32 v38, v31  }
0xc2: {  	[tilespmem:s25+$0xC180] =	vst v10;
	v37 =	vmul.f32 v37, v7;
	v28 =	vsub.f32 v51, v52;
	v34 =	vadd.f32 v34, v34  }
0xc3: {  	[tilespmem:s25+$0xC1A0] =	vst v13;
	v47 =	vld [tilespmem:s25+$0xD0];
	v13 =	vmin.f32 v59, v17;
	v32 =	vadd.f32 v32, v32;
	v49 =	vadd.f32 v43, v42  }
0xc4: {  	[tilespmem:s25+$0x10180] =	vst v12;
	v52 =	vmin.f32 v36, v16;
	v56 =	vadd.f32 v37, v53;
	v13 =	vmin.f32 v13, v21  }
0xc5: {  	[tilespmem:s25+$0xC1B0] =	vst v16;
	v44 =	vld [tilespmem:s25+$0xF0];
	v41 =	vadd.f32 v63, v5;
	v16 =	vadd.f32 v63, v9;
	v12 =	vmin.f32 v52, v19  }
0xc6: {  	[tilespmem:s25+$0xC190] =	vst v11;
	v38 =	vld [tilespmem:s25+$0xE0];
	v13 =	vmin.f32 v13, v24;
	v31 =	vsub.f32 v61, v34;
	v10 =	vsub.f32 v45, v32  }
0xc7: {  	[tilespmem:s25+$0x10190] =	vst v14;
	v51 =	vld [tilespmem:s25+$0x40D0];
	v11 =	vadd.f32 v49, v50;
	v61 =	vmul.f32 v62, v8;
	v12 =	vmin.f32 v12, v20  }
0xc8: {  	[tilespmem:s25+$0x101A0] =	vst v15;
	v13 =	vmin.f32 v13, v29;
	v54 =	vand.u32 $0xFFFF0000, v47;
	v55 =	vshll.u32 v47, $0x10  }
0xc9: {  	[tilespmem:s25+$0x101B0] =	vst v18;
	v12 =	vmin.f32 v12, v22;
	v13 =	vmin.f32 v13, v33;
	v57 =	vmul.f32 v54, v2  }
0xca: {  	[tilespmem:s25+$0xC1E0] =	vst v22;
	v22 =	vshll.u32 v44, $0x10;
	v58 =	vmul.f32 v55, v3;
	v32 =	vmul.f32 v54, v6  }
0xcb: {  	[tilespmem:s25+$0x101C0] =	vst v17;
	v42 =	vld [tilespmem:s25+$0x40E0];
	v11 =	vadd.f32 v11, v11;
	v35 =	vmul.f32 v55, v7;
	v53 =	vmul.f32 v22, v3  }
0xcc: {  	[tilespmem:s25+$0xC1C0] =	vst v19;
	v43 =	vand.u32 $0xFFFF0000, v38;
	v22 =	vmul.f32 v22, v7;
	v62 =	vmul.f32 v51, v4  }
0xcd: {  	[tilespmem:s25+$0xC1D0] =	vst v20;
	v19 =	vshll.u32 v38, $0x10;
	v40 =	vmul.f32 v51, v8;
	v45 =	vmul.f32 v43, v2  }
0xce: {  	[tilespmem:s25+$0x101D0] =	vst v21;
	v47 =	vld [tilespmem:s25+$0x80E0];
	v14 =	vadd.f32 v56, v61;
	v46 =	vmul.f32 v19, v3;
	v21 =	vmul.f32 v43, v6  }
0xcf: {  	[tilespmem:s25+$0x101E0] =	vst v24;
	v19 =	vmul.f32 v19, v7;
	v36 =	vadd.f32 v58, v57;
	v11 =	vsub.f32 v60, v11  }
0xd0: {  	[tilespmem:s25+$0xC1F0] =	vst v23;
	v50 =	vld [tilespmem:s25+$0x40F0];
	v20 =	vmul.f32 v42, v8;
	v37 =	vadd.f32 v35, v32;
	v14 =	vadd.f32 v14, v14  }
0xd1: {  	[tilespmem:s25+$0x101F0] =	vst v29;
	v56 =	vld [tilespmem:s25+$0x80F0];
	v51 =	vand.u32 $0xFFFF0000, v44;
	v48 =	vadd.f32 v46, v45;
	v19 =	vadd.f32 v19, v21  }
0xd2: {  	[tilespmem:s25+$0xC200] =	vst v26;
	v52 =	vmul.f32 v51, v2;
	v36 =	vadd.f32 v36, v62;
	v14 =	vsub.f32 v39, v14  }
0xd3: {  	[tilespmem:s25+$0x10200] =	vst v33;
	v54 =	vmul.f32 v51, v6;
	v18 =	vadd.f32 v37, v40;
	v55 =	vadd.f32 v47, v5  }
0xd4: {  	[tilespmem:s25+$0xC210] =	vst v25;
	v12 =	vmin.f32 v12, v23;
	v23 =	vadd.f32 v53, v52;
	v17 =	vadd.f32 v47, v9  }
0xd5: {  	[tilespmem:s25+$0x10210] =	vst v27;
	v13 =	vmin.f32 v13, v27;
	v19 =	vadd.f32 v19, v20;
	v20 =	vadd.f32 v22, v54  }
0xd6: {  	[tilespmem:s25+$0x10220] =	vst v30;
	v57 =	vmul.f32 v50, v4;
	v59 =	vadd.f32 v56, v5;
	v61 =	vadd.f32 v56, v9  }
0xd7: {  	[tilespmem:s25+$0xC220] =	vst v28;
	v21 =	vmul.f32 v50, v8;
	v15 =	vadd.f32 v36, v36;
	v18 =	vadd.f32 v18, v18  }
0xd8: {  	[tilespmem:s25+$0xC230] =	vst v31;
	v49 =	vmul.f32 v42, v4;
	v22 =	vadd.f32 v23, v57;
	v19 =	vadd.f32 v19, v19  }
0xd9: {  	[tilespmem:s25+$0x10230] =	vst v10;
	v12 =	vmin.f32 v12, v26;
	v58 =	vadd.f32 v20, v21;
	v15 =	vsub.f32 v41, v15  }
0xda: {  	v13 =	vmin.f32 v13, v30;
	[tilespmem:s25+$0xC240] =	vst v11;
	v16 =	vsub.f32 v16, v18;
	v18 =	vadd.f32 v48, v49  }
0xdb: {  	v12 =	vmin.f32 v12, v25;
	[tilespmem:s25+$0x10240] =	vst v14;
	v60 =	vadd.f32 v22, v22;
	v17 =	vsub.f32 v17, v19  }
0xdc: {  	v12 =	vmin.f32 v12, v28;
	v19 =	vadd.f32 v58, v58;
	v18 =	vadd.f32 v18, v18;
	[tilespmem:s25+$0xC250] =	vst v15  }
0xdd: {  	v10 =	vmin.f32 v13, v10;
	v12 =	vmin.f32 v12, v31;
	[tilespmem:s25+$0x10250] =	vst v16;
	v62 =	vsub.f32 v59, v60  }
0xde: {  	p0 =	sne.s32 s24, $0xFC00;
	v11 =	vmin.f32 v12, v11;
	[tilespmem:s25+$0x10260] =	vst v17;
	v63 =	vsub.f32 v61, v19;
	v18 =	vsub.f32 v55, v18  }
.Ltmp1:
0xdf: {  	v10 =	vmin.f32 v10, v14;
	v11 =	vmin.f32 v11, v15;
	[tilespmem:s25+$0xC270] =	vst v62;
	(pc) =	sbr.rel @p0 .LBB2_5-.Ltmp1, $4  }
0xe0: {  	v10 =	vmin.f32 v10, v16;
	[tilespmem:s25+$0x10270] =	vst v63;
	v11 =	vmin.f32 v11, v18  }
0xe1: {  	v10 =	vmin.f32 v10, v17;
	[tilespmem:s25+$0xC260] =	vst v18;
	v11 =	vmin.f32 v11, v62  }
0xe2: {  	v10 =	vmin.f32 v10, v63;
	[tilespmem:s22+$0x0] =	vst v11  }
0xe3: {  	s24 =	sadd.s32 $0x400, s24;
	s22 =	sadd.s32 $0x10, s22;
	[tilespmem:s23+$0x0] =	vst v10;
	s23 =	sadd.s32 $0x10, s23  }
0xe4: {  	v52 =	vld [tilespmem:$0x18580];
	_ =	sdelay $0x4  }
0xe5: {  	[tilespmem:$0x1FE10] =	vst v52;
	v52 =	vld [tilespmem:$0x18590];
	_ =	sdelay $0x4  }
0xe6: {  	[tilespmem:$0x1FE20] =	vst v52;
	v52 =	vld [tilespmem:$0x185A0]  }
0xe7: {  	v2 =	vld [tilespmem:$0x18180]  }
0xe8: {  	v3 =	vld [tilespmem:$0x18190]  }
0xe9: {  	v4 =	vld [tilespmem:$0x181A0]  }
0xea: {  	v5 =	vld [tilespmem:$0x181B0]  }
0xeb: {  	[tilespmem:$0x1FE30] =	vst v52;
	v52 =	vld [tilespmem:$0x185B0]  }
0xec: {  	v6 =	vld [tilespmem:$0x181C0]  }
0xed: {  	v7 =	vld [tilespmem:$0x181D0]  }
0xee: {  	v8 =	vld [tilespmem:$0x181E0]  }
0xef: {  	v9 =	vld [tilespmem:$0x181F0]  }
0xf0: {  	[tilespmem:$0x1FE40] =	vst v52;
	v52 =	vld [tilespmem:$0x185C0]  }
0xf1: {  	v10 =	vld [tilespmem:$0x18200]  }
0xf2: {  	v11 =	vld [tilespmem:$0x18210]  }
0xf3: {  	v12 =	vld [tilespmem:$0x18220]  }
0xf4: {  	v13 =	vld [tilespmem:$0x18230]  }
0xf5: {  	[tilespmem:$0x1FE50] =	vst v52;
	v52 =	vld [tilespmem:$0x185D0]  }
0xf6: {  	v14 =	vld [tilespmem:$0x18240]  }
0xf7: {  	v15 =	vld [tilespmem:$0x18250]  }
0xf8: {  	v16 =	vld [tilespmem:$0x18260]  }
0xf9: {  	v17 =	vld [tilespmem:$0x18270]  }
0xfa: {  	[tilespmem:$0x1FE60] =	vst v52;
	v52 =	vld [tilespmem:$0x185E0]  }
0xfb: {  	v18 =	vld [tilespmem:$0x18280]  }
0xfc: {  	v19 =	vld [tilespmem:$0x18290]  }
0xfd: {  	v20 =	vld [tilespmem:$0x182A0]  }
0xfe: {  	v21 =	vld [tilespmem:$0x182B0]  }
0xff: {  	[tilespmem:$0x1FE70] =	vst v52;
	v52 =	vld [tilespmem:$0x185F0]  }
0x100: {  	v22 =	vld [tilespmem:$0x182C0]  }
0x101: {  	v23 =	vld [tilespmem:$0x182D0]  }
0x102: {  	v24 =	vld [tilespmem:$0x182E0]  }
0x103: {  	v25 =	vld [tilespmem:$0x182F0]  }
0x104: {  	[tilespmem:$0x1FE80] =	vst v52;
	v52 =	vld [tilespmem:$0x18600]  }
0x105: {  	v26 =	vld [tilespmem:$0x18300]  }
0x106: {  	v27 =	vld [tilespmem:$0x18310]  }
0x107: {  	v28 =	vld [tilespmem:$0x18320]  }
0x108: {  	v29 =	vld [tilespmem:$0x18330]  }
0x109: {  	[tilespmem:$0x1FE90] =	vst v52;
	v52 =	vld [tilespmem:$0x18610]  }
0x10a: {  	v30 =	vld [tilespmem:$0x18340]  }
0x10b: {  	v31 =	vld [tilespmem:$0x18350]  }
0x10c: {  	v32 =	vld [tilespmem:$0x18360]  }
0x10d: {  	v33 =	vld [tilespmem:$0x18370]  }
0x10e: {  	[tilespmem:$0x1FEA0] =	vst v52;
	v52 =	vld [tilespmem:$0x18620]  }
0x10f: {  	v51 =	vld [tilespmem:$0x18380]  }
0x110: {  	v35 =	vld [tilespmem:$0x18390]  }
0x111: {  	v36 =	vld [tilespmem:$0x183A0]  }
0x112: {  	v37 =	vld [tilespmem:$0x183B0]  }
0x113: {  	[tilespmem:$0x1FEB0] =	vst v52;
	v52 =	vld [tilespmem:$0x18630]  }
0x114: {  	v38 =	vld [tilespmem:$0x183C0]  }
0x115: {  	v39 =	vld [tilespmem:$0x183D0]  }
0x116: {  	v40 =	vld [tilespmem:$0x183E0]  }
0x117: {  	v41 =	vld [tilespmem:$0x183F0]  }
0x118: {  	[tilespmem:$0x1FEC0] =	vst v52;
	v52 =	vld [tilespmem:$0x18640]  }
0x119: {  	v42 =	vld [tilespmem:$0x18400]  }
0x11a: {  	v43 =	vld [tilespmem:$0x18410]  }
0x11b: {  	v44 =	vld [tilespmem:$0x18420]  }
0x11c: {  	v45 =	vld [tilespmem:$0x18430]  }
0x11d: {  	[tilespmem:$0x1FED0] =	vst v52;
	v52 =	vld [tilespmem:$0x18650]  }
0x11e: {  	v46 =	vld [tilespmem:$0x18440]  }
0x11f: {  	v47 =	vld [tilespmem:$0x18450]  }
0x120: {  	v48 =	vld [tilespmem:$0x18460]  }
0x121: {  	v49 =	vld [tilespmem:$0x18470]  }
0x122: {  	[tilespmem:$0x1FEE0] =	vst v52;
	v52 =	vld [tilespmem:$0x18660]  }
0x123: {  	v34 =	vld [tilespmem:$0x18480]  }
0x124: {  	v62 =	vld [tilespmem:$0x18490]  }
0x125: {  	v63 =	vld [tilespmem:$0x184A0]  }
0x126: {  	v53 =	vld [tilespmem:$0x184B0]  }
0x127: {  	[tilespmem:$0x1FEF0] =	vst v52;
	v52 =	vld [tilespmem:$0x18670]  }
0x128: {  	v54 =	vld [tilespmem:$0x184C0]  }
0x129: {  	v55 =	vld [tilespmem:$0x184D0]  }
0x12a: {  	v56 =	vld [tilespmem:$0x184E0]  }
0x12b: {  	v57 =	vld [tilespmem:$0x184F0]  }
0x12c: {  	[tilespmem:$0x1FF00] =	vst v52;
	v52 =	vld [tilespmem:$0x18680]  }
0x12d: {  	v58 =	vld [tilespmem:$0x18500]  }
0x12e: {  	v59 =	vld [tilespmem:$0x18510]  }
0x12f: {  	v60 =	vld [tilespmem:$0x18520]  }
0x130: {  	v61 =	vld [tilespmem:$0x18530]  }
0x131: {  	[tilespmem:$0x1FF10] =	vst v52;
	v52 =	vld [tilespmem:$0x18690]  }
0x132: {  	v50 =	vld [tilespmem:$0x18560]  }
0x133: {  	[tilespmem:$0x1FDF0] =	vst v62;
	v62 =	vld [tilespmem:$0x18540]  }
0x134: {  	[tilespmem:$0x1FE00] =	vst v63;
	v63 =	vld [tilespmem:$0x18550]  }
0x135: {  	[tilespmem:$0x1FDE0] =	vst v34;
	v34 =	vld [tilespmem:$0x18570]  }
0x136: {  	[tilespmem:$0x1FF20] =	vst v52;
	v52 =	vld [tilespmem:$0x186A0]  }
0x137: {  	v2 =	vmin.f32 v2, v3;
	v3 =	vmin.f32 v4, v5;
	v5 =	vld [tilespmem:$0x18770]  }
0x138: {  	v4 =	vmin.f32 v6, v7;
	v6 =	vmin.f32 v8, v9;
	v9 =	vld [tilespmem:$0x18780]  }
0x139: {  	v8 =	vmin.f32 v12, v13;
	v12 =	vld [tilespmem:$0x187C0]  }
0x13a: {  	v7 =	vmin.f32 v10, v11;
	v11 =	vmin.f32 v16, v17;
	v16 =	vld [tilespmem:$0x187D0]  }
0x13b: {  	[tilespmem:$0x1FF30] =	vst v52;
	v52 =	vld [tilespmem:$0x186B0]  }
0x13c: {  	v10 =	vmin.f32 v14, v15;
	v15 =	vld [tilespmem:$0x187F0]  }
0x13d: {  	v14 =	vld [tilespmem:$0x18830]  }
0x13e: {  	v25 =	vmin.f32 v24, v25;
	v24 =	vld [tilespmem:$0x18860]  }
0x13f: {  	v29 =	vmin.f32 v28, v29;
	v28 =	vld [tilespmem:$0x18870]  }
0x140: {  	[tilespmem:$0x1FF40] =	vst v52;
	v52 =	vld [tilespmem:$0x186C0]  }
0x141: {  	v2 =	vmin.f32 v2, v3;
	v3 =	vld [tilespmem:$0x18790]  }
0x142: {  	v4 =	vmin.f32 v4, v6;
	v6 =	vmin.f32 v7, v8;
	v8 =	vld [tilespmem:$0x187A0]  }
0x143: {  	v7 =	vmin.f32 v10, v11;
	v11 =	vmin.f32 v22, v23;
	v22 =	vld [tilespmem:$0x18820]  }
0x144: {  	v10 =	vmin.f32 v20, v21;
	v21 =	vld [tilespmem:$0x18840]  }
0x145: {  	[tilespmem:$0x1FF50] =	vst v52;
	v52 =	vld [tilespmem:$0x186D0]  }
0x146: {  	v42 =	vmin.f32 v42, v43;
	v43 =	vmin.f32 v44, v45;
	v45 =	vmin.f32 v48, v49;
	v49 =	vld [tilespmem:$0x1FDE0]  }
0x147: {  	v27 =	vmin.f32 v26, v27;
	v35 =	vmin.f32 v51, v35;
	v51 =	vld [tilespmem:$0x1FDF0]  }
0x148: {  	v30 =	vmin.f32 v30, v31;
	v31 =	vmin.f32 v32, v33;
	v32 =	vmin.f32 v27, v29;
	v27 =	vld [tilespmem:$0x18890]  }
0x149: {  	v39 =	vmin.f32 v38, v39;
	v38 =	vld [tilespmem:$0x1FE10]  }
0x14a: {  	[tilespmem:$0x1FF60] =	vst v52;
	v52 =	vld [tilespmem:$0x186E0]  }
0x14b: {  	v33 =	vmin.f32 v30, v31;
	v30 =	vld [tilespmem:$0x188B0]  }
0x14c: {  	v2 =	vmin.f32 v2, v4;
	v4 =	vmin.f32 v6, v7;
	v6 =	vld [tilespmem:$0x187B0]  }
0x14d: {  	v7 =	vmin.f32 v18, v19;
	v18 =	vld [tilespmem:$0x18810]  }
0x14e: {  	v37 =	vmin.f32 v36, v37;
	v41 =	vmin.f32 v40, v41;
	v7 =	vmin.f32 v7, v10;
	v10 =	vld [tilespmem:$0x187E0]  }
0x14f: {  	v13 =	vmin.f32 v35, v37;
	v17 =	vmin.f32 v39, v41;
	v11 =	vmin.f32 v11, v25;
	[tilespmem:$0x1FF80] =	vst v52;
	v52 =	vld [tilespmem:$0x186F0]  }
0x150: {  	v2 =	vmin.f32 v2, v4;
	v4 =	vmin.f32 v7, v11;
	v7 =	vmin.f32 v32, v33;
	v11 =	vld [tilespmem:$0x18800]  }
0x151: {  	v4 =	vmin.f32 v4, v7;
	v7 =	vmin.f32 v13, v17;
	v17 =	vld [tilespmem:$0x18850]  }
0x152: {  	v39 =	vld [tilespmem:$0x1FE20]  }
0x153: {  	v40 =	vld [tilespmem:$0x1FE30]  }
0x154: {  	[tilespmem:$0x1FF70] =	vst v52;
	v52 =	vld [tilespmem:$0x18700]  }
0x155: {  	v54 =	vmin.f32 v54, v55;
	v41 =	vld [tilespmem:$0x1FE40]  }
0x156: {  	v55 =	vmin.f32 v56, v57;
	v56 =	vmin.f32 v58, v59;
	v59 =	vmin.f32 v50, v34;
	v34 =	vld [tilespmem:$0x188C0]  }
0x157: {  	v3 =	vmin.f32 v9, v3;
	v9 =	vld [tilespmem:$0x18950];
	v6 =	vmin.f32 v8, v6  }
0x158: {  	v3 =	vmin.f32 v3, v6;
	v6 =	vld [tilespmem:$0x18970]  }
0x159: {  	v44 =	vmin.f32 v46, v47;
	[tilespmem:$0x1FFA0] =	vst v52;
	v52 =	vld [tilespmem:$0x18710]  }
0x15a: {  	v46 =	vmin.f32 v42, v43;
	v25 =	vmin.f32 v38, v39;
	v26 =	vmin.f32 v40, v41;
	v42 =	vld [tilespmem:$0x1FE50]  }
0x15b: {  	v25 =	vmin.f32 v25, v26;
	v26 =	vld [tilespmem:$0x188D0]  }
0x15c: {  	v47 =	vmin.f32 v44, v45;
	v43 =	vld [tilespmem:$0x1FE60]  }
0x15d: {  	v48 =	vmin.f32 v46, v47;
	v46 =	vld [tilespmem:$0x1FE90]  }
0x15e: {  	[tilespmem:$0x1FF90] =	vst v52;
	v52 =	vld [tilespmem:$0x18720]  }
0x15f: {  	v47 =	vld [tilespmem:$0x1FEA0]  }
0x160: {  	v7 =	vmin.f32 v7, v48;
	v48 =	vld [tilespmem:$0x1FEB0]  }
0x161: {  	v19 =	vmin.f32 v49, v51;
	v49 =	vld [tilespmem:$0x1FEC0]  }
0x162: {  	v44 =	vld [tilespmem:$0x1FE70]  }
0x163: {  	[tilespmem:$0x1FFB0] =	vst v52;
	v52 =	vld [tilespmem:$0x18730]  }
0x164: {  	v45 =	vld [tilespmem:$0x1FE80]  }
0x165: {  	v50 =	vld [tilespmem:$0x1FED0]  }
0x166: {  	v32 =	vmin.f32 v46, v47;
	v33 =	vmin.f32 v48, v49;
	v49 =	vld [tilespmem:$0x18910]  }
0x167: {  	v23 =	vmin.f32 v54, v55;
	v54 =	vmin.f32 v32, v33;
	v33 =	vld [tilespmem:$0x188E0]  }
0x168: {  	v57 =	vmin.f32 v60, v61;
	[tilespmem:$0x1FFC0] =	vst v52;
	v52 =	vld [tilespmem:$0x18740]  }
0x169: {  	v60 =	vmin.f32 v56, v57;
	v58 =	vmin.f32 v62, v63;
	v57 =	vld [tilespmem:$0x1FF10]  }
0x16a: {  	v61 =	vmin.f32 v58, v59;
	v58 =	vld [tilespmem:$0x1FF20]  }
0x16b: {  	v59 =	vld [tilespmem:$0x1FF30]  }
0x16c: {  	v63 =	vmin.f32 v60, v61;
	v60 =	vld [tilespmem:$0x1FF40]  }
0x16d: {  	[tilespmem:$0x1FFD0] =	vst v52;
	v52 =	vld [tilespmem:$0x18750]  }
0x16e: {  	v29 =	vmin.f32 v42, v43;
	v31 =	vmin.f32 v44, v45;
	v51 =	vld [tilespmem:$0x1FEE0]  }
0x16f: {  	v29 =	vmin.f32 v29, v31;
	v31 =	vmin.f32 v57, v58;
	v57 =	vld [tilespmem:$0x18940]  }
0x170: {  	v61 =	vld [tilespmem:$0x1FF50]  }
0x171: {  	v32 =	vmin.f32 v59, v60;
	v59 =	vld [tilespmem:$0x18960]  }
0x172: {  	[tilespmem:$0x1FFE0] =	vst v52;
	v52 =	vld [tilespmem:$0x18760]  }
0x173: {  	v44 =	vld [tilespmem:$0x1FF80]  }
0x174: {  	v43 =	vld [tilespmem:$0x1FF70]  }
0x175: {  	v46 =	vld [tilespmem:$0x1FFA0]  }
0x176: {  	v45 =	vld [tilespmem:$0x1FF90]  }
0x177: {  	[tilespmem:$0x1FFF0] =	vst v52;
	v52 =	vld [tilespmem:$0x1FE00]  }
0x178: {  	v47 =	vld [tilespmem:$0x1FFB0]  }
0x179: {  	v48 =	vld [tilespmem:$0x1FFC0]  }
0x17a: {  	v35 =	vmin.f32 v50, v51;
	v50 =	vld [tilespmem:$0x1FFD0]  }
0x17b: {  	v51 =	vld [tilespmem:$0x1FFE0]  }
0x17c: {  	v8 =	vmin.f32 v12, v16;
	v10 =	vmin.f32 v10, v15;
	v20 =	vmin.f32 v52, v53;
	v52 =	vld [tilespmem:$0x1FEF0]  }
0x17d: {  	v11 =	vmin.f32 v11, v18;
	v8 =	vmin.f32 v8, v10;
	v58 =	vmin.f32 v22, v14;
	v53 =	vld [tilespmem:$0x1FF00]  }
0x17e: {  	v3 =	vmin.f32 v3, v8;
	v10 =	vmin.f32 v11, v58;
	v19 =	vmin.f32 v19, v20;
	v20 =	vld [tilespmem:$0x18880]  }
0x17f: {  	[tilespmem:$0x189A0] =	vst v7;
	v7 =	vmin.f32 v57, v9;
	v62 =	vmin.f32 v19, v23;
	v19 =	vmin.f32 v25, v29;
	v29 =	vld [tilespmem:$0x188F0]  }
0x180: {  	v60 =	vmin.f32 v21, v17;
	v6 =	vmin.f32 v59, v6;
	v13 =	vmin.f32 v62, v63;
	v62 =	vld [tilespmem:$0x1FF60]  }
0x181: {  	v31 =	vmin.f32 v31, v32;
	v6 =	vmin.f32 v7, v6;
	v7 =	vimm.f32 $0.0e+00;
	v63 =	vld [tilespmem:$0x18900]  }
0x182: {  	v37 =	vmin.f32 v44, v43;
	v38 =	vmin.f32 v46, v45;
	v36 =	vmin.f32 v52, v53;
	v52 =	vld [tilespmem:$0x1FFF0]  }
0x183: {  	v39 =	vmin.f32 v47, v48;
	v41 =	vmin.f32 v50, v51;
	v23 =	vld [tilespmem:$0x188A0];
	v55 =	vmin.f32 v35, v36  }
0x184: {  	[tilespmem:$0x18980] =	vst v2;
	v53 =	vld [tilespmem:$0x18920];
	v2 =	vmin.f32 v20, v27;
	v56 =	vmin.f32 v54, v55;
	v54 =	vmin.f32 v38, v39  }
0x185: {  	[tilespmem:$0x18990] =	vst v4;
	v55 =	vld [tilespmem:$0x18930];
	v4 =	vmin.f32 v33, v29;
	v35 =	vmin.f32 v61, v62;
	v19 =	vmin.f32 v19, v56  }
0x186: {  	v61 =	vmin.f32 v24, v28;
	v62 =	vmin.f32 v63, v49;
	v35 =	vmin.f32 v35, v37  }
0x187: {  	v11 =	vmin.f32 v60, v61;
	v5 =	vmin.f32 v52, v5;
	v56 =	vmin.f32 v31, v35  }
0x188: {  	v8 =	vmin.f32 v10, v11;
	v10 =	vmin.f32 v23, v30;
	v11 =	vmin.f32 v34, v26  }
0x189: {  	v5 =	vmin.f32 v41, v5;
	v2 =	vmin.f32 v2, v10;
	v4 =	vmin.f32 v11, v4  }
0x18a: {  	[tilespmem:$0x189B0] =	vst v13;
	v3 =	vmin.f32 v3, v8;
	v8 =	vimm.f32 $0.0e+00;
	v63 =	vmin.f32 v53, v55  }
0x18b: {  	[tilespmem:$0x189C0] =	vst v19;
	v5 =	vmin.f32 v54, v5;
	v2 =	vmin.f32 v2, v4;
	v9 =	vmin.f32 v62, v63  }
0x18c: {  	[tilespmem:$0x189E0] =	vst v3;
	v3 =	vimm.s32 $0x0;
	v5 =	vmin.f32 v56, v5;
	v4 =	vmin.f32 v9, v6  }
0x18d: {  	[tilespmem:$0x189D0] =	vst v5;
	v6 =	vimm.f32 $0.0e+00;
	v9 =	vimm.f32 $0.0e+00;
	v5 =	vmin.f32 v2, v4  }
0x18e: {  	s22 =	simm.s32 $0x0;
	v2 =	vimm.s32 $0x0;
	v4 =	vimm.s32 $0x0;
	[tilespmem:$0x189F0] =	vst v5;
	v5 =	vimm.s32 $0x0  }
.LBB2_7:
0x18f: {  	v11 =	vld [tilespmem:$0x18980]  }
0x190: {  	v12 =	vld [tilespmem:$0x18990]  }
0x191: {  	v13 =	vld [tilespmem:$0x189A0]  }
0x192: {  	v14 =	vld [tilespmem:$0x189B0];
	_ =	sdelay $0x4  }
0x193: {  	v10 =	vmin.f32 v11, v12;
	v15 =	vmin.f32 v13, v14  }
0x194: {  	v10 =	vmin.f32 v10, v15  }
0x195: {  	(xrf0) =	vmin.scan.msk.f32 $0xffff, v10;
	_ =	sdelay $0x5  }
0x196: {  	v10, _, _ =	vpop (xrf0)  }
0x197: {  	v10 =	vbroadcast v10, $0xF;
	_ =	sdelay $0x1  }
0x198: {  	vm0 =	veq.f32 v14, v10  }
0x199: {  	vm1 =	veq.f32 v13, v10;
	v55 =	vsel vm0, $0x80000003, v1  }
0x19a: {  	vm12 =	veq.f32 v12, v10;
	v56 =	vsel vm1, $0x80000002, v55  }
0x19b: {  	vm13 =	veq.f32 v11, v10;
	v11 =	vsel vm12, $0x80000001, v56  }
0x19c: {  	v11 =	vsel vm13, $0x80000000, v11  }
0x19d: {  	(xrf0) =	vmin.scan.msk.u32 $0xffff, v11;
	_ =	sdelay $0x5  }
0x19e: {  	v11, _, _ =	vpop (xrf0)  }
0x19f: {  	(v2sf) =	vpush v11, $0xF;
	_ =	sdelay $0xe  }
0x1a0: {  	s23 =	spop (v2sf)  }
0x1a1: {  	s24 =	sshll.u32 s23, $0xA  }
0x1a2: {  	s24 =	sshra.s32 s24, $0x2  }
0x1a3: {  	v11 =	vld [tilespmem:s24+$0x18270]  }
0x1a4: {  	v57 =	vld [tilespmem:s24+$0x18260]  }
0x1a5: {  	v58 =	vld [tilespmem:s24+$0x18250]  }
0x1a6: {  	v59 =	vld [tilespmem:s24+$0x18240]  }
0x1a7: {  	v16 =	vld [tilespmem:s24+$0x18230]  }
0x1a8: {  	v17 =	vld [tilespmem:s24+$0x18220];
	vm14 =	veq.f32 v11, v10  }
0x1a9: {  	v18 =	vld [tilespmem:s24+$0x18210];
	vm15 =	veq.f32 v57, v10;
	v60 =	vsel vm14, $0x8000000F, v1  }
0x1aa: {  	v19 =	vld [tilespmem:s24+$0x18200];
	vm4 =	veq.f32 v58, v10;
	v12 =	vsel vm15, $0x8000000E, v60  }
0x1ab: {  	v20 =	vld [tilespmem:s24+$0x181F0];
	vm5 =	veq.f32 v59, v10;
	v12 =	vsel vm4, $0x8000000D, v12  }
0x1ac: {  	v21 =	vld [tilespmem:s24+$0x181E0];
	vm6 =	veq.f32 v16, v10;
	v12 =	vsel vm5, $0x8000000C, v12  }
0x1ad: {  	v22 =	vld [tilespmem:s24+$0x181D0];
	vm7 =	veq.f32 v17, v10;
	v12 =	vsel vm6, $0x8000000B, v12  }
0x1ae: {  	v23 =	vld [tilespmem:s24+$0x181C0];
	vm8 =	veq.f32 v18, v10;
	v12 =	vsel vm7, $0x8000000A, v12  }
0x1af: {  	v24 =	vld [tilespmem:s24+$0x181B0];
	vm9 =	veq.f32 v19, v10;
	v12 =	vsel vm8, $0x80000009, v12  }
0x1b0: {  	v25 =	vld [tilespmem:s24+$0x181A0];
	vm10 =	veq.f32 v20, v10;
	v12 =	vsel vm9, $0x80000008, v12  }
0x1b1: {  	v26 =	vld [tilespmem:s24+$0x18190];
	vm11 =	veq.f32 v21, v10;
	v12 =	vsel vm10, $0x80000007, v12  }
0x1b2: {  	v27 =	vld [tilespmem:s24+$0x18180];
	vm12 =	veq.f32 v22, v10;
	v12 =	vsel vm11, $0x80000006, v12  }
0x1b3: {  	vm13 =	veq.f32 v23, v10;
	v12 =	vsel vm12, $0x80000005, v12  }
0x1b4: {  	vm14 =	veq.f32 v24, v10;
	v12 =	vsel vm13, $0x80000004, v12  }
0x1b5: {  	vm15 =	veq.f32 v25, v10;
	v12 =	vsel vm14, $0x80000003, v12  }
0x1b6: {  	vm4 =	veq.f32 v26, v10;
	v12 =	vsel vm15, $0x80000002, v12  }
0x1b7: {  	vm5 =	veq.f32 v27, v10;
	v12 =	vsel vm4, $0x80000001, v12  }
0x1b8: {  	v12 =	vsel vm5, $0x80000000, v12  }
0x1b9: {  	(xrf0) =	vmin.scan.msk.u32 $0xffff, v12;
	_ =	sdelay $0x5  }
0x1ba: {  	v12, _, _ =	vpop (xrf0)  }
0x1bb: {  	(v2sf) =	vpush v12, $0xF;
	_ =	sdelay $0xe  }
0x1bc: {  	s25 =	sshll.u32 s23, $0x4;
	s26 =	spop (v2sf)  }
0x1bd: {  	s23 =	sadd.s32 s25, s26  }
0x1be: {  	s30 =	sshll.u32 s23, $0xA  }
0x1bf: {  	s24 =	sshra.s32 s30, $0x2  }
0x1c0: {  	v28 =	vld [tilespmem:s24+$0xC270]  }
0x1c1: {  	v29 =	vld [tilespmem:s24+$0xC260]  }
0x1c2: {  	v30 =	vld [tilespmem:s24+$0xC250]  }
0x1c3: {  	v31 =	vld [tilespmem:s24+$0xC240]  }
0x1c4: {  	v32 =	vld [tilespmem:s24+$0xC230]  }
0x1c5: {  	v33 =	vld [tilespmem:s24+$0xC220];
	vm6 =	veq.f32 v28, v10  }
0x1c6: {  	v34 =	vld [tilespmem:s24+$0xC210];
	vm7 =	veq.f32 v29, v10;
	v61 =	vsel vm6, $0x8000000F, v1  }
0x1c7: {  	v35 =	vld [tilespmem:s24+$0xC200];
	vm8 =	veq.f32 v30, v10;
	v12 =	vsel vm7, $0x8000000E, v61  }
0x1c8: {  	v36 =	vld [tilespmem:s24+$0xC1F0];
	vm9 =	veq.f32 v31, v10;
	v12 =	vsel vm8, $0x8000000D, v12  }
0x1c9: {  	v37 =	vld [tilespmem:s24+$0xC1E0];
	vm10 =	veq.f32 v32, v10;
	v12 =	vsel vm9, $0x8000000C, v12  }
0x1ca: {  	v38 =	vld [tilespmem:s24+$0xC1D0];
	vm11 =	veq.f32 v33, v10;
	v12 =	vsel vm10, $0x8000000B, v12  }
0x1cb: {  	v39 =	vld [tilespmem:s24+$0xC1C0];
	vm12 =	veq.f32 v34, v10;
	v12 =	vsel vm11, $0x8000000A, v12  }
0x1cc: {  	v40 =	vld [tilespmem:s24+$0xC1B0];
	vm13 =	veq.f32 v35, v10;
	v12 =	vsel vm12, $0x80000009, v12  }
0x1cd: {  	v41 =	vld [tilespmem:s24+$0xC1A0];
	vm14 =	veq.f32 v36, v10;
	v12 =	vsel vm13, $0x80000008, v12  }
0x1ce: {  	v42 =	vld [tilespmem:s24+$0xC190];
	vm15 =	veq.f32 v37, v10;
	v12 =	vsel vm14, $0x80000007, v12  }
0x1cf: {  	v43 =	vld [tilespmem:s24+$0xC180];
	vm4 =	veq.f32 v38, v10;
	v12 =	vsel vm15, $0x80000006, v12  }
0x1d0: {  	vm5 =	veq.f32 v39, v10;
	v12 =	vsel vm4, $0x80000005, v12  }
0x1d1: {  	vm6 =	veq.f32 v40, v10;
	v12 =	vsel vm5, $0x80000004, v12  }
0x1d2: {  	vm7 =	veq.f32 v41, v10;
	v12 =	vsel vm6, $0x80000003, v12  }
0x1d3: {  	vm8 =	veq.f32 v42, v10;
	v12 =	vsel vm7, $0x80000002, v12  }
0x1d4: {  	vm9 =	veq.f32 v43, v10;
	v12 =	vsel vm8, $0x80000001, v12  }
0x1d5: {  	v12 =	vsel vm9, $0x80000000, v12  }
0x1d6: {  	(xrf0) =	vmin.scan.msk.u32 $0xffff, v12;
	_ =	sdelay $0x5  }
0x1d7: {  	v12, _, _ =	vpop (xrf0)  }
0x1d8: {  	(v2sf) =	vpush v12, $0xF;
	_ =	sdelay $0xe  }
0x1d9: {  	s28 =	sshll.u32 s23, $0x4;
	s29 =	spop (v2sf)  }
0x1da: {  	s23 =	sadd.s32 s28, s29  }
0x1db: {  	s23 =	sshll.u32 s23, $0x4  }
0x1dc: {  	v44 =	vld [tilespmem:s23+$0xC180];
	_ =	sdelay $0x4  }
0x1dd: {  	v12 =	vor.u32 $0x80000000, v0;
	vm10 =	veq.f32 v44, v10  }
0x1de: {  	v45 =	vnsel vm10, $0x80100000, v12  }
0x1df: {  	(xrf0) =	vmin.scan.msk.u32 $0xffff, v45;
	_ =	sdelay $0x5  }
0x1e0: {  	v45, _, _ =	vpop (xrf0)  }
0x1e1: {  	(v2sf) =	vpush v45, $0xF;
	_ =	sdelay $0xe  }
0x1e2: {  	s31 =	spop (v2sf)  }
0x1e3: {  	s24 =	sxor.u32 $0x80000000, s31  }
0x1e4: {  	p0 =	seq.s32 s29, $0x80000000;
	v62 =	vmov s24  }
0x1e5: {  	p1 =	seq.s32 s29, $0x80000001;
	p2 =	seq.s32 s29, $0x80000002;
	vm11 =	veq.s32 v62, v0  }
0x1e6: {  	p3 =	seq.s32 s29, $0x80000003;
	p4 =	seq.s32 s29, $0x80000004;
	v44 =	vsel vm11, $0x7F800000, v44  }
0x1e7: {  	p5 =	seq.s32 s29, $0x80000005;
	p6 =	seq.s32 s29, $0x80000007;
	v43 =	vpsel p0, v44, v43  }
0x1e8: {  	p0 =	seq.s32 s29, $0x80000006;
	v42 =	vpsel p1, v44, v42;
	v41 =	vpsel p2, v44, v41;
	v40 =	vpsel p3, v44, v40;
	p1 =	seq.s32 s29, $0x80000008  }
0x1e9: {  	p2 =	seq.s32 s29, $0x80000009;
	v39 =	vpsel p4, v44, v39;
	v38 =	vpsel p5, v44, v38;
	p3 =	seq.s32 s29, $0x8000000A;
	v36 =	vpsel p6, v44, v36  }
0x1ea: {  	p4 =	seq.s32 s29, $0x8000000B;
	p5 =	seq.s32 s29, $0x8000000C;
	v37 =	vpsel p0, v44, v37;
	v35 =	vpsel p1, v44, v35;
	v34 =	vpsel p2, v44, v34  }
0x1eb: {  	p6 =	seq.s32 s29, $0x8000000D;
	v33 =	vpsel p3, v44, v33;
	v32 =	vpsel p4, v44, v32;
	v31 =	vpsel p5, v44, v31  }
0x1ec: {  	p4 =	seq.s32 s29, $0x8000000E;
	p5 =	seq.s32 s29, $0x8000000F;
	v30 =	vpsel p6, v44, v30;
	v42 =	vmin.f32 v43, v42;
	v40 =	vmin.f32 v41, v40  }
0x1ed: {  	v38 =	vmin.f32 v39, v38;
	v29 =	vpsel p4, v44, v29;
	v28 =	vpsel p5, v44, v28  }
0x1ee: {  	v36 =	vmin.f32 v37, v36;
	v34 =	vmin.f32 v35, v34;
	v32 =	vmin.f32 v33, v32  }
0x1ef: {  	v30 =	vmin.f32 v31, v30;
	v63 =	vmin.f32 v42, v40;
	v28 =	vmin.f32 v29, v28  }
0x1f0: {  	p6 =	seq.s32 s26, $0x80000000;
	v37 =	vmin.f32 v38, v36;
	v32 =	vmin.f32 v34, v32;
	v28 =	vmin.f32 v30, v28  }
0x1f1: {  	p1 =	seq.s32 s26, $0x80000001;
	p2 =	seq.s32 s26, $0x80000002;
	v29 =	vmin.f32 v63, v37;
	v28 =	vmin.f32 v32, v28  }
0x1f2: {  	p3 =	seq.s32 s26, $0x80000003;
	p0 =	seq.s32 s26, $0x80000006;
	v28 =	vmin.f32 v29, v28  }
0x1f3: {  	p4 =	seq.s32 s26, $0x80000004;
	p5 =	seq.s32 s26, $0x80000005;
	v27 =	vpsel p6, v28, v27  }
0x1f4: {  	p6 =	seq.s32 s26, $0x80000007;
	v26 =	vpsel p1, v28, v26;
	v25 =	vpsel p2, v28, v25;
	v24 =	vpsel p3, v28, v24;
	p1 =	seq.s32 s26, $0x80000008  }
0x1f5: {  	p2 =	seq.s32 s26, $0x80000009;
	v23 =	vpsel p4, v28, v23;
	v22 =	vpsel p5, v28, v22;
	v21 =	vpsel p0, v28, v21;
	p3 =	seq.s32 s26, $0x8000000A  }
0x1f6: {  	p4 =	seq.s32 s26, $0x8000000B;
	p5 =	seq.s32 s26, $0x8000000C;
	v20 =	vpsel p6, v28, v20;
	v19 =	vpsel p1, v28, v19;
	v18 =	vpsel p2, v28, v18  }
0x1f7: {  	p6 =	seq.s32 s26, $0x8000000D;
	v17 =	vpsel p3, v28, v17;
	v16 =	vpsel p4, v28, v16;
	v15 =	vpsel p5, v28, v59  }
0x1f8: {  	p4 =	seq.s32 s26, $0x8000000E;
	p5 =	seq.s32 s26, $0x8000000F;
	v26 =	vmin.f32 v27, v26;
	v24 =	vmin.f32 v25, v24;
	v22 =	vmin.f32 v23, v22  }
0x1f9: {  	v14 =	vpsel p6, v28, v58;
	v13 =	vpsel p4, v28, v57;
	v11 =	vpsel p5, v28, v11  }
0x1fa: {  	v20 =	vmin.f32 v21, v20;
	v18 =	vmin.f32 v19, v18;
	v16 =	vmin.f32 v17, v16  }
0x1fb: {  	v38 =	vmin.f32 v26, v24;
	v14 =	vmin.f32 v15, v14;
	v11 =	vmin.f32 v13, v11  }
0x1fc: {  	v39 =	vmin.f32 v22, v20;
	v16 =	vmin.f32 v18, v16;
	v11 =	vmin.f32 v14, v11  }
0x1fd: {  	[tilespmem:s23+$0xC180] =	vst v44;
	v13 =	vmin.f32 v38, v39;
	v11 =	vmin.f32 v16, v11  }
0x1fe: {  	[tilespmem:s28+$0x18180] =	vst v28;
	v11 =	vmin.f32 v13, v11  }
0x1ff: {  	[tilespmem:s25+$0x18980] =	vst v11  }
0x200: {  	v40 =	vld [tilespmem:$0x189C0]  }
0x201: {  	v41 =	vld [tilespmem:$0x189D0]  }
0x202: {  	v42 =	vld [tilespmem:$0x189E0]  }
0x203: {  	v43 =	vld [tilespmem:$0x189F0];
	_ =	sdelay $0x4  }
0x204: {  	v11 =	vmin.f32 v40, v41;
	v44 =	vmin.f32 v42, v43  }
0x205: {  	v11 =	vmin.f32 v11, v44  }
0x206: {  	(xrf0) =	vmin.scan.msk.f32 $0xffff, v11;
	_ =	sdelay $0x5  }
0x207: {  	v11, _, _ =	vpop (xrf0)  }
0x208: {  	v11 =	vbroadcast v11, $0xF;
	_ =	sdelay $0x1  }
0x209: {  	vm12 =	veq.f32 v43, v11  }
0x20a: {  	vm13 =	veq.f32 v42, v11;
	v45 =	vsel vm12, $0x80000003, v1  }
0x20b: {  	vm14 =	veq.f32 v41, v11;
	v46 =	vsel vm13, $0x80000002, v45  }
0x20c: {  	vm15 =	veq.f32 v40, v11;
	v47 =	vsel vm14, $0x80000001, v46  }
0x20d: {  	v13 =	vsel vm15, $0x80000000, v47  }
0x20e: {  	(xrf0) =	vmin.scan.msk.u32 $0xffff, v13;
	_ =	sdelay $0x5  }
0x20f: {  	v13, _, _ =	vpop (xrf0)  }
0x210: {  	(v2sf) =	vpush v13, $0xF;
	_ =	sdelay $0xe  }
0x211: {  	s28 =	spop (v2sf)  }
0x212: {  	s29 =	sshll.u32 s28, $0xA  }
0x213: {  	s26 =	sshra.s32 s29, $0x2  }
0x214: {  	v13 =	vld [tilespmem:s26+$0x18670]  }
0x215: {  	v14 =	vld [tilespmem:s26+$0x18660]  }
0x216: {  	v15 =	vld [tilespmem:s26+$0x18650]  }
0x217: {  	v16 =	vld [tilespmem:s26+$0x18640]  }
0x218: {  	v17 =	vld [tilespmem:s26+$0x18630]  }
0x219: {  	v18 =	vld [tilespmem:s26+$0x18620];
	vm4 =	veq.f32 v13, v11  }
0x21a: {  	v19 =	vld [tilespmem:s26+$0x18610];
	vm5 =	veq.f32 v14, v11;
	v48 =	vsel vm4, $0x8000000F, v1  }
0x21b: {  	v20 =	vld [tilespmem:s26+$0x18600];
	vm6 =	veq.f32 v15, v11;
	v49 =	vsel vm5, $0x8000000E, v48  }
0x21c: {  	v21 =	vld [tilespmem:s26+$0x185F0];
	vm7 =	veq.f32 v16, v11;
	v50 =	vsel vm6, $0x8000000D, v49  }
0x21d: {  	v22 =	vld [tilespmem:s26+$0x185E0];
	vm8 =	veq.f32 v17, v11;
	v51 =	vsel vm7, $0x8000000C, v50  }
0x21e: {  	v23 =	vld [tilespmem:s26+$0x185D0];
	vm9 =	veq.f32 v18, v11;
	v52 =	vsel vm8, $0x8000000B, v51  }
0x21f: {  	v24 =	vld [tilespmem:s26+$0x185C0];
	vm10 =	veq.f32 v19, v11;
	v53 =	vsel vm9, $0x8000000A, v52  }
0x220: {  	v25 =	vld [tilespmem:s26+$0x185B0];
	vm11 =	veq.f32 v20, v11;
	v54 =	vsel vm10, $0x80000009, v53  }
0x221: {  	v26 =	vld [tilespmem:s26+$0x185A0];
	vm12 =	veq.f32 v21, v11;
	v55 =	vsel vm11, $0x80000008, v54  }
0x222: {  	v27 =	vld [tilespmem:s26+$0x18590];
	vm13 =	veq.f32 v22, v11;
	v56 =	vsel vm12, $0x80000007, v55  }
0x223: {  	v28 =	vld [tilespmem:s26+$0x18580];
	vm14 =	veq.f32 v23, v11;
	v29 =	vsel vm13, $0x80000006, v56  }
0x224: {  	vm15 =	veq.f32 v24, v11;
	v29 =	vsel vm14, $0x80000005, v29  }
0x225: {  	vm4 =	veq.f32 v25, v11;
	v29 =	vsel vm15, $0x80000004, v29  }
0x226: {  	vm5 =	veq.f32 v26, v11;
	v29 =	vsel vm4, $0x80000003, v29  }
0x227: {  	vm6 =	veq.f32 v27, v11;
	v29 =	vsel vm5, $0x80000002, v29  }
0x228: {  	vm7 =	veq.f32 v28, v11;
	v29 =	vsel vm6, $0x80000001, v29  }
0x229: {  	v29 =	vsel vm7, $0x80000000, v29  }
0x22a: {  	(xrf0) =	vmin.scan.msk.u32 $0xffff, v29;
	_ =	sdelay $0x5  }
0x22b: {  	v29, _, _ =	vpop (xrf0)  }
0x22c: {  	(v2sf) =	vpush v29, $0xF;
	_ =	sdelay $0xe  }
0x22d: {  	s25 =	sshll.u32 s28, $0x4;
	s26 =	spop (v2sf)  }
0x22e: {  	s30 =	sadd.s32 s25, s26  }
0x22f: {  	s31 =	sshll.u32 s30, $0xA  }
0x230: {  	s29 =	sshra.s32 s31, $0x2  }
0x231: {  	v29 =	vld [tilespmem:s29+$0x10270]  }
0x232: {  	v30 =	vld [tilespmem:s29+$0x10260]  }
0x233: {  	v57 =	vld [tilespmem:s29+$0x10250]  }
0x234: {  	v58 =	vld [tilespmem:s29+$0x10240]  }
0x235: {  	v59 =	vld [tilespmem:s29+$0x10230]  }
0x236: {  	v60 =	vld [tilespmem:s29+$0x10220];
	vm8 =	veq.f32 v29, v11  }
0x237: {  	v61 =	vld [tilespmem:s29+$0x10210];
	vm9 =	veq.f32 v30, v11;
	v62 =	vsel vm8, $0x8000000F, v1  }
0x238: {  	v63 =	vld [tilespmem:s29+$0x10200];
	vm10 =	veq.f32 v57, v11;
	v36 =	vsel vm9, $0x8000000E, v62  }
0x239: {  	v48 =	vld [tilespmem:s29+$0x101F0];
	vm11 =	veq.f32 v58, v11;
	v36 =	vsel vm10, $0x8000000D, v36  }
0x23a: {  	v49 =	vld [tilespmem:s29+$0x101E0];
	vm12 =	veq.f32 v59, v11;
	v36 =	vsel vm11, $0x8000000C, v36  }
0x23b: {  	v50 =	vld [tilespmem:s29+$0x101D0];
	vm13 =	veq.f32 v60, v11;
	v36 =	vsel vm12, $0x8000000B, v36  }
0x23c: {  	v51 =	vld [tilespmem:s29+$0x101C0];
	vm14 =	veq.f32 v61, v11;
	v36 =	vsel vm13, $0x8000000A, v36  }
0x23d: {  	v52 =	vld [tilespmem:s29+$0x101B0];
	vm15 =	veq.f32 v63, v11;
	v36 =	vsel vm14, $0x80000009, v36  }
0x23e: {  	v53 =	vld [tilespmem:s29+$0x101A0];
	vm4 =	veq.f32 v48, v11;
	v36 =	vsel vm15, $0x80000008, v36  }
0x23f: {  	v44 =	vld [tilespmem:s29+$0x10190];
	vm5 =	veq.f32 v49, v11;
	v36 =	vsel vm4, $0x80000007, v36  }
0x240: {  	v54 =	vld [tilespmem:s29+$0x10180];
	vm6 =	veq.f32 v50, v11;
	v36 =	vsel vm5, $0x80000006, v36  }
0x241: {  	vm7 =	veq.f32 v51, v11;
	v36 =	vsel vm6, $0x80000005, v36  }
0x242: {  	vm8 =	veq.f32 v52, v11;
	v36 =	vsel vm7, $0x80000004, v36  }
0x243: {  	vm9 =	veq.f32 v53, v11;
	v36 =	vsel vm8, $0x80000003, v36  }
0x244: {  	vm10 =	veq.f32 v44, v11;
	v36 =	vsel vm9, $0x80000002, v36  }
0x245: {  	vm11 =	veq.f32 v54, v11;
	v36 =	vsel vm10, $0x80000001, v36  }
0x246: {  	v36 =	vsel vm11, $0x80000000, v36  }
0x247: {  	(xrf0) =	vmin.scan.msk.u32 $0xffff, v36;
	_ =	sdelay $0x5  }
0x248: {  	v36, _, _ =	vpop (xrf0)  }
0x249: {  	(v2sf) =	vpush v36, $0xF;
	_ =	sdelay $0xe  }
0x24a: {  	s28 =	sshll.u32 s30, $0x4;
	s31 =	spop (v2sf)  }
0x24b: {  	s30 =	sadd.s32 s28, s31  }
0x24c: {  	s29 =	sshll.u32 s30, $0x4  }
0x24d: {  	v55 =	vld [tilespmem:s29+$0x10180];
	_ =	sdelay $0x4  }
0x24e: {  	vm12 =	veq.f32 v55, v11  }
0x24f: {  	v12 =	vnsel vm12, $0x80100000, v12  }
0x250: {  	(xrf0) =	vmin.scan.msk.u32 $0xffff, v12;
	_ =	sdelay $0x5  }
0x251: {  	v12, _, _ =	vpop (xrf0)  }
0x252: {  	(v2sf) =	vpush v12, $0xF;
	_ =	sdelay $0xe  }
0x253: {  	s30 =	spop (v2sf)  }
0x254: {  	s30 =	sxor.u32 $0x80000000, s30  }
0x255: {  	p6 =	seq.s32 s31, $0x80000000;
	v56 =	vmov s30  }
0x256: {  	p1 =	seq.s32 s31, $0x80000001;
	p2 =	seq.s32 s31, $0x80000002;
	vm13 =	veq.s32 v56, v0  }
0x257: {  	p3 =	seq.s32 s31, $0x80000003;
	p4 =	seq.s32 s31, $0x80000004;
	v12 =	vsel vm13, $0x7F800000, v55  }
0x258: {  	p5 =	seq.s32 s31, $0x80000005;
	p0 =	seq.s32 s31, $0x80000006;
	v36 =	vpsel p6, v12, v54;
	v44 =	vpsel p1, v12, v44  }
0x259: {  	p6 =	seq.s32 s31, $0x80000007;
	v43 =	vpsel p2, v12, v53;
	v42 =	vpsel p3, v12, v52;
	p1 =	seq.s32 s31, $0x80000008;
	v41 =	vpsel p4, v12, v51  }
0x25a: {  	p2 =	seq.s32 s31, $0x80000009;
	v40 =	vpsel p5, v12, v50;
	v39 =	vpsel p0, v12, v49;
	p3 =	seq.s32 s31, $0x8000000A;
	v38 =	vpsel p6, v12, v48  }
0x25b: {  	p5 =	seq.s32 s31, $0x8000000B;
	p4 =	seq.s32 s31, $0x8000000D;
	v37 =	vpsel p1, v12, v63;
	v35 =	vpsel p2, v12, v61;
	v34 =	vpsel p3, v12, v60  }
0x25c: {  	p2 =	seq.s32 s31, $0x8000000C;
	v33 =	vpsel p5, v12, v59;
	v31 =	vpsel p4, v12, v57;
	v36 =	vmin.f32 v36, v44  }
0x25d: {  	p5 =	seq.s32 s31, $0x8000000E;
	p6 =	seq.s32 s31, $0x8000000F;
	v42 =	vmin.f32 v43, v42;
	v40 =	vmin.f32 v41, v40;
	v59 =	vmov s22  }
0x25e: {  	v32 =	vpsel p2, v12, v58;
	v30 =	vpsel p5, v12, v30;
	v29 =	vpsel p6, v12, v29  }
0x25f: {  	v38 =	vmin.f32 v39, v38;
	v35 =	vmin.f32 v37, v35;
	v33 =	vmin.f32 v34, v33  }
0x260: {  	v57 =	vmin.f32 v36, v42;
	v31 =	vmin.f32 v32, v31;
	v29 =	vmin.f32 v30, v29  }
0x261: {  	v58 =	vmin.f32 v40, v38;
	v33 =	vmin.f32 v35, v33;
	v29 =	vmin.f32 v31, v29  }
0x262: {  	p1 =	seq.s32 s26, $0x80000000;
	p3 =	seq.s32 s26, $0x80000002;
	s31 =	sadd.s32 $0xFFFFFFF0, s22;
	vm14 =	veq.s32 v59, v0;
	v30 =	vmin.f32 v57, v58;
	v29 =	vmin.f32 v33, v29  }
0x263: {  	s23 =	sadd.s32 s24, s23;
	p4 =	seq.s32 s26, $0x80000003;
	p2 =	seq.s32 s26, $0x80000001;
	v60 =	vmov s31;
	v9 =	vsel vm14, v10, v9;
	v29 =	vmin.f32 v30, v29  }
0x264: {  	p5 =	seq.s32 s26, $0x80000004;
	p6 =	seq.s32 s26, $0x80000005;
	vm15 =	veq.s32 v60, v0;
	v5 =	vsel vm14, s23, v5;
	v28 =	vpsel p1, v29, v28  }
0x265: {  	v27 =	vpsel p2, v29, v27;
	v26 =	vpsel p3, v29, v26;
	v25 =	vpsel p4, v29, v25;
	p2 =	seq.s32 s26, $0x80000006;
	p3 =	seq.s32 s26, $0x80000007  }
0x266: {  	v24 =	vpsel p5, v29, v24;
	v23 =	vpsel p6, v29, v23;
	p5 =	seq.s32 s26, $0x80000008;
	p6 =	seq.s32 s26, $0x80000009;
	v22 =	vpsel p2, v29, v22  }
0x267: {  	p1 =	seq.s32 s26, $0x8000000A;
	p4 =	seq.s32 s26, $0x8000000D;
	v21 =	vpsel p3, v29, v21;
	v20 =	vpsel p5, v29, v20;
	v19 =	vpsel p6, v29, v19  }
0x268: {  	p2 =	seq.s32 s26, $0x8000000B;
	v18 =	vpsel p1, v29, v18;
	p3 =	seq.s32 s26, $0x8000000C;
	v15 =	vpsel p4, v29, v15;
	v27 =	vmin.f32 v28, v27  }
0x269: {  	p5 =	seq.s32 s26, $0x8000000E;
	p6 =	seq.s32 s26, $0x8000000F;
	v25 =	vmin.f32 v26, v25;
	v23 =	vmin.f32 v24, v23;
	v17 =	vpsel p2, v29, v17  }
0x26a: {  	v16 =	vpsel p3, v29, v16;
	v14 =	vpsel p5, v29, v14;
	v13 =	vpsel p6, v29, v13  }
0x26b: {  	p0 =	sne.s32 s22, $0x1F;
	v21 =	vmin.f32 v22, v21;
	v19 =	vmin.f32 v20, v19;
	v61 =	vmin.f32 v27, v25  }
.Ltmp2:
0x26c: {  	v17 =	vmin.f32 v18, v17;
	v15 =	vmin.f32 v16, v15;
	v13 =	vmin.f32 v14, v13;
	(pc) =	sbr.rel @p0 .LBB2_7-.Ltmp2, $4  }
0x26d: {  	v62 =	vmin.f32 v23, v21;
	v17 =	vmin.f32 v19, v17;
	v13 =	vmin.f32 v15, v13  }
0x26e: {  	[tilespmem:s29+$0x10180] =	vst v12;
	s31 =	sadd.s32 s30, s29;
	v7 =	vsel vm14, v11, v7;
	v63 =	vmin.f32 v61, v62;
	v13 =	vmin.f32 v17, v13  }
0x26f: {  	v3 =	vsel vm14, s31, v3;
	v8 =	vsel vm15, v10, v8;
	[tilespmem:s28+$0x18580] =	vst v29;
	v10 =	vmin.f32 v63, v13  }
0x270: {  	s22 =	sadd.s32 $0x1, s22;
	v4 =	vsel vm15, s23, v4;
	v6 =	vsel vm15, v11, v6;
	v2 =	vsel vm15, s31, v2;
	[tilespmem:s25+$0x189C0] =	vst v10  }
0x271: {  	v9 =	vmax.f32 v9, $9.999999960e-13;
	v8 =	vmax.f32 v8, $9.999999960e-13  }
0x272: {  	v7 =	vmax.f32 v7, $9.999999960e-13;
	v6 =	vmax.f32 v6, $9.999999960e-13;
	v10 =	vshrl.u32 v9, $0x1  }
0x273: {  	v11 =	vmul.f32 $5.000000000e-01, v9;
	v13 =	vshrl.u32 v8, $0x1;
	v14 =	vmul.f32 $5.000000000e-01, v8  }
0x274: {  	v17 =	vmul.f32 $5.000000000e-01, v7;
	v10 =	vsub.s32 $0x5F3759DF, v10;
	v13 =	vsub.s32 $0x5F3759DF, v13  }
0x275: {  	v16 =	vshrl.u32 v7, $0x1;
	v12 =	vmul.f32 v10, v11;
	v15 =	vmul.f32 v13, v14  }
0x276: {  	v18 =	vshrl.u32 v6, $0x1;
	v19 =	vmul.f32 $5.000000000e-01, v6;
	v16 =	vsub.s32 $0x5F3759DF, v16  }
0x277: {  	v18 =	vsub.s32 $0x5F3759DF, v18;
	v12 =	vmul.f32 v10, v12;
	v15 =	vmul.f32 v13, v15  }
0x278: {  	v20 =	vmul.f32 v16, v17;
	v21 =	vmul.f32 v18, v19  }
0x279: {  	v12 =	vsub.f32 $1.500000000e+00, v12;
	v15 =	vsub.f32 $1.500000000e+00, v15  }
0x27a: {  	v33 =	vmul.f32 v16, v20;
	v34 =	vmul.f32 v18, v21  }
0x27b: {  	v10 =	vmul.f32 v10, v12;
	v32 =	vmul.f32 v13, v15  }
0x27c: {  	v13 =	vsub.f32 $1.500000000e+00, v33;
	v15 =	vsub.f32 $1.500000000e+00, v34  }
0x27d: {  	v35 =	vmul.f32 v10, v11;
	v36 =	vmul.f32 v32, v14  }
0x27e: {  	v13 =	vmul.f32 v16, v13;
	v15 =	vmul.f32 v18, v15  }
0x27f: {  	v20 =	vmul.f32 v35, v10;
	v21 =	vmul.f32 v36, v32  }
0x280: {  	v39 =	vmul.f32 v13, v17;
	v40 =	vmul.f32 v15, v19  }
0x281: {  	v37 =	vsub.f32 $1.500000000e+00, v20;
	v38 =	vsub.f32 $1.500000000e+00, v21  }
0x282: {  	v41 =	vmul.f32 v39, v13;
	v42 =	vmul.f32 v40, v15  }
0x283: {  	v10 =	vmul.f32 v37, v10;
	v12 =	vmul.f32 v38, v32  }
0x284: {  	v16 =	vsub.f32 $1.500000000e+00, v41;
	v18 =	vsub.f32 $1.500000000e+00, v42  }
0x285: {  	v43 =	vmul.f32 v10, v11;
	v44 =	vmul.f32 v12, v14  }
0x286: {  	v13 =	vmul.f32 v16, v13;
	v15 =	vmul.f32 v18, v15  }
0x287: {  	v20 =	vmul.f32 v43, v10;
	v21 =	vmul.f32 v44, v12  }
0x288: {  	v47 =	vmul.f32 v13, v17;
	v48 =	vmul.f32 v15, v19  }
0x289: {  	v45 =	vsub.f32 $1.500000000e+00, v20;
	v46 =	vsub.f32 $1.500000000e+00, v21  }
0x28a: {  	v49 =	vmul.f32 v47, v13;
	v50 =	vmul.f32 v48, v15  }
0x28b: {  	v10 =	vmul.f32 v45, v10;
	v12 =	vmul.f32 v46, v12  }
0x28c: {  	v16 =	vsub.f32 $1.500000000e+00, v49;
	v18 =	vsub.f32 $1.500000000e+00, v50  }
0x28d: {  	v11 =	vmul.f32 v10, v11;
	v14 =	vmul.f32 v12, v14  }
0x28e: {  	v13 =	vmul.f32 v16, v13;
	v15 =	vmul.f32 v18, v15  }
0x28f: {  	v11 =	vmul.f32 v11, v10;
	v14 =	vmul.f32 v14, v12  }
0x290: {  	v16 =	vmul.f32 v13, v17;
	v51 =	vmul.f32 v15, v19  }
0x291: {  	v11 =	vsub.f32 $1.500000000e+00, v11;
	v14 =	vsub.f32 $1.500000000e+00, v14  }
0x292: {  	v53 =	vmul.f32 v16, v13;
	v54 =	vmul.f32 v51, v15  }
0x293: {  	v10 =	vmul.f32 v11, v10;
	v52 =	vmul.f32 v14, v12  }
0x294: {  	v55 =	vsub.f32 $1.500000000e+00, v53  }
0x295: {  	v56 =	vsub.f32 $1.500000000e+00, v54;
	v9 =	vmul.f32 v10, v9;
	v8 =	vmul.f32 v52, v8;
	_ =	sdelay $0x1  }
0x296: {  	v10 =	vmul.f32 v55, v13;
	v11 =	vmul.f32 v56, v15;
	v57 =	vadd.f32 v8, v9;
	_ =	sdelay $0x1  }
0x297: {  	v7 =	vmul.f32 v10, v7;
	v6 =	vmul.f32 v11, v6;
	(xrf2) =	vadd.scan.msk.f32 $0xffff, v57;
	_ =	sdelay $0x1  }
0x298: {  	v10 =	vadd.f32 v6, v7;
	_ =	sdelay $0x1  }
0x299: {  	(xrf2) =	vadd.scan.msk.f32 $0xffff, v10;
	_ =	sdelay $0x5  }
0x29a: {  	v58, _, _ =	vpop (xrf2)  }
0x29b: {  	v10 =	vbroadcast v58, $0xF;
	_ =	sdelay $0x1  }
0x29c: {  	(erf) = vrcp.f32 v10  }
0x29d: {  	v59, _, _ =	vpop (xrf2)  }
0x29e: {  	v10 =	vbroadcast v59, $0xF;
	_ =	sdelay $0x1  }
0x29f: {  	(erf) = vrcp.f32 v10;
	_ =	sdelay $0x4  }
0x2a0: {  	s22 =	sshll.u32 s20, $0x6;
	v60 =	vpop (erf)  }
0x2a1: {  	[tilespmem:s22+$0x19A00] =	vst v5;
	v9 =	vmul.f32 v60, v9  }
0x2a2: {  	s20 =	sadd.s32 $0x1, s20;
	[tilespmem:s22+$0x19A10] =	vst v4;
	v8 =	vmul.f32 v60, v8  }
0x2a3: {  	p0 =	sne.s32 s20, $0x40;
	[tilespmem:s22+$0x18A00] =	vst v9  }
.Ltmp3:
0x2a4: {  	s21 =	sshll.u32 s21, $0x5;
	v61 =	vpop (erf);
	[tilespmem:s22+$0x18A10] =	vst v8;
	(pc) =	sbr.rel @p0 .LBB2_4-.Ltmp3, $4  }
0x2a5: {  	v62 =	vmul.f32 v61, v7;
	[tilespmem:s21+$0x19A00] =	vst v3  }
0x2a6: {  	v63 =	vmul.f32 v61, v6;
	[tilespmem:s21+$0x19A10] =	vst v2  }
0x2a7: {  	[tilespmem:s21+$0x18A00] =	vst v62  }
0x2a8: {  	[tilespmem:s21+$0x18A10] =	vst v63  }
0x2a9: {  	[hbm4b:s7+s2] =	stream.linear.scatter [tilespmem:s17], [sflag:$0x1], $0x1000, $0x38;
	[tilespmem:$0x1AA00] =	vst v63  }
0x2aa: {  	s19 =	sadd.s32 $0x1, s19;
	_ =	swait.ge [sflag:s11], $0x1000  }
0x2ab: {  	p0 =	sne.s32 s19, s9;
	[sflag:s11] =	ssyncset.done $0x0  }
.Ltmp4:
0x2ac: {  	[sflag:s11] =	ssyncadd.s32 $0xFFFFF000;
	(pc) =	sbr.rel @p0 .LBB2_1-.Ltmp4, $4  }
0x2ad: {  	[hbm4b:s8+s2] =	stream.linear.scatter [tilespmem:s18], [sflag:$0x1], $0x1000, $0x38;
	[tilespmem:$0x1AA00] =	vst v63  }
0x2ae: {  	_ =	swait.ge [sflag:s11], $0x1000  }
0x2af: {  	[sflag:s11] =	ssyncset.done $0x0  }
0x2b0: {  	[sflag:s11] =	ssyncadd.s32 $0xFFFFF000  }
0x2b1: {  	_ =	sfence.sel $0x180000  }
0x2b2: {  	[bflag:$0x0] =	sbarrier.arrive $0xFFFF  }
0x2b3: {  	p0 =	sne.s32 s1, $0x0;
	_ =	strace $0x90000047  }
0x2b4: {  	s0 =	sadd.s32 @!p0 $0x100000, s0;
	[bflag:$0x2] =	sbarrier.arrive $0xFFFF  }
0x2b5: {  	[sflag:s0] =	ssyncadd.tile.s32 @!p0 $0x1;
	_ =	shalt  }
.Lfunc_end2:
_tile_overlayer_lowered:
.L_overlay_start_2:
0x2b6: {  	(tag) =	ssettag $0x2  }
0x2b7: {  	s0 =	rddreg [dreg:$0x0];
	s2 =	stileid.u32  }
0x2b8: {  	s1 =	rddreg [dreg:$0x1];
	p0 =	sne.s32 s2, $0x0  }
0x2b9: {  	s3 =	rddreg [dreg:$0x2];
	[bflag:$0x3] =	sbarrier.arrive $0xFFFF;
	s2 =	simm.s32 @!p0 $0x1C02  }
0x2ba: {  	[timem:s3], [sflag:s2] =	dma.local @!p0 [hbm:s0], s1  }
0x2bb: {  	s0 =	simm.s32 @!p0 $0x2  }
0x2bc: {  	_ =	swait.ge @!p0 [sflag:s0], s1  }
0x2bd: {  	s1 =	ssub.s32 @!p0 $0x0, s1;
	[sflag:s0] =	ssyncset.done @!p0 $0x0  }
0x2be: {  	[sflag:s0] =	ssyncadd.s32 @!p0 s1  }
0x2bf: {  	[bflag:$0x3] =	sbarrier.arrive $0xFFFF  }
0x2c0: {  	_ =	shalt  }

</sc_bundles>
